<compile_context>
chip_gen: v7x
topology: tpu7x:2x2x1
jax: 0.10.2.dev20260603
libtpu: 0.0.44.dev20260713+nightly
codegen_flags: <defaults>
</compile_context>

<pallas_src>
import functools

import jax
import jax.numpy as jnp
from jax import lax
from jax.experimental import pallas as pl
from jax.experimental.pallas import tpu as pltpu
from jax.experimental.pallas import tpu_sc as plsc

TRANS_DIM = 384
ENC_DIM = 384
NUM_GROUP = 128
GROUP_SIZE = 32
GRID_SIZE = 0.02
BITS = 10

B = 32
N = 8192
NROWS = B * NUM_GROUP
CAND_CAP = 4096


def _k1_body(pts_ref, c_ref):
    x = pts_ref[0]
    y = pts_ref[1]
    z = pts_ref[2]
    iota_n = lax.broadcasted_iota(jnp.int32, (B, N), 1)
    iota_g = lax.broadcasted_iota(jnp.int32, (B, NUM_GROUP), 1)

    def body(k, st):
        dists, far, cxs, cys, czs = st
        oh = iota_n == far
        cx = jnp.sum(jnp.where(oh, x, 0.0), axis=1, keepdims=True)
        cy = jnp.sum(jnp.where(oh, y, 0.0), axis=1, keepdims=True)
        cz = jnp.sum(jnp.where(oh, z, 0.0), axis=1, keepdims=True)
        sel = iota_g == k
        cxs = jnp.where(sel, cx, cxs)
        cys = jnp.where(sel, cy, cys)
        czs = jnp.where(sel, cz, czs)
        dx = x - cx
        dy = y - cy
        dz = z - cz
        d = (dx * dx + dy * dy) + dz * dz
        dists = jnp.minimum(dists, d)
        m = jnp.max(dists, axis=1, keepdims=True)
        far = jnp.min(jnp.where(dists == m, iota_n, N), axis=1, keepdims=True)
        return dists, far, cxs, cys, czs

    init = (
        jnp.full((B, N), 1e10, jnp.float32),
        jnp.zeros((B, 1), jnp.int32),
        jnp.zeros((B, NUM_GROUP), jnp.float32),
        jnp.zeros((B, NUM_GROUP), jnp.float32),
        jnp.zeros((B, NUM_GROUP), jnp.float32),
    )
    _, _, cxs, cys, czs = lax.fori_loop(0, NUM_GROUP, body, init)
    c_ref[0] = cxs
    c_ref[1] = cys
    c_ref[2] = czs


def _k1(ptsT):
    return pl.pallas_call(
        _k1_body,
        in_specs=[pl.BlockSpec((3, B, N), lambda: (0, 0, 0))],
        out_specs=pl.BlockSpec((3, B, NUM_GROUP), lambda: (0, 0, 0)),
        out_shape=jax.ShapeDtypeStruct((3, B, NUM_GROUP), jnp.float32),
    )(ptsT)


def _k2_body(pts_ref, c_ref, d2_ref, t0_ref):
    pts_mat = pts_ref[:, 0, 0, :]
    c_mat = c_ref[:, 0, 0, :]
    x2 = pts_mat * pts_mat
    pp = (x2[0:1] + x2[1:2]) + x2[2:3]
    c2 = c_mat * c_mat
    cc = (c2[0:1] + c2[1:2]) + c2[2:3]
    prod = jax.lax.dot_general(
        c_mat, pts_mat, (((0,), (0,)), ((), ())),
        preferred_element_type=jnp.float32)
    d2 = (jnp.transpose(cc) + pp) - 2.0 * prod
    d2_ref[...] = d2
    m = jnp.min(d2.reshape(NUM_GROUP, 32, N // 32), axis=2)
    t0_ref[0, 0] = jnp.max(m, axis=1)


def _k2(ptsT, cxyz):
    d2, t0 = pl.pallas_call(
        _k2_body,
        grid=(B,),
        in_specs=[
            pl.BlockSpec((3, 1, 1, N), lambda b: (0, b, 0, 0)),
            pl.BlockSpec((3, 1, 1, NUM_GROUP), lambda b: (0, b, 0, 0)),
        ],
        out_specs=[
            pl.BlockSpec((NUM_GROUP, N), lambda b: (b, 0)),
            pl.BlockSpec((1, 1, NUM_GROUP), lambda b: (b, 0, 0)),
        ],
        out_shape=[
            jax.ShapeDtypeStruct((NROWS, N), jnp.float32),
            jax.ShapeDtypeStruct((B, 1, NUM_GROUP), jnp.float32),
        ],
    )(ptsT.reshape(3, B, 1, N), cxyz.reshape(3, B, 1, NUM_GROUP))
    return d2, t0.reshape(B, NUM_GROUP)


def _k3_sc(d2, ptsT, cxyz, t0):
    info = plsc.get_sparse_core_info()
    NC = info.num_cores

    mesh = plsc.VectorSubcoreMesh(core_axis_name="c", subcore_axis_name="s")
    G = NUM_GROUP
    K = GROUP_SIZE

    @functools.partial(
        pl.kernel,
        mesh=mesh,
        compiler_params=pltpu.CompilerParams(needs_layout_passes=False),
        out_type=[
            jax.ShapeDtypeStruct((B * G * K * 3,), jnp.float32),
            jax.ShapeDtypeStruct((B, 144), jnp.float32),
        ],
        scratch_types=[
            pltpu.VMEM((N,), jnp.float32),
            pltpu.VMEM((N,), jnp.float32),
            pltpu.VMEM((N,), jnp.float32),
            pltpu.VMEM((G,), jnp.float32),
            pltpu.VMEM((G,), jnp.float32),
            pltpu.VMEM((G,), jnp.float32),
            pltpu.VMEM((G,), jnp.float32),
            pltpu.VMEM((N,), jnp.float32),
            pltpu.VMEM((N,), jnp.float32),
            pltpu.SemaphoreType.DMA,
            pltpu.SemaphoreType.DMA,
            pltpu.VMEM((CAND_CAP + 64,), jnp.float32),
            pltpu.VMEM((CAND_CAP + 64,), jnp.int32),
            pltpu.VMEM((64,), jnp.int32),
            pltpu.VMEM((G * K * 3,), jnp.float32),
            pltpu.VMEM((144,), jnp.float32),
        ],
    )
    def k3(d2_hbm, ptsT_hbm, cxyz_hbm, t0_hbm, pg_out, mom_out,
           xb, yb, zb, cxb, cyb, czb, t0b, drowA, drowB, semA, semB,
           cand_v, cand_i, sel_idx, pgblock, mombuf):
        b = lax.axis_index("s") * NC + lax.axis_index("c")

        pltpu.sync_copy(ptsT_hbm.at[0, b], xb)
        pltpu.sync_copy(ptsT_hbm.at[1, b], yb)
        pltpu.sync_copy(ptsT_hbm.at[2, b], zb)
        pltpu.sync_copy(cxyz_hbm.at[0, b], cxb)
        pltpu.sync_copy(cxyz_hbm.at[1, b], cyb)
        pltpu.sync_copy(cxyz_hbm.at[2, b], czb)
        pltpu.sync_copy(t0_hbm.at[b], t0b)

        iota = lax.iota(jnp.int32, 16)
        zero16f = jnp.zeros((16,), jnp.float32)

        def process_row(r, drow, moms):
            rsp = jnp.full((16,), r, jnp.int32)
            t0s = plsc.load_gather(t0b, [rsp])
            cxs = plsc.load_gather(cxb, [rsp])
            cys = plsc.load_gather(cyb, [rsp])
            czs = plsc.load_gather(czb, [rsp])

            def scan_body(j, off):
                v = drow[pl.ds(j * 16, 16)]
                m = v <= t0s
                mi = m.astype(jnp.int32)
                pos = off + plsc.cumsum(mi) - 1
                pos = jnp.minimum(pos, CAND_CAP - 1)
                idxv = iota + j * 16
                plsc.store_scatter(cand_v, [pos], v, mask=m)
                plsc.store_scatter(cand_i, [pos], idxv, mask=m)
                return off + plsc.all_reduce_population_count(m)

            cnt_sp = plsc.parallel_loop(
                0, N // 16, carry=jnp.zeros((16,), jnp.int32), unroll=8
            )(scan_body)
            cnt = jnp.max(cnt_sp)
            nv4 = (cnt + 63) // 64

            def count_le(mid_sp):
                def cbody(c, acc):
                    for u in range(4):
                        ch = c * 4 + u
                        vbits = plsc.bitcast(cand_v[pl.ds(ch * 16, 16)],
                                             jnp.int32)
                        valid = (iota + ch * 16) < cnt_sp
                        le = jnp.logical_and(vbits <= mid_sp, valid)
                        acc = acc + plsc.all_reduce_population_count(le)
                    return acc
                return plsc.parallel_loop(
                    0, nv4, carry=jnp.zeros((16,), jnp.int32)
                )(cbody)

            def bis_body(_, st):
                lo, hi, cnt_lo = st
                mid = jnp.right_shift(lo + hi, 1)
                c = count_le(mid)
                ge = c >= 32
                hi = jnp.where(ge, mid, hi)
                new_lo = jnp.where(ge, lo, mid)
                cnt_lo = jnp.where(ge, cnt_lo, c)
                return new_lo, hi, cnt_lo

            lo0 = jnp.full((16,), jnp.int32(-2147483647), jnp.int32)
            hi0 = jnp.full((16,), jnp.int32(0x7F800000), jnp.int32)
            lo, hi, cnt_lo = lax.fori_loop(
                0, 32, bis_body, (lo0, hi0, jnp.zeros((16,), jnp.int32)))
            t32 = hi
            need_eq = 32 - cnt_lo

            def emit_body(c, st):
                soff, eqoff = st
                for u in range(4):
                    ch = c * 4 + u
                    vbits = plsc.bitcast(cand_v[pl.ds(ch * 16, 16)], jnp.int32)
                    ci = cand_i[pl.ds(ch * 16, 16)]
                    valid = (iota + ch * 16) < cnt_sp
                    m_lt = jnp.logical_and(vbits < t32, valid)
                    m_eq = jnp.logical_and(vbits == t32, valid)
                    eqrank = eqoff + plsc.cumsum(m_eq.astype(jnp.int32))
                    take_eq = jnp.logical_and(m_eq, eqrank <= need_eq)
                    m_sel = jnp.logical_or(m_lt, take_eq)
                    pos = soff + plsc.cumsum(m_sel.astype(jnp.int32)) - 1
                    pos = jnp.minimum(pos, 63)
                    plsc.store_scatter(sel_idx, [pos], ci, mask=m_sel)
                    soff = soff + plsc.all_reduce_population_count(m_sel)
                    eqoff = eqoff + plsc.all_reduce_population_count(m_eq)
                return soff, eqoff

            plsc.parallel_loop(
                0, nv4,
                carry=(jnp.zeros((16,), jnp.int32),
                       jnp.zeros((16,), jnp.int32)),
            )(emit_body)

            (ax, ay, az, axx, ayy, azz, axy, axz, ayz) = moms
            for s in range(2):
                gi = sel_idx[pl.ds(s * 16, 16)]
                gx = plsc.load_gather(xb, [gi]) - cxs
                gy = plsc.load_gather(yb, [gi]) - cys
                gz = plsc.load_gather(zb, [gi]) - czs
                base = r * (K * 3) + s * 48
                p0 = base + iota * 3
                plsc.store_scatter(pgblock, [p0], gx)
                plsc.store_scatter(pgblock, [p0 + 1], gy)
                plsc.store_scatter(pgblock, [p0 + 2], gz)
                ax = ax + gx
                ay = ay + gy
                az = az + gz
                axx = axx + gx * gx
                ayy = ayy + gy * gy
                azz = azz + gz * gz
                axy = axy + gx * gy
                axz = axz + gx * gz
                ayz = ayz + gy * gz
            return (ax, ay, az, axx, ayy, azz, axy, axz, ayz)

        def dma_start(r, buf, sem):
            pltpu.async_copy(d2_hbm.at[b * G + r], buf, sem)

        def dma_wait(r, buf, sem):
            pltpu.make_async_copy(d2_hbm.at[b * G + r], buf, sem).wait()

        dma_start(0, drowA, semA)

        def row_pair(rr, moms):
            r0 = rr * 2
            dma_wait(r0, drowA, semA)
            dma_start(r0 + 1, drowB, semB)
            moms = process_row(r0, drowA, moms)
            dma_wait(r0 + 1, drowB, semB)

            @pl.when(rr < G // 2 - 1)
            def _():
                dma_start(r0 + 2, drowA, semA)
            moms = process_row(r0 + 1, drowB, moms)
            return moms

        moms = lax.fori_loop(0, G // 2, row_pair,
                             tuple(zero16f for _ in range(9)))
        for k, acc in enumerate(moms):
            mombuf[pl.ds(k * 16, 16)] = acc
        pltpu.sync_copy(pgblock, pg_out.at[pl.ds(b * (G * K * 3), G * K * 3)])
        pltpu.sync_copy(mombuf, mom_out.at[b])

    pg_flat, mom = k3(d2, ptsT, cxyz, t0)
    return pg_flat.reshape(B * G * K, 3), mom


_R = 1024
_NSTEPS = (B * NUM_GROUP * GROUP_SIZE) // _R
_NPTS = float(B * NUM_GROUP * GROUP_SIZE)


def _k4b_body(pg_ref, mom_ref, W1_ref, b1_ref, g1_ref, be1_ref,
              W2_ref, b2_ref, W3_ref, b3_ref, f3_ref, stats_ref, acc_ref):
    i = pl.program_id(0)

    @pl.when(i == 0)
    def _():
        acc_ref[...] = jnp.zeros_like(acc_ref)

    momr = mom_ref[...]
    s = [jnp.sum(momr[:, k * 16:(k + 1) * 16]) for k in range(9)]
    mx, my, mz = s[0] / _NPTS, s[1] / _NPTS, s[2] / _NPTS
    sxx, syy, szz = s[3] / _NPTS, s[4] / _NPTS, s[5] / _NPTS
    sxy, sxz, syz = s[6] / _NPTS, s[7] / _NPTS, s[8] / _NPTS

    w = W1_ref[...]
    wx, wy, wz = w[:, 0], w[:, 1], w[:, 2]
    lin = wx * mx + wy * my + wz * mz
    quad = (wx * wx * sxx + wy * wy * syy + wz * wz * szz
            + 2.0 * (wx * wy * sxy + wx * wz * sxz + wy * wz * syz))
    var1 = quad - lin * lin
    mu1 = lin + b1_ref[...]
    s1 = g1_ref[...] / jnp.sqrt(var1 + 1e-5)
    t1 = be1_ref[...] - mu1 * s1

    pg = pg_ref[...]
    f1 = lax.dot_general(pg, w, (((1,), (1,)), ((), ())),
                         preferred_element_type=jnp.float32) + b1_ref[...]
    f1 = jax.nn.relu(f1 * s1 + t1)
    f2 = lax.dot_general(f1, W2_ref[...], (((1,), (1,)), ((), ())),
                         preferred_element_type=jnp.float32) + b2_ref[...]
    g = f2.reshape(_R // GROUP_SIZE, GROUP_SIZE, 256)
    fg = jnp.max(g, axis=1, keepdims=True)
    h = jnp.concatenate([jnp.broadcast_to(fg, g.shape), g], axis=-1)
    h = h.reshape(_R, 512)
    f3 = lax.dot_general(h.astype(jnp.bfloat16),
                         W3_ref[...].astype(jnp.bfloat16),
                         (((1,), (1,)), ((), ())),
                         preferred_element_type=jnp.float32) + b3_ref[...]
    f3_ref[...] = f3.astype(jnp.bfloat16)
    acc_ref[0, :] += jnp.sum(f3, axis=0)
    acc_ref[1, :] += jnp.sum(f3 * f3, axis=0)
    stats_ref[...] = acc_ref[...]


def _k4c_body(f3_ref, stats_ref, g2_ref, be2_ref, W4_ref, b4_ref, tok_ref):
    mu = stats_ref[0, :] / _NPTS
    var = stats_ref[1, :] / _NPTS - mu * mu
    s2 = g2_ref[...] / jnp.sqrt(var + 1e-5)
    t2 = be2_ref[...] - mu * s2
    r = jax.nn.relu(f3_ref[...].astype(jnp.float32) * s2 + t2)
    f4 = lax.dot_general(r.astype(jnp.bfloat16),
                         W4_ref[...].astype(jnp.bfloat16),
                         (((1,), (1,)), ((), ())),
                         preferred_element_type=jnp.float32) + b4_ref[...]
    tok_ref[...] = jnp.max(f4.reshape(_R // GROUP_SIZE, GROUP_SIZE, ENC_DIM),
                           axis=1)


def _k4(pg_rows, mom, W1, b1, g1, be1, W2, b2, W3, b3, g2, be2, W4, b4):
    full = lambda s: pl.BlockSpec(s, lambda i: tuple(0 for _ in s))
    f3, _stats = pl.pallas_call(
        _k4b_body,
        grid=(_NSTEPS,),
        in_specs=[
            pl.BlockSpec((_R, 3), lambda i: (i, 0)),
            full((B, 144)), full((128, 3)), full((128,)), full((128,)),
            full((128,)), full((256, 128)), full((256,)),
            full((512, 512)), full((512,)),
        ],
        out_specs=[
            pl.BlockSpec((_R, 512), lambda i: (i, 0)),
            pl.BlockSpec((2, 512), lambda i: (0, 0)),
        ],
        out_shape=[
            jax.ShapeDtypeStruct((B * NUM_GROUP * GROUP_SIZE, 512),
                                 jnp.bfloat16),
            jax.ShapeDtypeStruct((2, 512), jnp.float32),
        ],
        scratch_shapes=[pltpu.VMEM((2, 512), jnp.float32)],
    )(pg_rows, mom, W1, b1, g1, be1, W2, b2, W3, b3)

    tokens = pl.pallas_call(
        _k4c_body,
        grid=(_NSTEPS,),
        in_specs=[
            pl.BlockSpec((_R, 512), lambda i: (i, 0)),
            full((2, 512)), full((512,)), full((512,)),
            full((ENC_DIM, 512)), full((ENC_DIM,)),
        ],
        out_specs=pl.BlockSpec((_R // GROUP_SIZE, ENC_DIM), lambda i: (i, 0)),
        out_shape=jax.ShapeDtypeStruct((B * NUM_GROUP, ENC_DIM), jnp.float32),
    )(f3, _stats, g2, be2, W4, b4)
    return tokens


def _k5_body(tok_ref, c_ref, Wp1_ref, bp1_ref, Wp2_ref, bp2_ref,
             ga1_ref, be1_ref, ga2_ref, be2_ref, clst_ref, clsp_ref, o_ref):
    G = NUM_GROUP
    c = c_ref[:, 0, 0, :]
    tok = tok_ref[0]
    ct = jnp.transpose(c)
    h1 = lax.dot_general(ct, Wp1_ref[...], (((1,), (1,)), ((), ())),
                         preferred_element_type=jnp.float32) + bp1_ref[...]
    pos = lax.dot_general(jax.nn.gelu(h1), Wp2_ref[...],
                          (((1,), (1,)), ((), ())),
                          preferred_element_type=jnp.float32) + bp2_ref[...]

    grid = jnp.floor(c * (1.0 / GRID_SIZE)).astype(jnp.int32)
    grid = grid - jnp.min(grid, axis=1, keepdims=True)
    grid = jnp.clip(grid, 0, (1 << BITS) - 1)

    def morton(x, y, z):
        code = jnp.zeros_like(x)
        for bb in range(BITS):
            code = (code
                    | (((x >> bb) & 1) << (3 * bb + 2))
                    | (((y >> bb) & 1) << (3 * bb + 1))
                    | (((z >> bb) & 1) << (3 * bb)))
        return code

    gx, gy, gz = grid[0:1], grid[1:2], grid[2:3]
    code_f = morton(gx, gy, gz)
    code_b = morton(gz, gy, gx)

    ii = lax.broadcasted_iota(jnp.int32, (G, G), 1)
    jj = lax.broadcasted_iota(jnp.int32, (G, G), 0)
    iota_d = jj

    def perm_matrix(code):
        cr = jnp.transpose(code)
        lt = code < cr
        eqm = jnp.logical_and(code == cr, ii < jj)
        rank = jnp.sum(jnp.logical_or(lt, eqm).astype(jnp.int32),
                       axis=1, keepdims=True)
        return (iota_d == jnp.transpose(rank)).astype(jnp.float32)

    Pf = perm_matrix(code_f)
    Pb = perm_matrix(code_b)

    def apply(P, m):
        return lax.dot_general(P, m, (((1,), (0,)), ((), ())),
                               preferred_element_type=jnp.float32)

    tok_f = apply(Pf, tok) * ga1_ref[...] + be1_ref[...]
    pos_f = apply(Pf, pos)
    tok_b = apply(Pb, tok) * ga2_ref[...] + be2_ref[...]
    pos_b = apply(Pb, pos)

    cls_row = clsp_ref[0, 0, :] + clst_ref[0, 0, :]
    xs = (tok_f + pos_f)
    xb = (tok_b + pos_b)
    total = jnp.sum(xs, axis=0) + jnp.sum(xb, axis=0) + cls_row
    mean = total * (1.0 / (2 * G + 1))
    o_ref[0, 0] = jnp.concatenate([cls_row, mean], axis=-1)


def _k5(tokens, cxyz, Wp1, bp1, Wp2, bp2, gamma1, beta1, gamma2, beta2,
        cls_token, cls_pos):
    G = NUM_GROUP
    full = lambda s: pl.BlockSpec(s, lambda b: tuple(0 for _ in s))
    out = pl.pallas_call(
        _k5_body,
        grid=(B,),
        in_specs=[
            pl.BlockSpec((1, G, TRANS_DIM), lambda b: (b, 0, 0)),
            pl.BlockSpec((3, 1, 1, G), lambda b: (0, b, 0, 0)),
            full((128, 3)), full((128,)), full((TRANS_DIM, 128)),
            full((TRANS_DIM,)),
            full((TRANS_DIM,)), full((TRANS_DIM,)),
            full((TRANS_DIM,)), full((TRANS_DIM,)),
            full((1, 1, TRANS_DIM)), full((1, 1, TRANS_DIM)),
        ],
        out_specs=pl.BlockSpec((1, 1, 2 * TRANS_DIM), lambda b: (b, 0, 0)),
        out_shape=jax.ShapeDtypeStruct((B, 1, 2 * TRANS_DIM), jnp.float32),
    )(tokens, cxyz.reshape(3, B, 1, G), Wp1, bp1, Wp2, bp2,
      gamma1, beta1, gamma2, beta2, cls_token, cls_pos)
    return out.reshape(B, 2 * TRANS_DIM)


def kernel(pts, W1, b1, g1, be1, W2, b2, W3, b3, g2, be2, W4, b4, Wp1, bp1, Wp2, bp2, gamma1, beta1, gamma2, beta2, cls_token, cls_pos):
    ptsT = jnp.transpose(pts, (2, 0, 1))
    cxyz = _k1(ptsT)
    d2, t0 = _k2(ptsT, cxyz)
    pg_rows, mom = _k3_sc(d2, ptsT, cxyz, t0)
    tokens = _k4(pg_rows, mom, W1, b1, g1, be1, W2, b2, W3, b3,
                 g2, be2, W4, b4).reshape(B, NUM_GROUP, ENC_DIM)
    return _k5(tokens, cxyz, Wp1, bp1, Wp2, bp2,
               gamma1, beta1, gamma2, beta2, cls_token, cls_pos)

# --- scband reference (transcript-rebuilt; emitter-appended) ---
"""Pipeline reference for scband-point-scan-26474178412674 (READ-ONLY COPY).

The authoritative reference and input builder live on the scoring server;
editing this copy changes nothing except your own understanding.
"""

import jax, jax.numpy as jnp
import numpy as np

TRANS_DIM = 384
ENC_DIM = 384
NUM_GROUP = 128
GROUP_SIZE = 32
GRID_SIZE = 0.02
BITS = 10

def _bn(x, g, b):
    mu = x.mean(axis=(0, 1), keepdims=True)
    var = x.var(axis=(0, 1), keepdims=True)
    return (x - mu) / jnp.sqrt(var + 1e-5) * g + b

def _fps(xyz, K):
    B, N, _ = xyz.shape
    dists = jnp.full((B, N), 1e10, dtype=xyz.dtype)
    farthest = jnp.zeros((B,), dtype=jnp.int32)
    idx_list = []
    for _ in range(K):
        idx_list.append(farthest)
        centroid = jnp.take_along_axis(xyz, farthest[:, None, None], axis=1)
        d = jnp.sum((xyz - centroid) ** 2, axis=-1)
        dists = jnp.minimum(dists, d)
        farthest = jnp.argmax(dists, axis=1).astype(jnp.int32)
    idxs = jnp.stack(idx_list, axis=1)
    centers = jnp.take_along_axis(xyz, idxs[:, :, None], axis=1)
    return centers, idxs

def _knn_idx(center, xyz, K):
    d2 = jnp.sum(center ** 2, -1)[:, :, None] + jnp.sum(xyz ** 2, -1)[:, None, :] - 2.0 * jnp.einsum('bgc,bnc->bgn', center, xyz)
    _, idx = jax.lax.top_k(-d2, K)
    return idx

def _morton(grid, perm):
    x = grid[..., perm[0]]
    y = grid[..., perm[1]]
    z = grid[..., perm[2]]
    code = jnp.zeros(x.shape, dtype=jnp.int32)
    for b in range(BITS):
        code = code | (((x >> b) & 1) << (3 * b + 2)) | (((y >> b) & 1) << (3 * b + 1)) | (((z >> b) & 1) << (3 * b))
    return code

def _serialize(pos, feats, perm):
    grid = jnp.floor(pos / GRID_SIZE).astype(jnp.int32)
    grid = grid - grid.min(axis=1, keepdims=True)
    grid = jnp.clip(grid, 0, (1 << BITS) - 1)
    code = _morton(grid, perm)
    order = jnp.argsort(code, axis=1)
    return [jnp.take_along_axis(f, order[:, :, None], axis=1) for f in feats]

def _forward(pts, W1, b1, g1, be1, W2, b2, W3, b3, g2, be2, W4, b4, Wp1, bp1, Wp2, bp2, gamma1, beta1, gamma2, beta2, cls_token, cls_pos):
    B, N, _ = pts.shape
    centers, _ = _fps(pts, NUM_GROUP)
    idx = _knn_idx(centers, pts, GROUP_SIZE)
    neigh = jnp.take_along_axis(pts, idx.reshape(B, -1)[:, :, None], axis=1).reshape(B, NUM_GROUP, GROUP_SIZE, 3)
    neigh = neigh - centers[:, :, None, :]
    pg = neigh.reshape(B * NUM_GROUP, GROUP_SIZE, 3)
    f = pg @ W1.T + b1
    f = jax.nn.relu(_bn(f, g1, be1))
    f = f @ W2.T + b2
    fg = f.max(axis=1, keepdims=True)
    f = jnp.concatenate([jnp.broadcast_to(fg, f.shape), f], axis=-1)
    f = f @ W3.T + b3
    f = jax.nn.relu(_bn(f, g2, be2))
    f = f @ W4.T + b4
    tokens = f.max(axis=1).reshape(B, NUM_GROUP, ENC_DIM)
    pos = jax.nn.gelu(centers @ Wp1.T + bp1) @ Wp2.T + bp2
    tok_f, pos_f = _serialize(centers, [tokens, pos], (0, 1, 2))
    tok_b, pos_b = _serialize(centers, [tokens, pos], (2, 1, 0))
    tok_f = tok_f * gamma1 + beta1
    tok_b = tok_b * gamma2 + beta2
    cls_t = jnp.broadcast_to(cls_token, (B, 1, TRANS_DIM))
    cls_p = jnp.broadcast_to(cls_pos, (B, 1, TRANS_DIM))
    pos_all = jnp.concatenate([pos_f, pos_b, cls_t], axis=1)
    x = jnp.concatenate([tok_f, tok_b, cls_p], axis=1)
    x = x + pos_all
    cls = x[:, -1, :]
    return jnp.concatenate([cls, x.mean(axis=1)], axis=-1)

def setup_inputs(seed: int = 0):
    key = jax.random.key(seed)
    ks = jax.random.split(key, 16)
    B, N = 32, 8192
    pts = jax.random.uniform(ks[0], (B, N, 3), dtype=jnp.float32)
    def w(k, shape, s):
        return jax.random.normal(k, shape, dtype=jnp.float32) * s
    return {
        'pts': pts,
        'W1': w(ks[1], (128, 3), 0.2), 'b1': jnp.zeros((128,), jnp.float32),
        'g1': jnp.ones((128,), jnp.float32), 'be1': jnp.zeros((128,), jnp.float32),
        'W2': w(ks[2], (256, 128), 0.05), 'b2': jnp.zeros((256,), jnp.float32),
        'W3': w(ks[3], (512, 512), 0.03), 'b3': jnp.zeros((512,), jnp.float32),
        'g2': jnp.ones((512,), jnp.float32), 'be2': jnp.zeros((512,), jnp.float32),
        'W4': w(ks[4], (ENC_DIM, 512), 0.03), 'b4': jnp.zeros((ENC_DIM,), jnp.float32),
        'Wp1': w(ks[5], (128, 3), 0.2), 'bp1': jnp.zeros((128,), jnp.float32),
        'Wp2': w(ks[6], (TRANS_DIM, 128), 0.05), 'bp2': jnp.zeros((TRANS_DIM,), jnp.float32),
        'gamma1': 1.0 + w(ks[7], (TRANS_DIM,), 0.02), 'beta1': w(ks[8], (TRANS_DIM,), 0.02),
        'gamma2': 1.0 + w(ks[9], (TRANS_DIM,), 0.02), 'beta2': w(ks[10], (TRANS_DIM,), 0.02),
        'cls_token': w(ks[11], (1, 1, TRANS_DIM), 0.02), 'cls_pos': w(ks[12], (1, 1, TRANS_DIM), 0.02),
    }

def reference(pts, W1, b1, g1, be1, W2, b2, W3, b3, g2, be2, W4, b4, Wp1, bp1, Wp2, bp2, gamma1, beta1, gamma2, beta2, cls_token, cls_pos):
    return _forward(pts, W1, b1, g1, be1, W2, b2, W3, b3, g2, be2, W4, b4, Wp1, bp1, Wp2, bp2, gamma1, beta1, gamma2, beta2, cls_token, cls_pos)

if __name__ == "__main__":
    import jax
    _d = setup_inputs()
    print(jax.jit(kernel)(*tuple(_d.values())))

</pallas_src>

<mosaic_0001>
#map = affine_map<(d0, d1) -> (0, 0)>
#map1 = affine_map<(d0, d1) -> (0, 0, 0)>
#map2 = affine_map<(d0, d1) -> (0)>
module attributes {stable_mosaic.version = 14 : i64} {
  func.func @k3(%arg0: i32, %arg1: i32, %arg2: memref<4096x8192xf32, #tpu.memory_space<hbm>>, %arg3: memref<3x32x8192xf32, #tpu.memory_space<hbm>>, %arg4: memref<3x32x128xf32, #tpu.memory_space<hbm>>, %arg5: memref<32x128xf32, #tpu.memory_space<hbm>>, %arg6: memref<393216xf32, #tpu.memory_space<hbm>>, %arg7: memref<32x144xf32, #tpu.memory_space<hbm>>, %arg8: memref<8192xf32, #tpu.memory_space<vmem>>, %arg9: memref<8192xf32, #tpu.memory_space<vmem>>, %arg10: memref<8192xf32, #tpu.memory_space<vmem>>, %arg11: memref<128xf32, #tpu.memory_space<vmem>>, %arg12: memref<128xf32, #tpu.memory_space<vmem>>, %arg13: memref<128xf32, #tpu.memory_space<vmem>>, %arg14: memref<128xf32, #tpu.memory_space<vmem>>, %arg15: memref<8192xf32, #tpu.memory_space<vmem>>, %arg16: memref<8192xf32, #tpu.memory_space<vmem>>, %arg17: memref<!tpu.dma_semaphore, #tpu.memory_space<semaphore_mem>>, %arg18: memref<!tpu.dma_semaphore, #tpu.memory_space<semaphore_mem>>, %arg19: memref<4160xf32, #tpu.memory_space<vmem>>, %arg20: memref<4160xi32, #tpu.memory_space<vmem>>, %arg21: memref<64xi32, #tpu.memory_space<vmem>>, %arg22: memref<12288xf32, #tpu.memory_space<vmem>>, %arg23: memref<144xf32, #tpu.memory_space<vmem>>) attributes {dimension_semantics = [#tpu.dimension_semantics<core_parallel>, #tpu.dimension_semantics<subcore_parallel>], iteration_bounds = array<i64: 2, 16>, scalar_prefetch = 0 : i64, scratch_operands = 16 : i64, tpu.core_type = #tpu.core_type<sc_vector_subcore>, window_params = [{transform_indices = #map}, {transform_indices = #map1}, {transform_indices = #map1}, {transform_indices = #map}, {transform_indices = #map2}, {transform_indices = #map}]} {
    %mul3A = arith.constant 2 : i32
    %mul3A_0 = arith.muli %arg1, %mul3A : i32
    %add3A = arith.addi %mul3A_0, %arg0 : i32
    %run_scoped3A = arith.constant 0 : i32
    "tpu.region"() ({
      %run_scoped3A_40 = tpu.sem_alloc : memref<!tpu.dma_semaphore, #tpu.memory_space<semaphore_mem>>
      %dma_start3A_41 = arith.constant 0 : i32
      %dma_start3A_42 = tpu.memref_slice %arg3[%run_scoped3A, %add3A, %dma_start3A_41] : memref<3x32x8192xf32, #tpu.memory_space<hbm>> -> memref<1x1x8192xf32, #tpu.memory_space<hbm>>
      %dma_start3A_43 = tpu.memref_squeeze %dma_start3A_42 : memref<1x1x8192xf32, #tpu.memory_space<hbm>> -> memref<8192xf32, #tpu.memory_space<hbm>>
      %dma_start3A_44 = arith.constant 0 : i32
      %dma_start3A_45 = tpu.memref_slice %arg3[%run_scoped3A, %add3A, %dma_start3A_44] : memref<3x32x8192xf32, #tpu.memory_space<hbm>> -> memref<1x1x8192xf32, #tpu.memory_space<hbm>>
      %dma_start3A_46 = tpu.memref_squeeze %dma_start3A_45 : memref<1x1x8192xf32, #tpu.memory_space<hbm>> -> memref<8192xf32, #tpu.memory_space<hbm>>
      tpu.enqueue_dma source(%dma_start3A_46 : memref<8192xf32, #tpu.memory_space<hbm>>) target(%arg8 : memref<8192xf32, #tpu.memory_space<vmem>>) target_semaphore(%run_scoped3A_40 : memref<!tpu.dma_semaphore, #tpu.memory_space<semaphore_mem>>)
      %dma_wait3A = arith.constant 0 : i32
      %dma_wait3A_47 = tpu.memref_slice %arg3[%run_scoped3A, %add3A, %dma_wait3A] : memref<3x32x8192xf32, #tpu.memory_space<hbm>> -> memref<1x1x8192xf32, #tpu.memory_space<hbm>>
      %dma_wait3A_48 = tpu.memref_squeeze %dma_wait3A_47 : memref<1x1x8192xf32, #tpu.memory_space<hbm>> -> memref<8192xf32, #tpu.memory_space<hbm>>
      %dma_wait3A_49 = arith.constant 0 : i32
      %dma_wait3A_50 = tpu.memref_slice %arg3[%run_scoped3A, %add3A, %dma_wait3A_49] : memref<3x32x8192xf32, #tpu.memory_space<hbm>> -> memref<1x1x8192xf32, #tpu.memory_space<hbm>>
      %dma_wait3A_51 = tpu.memref_squeeze %dma_wait3A_50 : memref<1x1x8192xf32, #tpu.memory_space<hbm>> -> memref<8192xf32, #tpu.memory_space<hbm>>
      tpu.wait_dma2 semaphore(%run_scoped3A_40 : memref<!tpu.dma_semaphore, #tpu.memory_space<semaphore_mem>>) src(%dma_wait3A_51 : memref<8192xf32, #tpu.memory_space<hbm>>) dst(%arg8 : memref<8192xf32, #tpu.memory_space<vmem>>)
      tpu.yield
    }) : () -> ()
    %run_scoped3A_1 = arith.constant 1 : i32
    "tpu.region"() ({
      %run_scoped3A_40 = tpu.sem_alloc : memref<!tpu.dma_semaphore, #tpu.memory_space<semaphore_mem>>
      %dma_start3A_41 = arith.constant 0 : i32
      %dma_start3A_42 = tpu.memref_slice %arg3[%run_scoped3A_1, %add3A, %dma_start3A_41] : memref<3x32x8192xf32, #tpu.memory_space<hbm>> -> memref<1x1x8192xf32, #tpu.memory_space<hbm>>
      %dma_start3A_43 = tpu.memref_squeeze %dma_start3A_42 : memref<1x1x8192xf32, #tpu.memory_space<hbm>> -> memref<8192xf32, #tpu.memory_space<hbm>>
      %dma_start3A_44 = arith.constant 0 : i32
      %dma_start3A_45 = tpu.memref_slice %arg3[%run_scoped3A_1, %add3A, %dma_start3A_44] : memref<3x32x8192xf32, #tpu.memory_space<hbm>> -> memref<1x1x8192xf32, #tpu.memory_space<hbm>>
      %dma_start3A_46 = tpu.memref_squeeze %dma_start3A_45 : memref<1x1x8192xf32, #tpu.memory_space<hbm>> -> memref<8192xf32, #tpu.memory_space<hbm>>
      tpu.enqueue_dma source(%dma_start3A_46 : memref<8192xf32, #tpu.memory_space<hbm>>) target(%arg9 : memref<8192xf32, #tpu.memory_space<vmem>>) target_semaphore(%run_scoped3A_40 : memref<!tpu.dma_semaphore, #tpu.memory_space<semaphore_mem>>)
      %dma_wait3A = arith.constant 0 : i32
      %dma_wait3A_47 = tpu.memref_slice %arg3[%run_scoped3A_1, %add3A, %dma_wait3A] : memref<3x32x8192xf32, #tpu.memory_space<hbm>> -> memref<1x1x8192xf32, #tpu.memory_space<hbm>>
      %dma_wait3A_48 = tpu.memref_squeeze %dma_wait3A_47 : memref<1x1x8192xf32, #tpu.memory_space<hbm>> -> memref<8192xf32, #tpu.memory_space<hbm>>
      %dma_wait3A_49 = arith.constant 0 : i32
      %dma_wait3A_50 = tpu.memref_slice %arg3[%run_scoped3A_1, %add3A, %dma_wait3A_49] : memref<3x32x8192xf32, #tpu.memory_space<hbm>> -> memref<1x1x8192xf32, #tpu.memory_space<hbm>>
      %dma_wait3A_51 = tpu.memref_squeeze %dma_wait3A_50 : memref<1x1x8192xf32, #tpu.memory_space<hbm>> -> memref<8192xf32, #tpu.memory_space<hbm>>
      tpu.wait_dma2 semaphore(%run_scoped3A_40 : memref<!tpu.dma_semaphore, #tpu.memory_space<semaphore_mem>>) src(%dma_wait3A_51 : memref<8192xf32, #tpu.memory_space<hbm>>) dst(%arg9 : memref<8192xf32, #tpu.memory_space<vmem>>)
      tpu.yield
    }) : () -> ()
    %run_scoped3A_2 = arith.constant 2 : i32
    "tpu.region"() ({
      %run_scoped3A_40 = tpu.sem_alloc : memref<!tpu.dma_semaphore, #tpu.memory_space<semaphore_mem>>
      %dma_start3A_41 = arith.constant 0 : i32
      %dma_start3A_42 = tpu.memref_slice %arg3[%run_scoped3A_2, %add3A, %dma_start3A_41] : memref<3x32x8192xf32, #tpu.memory_space<hbm>> -> memref<1x1x8192xf32, #tpu.memory_space<hbm>>
      %dma_start3A_43 = tpu.memref_squeeze %dma_start3A_42 : memref<1x1x8192xf32, #tpu.memory_space<hbm>> -> memref<8192xf32, #tpu.memory_space<hbm>>
      %dma_start3A_44 = arith.constant 0 : i32
      %dma_start3A_45 = tpu.memref_slice %arg3[%run_scoped3A_2, %add3A, %dma_start3A_44] : memref<3x32x8192xf32, #tpu.memory_space<hbm>> -> memref<1x1x8192xf32, #tpu.memory_space<hbm>>
      %dma_start3A_46 = tpu.memref_squeeze %dma_start3A_45 : memref<1x1x8192xf32, #tpu.memory_space<hbm>> -> memref<8192xf32, #tpu.memory_space<hbm>>
      tpu.enqueue_dma source(%dma_start3A_46 : memref<8192xf32, #tpu.memory_space<hbm>>) target(%arg10 : memref<8192xf32, #tpu.memory_space<vmem>>) target_semaphore(%run_scoped3A_40 : memref<!tpu.dma_semaphore, #tpu.memory_space<semaphore_mem>>)
      %dma_wait3A = arith.constant 0 : i32
      %dma_wait3A_47 = tpu.memref_slice %arg3[%run_scoped3A_2, %add3A, %dma_wait3A] : memref<3x32x8192xf32, #tpu.memory_space<hbm>> -> memref<1x1x8192xf32, #tpu.memory_space<hbm>>
      %dma_wait3A_48 = tpu.memref_squeeze %dma_wait3A_47 : memref<1x1x8192xf32, #tpu.memory_space<hbm>> -> memref<8192xf32, #tpu.memory_space<hbm>>
      %dma_wait3A_49 = arith.constant 0 : i32
      %dma_wait3A_50 = tpu.memref_slice %arg3[%run_scoped3A_2, %add3A, %dma_wait3A_49] : memref<3x32x8192xf32, #tpu.memory_space<hbm>> -> memref<1x1x8192xf32, #tpu.memory_space<hbm>>
      %dma_wait3A_51 = tpu.memref_squeeze %dma_wait3A_50 : memref<1x1x8192xf32, #tpu.memory_space<hbm>> -> memref<8192xf32, #tpu.memory_space<hbm>>
      tpu.wait_dma2 semaphore(%run_scoped3A_40 : memref<!tpu.dma_semaphore, #tpu.memory_space<semaphore_mem>>) src(%dma_wait3A_51 : memref<8192xf32, #tpu.memory_space<hbm>>) dst(%arg10 : memref<8192xf32, #tpu.memory_space<vmem>>)
      tpu.yield
    }) : () -> ()
    %run_scoped3A_3 = arith.constant 0 : i32
    "tpu.region"() ({
      %run_scoped3A_40 = tpu.sem_alloc : memref<!tpu.dma_semaphore, #tpu.memory_space<semaphore_mem>>
      %dma_start3A_41 = arith.constant 0 : i32
      %dma_start3A_42 = tpu.memref_slice %arg4[%run_scoped3A_3, %add3A, %dma_start3A_41] : memref<3x32x128xf32, #tpu.memory_space<hbm>> -> memref<1x1x128xf32, #tpu.memory_space<hbm>>
      %dma_start3A_43 = tpu.memref_squeeze %dma_start3A_42 : memref<1x1x128xf32, #tpu.memory_space<hbm>> -> memref<128xf32, #tpu.memory_space<hbm>>
      %dma_start3A_44 = arith.constant 0 : i32
      %dma_start3A_45 = tpu.memref_slice %arg4[%run_scoped3A_3, %add3A, %dma_start3A_44] : memref<3x32x128xf32, #tpu.memory_space<hbm>> -> memref<1x1x128xf32, #tpu.memory_space<hbm>>
      %dma_start3A_46 = tpu.memref_squeeze %dma_start3A_45 : memref<1x1x128xf32, #tpu.memory_space<hbm>> -> memref<128xf32, #tpu.memory_space<hbm>>
      tpu.enqueue_dma source(%dma_start3A_46 : memref<128xf32, #tpu.memory_space<hbm>>) target(%arg11 : memref<128xf32, #tpu.memory_space<vmem>>) target_semaphore(%run_scoped3A_40 : memref<!tpu.dma_semaphore, #tpu.memory_space<semaphore_mem>>)
      %dma_wait3A = arith.constant 0 : i32
      %dma_wait3A_47 = tpu.memref_slice %arg4[%run_scoped3A_3, %add3A, %dma_wait3A] : memref<3x32x128xf32, #tpu.memory_space<hbm>> -> memref<1x1x128xf32, #tpu.memory_space<hbm>>
      %dma_wait3A_48 = tpu.memref_squeeze %dma_wait3A_47 : memref<1x1x128xf32, #tpu.memory_space<hbm>> -> memref<128xf32, #tpu.memory_space<hbm>>
      %dma_wait3A_49 = arith.constant 0 : i32
      %dma_wait3A_50 = tpu.memref_slice %arg4[%run_scoped3A_3, %add3A, %dma_wait3A_49] : memref<3x32x128xf32, #tpu.memory_space<hbm>> -> memref<1x1x128xf32, #tpu.memory_space<hbm>>
      %dma_wait3A_51 = tpu.memref_squeeze %dma_wait3A_50 : memref<1x1x128xf32, #tpu.memory_space<hbm>> -> memref<128xf32, #tpu.memory_space<hbm>>
      tpu.wait_dma2 semaphore(%run_scoped3A_40 : memref<!tpu.dma_semaphore, #tpu.memory_space<semaphore_mem>>) src(%dma_wait3A_51 : memref<128xf32, #tpu.memory_space<hbm>>) dst(%arg11 : memref<128xf32, #tpu.memory_space<vmem>>)
      tpu.yield
    }) : () -> ()
    %run_scoped3A_4 = arith.constant 1 : i32
    "tpu.region"() ({
      %run_scoped3A_40 = tpu.sem_alloc : memref<!tpu.dma_semaphore, #tpu.memory_space<semaphore_mem>>
      %dma_start3A_41 = arith.constant 0 : i32
      %dma_start3A_42 = tpu.memref_slice %arg4[%run_scoped3A_4, %add3A, %dma_start3A_41] : memref<3x32x128xf32, #tpu.memory_space<hbm>> -> memref<1x1x128xf32, #tpu.memory_space<hbm>>
      %dma_start3A_43 = tpu.memref_squeeze %dma_start3A_42 : memref<1x1x128xf32, #tpu.memory_space<hbm>> -> memref<128xf32, #tpu.memory_space<hbm>>
      %dma_start3A_44 = arith.constant 0 : i32
      %dma_start3A_45 = tpu.memref_slice %arg4[%run_scoped3A_4, %add3A, %dma_start3A_44] : memref<3x32x128xf32, #tpu.memory_space<hbm>> -> memref<1x1x128xf32, #tpu.memory_space<hbm>>
      %dma_start3A_46 = tpu.memref_squeeze %dma_start3A_45 : memref<1x1x128xf32, #tpu.memory_space<hbm>> -> memref<128xf32, #tpu.memory_space<hbm>>
      tpu.enqueue_dma source(%dma_start3A_46 : memref<128xf32, #tpu.memory_space<hbm>>) target(%arg12 : memref<128xf32, #tpu.memory_space<vmem>>) target_semaphore(%run_scoped3A_40 : memref<!tpu.dma_semaphore, #tpu.memory_space<semaphore_mem>>)
      %dma_wait3A = arith.constant 0 : i32
      %dma_wait3A_47 = tpu.memref_slice %arg4[%run_scoped3A_4, %add3A, %dma_wait3A] : memref<3x32x128xf32, #tpu.memory_space<hbm>> -> memref<1x1x128xf32, #tpu.memory_space<hbm>>
      %dma_wait3A_48 = tpu.memref_squeeze %dma_wait3A_47 : memref<1x1x128xf32, #tpu.memory_space<hbm>> -> memref<128xf32, #tpu.memory_space<hbm>>
      %dma_wait3A_49 = arith.constant 0 : i32
      %dma_wait3A_50 = tpu.memref_slice %arg4[%run_scoped3A_4, %add3A, %dma_wait3A_49] : memref<3x32x128xf32, #tpu.memory_space<hbm>> -> memref<1x1x128xf32, #tpu.memory_space<hbm>>
      %dma_wait3A_51 = tpu.memref_squeeze %dma_wait3A_50 : memref<1x1x128xf32, #tpu.memory_space<hbm>> -> memref<128xf32, #tpu.memory_space<hbm>>
      tpu.wait_dma2 semaphore(%run_scoped3A_40 : memref<!tpu.dma_semaphore, #tpu.memory_space<semaphore_mem>>) src(%dma_wait3A_51 : memref<128xf32, #tpu.memory_space<hbm>>) dst(%arg12 : memref<128xf32, #tpu.memory_space<vmem>>)
      tpu.yield
    }) : () -> ()
    %run_scoped3A_5 = arith.constant 2 : i32
    "tpu.region"() ({
      %run_scoped3A_40 = tpu.sem_alloc : memref<!tpu.dma_semaphore, #tpu.memory_space<semaphore_mem>>
      %dma_start3A_41 = arith.constant 0 : i32
      %dma_start3A_42 = tpu.memref_slice %arg4[%run_scoped3A_5, %add3A, %dma_start3A_41] : memref<3x32x128xf32, #tpu.memory_space<hbm>> -> memref<1x1x128xf32, #tpu.memory_space<hbm>>
      %dma_start3A_43 = tpu.memref_squeeze %dma_start3A_42 : memref<1x1x128xf32, #tpu.memory_space<hbm>> -> memref<128xf32, #tpu.memory_space<hbm>>
      %dma_start3A_44 = arith.constant 0 : i32
      %dma_start3A_45 = tpu.memref_slice %arg4[%run_scoped3A_5, %add3A, %dma_start3A_44] : memref<3x32x128xf32, #tpu.memory_space<hbm>> -> memref<1x1x128xf32, #tpu.memory_space<hbm>>
      %dma_start3A_46 = tpu.memref_squeeze %dma_start3A_45 : memref<1x1x128xf32, #tpu.memory_space<hbm>> -> memref<128xf32, #tpu.memory_space<hbm>>
      tpu.enqueue_dma source(%dma_start3A_46 : memref<128xf32, #tpu.memory_space<hbm>>) target(%arg13 : memref<128xf32, #tpu.memory_space<vmem>>) target_semaphore(%run_scoped3A_40 : memref<!tpu.dma_semaphore, #tpu.memory_space<semaphore_mem>>)
      %dma_wait3A = arith.constant 0 : i32
      %dma_wait3A_47 = tpu.memref_slice %arg4[%run_scoped3A_5, %add3A, %dma_wait3A] : memref<3x32x128xf32, #tpu.memory_space<hbm>> -> memref<1x1x128xf32, #tpu.memory_space<hbm>>
      %dma_wait3A_48 = tpu.memref_squeeze %dma_wait3A_47 : memref<1x1x128xf32, #tpu.memory_space<hbm>> -> memref<128xf32, #tpu.memory_space<hbm>>
      %dma_wait3A_49 = arith.constant 0 : i32
      %dma_wait3A_50 = tpu.memref_slice %arg4[%run_scoped3A_5, %add3A, %dma_wait3A_49] : memref<3x32x128xf32, #tpu.memory_space<hbm>> -> memref<1x1x128xf32, #tpu.memory_space<hbm>>
      %dma_wait3A_51 = tpu.memref_squeeze %dma_wait3A_50 : memref<1x1x128xf32, #tpu.memory_space<hbm>> -> memref<128xf32, #tpu.memory_space<hbm>>
      tpu.wait_dma2 semaphore(%run_scoped3A_40 : memref<!tpu.dma_semaphore, #tpu.memory_space<semaphore_mem>>) src(%dma_wait3A_51 : memref<128xf32, #tpu.memory_space<hbm>>) dst(%arg13 : memref<128xf32, #tpu.memory_space<vmem>>)
      tpu.yield
    }) : () -> ()
    "tpu.region"() ({
      %run_scoped3A_40 = tpu.sem_alloc : memref<!tpu.dma_semaphore, #tpu.memory_space<semaphore_mem>>
      %dma_start3A_41 = arith.constant 0 : i32
      %dma_start3A_42 = tpu.memref_slice %arg5[%add3A, %dma_start3A_41] : memref<32x128xf32, #tpu.memory_space<hbm>> -> memref<1x128xf32, #tpu.memory_space<hbm>>
      %dma_start3A_43 = tpu.memref_squeeze %dma_start3A_42 : memref<1x128xf32, #tpu.memory_space<hbm>> -> memref<128xf32, #tpu.memory_space<hbm>>
      %dma_start3A_44 = arith.constant 0 : i32
      %dma_start3A_45 = tpu.memref_slice %arg5[%add3A, %dma_start3A_44] : memref<32x128xf32, #tpu.memory_space<hbm>> -> memref<1x128xf32, #tpu.memory_space<hbm>>
      %dma_start3A_46 = tpu.memref_squeeze %dma_start3A_45 : memref<1x128xf32, #tpu.memory_space<hbm>> -> memref<128xf32, #tpu.memory_space<hbm>>
      tpu.enqueue_dma source(%dma_start3A_46 : memref<128xf32, #tpu.memory_space<hbm>>) target(%arg14 : memref<128xf32, #tpu.memory_space<vmem>>) target_semaphore(%run_scoped3A_40 : memref<!tpu.dma_semaphore, #tpu.memory_space<semaphore_mem>>)
      %dma_wait3A = arith.constant 0 : i32
      %dma_wait3A_47 = tpu.memref_slice %arg5[%add3A, %dma_wait3A] : memref<32x128xf32, #tpu.memory_space<hbm>> -> memref<1x128xf32, #tpu.memory_space<hbm>>
      %dma_wait3A_48 = tpu.memref_squeeze %dma_wait3A_47 : memref<1x128xf32, #tpu.memory_space<hbm>> -> memref<128xf32, #tpu.memory_space<hbm>>
      %dma_wait3A_49 = arith.constant 0 : i32
      %dma_wait3A_50 = tpu.memref_slice %arg5[%add3A, %dma_wait3A_49] : memref<32x128xf32, #tpu.memory_space<hbm>> -> memref<1x128xf32, #tpu.memory_space<hbm>>
      %dma_wait3A_51 = tpu.memref_squeeze %dma_wait3A_50 : memref<1x128xf32, #tpu.memory_space<hbm>> -> memref<128xf32, #tpu.memory_space<hbm>>
      tpu.wait_dma2 semaphore(%run_scoped3A_40 : memref<!tpu.dma_semaphore, #tpu.memory_space<semaphore_mem>>) src(%dma_wait3A_51 : memref<128xf32, #tpu.memory_space<hbm>>) dst(%arg14 : memref<128xf32, #tpu.memory_space<vmem>>)
      tpu.yield
    }) : () -> ()
    %iota3A = tpu.iota {dimensions = array<i32: 0>} : vector<16xi32>
    %broadcast_in_dim3A = arith.constant 0.000000e+00 : f32
    %broadcast_in_dim3A_6 = vector.broadcast %broadcast_in_dim3A : f32 to vector<16xf32>
    %mul3A_7 = arith.constant 128 : i32
    %mul3A_8 = arith.muli %add3A, %mul3A_7 : i32
    %add3A_9 = arith.constant 0 : i32
    %add3A_10 = arith.addi %mul3A_8, %add3A_9 : i32
    %dma_start3A = arith.constant 0 : i32
    %dma_start3A_11 = tpu.memref_slice %arg2[%add3A_10, %dma_start3A] : memref<4096x8192xf32, #tpu.memory_space<hbm>> -> memref<1x8192xf32, #tpu.memory_space<hbm>>
    %dma_start3A_12 = tpu.memref_squeeze %dma_start3A_11 : memref<1x8192xf32, #tpu.memory_space<hbm>> -> memref<8192xf32, #tpu.memory_space<hbm>>
    %dma_start3A_13 = arith.constant 0 : i32
    %dma_start3A_14 = tpu.memref_slice %arg2[%add3A_10, %dma_start3A_13] : memref<4096x8192xf32, #tpu.memory_space<hbm>> -> memref<1x8192xf32, #tpu.memory_space<hbm>>
    %dma_start3A_15 = tpu.memref_squeeze %dma_start3A_14 : memref<1x8192xf32, #tpu.memory_space<hbm>> -> memref<8192xf32, #tpu.memory_space<hbm>>
    tpu.enqueue_dma source(%dma_start3A_15 : memref<8192xf32, #tpu.memory_space<hbm>>) target(%arg15 : memref<8192xf32, #tpu.memory_space<vmem>>) target_semaphore(%arg17 : memref<!tpu.dma_semaphore, #tpu.memory_space<semaphore_mem>>)
    %scan3A = arith.constant 0 : i32
    %scan3A_16 = arith.constant 64 : i32
    %scan3A_17 = arith.addi %scan3A, %scan3A_16 : i32
    %scan3A_18 = arith.constant 1 : i32
    %scan3A_19:9 = scf.for %scan3A_40 = %scan3A to %scan3A_17 step %scan3A_18 iter_args(%scan3A_41 = %broadcast_in_dim3A_6, %scan3A_42 = %broadcast_in_dim3A_6, %scan3A_43 = %broadcast_in_dim3A_6, %scan3A_44 = %broadcast_in_dim3A_6, %scan3A_45 = %broadcast_in_dim3A_6, %scan3A_46 = %broadcast_in_dim3A_6, %scan3A_47 = %broadcast_in_dim3A_6, %scan3A_48 = %broadcast_in_dim3A_6, %scan3A_49 = %broadcast_in_dim3A_6) -> (vector<16xf32>, vector<16xf32>, vector<16xf32>, vector<16xf32>, vector<16xf32>, vector<16xf32>, vector<16xf32>, vector<16xf32>, vector<16xf32>)  : i32 {
      %mul3A_50 = arith.constant 2 : i32
      %mul3A_51 = arith.muli %scan3A_40, %mul3A_50 : i32
      %mul3A_52 = arith.constant 128 : i32
      %mul3A_53 = arith.muli %add3A, %mul3A_52 : i32
      %add3A_54 = arith.addi %mul3A_53, %mul3A_51 : i32
      %dma_wait3A = arith.constant 0 : i32
      %dma_wait3A_55 = tpu.memref_slice %arg2[%add3A_54, %dma_wait3A] : memref<4096x8192xf32, #tpu.memory_space<hbm>> -> memref<1x8192xf32, #tpu.memory_space<hbm>>
      %dma_wait3A_56 = tpu.memref_squeeze %dma_wait3A_55 : memref<1x8192xf32, #tpu.memory_space<hbm>> -> memref<8192xf32, #tpu.memory_space<hbm>>
      %dma_wait3A_57 = arith.constant 0 : i32
      %dma_wait3A_58 = tpu.memref_slice %arg2[%add3A_54, %dma_wait3A_57] : memref<4096x8192xf32, #tpu.memory_space<hbm>> -> memref<1x8192xf32, #tpu.memory_space<hbm>>
      %dma_wait3A_59 = tpu.memref_squeeze %dma_wait3A_58 : memref<1x8192xf32, #tpu.memory_space<hbm>> -> memref<8192xf32, #tpu.memory_space<hbm>>
      tpu.wait_dma2 semaphore(%arg17 : memref<!tpu.dma_semaphore, #tpu.memory_space<semaphore_mem>>) src(%dma_wait3A_59 : memref<8192xf32, #tpu.memory_space<hbm>>) dst(%arg15 : memref<8192xf32, #tpu.memory_space<vmem>>)
      %add3A_60 = arith.constant 1 : i32
      %add3A_61 = arith.addi %mul3A_51, %add3A_60 : i32
      %mul3A_62 = arith.constant 128 : i32
      %mul3A_63 = arith.muli %add3A, %mul3A_62 : i32
      %add3A_64 = arith.addi %mul3A_63, %add3A_61 : i32
      %dma_start3A_65 = arith.constant 0 : i32
      %dma_start3A_66 = tpu.memref_slice %arg2[%add3A_64, %dma_start3A_65] : memref<4096x8192xf32, #tpu.memory_space<hbm>> -> memref<1x8192xf32, #tpu.memory_space<hbm>>
      %dma_start3A_67 = tpu.memref_squeeze %dma_start3A_66 : memref<1x8192xf32, #tpu.memory_space<hbm>> -> memref<8192xf32, #tpu.memory_space<hbm>>
      %dma_start3A_68 = arith.constant 0 : i32
      %dma_start3A_69 = tpu.memref_slice %arg2[%add3A_64, %dma_start3A_68] : memref<4096x8192xf32, #tpu.memory_space<hbm>> -> memref<1x8192xf32, #tpu.memory_space<hbm>>
      %dma_start3A_70 = tpu.memref_squeeze %dma_start3A_69 : memref<1x8192xf32, #tpu.memory_space<hbm>> -> memref<8192xf32, #tpu.memory_space<hbm>>
      tpu.enqueue_dma source(%dma_start3A_70 : memref<8192xf32, #tpu.memory_space<hbm>>) target(%arg16 : memref<8192xf32, #tpu.memory_space<vmem>>) target_semaphore(%arg18 : memref<!tpu.dma_semaphore, #tpu.memory_space<semaphore_mem>>)
      %broadcast_in_dim3A_71 = vector.broadcast %mul3A_51 : i32 to vector<16xi32>
      %gather3A = tpu.vector_load_idx %arg14[%broadcast_in_dim3A_71] : memref<128xf32, #tpu.memory_space<vmem>>[vector<16xi32>], vector<16xf32>,
      %gather3A_72 = tpu.vector_load_idx %arg11[%broadcast_in_dim3A_71] : memref<128xf32, #tpu.memory_space<vmem>>[vector<16xi32>], vector<16xf32>,
      %gather3A_73 = tpu.vector_load_idx %arg12[%broadcast_in_dim3A_71] : memref<128xf32, #tpu.memory_space<vmem>>[vector<16xi32>], vector<16xf32>,
      %gather3A_74 = tpu.vector_load_idx %arg13[%broadcast_in_dim3A_71] : memref<128xf32, #tpu.memory_space<vmem>>[vector<16xi32>], vector<16xf32>,
      %broadcast_in_dim3A_75 = arith.constant 0 : i32
      %broadcast_in_dim3A_76 = vector.broadcast %broadcast_in_dim3A_75 : i32 to vector<16xi32>
      %parallel_loop3A = arith.constant 0 : i32
      %parallel_loop3A_77 = arith.constant 512 : i32
      %parallel_loop3A_78 = arith.constant 1 : i32
      %parallel_loop3A_79 = scf.for %parallel_loop3A_360 = %parallel_loop3A to %parallel_loop3A_77 step %parallel_loop3A_78 iter_args(%parallel_loop3A_361 = %broadcast_in_dim3A_76) -> (vector<16xi32>)  : i32 {
        %parallel_loop3A_362 = arith.constant 16 : i32
        %parallel_loop3A_363 = arith.muli %parallel_loop3A_360, %parallel_loop3A_362 : i32
        %parallel_loop3A_364 = arith.index_cast %parallel_loop3A_363 : i32 to index
        %parallel_loop3A_365 = tpu.vector_load %arg15[%parallel_loop3A_364] {strides = array<i32>} : memref<8192xf32, #tpu.memory_space<vmem>>, vector<16xf32>,
        %parallel_loop3A_366 = arith.cmpf ole, %parallel_loop3A_365, %gather3A : vector<16xf32>
        %parallel_loop3A_367 = arith.extui %parallel_loop3A_366 : vector<16xi1> to vector<16xi32>
        %parallel_loop3A_368 = arith.constant true
        %parallel_loop3A_369 = vector.broadcast %parallel_loop3A_368 : i1 to vector<16xi1>
        %parallel_loop3A_370 = tpu.scan <sum>, %parallel_loop3A_367 masked %parallel_loop3A_369 : vector<16xi32>, vector<16xi1> -> vector<16xi32>
        %parallel_loop3A_371 = arith.addi %parallel_loop3A_361, %parallel_loop3A_370 : vector<16xi32>
        %parallel_loop3A_372 = arith.constant 1 : i32
        %parallel_loop3A_373 = vector.broadcast %parallel_loop3A_372 : i32 to vector<16xi32>
        %parallel_loop3A_374 = arith.subi %parallel_loop3A_371, %parallel_loop3A_373 : vector<16xi32>
        %parallel_loop3A_375 = arith.constant 4095 : i32
        %parallel_loop3A_376 = vector.broadcast %parallel_loop3A_375 : i32 to vector<16xi32>
        %parallel_loop3A_377 = arith.minsi %parallel_loop3A_374, %parallel_loop3A_376 : vector<16xi32>
        %parallel_loop3A_378 = arith.constant 16 : i32
        %parallel_loop3A_379 = arith.muli %parallel_loop3A_360, %parallel_loop3A_378 : i32
        %parallel_loop3A_380 = vector.broadcast %parallel_loop3A_379 : i32 to vector<16xi32>
        %parallel_loop3A_381 = arith.addi %iota3A, %parallel_loop3A_380 : vector<16xi32>
        tpu.vector_store_idx %arg19[%parallel_loop3A_377], %parallel_loop3A_365 masked %parallel_loop3A_366 : memref<4160xf32, #tpu.memory_space<vmem>>[vector<16xi32>], vector<16xf32>, vector<16xi1>
        tpu.vector_store_idx %arg20[%parallel_loop3A_377], %parallel_loop3A_381 masked %parallel_loop3A_366 : memref<4160xi32, #tpu.memory_space<vmem>>[vector<16xi32>], vector<16xi32>, vector<16xi1>
        %parallel_loop3A_382 = tpu.all_reduce %parallel_loop3A_366 {dim = 0 : i64, kind = #tpu.reduction_kind<sum>} : vector<16xi1> -> vector<16xi32>
        %parallel_loop3A_383 = arith.addi %parallel_loop3A_361, %parallel_loop3A_382 : vector<16xi32>
        scf.yield %parallel_loop3A_383 : vector<16xi32>
      } {sc.loop_unroll_factor = 8 : i64, sc.parallel_access}
      %reduce_max3A = arith.constant true
      %reduce_max3A_80 = vector.broadcast %reduce_max3A : i1 to vector<16xi1>
      %reduce_max3A_81 = arith.constant -2147483648 : i32
      %reduce_max3A_82 = vector.broadcast %reduce_max3A_81 : i32 to vector<16xi32>
      %reduce_max3A_83 = arith.xori %parallel_loop3A_79, %reduce_max3A_82 : vector<16xi32>
      %reduce_max3A_84 = tpu.scan <max>, %reduce_max3A_83 masked %reduce_max3A_80 : vector<16xi32>, vector<16xi1> -> vector<16xi32>
      %reduce_max3A_85 = arith.xori %reduce_max3A_84, %reduce_max3A_82 : vector<16xi32>
      %reduce_max3A_86 = vector.extract %reduce_max3A_85[15] : i32 from vector<16xi32>
      %add3A_87 = arith.constant 63 : i32
      %add3A_88 = arith.addi %reduce_max3A_86, %add3A_87 : i32
      %jit3A = arith.constant 64 : i32
      %div3A = arith.divsi %add3A_88, %jit3A : i32
      %sign3A = arith.constant 0 : i32
      %sign3A_89 = arith.cmpi sgt, %add3A_88, %sign3A : i32
      %sign3A_90 = arith.extui %sign3A_89 : i1 to i32
      %sign3A_91 = arith.constant 0 : i32
      %sign3A_92 = arith.cmpi slt, %add3A_88, %sign3A_91 : i32
      %sign3A_93 = arith.extui %sign3A_92 : i1 to i32
      %sign3A_94 = arith.subi %sign3A_90, %sign3A_93 : i32
      %sign3A_95 = arith.constant 0 : i32
      %sign3A_96 = arith.cmpi sgt, %jit3A, %sign3A_95 : i32
      %sign3A_97 = arith.extui %sign3A_96 : i1 to i32
      %sign3A_98 = arith.constant 0 : i32
      %sign3A_99 = arith.cmpi slt, %jit3A, %sign3A_98 : i32
      %sign3A_100 = arith.extui %sign3A_99 : i1 to i32
      %sign3A_101 = arith.subi %sign3A_97, %sign3A_100 : i32
      %ne3A = arith.cmpi ne, %sign3A_94, %sign3A_101 : i32
      %rem3A = arith.remsi %add3A_88, %jit3A : i32
      %ne3A_102 = arith.constant 0 : i32
      %ne3A_103 = arith.cmpi ne, %rem3A, %ne3A_102 : i32
      %and3A = arith.andi %ne3A, %ne3A_103 : i1
      %sub3A = arith.constant 1 : i32
      %sub3A_104 = arith.subi %div3A, %sub3A : i32
      %select_n3A = arith.select %and3A, %sub3A_104, %div3A : i32
      %broadcast_in_dim3A_105 = arith.constant -2147483647 : i32
      %broadcast_in_dim3A_106 = vector.broadcast %broadcast_in_dim3A_105 : i32 to vector<16xi32>
      %broadcast_in_dim3A_107 = arith.constant 2139095040 : i32
      %broadcast_in_dim3A_108 = vector.broadcast %broadcast_in_dim3A_107 : i32 to vector<16xi32>
      %broadcast_in_dim3A_109 = arith.constant 0 : i32
      %broadcast_in_dim3A_110 = vector.broadcast %broadcast_in_dim3A_109 : i32 to vector<16xi32>
      %scan3A_111 = arith.constant 0 : i32
      %scan3A_112 = arith.constant 32 : i32
      %scan3A_113 = arith.addi %scan3A_111, %scan3A_112 : i32
      %scan3A_114 = arith.constant 1 : i32
      %scan3A_115:3 = scf.for %scan3A_360 = %scan3A_111 to %scan3A_113 step %scan3A_114 iter_args(%scan3A_361 = %broadcast_in_dim3A_106, %scan3A_362 = %broadcast_in_dim3A_108, %scan3A_363 = %broadcast_in_dim3A_110) -> (vector<16xi32>, vector<16xi32>, vector<16xi32>)  : i32 {
        %add3A_364 = arith.addi %scan3A_361, %scan3A_362 : vector<16xi32>
        %shift_right_arithmetic3A = arith.constant 1 : i32
        %shift_right_arithmetic3A_365 = vector.broadcast %shift_right_arithmetic3A : i32 to vector<16xi32>
        %shift_right_arithmetic3A_366 = arith.shrsi %add3A_364, %shift_right_arithmetic3A_365 : vector<16xi32>
        %broadcast_in_dim3A_367 = arith.constant 0 : i32
        %broadcast_in_dim3A_368 = vector.broadcast %broadcast_in_dim3A_367 : i32 to vector<16xi32>
        %parallel_loop3A_369 = arith.constant 0 : i32
        %parallel_loop3A_370 = arith.constant 1 : i32
        %parallel_loop3A_371 = scf.for %parallel_loop3A_377 = %parallel_loop3A_369 to %select_n3A step %parallel_loop3A_370 iter_args(%parallel_loop3A_378 = %broadcast_in_dim3A_368) -> (vector<16xi32>)  : i32 {
          %parallel_loop3A_379 = arith.constant 4 : i32
          %parallel_loop3A_380 = arith.muli %parallel_loop3A_377, %parallel_loop3A_379 : i32
          %parallel_loop3A_381 = arith.constant 0 : i32
          %parallel_loop3A_382 = arith.addi %parallel_loop3A_380, %parallel_loop3A_381 : i32
          %parallel_loop3A_383 = arith.constant 16 : i32
          %parallel_loop3A_384 = arith.muli %parallel_loop3A_382, %parallel_loop3A_383 : i32
          %parallel_loop3A_385 = arith.index_cast %parallel_loop3A_384 : i32 to index
          %parallel_loop3A_386 = tpu.vector_load %arg19[%parallel_loop3A_385] {strides = array<i32>} : memref<4160xf32, #tpu.memory_space<vmem>>, vector<16xf32>,
          %parallel_loop3A_387 = vector.bitcast %parallel_loop3A_386 : vector<16xf32> to vector<16xi32>
          %parallel_loop3A_388 = arith.constant 16 : i32
          %parallel_loop3A_389 = arith.muli %parallel_loop3A_382, %parallel_loop3A_388 : i32
          %parallel_loop3A_390 = vector.broadcast %parallel_loop3A_389 : i32 to vector<16xi32>
          %parallel_loop3A_391 = arith.addi %iota3A, %parallel_loop3A_390 : vector<16xi32>
          %parallel_loop3A_392 = arith.cmpi slt, %parallel_loop3A_391, %parallel_loop3A_79 : vector<16xi32>
          %parallel_loop3A_393 = arith.cmpi sle, %parallel_loop3A_387, %shift_right_arithmetic3A_366 : vector<16xi32>
          %parallel_loop3A_394 = arith.andi %parallel_loop3A_393, %parallel_loop3A_392 : vector<16xi1>
          %parallel_loop3A_395 = tpu.all_reduce %parallel_loop3A_394 {dim = 0 : i64, kind = #tpu.reduction_kind<sum>} : vector<16xi1> -> vector<16xi32>
          %parallel_loop3A_396 = arith.addi %parallel_loop3A_378, %parallel_loop3A_395 : vector<16xi32>
          %parallel_loop3A_397 = arith.constant 4 : i32
          %parallel_loop3A_398 = arith.muli %parallel_loop3A_377, %parallel_loop3A_397 : i32
          %parallel_loop3A_399 = arith.constant 1 : i32
          %parallel_loop3A_400 = arith.addi %parallel_loop3A_398, %parallel_loop3A_399 : i32
          %parallel_loop3A_401 = arith.constant 16 : i32
          %parallel_loop3A_402 = arith.muli %parallel_loop3A_400, %parallel_loop3A_401 : i32
          %parallel_loop3A_403 = arith.index_cast %parallel_loop3A_402 : i32 to index
          %parallel_loop3A_404 = tpu.vector_load %arg19[%parallel_loop3A_403] {strides = array<i32>} : memref<4160xf32, #tpu.memory_space<vmem>>, vector<16xf32>,
          %parallel_loop3A_405 = vector.bitcast %parallel_loop3A_404 : vector<16xf32> to vector<16xi32>
          %parallel_loop3A_406 = arith.constant 16 : i32
          %parallel_loop3A_407 = arith.muli %parallel_loop3A_400, %parallel_loop3A_406 : i32
          %parallel_loop3A_408 = vector.broadcast %parallel_loop3A_407 : i32 to vector<16xi32>
          %parallel_loop3A_409 = arith.addi %iota3A, %parallel_loop3A_408 : vector<16xi32>
          %parallel_loop3A_410 = arith.cmpi slt, %parallel_loop3A_409, %parallel_loop3A_79 : vector<16xi32>
          %parallel_loop3A_411 = arith.cmpi sle, %parallel_loop3A_405, %shift_right_arithmetic3A_366 : vector<16xi32>
          %parallel_loop3A_412 = arith.andi %parallel_loop3A_411, %parallel_loop3A_410 : vector<16xi1>
          %parallel_loop3A_413 = tpu.all_reduce %parallel_loop3A_412 {dim = 0 : i64, kind = #tpu.reduction_kind<sum>} : vector<16xi1> -> vector<16xi32>
          %parallel_loop3A_414 = arith.addi %parallel_loop3A_396, %parallel_loop3A_413 : vector<16xi32>
          %parallel_loop3A_415 = arith.constant 4 : i32
          %parallel_loop3A_416 = arith.muli %parallel_loop3A_377, %parallel_loop3A_415 : i32
          %parallel_loop3A_417 = arith.constant 2 : i32
          %parallel_loop3A_418 = arith.addi %parallel_loop3A_416, %parallel_loop3A_417 : i32
          %parallel_loop3A_419 = arith.constant 16 : i32
          %parallel_loop3A_420 = arith.muli %parallel_loop3A_418, %parallel_loop3A_419 : i32
          %parallel_loop3A_421 = arith.index_cast %parallel_loop3A_420 : i32 to index
          %parallel_loop3A_422 = tpu.vector_load %arg19[%parallel_loop3A_421] {strides = array<i32>} : memref<4160xf32, #tpu.memory_space<vmem>>, vector<16xf32>,
          %parallel_loop3A_423 = vector.bitcast %parallel_loop3A_422 : vector<16xf32> to vector<16xi32>
          %parallel_loop3A_424 = arith.constant 16 : i32
          %parallel_loop3A_425 = arith.muli %parallel_loop3A_418, %parallel_loop3A_424 : i32
          %parallel_loop3A_426 = vector.broadcast %parallel_loop3A_425 : i32 to vector<16xi32>
          %parallel_loop3A_427 = arith.addi %iota3A, %parallel_loop3A_426 : vector<16xi32>
          %parallel_loop3A_428 = arith.cmpi slt, %parallel_loop3A_427, %parallel_loop3A_79 : vector<16xi32>
          %parallel_loop3A_429 = arith.cmpi sle, %parallel_loop3A_423, %shift_right_arithmetic3A_366 : vector<16xi32>
          %parallel_loop3A_430 = arith.andi %parallel_loop3A_429, %parallel_loop3A_428 : vector<16xi1>
          %parallel_loop3A_431 = tpu.all_reduce %parallel_loop3A_430 {dim = 0 : i64, kind = #tpu.reduction_kind<sum>} : vector<16xi1> -> vector<16xi32>
          %parallel_loop3A_432 = arith.addi %parallel_loop3A_414, %parallel_loop3A_431 : vector<16xi32>
          %parallel_loop3A_433 = arith.constant 4 : i32
          %parallel_loop3A_434 = arith.muli %parallel_loop3A_377, %parallel_loop3A_433 : i32
          %parallel_loop3A_435 = arith.constant 3 : i32
          %parallel_loop3A_436 = arith.addi %parallel_loop3A_434, %parallel_loop3A_435 : i32
          %parallel_loop3A_437 = arith.constant 16 : i32
          %parallel_loop3A_438 = arith.muli %parallel_loop3A_436, %parallel_loop3A_437 : i32
          %parallel_loop3A_439 = arith.index_cast %parallel_loop3A_438 : i32 to index
          %parallel_loop3A_440 = tpu.vector_load %arg19[%parallel_loop3A_439] {strides = array<i32>} : memref<4160xf32, #tpu.memory_space<vmem>>, vector<16xf32>,
          %parallel_loop3A_441 = vector.bitcast %parallel_loop3A_440 : vector<16xf32> to vector<16xi32>
          %parallel_loop3A_442 = arith.constant 16 : i32
          %parallel_loop3A_443 = arith.muli %parallel_loop3A_436, %parallel_loop3A_442 : i32
          %parallel_loop3A_444 = vector.broadcast %parallel_loop3A_443 : i32 to vector<16xi32>
          %parallel_loop3A_445 = arith.addi %iota3A, %parallel_loop3A_444 : vector<16xi32>
          %parallel_loop3A_446 = arith.cmpi slt, %parallel_loop3A_445, %parallel_loop3A_79 : vector<16xi32>
          %parallel_loop3A_447 = arith.cmpi sle, %parallel_loop3A_441, %shift_right_arithmetic3A_366 : vector<16xi32>
          %parallel_loop3A_448 = arith.andi %parallel_loop3A_447, %parallel_loop3A_446 : vector<16xi1>
          %parallel_loop3A_449 = tpu.all_reduce %parallel_loop3A_448 {dim = 0 : i64, kind = #tpu.reduction_kind<sum>} : vector<16xi1> -> vector<16xi32>
          %parallel_loop3A_450 = arith.addi %parallel_loop3A_432, %parallel_loop3A_449 : vector<16xi32>
          scf.yield %parallel_loop3A_450 : vector<16xi32>
        } {sc.loop_unroll_factor = 1 : i64, sc.parallel_access}
        %ge3A = arith.constant 32 : i32
        %ge3A_372 = vector.broadcast %ge3A : i32 to vector<16xi32>
        %ge3A_373 = arith.cmpi sge, %parallel_loop3A_371, %ge3A_372 : vector<16xi32>
        %select_n3A_374 = arith.select %ge3A_373, %shift_right_arithmetic3A_366, %scan3A_362 : vector<16xi1>, vector<16xi32>
        %select_n3A_375 = arith.select %ge3A_373, %scan3A_361, %shift_right_arithmetic3A_366 : vector<16xi1>, vector<16xi32>
        %select_n3A_376 = arith.select %ge3A_373, %scan3A_363, %parallel_loop3A_371 : vector<16xi1>, vector<16xi32>
        scf.yield %select_n3A_375, %select_n3A_374, %select_n3A_376 : vector<16xi32>, vector<16xi32>, vector<16xi32>
      }
      %scan3A_116 = arith.constant 32 : i32
      %sub3A_117 = arith.constant 32 : i32
      %sub3A_118 = vector.broadcast %sub3A_117 : i32 to vector<16xi32>
      %sub3A_119 = arith.subi %sub3A_118, %scan3A_115#2 : vector<16xi32>
      %broadcast_in_dim3A_120 = arith.constant 0 : i32
      %broadcast_in_dim3A_121 = vector.broadcast %broadcast_in_dim3A_120 : i32 to vector<16xi32>
      %broadcast_in_dim3A_122 = arith.constant 0 : i32
      %broadcast_in_dim3A_123 = vector.broadcast %broadcast_in_dim3A_122 : i32 to vector<16xi32>
      %parallel_loop3A_124 = arith.constant 0 : i32
      %parallel_loop3A_125 = arith.constant 1 : i32
      %parallel_loop3A_126:2 = scf.for %parallel_loop3A_360 = %parallel_loop3A_124 to %select_n3A step %parallel_loop3A_125 iter_args(%parallel_loop3A_361 = %broadcast_in_dim3A_121, %parallel_loop3A_362 = %broadcast_in_dim3A_123) -> (vector<16xi32>, vector<16xi32>)  : i32 {
        %parallel_loop3A_363 = arith.constant 4 : i32
        %parallel_loop3A_364 = arith.muli %parallel_loop3A_360, %parallel_loop3A_363 : i32
        %parallel_loop3A_365 = arith.constant 0 : i32
        %parallel_loop3A_366 = arith.addi %parallel_loop3A_364, %parallel_loop3A_365 : i32
        %parallel_loop3A_367 = arith.constant 16 : i32
        %parallel_loop3A_368 = arith.muli %parallel_loop3A_366, %parallel_loop3A_367 : i32
        %parallel_loop3A_369 = arith.index_cast %parallel_loop3A_368 : i32 to index
        %parallel_loop3A_370 = tpu.vector_load %arg19[%parallel_loop3A_369] {strides = array<i32>} : memref<4160xf32, #tpu.memory_space<vmem>>, vector<16xf32>,
        %parallel_loop3A_371 = vector.bitcast %parallel_loop3A_370 : vector<16xf32> to vector<16xi32>
        %parallel_loop3A_372 = arith.constant 16 : i32
        %parallel_loop3A_373 = arith.muli %parallel_loop3A_366, %parallel_loop3A_372 : i32
        %parallel_loop3A_374 = arith.index_cast %parallel_loop3A_373 : i32 to index
        %parallel_loop3A_375 = tpu.vector_load %arg20[%parallel_loop3A_374] {strides = array<i32>} : memref<4160xi32, #tpu.memory_space<vmem>>, vector<16xi32>,
        %parallel_loop3A_376 = arith.constant 16 : i32
        %parallel_loop3A_377 = arith.muli %parallel_loop3A_366, %parallel_loop3A_376 : i32
        %parallel_loop3A_378 = vector.broadcast %parallel_loop3A_377 : i32 to vector<16xi32>
        %parallel_loop3A_379 = arith.addi %iota3A, %parallel_loop3A_378 : vector<16xi32>
        %parallel_loop3A_380 = arith.cmpi slt, %parallel_loop3A_379, %parallel_loop3A_79 : vector<16xi32>
        %parallel_loop3A_381 = arith.cmpi slt, %parallel_loop3A_371, %scan3A_115#1 : vector<16xi32>
        %parallel_loop3A_382 = arith.andi %parallel_loop3A_381, %parallel_loop3A_380 : vector<16xi1>
        %parallel_loop3A_383 = arith.cmpi eq, %parallel_loop3A_371, %scan3A_115#1 : vector<16xi32>
        %parallel_loop3A_384 = arith.andi %parallel_loop3A_383, %parallel_loop3A_380 : vector<16xi1>
        %parallel_loop3A_385 = arith.extui %parallel_loop3A_384 : vector<16xi1> to vector<16xi32>
        %parallel_loop3A_386 = arith.constant true
        %parallel_loop3A_387 = vector.broadcast %parallel_loop3A_386 : i1 to vector<16xi1>
        %parallel_loop3A_388 = tpu.scan <sum>, %parallel_loop3A_385 masked %parallel_loop3A_387 : vector<16xi32>, vector<16xi1> -> vector<16xi32>
        %parallel_loop3A_389 = arith.addi %parallel_loop3A_362, %parallel_loop3A_388 : vector<16xi32>
        %parallel_loop3A_390 = arith.cmpi sle, %parallel_loop3A_389, %sub3A_119 : vector<16xi32>
        %parallel_loop3A_391 = arith.andi %parallel_loop3A_384, %parallel_loop3A_390 : vector<16xi1>
        %parallel_loop3A_392 = arith.ori %parallel_loop3A_382, %parallel_loop3A_391 : vector<16xi1>
        %parallel_loop3A_393 = arith.extui %parallel_loop3A_392 : vector<16xi1> to vector<16xi32>
        %parallel_loop3A_394 = arith.constant true
        %parallel_loop3A_395 = vector.broadcast %parallel_loop3A_394 : i1 to vector<16xi1>
        %parallel_loop3A_396 = tpu.scan <sum>, %parallel_loop3A_393 masked %parallel_loop3A_395 : vector<16xi32>, vector<16xi1> -> vector<16xi32>
        %parallel_loop3A_397 = arith.addi %parallel_loop3A_361, %parallel_loop3A_396 : vector<16xi32>
        %parallel_loop3A_398 = arith.constant 1 : i32
        %parallel_loop3A_399 = vector.broadcast %parallel_loop3A_398 : i32 to vector<16xi32>
        %parallel_loop3A_400 = arith.subi %parallel_loop3A_397, %parallel_loop3A_399 : vector<16xi32>
        %parallel_loop3A_401 = arith.constant 63 : i32
        %parallel_loop3A_402 = vector.broadcast %parallel_loop3A_401 : i32 to vector<16xi32>
        %parallel_loop3A_403 = arith.minsi %parallel_loop3A_400, %parallel_loop3A_402 : vector<16xi32>
        tpu.vector_store_idx %arg21[%parallel_loop3A_403], %parallel_loop3A_375 masked %parallel_loop3A_392 : memref<64xi32, #tpu.memory_space<vmem>>[vector<16xi32>], vector<16xi32>, vector<16xi1>
        %parallel_loop3A_404 = tpu.all_reduce %parallel_loop3A_392 {dim = 0 : i64, kind = #tpu.reduction_kind<sum>} : vector<16xi1> -> vector<16xi32>
        %parallel_loop3A_405 = arith.addi %parallel_loop3A_361, %parallel_loop3A_404 : vector<16xi32>
        %parallel_loop3A_406 = tpu.all_reduce %parallel_loop3A_384 {dim = 0 : i64, kind = #tpu.reduction_kind<sum>} : vector<16xi1> -> vector<16xi32>
        %parallel_loop3A_407 = arith.addi %parallel_loop3A_362, %parallel_loop3A_406 : vector<16xi32>
        %parallel_loop3A_408 = arith.constant 4 : i32
        %parallel_loop3A_409 = arith.muli %parallel_loop3A_360, %parallel_loop3A_408 : i32
        %parallel_loop3A_410 = arith.constant 1 : i32
        %parallel_loop3A_411 = arith.addi %parallel_loop3A_409, %parallel_loop3A_410 : i32
        %parallel_loop3A_412 = arith.constant 16 : i32
        %parallel_loop3A_413 = arith.muli %parallel_loop3A_411, %parallel_loop3A_412 : i32
        %parallel_loop3A_414 = arith.index_cast %parallel_loop3A_413 : i32 to index
        %parallel_loop3A_415 = tpu.vector_load %arg19[%parallel_loop3A_414] {strides = array<i32>} : memref<4160xf32, #tpu.memory_space<vmem>>, vector<16xf32>,
        %parallel_loop3A_416 = vector.bitcast %parallel_loop3A_415 : vector<16xf32> to vector<16xi32>
        %parallel_loop3A_417 = arith.constant 16 : i32
        %parallel_loop3A_418 = arith.muli %parallel_loop3A_411, %parallel_loop3A_417 : i32
        %parallel_loop3A_419 = arith.index_cast %parallel_loop3A_418 : i32 to index
        %parallel_loop3A_420 = tpu.vector_load %arg20[%parallel_loop3A_419] {strides = array<i32>} : memref<4160xi32, #tpu.memory_space<vmem>>, vector<16xi32>,
        %parallel_loop3A_421 = arith.constant 16 : i32
        %parallel_loop3A_422 = arith.muli %parallel_loop3A_411, %parallel_loop3A_421 : i32
        %parallel_loop3A_423 = vector.broadcast %parallel_loop3A_422 : i32 to vector<16xi32>
        %parallel_loop3A_424 = arith.addi %iota3A, %parallel_loop3A_423 : vector<16xi32>
        %parallel_loop3A_425 = arith.cmpi slt, %parallel_loop3A_424, %parallel_loop3A_79 : vector<16xi32>
        %parallel_loop3A_426 = arith.cmpi slt, %parallel_loop3A_416, %scan3A_115#1 : vector<16xi32>
        %parallel_loop3A_427 = arith.andi %parallel_loop3A_426, %parallel_loop3A_425 : vector<16xi1>
        %parallel_loop3A_428 = arith.cmpi eq, %parallel_loop3A_416, %scan3A_115#1 : vector<16xi32>
        %parallel_loop3A_429 = arith.andi %parallel_loop3A_428, %parallel_loop3A_425 : vector<16xi1>
        %parallel_loop3A_430 = arith.extui %parallel_loop3A_429 : vector<16xi1> to vector<16xi32>
        %parallel_loop3A_431 = arith.constant true
        %parallel_loop3A_432 = vector.broadcast %parallel_loop3A_431 : i1 to vector<16xi1>
        %parallel_loop3A_433 = tpu.scan <sum>, %parallel_loop3A_430 masked %parallel_loop3A_432 : vector<16xi32>, vector<16xi1> -> vector<16xi32>
        %parallel_loop3A_434 = arith.addi %parallel_loop3A_407, %parallel_loop3A_433 : vector<16xi32>
        %parallel_loop3A_435 = arith.cmpi sle, %parallel_loop3A_434, %sub3A_119 : vector<16xi32>
        %parallel_loop3A_436 = arith.andi %parallel_loop3A_429, %parallel_loop3A_435 : vector<16xi1>
        %parallel_loop3A_437 = arith.ori %parallel_loop3A_427, %parallel_loop3A_436 : vector<16xi1>
        %parallel_loop3A_438 = arith.extui %parallel_loop3A_437 : vector<16xi1> to vector<16xi32>
        %parallel_loop3A_439 = arith.constant true
        %parallel_loop3A_440 = vector.broadcast %parallel_loop3A_439 : i1 to vector<16xi1>
        %parallel_loop3A_441 = tpu.scan <sum>, %parallel_loop3A_438 masked %parallel_loop3A_440 : vector<16xi32>, vector<16xi1> -> vector<16xi32>
        %parallel_loop3A_442 = arith.addi %parallel_loop3A_405, %parallel_loop3A_441 : vector<16xi32>
        %parallel_loop3A_443 = arith.constant 1 : i32
        %parallel_loop3A_444 = vector.broadcast %parallel_loop3A_443 : i32 to vector<16xi32>
        %parallel_loop3A_445 = arith.subi %parallel_loop3A_442, %parallel_loop3A_444 : vector<16xi32>
        %parallel_loop3A_446 = arith.constant 63 : i32
        %parallel_loop3A_447 = vector.broadcast %parallel_loop3A_446 : i32 to vector<16xi32>
        %parallel_loop3A_448 = arith.minsi %parallel_loop3A_445, %parallel_loop3A_447 : vector<16xi32>
        tpu.vector_store_idx %arg21[%parallel_loop3A_448], %parallel_loop3A_420 masked %parallel_loop3A_437 : memref<64xi32, #tpu.memory_space<vmem>>[vector<16xi32>], vector<16xi32>, vector<16xi1>
        %parallel_loop3A_449 = tpu.all_reduce %parallel_loop3A_437 {dim = 0 : i64, kind = #tpu.reduction_kind<sum>} : vector<16xi1> -> vector<16xi32>
        %parallel_loop3A_450 = arith.addi %parallel_loop3A_405, %parallel_loop3A_449 : vector<16xi32>
        %parallel_loop3A_451 = tpu.all_reduce %parallel_loop3A_429 {dim = 0 : i64, kind = #tpu.reduction_kind<sum>} : vector<16xi1> -> vector<16xi32>
        %parallel_loop3A_452 = arith.addi %parallel_loop3A_407, %parallel_loop3A_451 : vector<16xi32>
        %parallel_loop3A_453 = arith.constant 4 : i32
        %parallel_loop3A_454 = arith.muli %parallel_loop3A_360, %parallel_loop3A_453 : i32
        %parallel_loop3A_455 = arith.constant 2 : i32
        %parallel_loop3A_456 = arith.addi %parallel_loop3A_454, %parallel_loop3A_455 : i32
        %parallel_loop3A_457 = arith.constant 16 : i32
        %parallel_loop3A_458 = arith.muli %parallel_loop3A_456, %parallel_loop3A_457 : i32
        %parallel_loop3A_459 = arith.index_cast %parallel_loop3A_458 : i32 to index
        %parallel_loop3A_460 = tpu.vector_load %arg19[%parallel_loop3A_459] {strides = array<i32>} : memref<4160xf32, #tpu.memory_space<vmem>>, vector<16xf32>,
        %parallel_loop3A_461 = vector.bitcast %parallel_loop3A_460 : vector<16xf32> to vector<16xi32>
        %parallel_loop3A_462 = arith.constant 16 : i32
        %parallel_loop3A_463 = arith.muli %parallel_loop3A_456, %parallel_loop3A_462 : i32
        %parallel_loop3A_464 = arith.index_cast %parallel_loop3A_463 : i32 to index
        %parallel_loop3A_465 = tpu.vector_load %arg20[%parallel_loop3A_464] {strides = array<i32>} : memref<4160xi32, #tpu.memory_space<vmem>>, vector<16xi32>,
        %parallel_loop3A_466 = arith.constant 16 : i32
        %parallel_loop3A_467 = arith.muli %parallel_loop3A_456, %parallel_loop3A_466 : i32
        %parallel_loop3A_468 = vector.broadcast %parallel_loop3A_467 : i32 to vector<16xi32>
        %parallel_loop3A_469 = arith.addi %iota3A, %parallel_loop3A_468 : vector<16xi32>
        %parallel_loop3A_470 = arith.cmpi slt, %parallel_loop3A_469, %parallel_loop3A_79 : vector<16xi32>
        %parallel_loop3A_471 = arith.cmpi slt, %parallel_loop3A_461, %scan3A_115#1 : vector<16xi32>
        %parallel_loop3A_472 = arith.andi %parallel_loop3A_471, %parallel_loop3A_470 : vector<16xi1>
        %parallel_loop3A_473 = arith.cmpi eq, %parallel_loop3A_461, %scan3A_115#1 : vector<16xi32>
        %parallel_loop3A_474 = arith.andi %parallel_loop3A_473, %parallel_loop3A_470 : vector<16xi1>
        %parallel_loop3A_475 = arith.extui %parallel_loop3A_474 : vector<16xi1> to vector<16xi32>
        %parallel_loop3A_476 = arith.constant true
        %parallel_loop3A_477 = vector.broadcast %parallel_loop3A_476 : i1 to vector<16xi1>
        %parallel_loop3A_478 = tpu.scan <sum>, %parallel_loop3A_475 masked %parallel_loop3A_477 : vector<16xi32>, vector<16xi1> -> vector<16xi32>
        %parallel_loop3A_479 = arith.addi %parallel_loop3A_452, %parallel_loop3A_478 : vector<16xi32>
        %parallel_loop3A_480 = arith.cmpi sle, %parallel_loop3A_479, %sub3A_119 : vector<16xi32>
        %parallel_loop3A_481 = arith.andi %parallel_loop3A_474, %parallel_loop3A_480 : vector<16xi1>
        %parallel_loop3A_482 = arith.ori %parallel_loop3A_472, %parallel_loop3A_481 : vector<16xi1>
        %parallel_loop3A_483 = arith.extui %parallel_loop3A_482 : vector<16xi1> to vector<16xi32>
        %parallel_loop3A_484 = arith.constant true
        %parallel_loop3A_485 = vector.broadcast %parallel_loop3A_484 : i1 to vector<16xi1>
        %parallel_loop3A_486 = tpu.scan <sum>, %parallel_loop3A_483 masked %parallel_loop3A_485 : vector<16xi32>, vector<16xi1> -> vector<16xi32>
        %parallel_loop3A_487 = arith.addi %parallel_loop3A_450, %parallel_loop3A_486 : vector<16xi32>
        %parallel_loop3A_488 = arith.constant 1 : i32
        %parallel_loop3A_489 = vector.broadcast %parallel_loop3A_488 : i32 to vector<16xi32>
        %parallel_loop3A_490 = arith.subi %parallel_loop3A_487, %parallel_loop3A_489 : vector<16xi32>
        %parallel_loop3A_491 = arith.constant 63 : i32
        %parallel_loop3A_492 = vector.broadcast %parallel_loop3A_491 : i32 to vector<16xi32>
        %parallel_loop3A_493 = arith.minsi %parallel_loop3A_490, %parallel_loop3A_492 : vector<16xi32>
        tpu.vector_store_idx %arg21[%parallel_loop3A_493], %parallel_loop3A_465 masked %parallel_loop3A_482 : memref<64xi32, #tpu.memory_space<vmem>>[vector<16xi32>], vector<16xi32>, vector<16xi1>
        %parallel_loop3A_494 = tpu.all_reduce %parallel_loop3A_482 {dim = 0 : i64, kind = #tpu.reduction_kind<sum>} : vector<16xi1> -> vector<16xi32>
        %parallel_loop3A_495 = arith.addi %parallel_loop3A_450, %parallel_loop3A_494 : vector<16xi32>
        %parallel_loop3A_496 = tpu.all_reduce %parallel_loop3A_474 {dim = 0 : i64, kind = #tpu.reduction_kind<sum>} : vector<16xi1> -> vector<16xi32>
        %parallel_loop3A_497 = arith.addi %parallel_loop3A_452, %parallel_loop3A_496 : vector<16xi32>
        %parallel_loop3A_498 = arith.constant 4 : i32
        %parallel_loop3A_499 = arith.muli %parallel_loop3A_360, %parallel_loop3A_498 : i32
        %parallel_loop3A_500 = arith.constant 3 : i32
        %parallel_loop3A_501 = arith.addi %parallel_loop3A_499, %parallel_loop3A_500 : i32
        %parallel_loop3A_502 = arith.constant 16 : i32
        %parallel_loop3A_503 = arith.muli %parallel_loop3A_501, %parallel_loop3A_502 : i32
        %parallel_loop3A_504 = arith.index_cast %parallel_loop3A_503 : i32 to index
        %parallel_loop3A_505 = tpu.vector_load %arg19[%parallel_loop3A_504] {strides = array<i32>} : memref<4160xf32, #tpu.memory_space<vmem>>, vector<16xf32>,
        %parallel_loop3A_506 = vector.bitcast %parallel_loop3A_505 : vector<16xf32> to vector<16xi32>
        %parallel_loop3A_507 = arith.constant 16 : i32
        %parallel_loop3A_508 = arith.muli %parallel_loop3A_501, %parallel_loop3A_507 : i32
        %parallel_loop3A_509 = arith.index_cast %parallel_loop3A_508 : i32 to index
        %parallel_loop3A_510 = tpu.vector_load %arg20[%parallel_loop3A_509] {strides = array<i32>} : memref<4160xi32, #tpu.memory_space<vmem>>, vector<16xi32>,
        %parallel_loop3A_511 = arith.constant 16 : i32
        %parallel_loop3A_512 = arith.muli %parallel_loop3A_501, %parallel_loop3A_511 : i32
        %parallel_loop3A_513 = vector.broadcast %parallel_loop3A_512 : i32 to vector<16xi32>
        %parallel_loop3A_514 = arith.addi %iota3A, %parallel_loop3A_513 : vector<16xi32>
        %parallel_loop3A_515 = arith.cmpi slt, %parallel_loop3A_514, %parallel_loop3A_79 : vector<16xi32>
        %parallel_loop3A_516 = arith.cmpi slt, %parallel_loop3A_506, %scan3A_115#1 : vector<16xi32>
        %parallel_loop3A_517 = arith.andi %parallel_loop3A_516, %parallel_loop3A_515 : vector<16xi1>
        %parallel_loop3A_518 = arith.cmpi eq, %parallel_loop3A_506, %scan3A_115#1 : vector<16xi32>
        %parallel_loop3A_519 = arith.andi %parallel_loop3A_518, %parallel_loop3A_515 : vector<16xi1>
        %parallel_loop3A_520 = arith.extui %parallel_loop3A_519 : vector<16xi1> to vector<16xi32>
        %parallel_loop3A_521 = arith.constant true
        %parallel_loop3A_522 = vector.broadcast %parallel_loop3A_521 : i1 to vector<16xi1>
        %parallel_loop3A_523 = tpu.scan <sum>, %parallel_loop3A_520 masked %parallel_loop3A_522 : vector<16xi32>, vector<16xi1> -> vector<16xi32>
        %parallel_loop3A_524 = arith.addi %parallel_loop3A_497, %parallel_loop3A_523 : vector<16xi32>
        %parallel_loop3A_525 = arith.cmpi sle, %parallel_loop3A_524, %sub3A_119 : vector<16xi32>
        %parallel_loop3A_526 = arith.andi %parallel_loop3A_519, %parallel_loop3A_525 : vector<16xi1>
        %parallel_loop3A_527 = arith.ori %parallel_loop3A_517, %parallel_loop3A_526 : vector<16xi1>
        %parallel_loop3A_528 = arith.extui %parallel_loop3A_527 : vector<16xi1> to vector<16xi32>
        %parallel_loop3A_529 = arith.constant true
        %parallel_loop3A_530 = vector.broadcast %parallel_loop3A_529 : i1 to vector<16xi1>
        %parallel_loop3A_531 = tpu.scan <sum>, %parallel_loop3A_528 masked %parallel_loop3A_530 : vector<16xi32>, vector<16xi1> -> vector<16xi32>
        %parallel_loop3A_532 = arith.addi %parallel_loop3A_495, %parallel_loop3A_531 : vector<16xi32>
        %parallel_loop3A_533 = arith.constant 1 : i32
        %parallel_loop3A_534 = vector.broadcast %parallel_loop3A_533 : i32 to vector<16xi32>
        %parallel_loop3A_535 = arith.subi %parallel_loop3A_532, %parallel_loop3A_534 : vector<16xi32>
        %parallel_loop3A_536 = arith.constant 63 : i32
        %parallel_loop3A_537 = vector.broadcast %parallel_loop3A_536 : i32 to vector<16xi32>
        %parallel_loop3A_538 = arith.minsi %parallel_loop3A_535, %parallel_loop3A_537 : vector<16xi32>
        tpu.vector_store_idx %arg21[%parallel_loop3A_538], %parallel_loop3A_510 masked %parallel_loop3A_527 : memref<64xi32, #tpu.memory_space<vmem>>[vector<16xi32>], vector<16xi32>, vector<16xi1>
        %parallel_loop3A_539 = tpu.all_reduce %parallel_loop3A_527 {dim = 0 : i64, kind = #tpu.reduction_kind<sum>} : vector<16xi1> -> vector<16xi32>
        %parallel_loop3A_540 = arith.addi %parallel_loop3A_495, %parallel_loop3A_539 : vector<16xi32>
        %parallel_loop3A_541 = tpu.all_reduce %parallel_loop3A_519 {dim = 0 : i64, kind = #tpu.reduction_kind<sum>} : vector<16xi1> -> vector<16xi32>
        %parallel_loop3A_542 = arith.addi %parallel_loop3A_497, %parallel_loop3A_541 : vector<16xi32>
        scf.yield %parallel_loop3A_540, %parallel_loop3A_542 : vector<16xi32>, vector<16xi32>
      } {sc.loop_unroll_factor = 1 : i64, sc.parallel_access}
      %get3A = arith.constant 0 : index
      %get3A_127 = tpu.vector_load %arg21[%get3A] {strides = array<i32>} : memref<64xi32, #tpu.memory_space<vmem>>, vector<16xi32>,
      %gather3A_128 = tpu.vector_load_idx %arg8[%get3A_127] : memref<8192xf32, #tpu.memory_space<vmem>>[vector<16xi32>], vector<16xf32>,
      %sub3A_129 = arith.subf %gather3A_128, %gather3A_72 : vector<16xf32>
      %gather3A_130 = tpu.vector_load_idx %arg9[%get3A_127] : memref<8192xf32, #tpu.memory_space<vmem>>[vector<16xi32>], vector<16xf32>,
      %sub3A_131 = arith.subf %gather3A_130, %gather3A_73 : vector<16xf32>
      %gather3A_132 = tpu.vector_load_idx %arg10[%get3A_127] : memref<8192xf32, #tpu.memory_space<vmem>>[vector<16xi32>], vector<16xf32>,
      %sub3A_133 = arith.subf %gather3A_132, %gather3A_74 : vector<16xf32>
      %mul3A_134 = arith.constant 96 : i32
      %mul3A_135 = arith.muli %mul3A_51, %mul3A_134 : i32
      %add3A_136 = arith.constant 0 : i32
      %add3A_137 = arith.addi %mul3A_135, %add3A_136 : i32
      %mul3A_138 = arith.constant 3 : i32
      %mul3A_139 = vector.broadcast %mul3A_138 : i32 to vector<16xi32>
      %mul3A_140 = arith.muli %iota3A, %mul3A_139 : vector<16xi32>
      %add3A_141 = vector.broadcast %add3A_137 : i32 to vector<16xi32>
      %add3A_142 = arith.addi %add3A_141, %mul3A_140 : vector<16xi32>
      tpu.vector_store_idx %arg22[%add3A_142], %sub3A_129 : memref<12288xf32, #tpu.memory_space<vmem>>[vector<16xi32>], vector<16xf32>,
      %add3A_143 = arith.constant 1 : i32
      %add3A_144 = vector.broadcast %add3A_143 : i32 to vector<16xi32>
      %add3A_145 = arith.addi %add3A_142, %add3A_144 : vector<16xi32>
      tpu.vector_store_idx %arg22[%add3A_145], %sub3A_131 : memref<12288xf32, #tpu.memory_space<vmem>>[vector<16xi32>], vector<16xf32>,
      %add3A_146 = arith.constant 2 : i32
      %add3A_147 = vector.broadcast %add3A_146 : i32 to vector<16xi32>
      %add3A_148 = arith.addi %add3A_142, %add3A_147 : vector<16xi32>
      tpu.vector_store_idx %arg22[%add3A_148], %sub3A_133 : memref<12288xf32, #tpu.memory_space<vmem>>[vector<16xi32>], vector<16xf32>,
      %add3A_149 = arith.addf %scan3A_41, %sub3A_129 : vector<16xf32>
      %add3A_150 = arith.addf %scan3A_42, %sub3A_131 : vector<16xf32>
      %add3A_151 = arith.addf %scan3A_43, %sub3A_133 : vector<16xf32>
      %mul3A_152 = arith.mulf %sub3A_129, %sub3A_129 : vector<16xf32>
      %add3A_153 = arith.addf %scan3A_44, %mul3A_152 : vector<16xf32>
      %mul3A_154 = arith.mulf %sub3A_131, %sub3A_131 : vector<16xf32>
      %add3A_155 = arith.addf %scan3A_45, %mul3A_154 : vector<16xf32>
      %mul3A_156 = arith.mulf %sub3A_133, %sub3A_133 : vector<16xf32>
      %add3A_157 = arith.addf %scan3A_46, %mul3A_156 : vector<16xf32>
      %mul3A_158 = arith.mulf %sub3A_129, %sub3A_131 : vector<16xf32>
      %add3A_159 = arith.addf %scan3A_47, %mul3A_158 : vector<16xf32>
      %mul3A_160 = arith.mulf %sub3A_129, %sub3A_133 : vector<16xf32>
      %add3A_161 = arith.addf %scan3A_48, %mul3A_160 : vector<16xf32>
      %mul3A_162 = arith.mulf %sub3A_131, %sub3A_133 : vector<16xf32>
      %add3A_163 = arith.addf %scan3A_49, %mul3A_162 : vector<16xf32>
      %get3A_164 = arith.constant 16 : index
      %get3A_165 = tpu.vector_load %arg21[%get3A_164] {strides = array<i32>} : memref<64xi32, #tpu.memory_space<vmem>>, vector<16xi32>,
      %gather3A_166 = tpu.vector_load_idx %arg8[%get3A_165] : memref<8192xf32, #tpu.memory_space<vmem>>[vector<16xi32>], vector<16xf32>,
      %sub3A_167 = arith.subf %gather3A_166, %gather3A_72 : vector<16xf32>
      %gather3A_168 = tpu.vector_load_idx %arg9[%get3A_165] : memref<8192xf32, #tpu.memory_space<vmem>>[vector<16xi32>], vector<16xf32>,
      %sub3A_169 = arith.subf %gather3A_168, %gather3A_73 : vector<16xf32>
      %gather3A_170 = tpu.vector_load_idx %arg10[%get3A_165] : memref<8192xf32, #tpu.memory_space<vmem>>[vector<16xi32>], vector<16xf32>,
      %sub3A_171 = arith.subf %gather3A_170, %gather3A_74 : vector<16xf32>
      %mul3A_172 = arith.constant 96 : i32
      %mul3A_173 = arith.muli %mul3A_51, %mul3A_172 : i32
      %add3A_174 = arith.constant 48 : i32
      %add3A_175 = arith.addi %mul3A_173, %add3A_174 : i32
      %mul3A_176 = arith.constant 3 : i32
      %mul3A_177 = vector.broadcast %mul3A_176 : i32 to vector<16xi32>
      %mul3A_178 = arith.muli %iota3A, %mul3A_177 : vector<16xi32>
      %add3A_179 = vector.broadcast %add3A_175 : i32 to vector<16xi32>
      %add3A_180 = arith.addi %add3A_179, %mul3A_178 : vector<16xi32>
      tpu.vector_store_idx %arg22[%add3A_180], %sub3A_167 : memref<12288xf32, #tpu.memory_space<vmem>>[vector<16xi32>], vector<16xf32>,
      %add3A_181 = arith.constant 1 : i32
      %add3A_182 = vector.broadcast %add3A_181 : i32 to vector<16xi32>
      %add3A_183 = arith.addi %add3A_180, %add3A_182 : vector<16xi32>
      tpu.vector_store_idx %arg22[%add3A_183], %sub3A_169 : memref<12288xf32, #tpu.memory_space<vmem>>[vector<16xi32>], vector<16xf32>,
      %add3A_184 = arith.constant 2 : i32
      %add3A_185 = vector.broadcast %add3A_184 : i32 to vector<16xi32>
      %add3A_186 = arith.addi %add3A_180, %add3A_185 : vector<16xi32>
      tpu.vector_store_idx %arg22[%add3A_186], %sub3A_171 : memref<12288xf32, #tpu.memory_space<vmem>>[vector<16xi32>], vector<16xf32>,
      %add3A_187 = arith.addf %add3A_149, %sub3A_167 : vector<16xf32>
      %add3A_188 = arith.addf %add3A_150, %sub3A_169 : vector<16xf32>
      %add3A_189 = arith.addf %add3A_151, %sub3A_171 : vector<16xf32>
      %mul3A_190 = arith.mulf %sub3A_167, %sub3A_167 : vector<16xf32>
      %add3A_191 = arith.addf %add3A_153, %mul3A_190 : vector<16xf32>
      %mul3A_192 = arith.mulf %sub3A_169, %sub3A_169 : vector<16xf32>
      %add3A_193 = arith.addf %add3A_155, %mul3A_192 : vector<16xf32>
      %mul3A_194 = arith.mulf %sub3A_171, %sub3A_171 : vector<16xf32>
      %add3A_195 = arith.addf %add3A_157, %mul3A_194 : vector<16xf32>
      %mul3A_196 = arith.mulf %sub3A_167, %sub3A_169 : vector<16xf32>
      %add3A_197 = arith.addf %add3A_159, %mul3A_196 : vector<16xf32>
      %mul3A_198 = arith.mulf %sub3A_167, %sub3A_171 : vector<16xf32>
      %add3A_199 = arith.addf %add3A_161, %mul3A_198 : vector<16xf32>
      %mul3A_200 = arith.mulf %sub3A_169, %sub3A_171 : vector<16xf32>
      %add3A_201 = arith.addf %add3A_163, %mul3A_200 : vector<16xf32>
      %add3A_202 = arith.constant 1 : i32
      %add3A_203 = arith.addi %mul3A_51, %add3A_202 : i32
      %mul3A_204 = arith.constant 128 : i32
      %mul3A_205 = arith.muli %add3A, %mul3A_204 : i32
      %add3A_206 = arith.addi %mul3A_205, %add3A_203 : i32
      %dma_wait3A_207 = arith.constant 0 : i32
      %dma_wait3A_208 = tpu.memref_slice %arg2[%add3A_206, %dma_wait3A_207] : memref<4096x8192xf32, #tpu.memory_space<hbm>> -> memref<1x8192xf32, #tpu.memory_space<hbm>>
      %dma_wait3A_209 = tpu.memref_squeeze %dma_wait3A_208 : memref<1x8192xf32, #tpu.memory_space<hbm>> -> memref<8192xf32, #tpu.memory_space<hbm>>
      %dma_wait3A_210 = arith.constant 0 : i32
      %dma_wait3A_211 = tpu.memref_slice %arg2[%add3A_206, %dma_wait3A_210] : memref<4096x8192xf32, #tpu.memory_space<hbm>> -> memref<1x8192xf32, #tpu.memory_space<hbm>>
      %dma_wait3A_212 = tpu.memref_squeeze %dma_wait3A_211 : memref<1x8192xf32, #tpu.memory_space<hbm>> -> memref<8192xf32, #tpu.memory_space<hbm>>
      tpu.wait_dma2 semaphore(%arg18 : memref<!tpu.dma_semaphore, #tpu.memory_space<semaphore_mem>>) src(%dma_wait3A_212 : memref<8192xf32, #tpu.memory_space<hbm>>) dst(%arg16 : memref<8192xf32, #tpu.memory_space<vmem>>)
      %lt3A = arith.constant 63 : i32
      %lt3A_213 = arith.cmpi slt, %scan3A_40, %lt3A : i32
      %convert_element_type3A = arith.extui %lt3A_213 : i1 to i32
      %cond3A = arith.constant 0 : i32
      %cond3A_214 = arith.cmpi ne, %convert_element_type3A, %cond3A : i32
      scf.if %cond3A_214 {
        %add3A_360 = arith.constant 2 : i32
        %add3A_361 = arith.addi %mul3A_51, %add3A_360 : i32
        %mul3A_362 = arith.constant 128 : i32
        %mul3A_363 = arith.muli %add3A, %mul3A_362 : i32
        %add3A_364 = arith.addi %mul3A_363, %add3A_361 : i32
        %dma_start3A_365 = arith.constant 0 : i32
        %dma_start3A_366 = tpu.memref_slice %arg2[%add3A_364, %dma_start3A_365] : memref<4096x8192xf32, #tpu.memory_space<hbm>> -> memref<1x8192xf32, #tpu.memory_space<hbm>>
        %dma_start3A_367 = tpu.memref_squeeze %dma_start3A_366 : memref<1x8192xf32, #tpu.memory_space<hbm>> -> memref<8192xf32, #tpu.memory_space<hbm>>
        %dma_start3A_368 = arith.constant 0 : i32
        %dma_start3A_369 = tpu.memref_slice %arg2[%add3A_364, %dma_start3A_368] : memref<4096x8192xf32, #tpu.memory_space<hbm>> -> memref<1x8192xf32, #tpu.memory_space<hbm>>
        %dma_start3A_370 = tpu.memref_squeeze %dma_start3A_369 : memref<1x8192xf32, #tpu.memory_space<hbm>> -> memref<8192xf32, #tpu.memory_space<hbm>>
        tpu.enqueue_dma source(%dma_start3A_370 : memref<8192xf32, #tpu.memory_space<hbm>>) target(%arg15 : memref<8192xf32, #tpu.memory_space<vmem>>) target_semaphore(%arg17 : memref<!tpu.dma_semaphore, #tpu.memory_space<semaphore_mem>>)
      } else {
      }
      %add3A_215 = arith.constant 1 : i32
      %add3A_216 = arith.addi %mul3A_51, %add3A_215 : i32
      %broadcast_in_dim3A_217 = vector.broadcast %add3A_216 : i32 to vector<16xi32>
      %gather3A_218 = tpu.vector_load_idx %arg14[%broadcast_in_dim3A_217] : memref<128xf32, #tpu.memory_space<vmem>>[vector<16xi32>], vector<16xf32>,
      %gather3A_219 = tpu.vector_load_idx %arg11[%broadcast_in_dim3A_217] : memref<128xf32, #tpu.memory_space<vmem>>[vector<16xi32>], vector<16xf32>,
      %gather3A_220 = tpu.vector_load_idx %arg12[%broadcast_in_dim3A_217] : memref<128xf32, #tpu.memory_space<vmem>>[vector<16xi32>], vector<16xf32>,
      %gather3A_221 = tpu.vector_load_idx %arg13[%broadcast_in_dim3A_217] : memref<128xf32, #tpu.memory_space<vmem>>[vector<16xi32>], vector<16xf32>,
      %broadcast_in_dim3A_222 = arith.constant 0 : i32
      %broadcast_in_dim3A_223 = vector.broadcast %broadcast_in_dim3A_222 : i32 to vector<16xi32>
      %parallel_loop3A_224 = arith.constant 0 : i32
      %parallel_loop3A_225 = arith.constant 512 : i32
      %parallel_loop3A_226 = arith.constant 1 : i32
      %parallel_loop3A_227 = scf.for %parallel_loop3A_360 = %parallel_loop3A_224 to %parallel_loop3A_225 step %parallel_loop3A_226 iter_args(%parallel_loop3A_361 = %broadcast_in_dim3A_223) -> (vector<16xi32>)  : i32 {
        %parallel_loop3A_362 = arith.constant 16 : i32
        %parallel_loop3A_363 = arith.muli %parallel_loop3A_360, %parallel_loop3A_362 : i32
        %parallel_loop3A_364 = arith.index_cast %parallel_loop3A_363 : i32 to index
        %parallel_loop3A_365 = tpu.vector_load %arg16[%parallel_loop3A_364] {strides = array<i32>} : memref<8192xf32, #tpu.memory_space<vmem>>, vector<16xf32>,
        %parallel_loop3A_366 = arith.cmpf ole, %parallel_loop3A_365, %gather3A_218 : vector<16xf32>
        %parallel_loop3A_367 = arith.extui %parallel_loop3A_366 : vector<16xi1> to vector<16xi32>
        %parallel_loop3A_368 = arith.constant true
        %parallel_loop3A_369 = vector.broadcast %parallel_loop3A_368 : i1 to vector<16xi1>
        %parallel_loop3A_370 = tpu.scan <sum>, %parallel_loop3A_367 masked %parallel_loop3A_369 : vector<16xi32>, vector<16xi1> -> vector<16xi32>
        %parallel_loop3A_371 = arith.addi %parallel_loop3A_361, %parallel_loop3A_370 : vector<16xi32>
        %parallel_loop3A_372 = arith.constant 1 : i32
        %parallel_loop3A_373 = vector.broadcast %parallel_loop3A_372 : i32 to vector<16xi32>
        %parallel_loop3A_374 = arith.subi %parallel_loop3A_371, %parallel_loop3A_373 : vector<16xi32>
        %parallel_loop3A_375 = arith.constant 4095 : i32
        %parallel_loop3A_376 = vector.broadcast %parallel_loop3A_375 : i32 to vector<16xi32>
        %parallel_loop3A_377 = arith.minsi %parallel_loop3A_374, %parallel_loop3A_376 : vector<16xi32>
        %parallel_loop3A_378 = arith.constant 16 : i32
        %parallel_loop3A_379 = arith.muli %parallel_loop3A_360, %parallel_loop3A_378 : i32
        %parallel_loop3A_380 = vector.broadcast %parallel_loop3A_379 : i32 to vector<16xi32>
        %parallel_loop3A_381 = arith.addi %iota3A, %parallel_loop3A_380 : vector<16xi32>
        tpu.vector_store_idx %arg19[%parallel_loop3A_377], %parallel_loop3A_365 masked %parallel_loop3A_366 : memref<4160xf32, #tpu.memory_space<vmem>>[vector<16xi32>], vector<16xf32>, vector<16xi1>
        tpu.vector_store_idx %arg20[%parallel_loop3A_377], %parallel_loop3A_381 masked %parallel_loop3A_366 : memref<4160xi32, #tpu.memory_space<vmem>>[vector<16xi32>], vector<16xi32>, vector<16xi1>
        %parallel_loop3A_382 = tpu.all_reduce %parallel_loop3A_366 {dim = 0 : i64, kind = #tpu.reduction_kind<sum>} : vector<16xi1> -> vector<16xi32>
        %parallel_loop3A_383 = arith.addi %parallel_loop3A_361, %parallel_loop3A_382 : vector<16xi32>
        scf.yield %parallel_loop3A_383 : vector<16xi32>
      } {sc.loop_unroll_factor = 8 : i64, sc.parallel_access}
      %reduce_max3A_228 = arith.constant true
      %reduce_max3A_229 = vector.broadcast %reduce_max3A_228 : i1 to vector<16xi1>
      %reduce_max3A_230 = arith.constant -2147483648 : i32
      %reduce_max3A_231 = vector.broadcast %reduce_max3A_230 : i32 to vector<16xi32>
      %reduce_max3A_232 = arith.xori %parallel_loop3A_227, %reduce_max3A_231 : vector<16xi32>
      %reduce_max3A_233 = tpu.scan <max>, %reduce_max3A_232 masked %reduce_max3A_229 : vector<16xi32>, vector<16xi1> -> vector<16xi32>
      %reduce_max3A_234 = arith.xori %reduce_max3A_233, %reduce_max3A_231 : vector<16xi32>
      %reduce_max3A_235 = vector.extract %reduce_max3A_234[15] : i32 from vector<16xi32>
      %add3A_236 = arith.constant 63 : i32
      %add3A_237 = arith.addi %reduce_max3A_235, %add3A_236 : i32
      %jit3A_238 = arith.constant 64 : i32
      %div3A_239 = arith.divsi %add3A_237, %jit3A_238 : i32
      %sign3A_240 = arith.constant 0 : i32
      %sign3A_241 = arith.cmpi sgt, %add3A_237, %sign3A_240 : i32
      %sign3A_242 = arith.extui %sign3A_241 : i1 to i32
      %sign3A_243 = arith.constant 0 : i32
      %sign3A_244 = arith.cmpi slt, %add3A_237, %sign3A_243 : i32
      %sign3A_245 = arith.extui %sign3A_244 : i1 to i32
      %sign3A_246 = arith.subi %sign3A_242, %sign3A_245 : i32
      %sign3A_247 = arith.constant 0 : i32
      %sign3A_248 = arith.cmpi sgt, %jit3A_238, %sign3A_247 : i32
      %sign3A_249 = arith.extui %sign3A_248 : i1 to i32
      %sign3A_250 = arith.constant 0 : i32
      %sign3A_251 = arith.cmpi slt, %jit3A_238, %sign3A_250 : i32
      %sign3A_252 = arith.extui %sign3A_251 : i1 to i32
      %sign3A_253 = arith.subi %sign3A_249, %sign3A_252 : i32
      %ne3A_254 = arith.cmpi ne, %sign3A_246, %sign3A_253 : i32
      %rem3A_255 = arith.remsi %add3A_237, %jit3A_238 : i32
      %ne3A_256 = arith.constant 0 : i32
      %ne3A_257 = arith.cmpi ne, %rem3A_255, %ne3A_256 : i32
      %and3A_258 = arith.andi %ne3A_254, %ne3A_257 : i1
      %sub3A_259 = arith.constant 1 : i32
      %sub3A_260 = arith.subi %div3A_239, %sub3A_259 : i32
      %select_n3A_261 = arith.select %and3A_258, %sub3A_260, %div3A_239 : i32
      %broadcast_in_dim3A_262 = arith.constant -2147483647 : i32
      %broadcast_in_dim3A_263 = vector.broadcast %broadcast_in_dim3A_262 : i32 to vector<16xi32>
      %broadcast_in_dim3A_264 = arith.constant 2139095040 : i32
      %broadcast_in_dim3A_265 = vector.broadcast %broadcast_in_dim3A_264 : i32 to vector<16xi32>
      %broadcast_in_dim3A_266 = arith.constant 0 : i32
      %broadcast_in_dim3A_267 = vector.broadcast %broadcast_in_dim3A_266 : i32 to vector<16xi32>
      %scan3A_268 = arith.constant 0 : i32
      %scan3A_269 = arith.constant 32 : i32
      %scan3A_270 = arith.addi %scan3A_268, %scan3A_269 : i32
      %scan3A_271 = arith.constant 1 : i32
      %scan3A_272:3 = scf.for %scan3A_360 = %scan3A_268 to %scan3A_270 step %scan3A_271 iter_args(%scan3A_361 = %broadcast_in_dim3A_263, %scan3A_362 = %broadcast_in_dim3A_265, %scan3A_363 = %broadcast_in_dim3A_267) -> (vector<16xi32>, vector<16xi32>, vector<16xi32>)  : i32 {
        %add3A_364 = arith.addi %scan3A_361, %scan3A_362 : vector<16xi32>
        %shift_right_arithmetic3A = arith.constant 1 : i32
        %shift_right_arithmetic3A_365 = vector.broadcast %shift_right_arithmetic3A : i32 to vector<16xi32>
        %shift_right_arithmetic3A_366 = arith.shrsi %add3A_364, %shift_right_arithmetic3A_365 : vector<16xi32>
        %broadcast_in_dim3A_367 = arith.constant 0 : i32
        %broadcast_in_dim3A_368 = vector.broadcast %broadcast_in_dim3A_367 : i32 to vector<16xi32>
        %parallel_loop3A_369 = arith.constant 0 : i32
        %parallel_loop3A_370 = arith.constant 1 : i32
        %parallel_loop3A_371 = scf.for %parallel_loop3A_377 = %parallel_loop3A_369 to %select_n3A_261 step %parallel_loop3A_370 iter_args(%parallel_loop3A_378 = %broadcast_in_dim3A_368) -> (vector<16xi32>)  : i32 {
          %parallel_loop3A_379 = arith.constant 4 : i32
          %parallel_loop3A_380 = arith.muli %parallel_loop3A_377, %parallel_loop3A_379 : i32
          %parallel_loop3A_381 = arith.constant 0 : i32
          %parallel_loop3A_382 = arith.addi %parallel_loop3A_380, %parallel_loop3A_381 : i32
          %parallel_loop3A_383 = arith.constant 16 : i32
          %parallel_loop3A_384 = arith.muli %parallel_loop3A_382, %parallel_loop3A_383 : i32
          %parallel_loop3A_385 = arith.index_cast %parallel_loop3A_384 : i32 to index
          %parallel_loop3A_386 = tpu.vector_load %arg19[%parallel_loop3A_385] {strides = array<i32>} : memref<4160xf32, #tpu.memory_space<vmem>>, vector<16xf32>,
          %parallel_loop3A_387 = vector.bitcast %parallel_loop3A_386 : vector<16xf32> to vector<16xi32>
          %parallel_loop3A_388 = arith.constant 16 : i32
          %parallel_loop3A_389 = arith.muli %parallel_loop3A_382, %parallel_loop3A_388 : i32
          %parallel_loop3A_390 = vector.broadcast %parallel_loop3A_389 : i32 to vector<16xi32>
          %parallel_loop3A_391 = arith.addi %iota3A, %parallel_loop3A_390 : vector<16xi32>
          %parallel_loop3A_392 = arith.cmpi slt, %parallel_loop3A_391, %parallel_loop3A_227 : vector<16xi32>
          %parallel_loop3A_393 = arith.cmpi sle, %parallel_loop3A_387, %shift_right_arithmetic3A_366 : vector<16xi32>
          %parallel_loop3A_394 = arith.andi %parallel_loop3A_393, %parallel_loop3A_392 : vector<16xi1>
          %parallel_loop3A_395 = tpu.all_reduce %parallel_loop3A_394 {dim = 0 : i64, kind = #tpu.reduction_kind<sum>} : vector<16xi1> -> vector<16xi32>
          %parallel_loop3A_396 = arith.addi %parallel_loop3A_378, %parallel_loop3A_395 : vector<16xi32>
          %parallel_loop3A_397 = arith.constant 4 : i32
          %parallel_loop3A_398 = arith.muli %parallel_loop3A_377, %parallel_loop3A_397 : i32
          %parallel_loop3A_399 = arith.constant 1 : i32
          %parallel_loop3A_400 = arith.addi %parallel_loop3A_398, %parallel_loop3A_399 : i32
          %parallel_loop3A_401 = arith.constant 16 : i32
          %parallel_loop3A_402 = arith.muli %parallel_loop3A_400, %parallel_loop3A_401 : i32
          %parallel_loop3A_403 = arith.index_cast %parallel_loop3A_402 : i32 to index
          %parallel_loop3A_404 = tpu.vector_load %arg19[%parallel_loop3A_403] {strides = array<i32>} : memref<4160xf32, #tpu.memory_space<vmem>>, vector<16xf32>,
          %parallel_loop3A_405 = vector.bitcast %parallel_loop3A_404 : vector<16xf32> to vector<16xi32>
          %parallel_loop3A_406 = arith.constant 16 : i32
          %parallel_loop3A_407 = arith.muli %parallel_loop3A_400, %parallel_loop3A_406 : i32
          %parallel_loop3A_408 = vector.broadcast %parallel_loop3A_407 : i32 to vector<16xi32>
          %parallel_loop3A_409 = arith.addi %iota3A, %parallel_loop3A_408 : vector<16xi32>
          %parallel_loop3A_410 = arith.cmpi slt, %parallel_loop3A_409, %parallel_loop3A_227 : vector<16xi32>
          %parallel_loop3A_411 = arith.cmpi sle, %parallel_loop3A_405, %shift_right_arithmetic3A_366 : vector<16xi32>
          %parallel_loop3A_412 = arith.andi %parallel_loop3A_411, %parallel_loop3A_410 : vector<16xi1>
          %parallel_loop3A_413 = tpu.all_reduce %parallel_loop3A_412 {dim = 0 : i64, kind = #tpu.reduction_kind<sum>} : vector<16xi1> -> vector<16xi32>
          %parallel_loop3A_414 = arith.addi %parallel_loop3A_396, %parallel_loop3A_413 : vector<16xi32>
          %parallel_loop3A_415 = arith.constant 4 : i32
          %parallel_loop3A_416 = arith.muli %parallel_loop3A_377, %parallel_loop3A_415 : i32
          %parallel_loop3A_417 = arith.constant 2 : i32
          %parallel_loop3A_418 = arith.addi %parallel_loop3A_416, %parallel_loop3A_417 : i32
          %parallel_loop3A_419 = arith.constant 16 : i32
          %parallel_loop3A_420 = arith.muli %parallel_loop3A_418, %parallel_loop3A_419 : i32
          %parallel_loop3A_421 = arith.index_cast %parallel_loop3A_420 : i32 to index
          %parallel_loop3A_422 = tpu.vector_load %arg19[%parallel_loop3A_421] {strides = array<i32>} : memref<4160xf32, #tpu.memory_space<vmem>>, vector<16xf32>,
          %parallel_loop3A_423 = vector.bitcast %parallel_loop3A_422 : vector<16xf32> to vector<16xi32>
          %parallel_loop3A_424 = arith.constant 16 : i32
          %parallel_loop3A_425 = arith.muli %parallel_loop3A_418, %parallel_loop3A_424 : i32
          %parallel_loop3A_426 = vector.broadcast %parallel_loop3A_425 : i32 to vector<16xi32>
          %parallel_loop3A_427 = arith.addi %iota3A, %parallel_loop3A_426 : vector<16xi32>
          %parallel_loop3A_428 = arith.cmpi slt, %parallel_loop3A_427, %parallel_loop3A_227 : vector<16xi32>
          %parallel_loop3A_429 = arith.cmpi sle, %parallel_loop3A_423, %shift_right_arithmetic3A_366 : vector<16xi32>
          %parallel_loop3A_430 = arith.andi %parallel_loop3A_429, %parallel_loop3A_428 : vector<16xi1>
          %parallel_loop3A_431 = tpu.all_reduce %parallel_loop3A_430 {dim = 0 : i64, kind = #tpu.reduction_kind<sum>} : vector<16xi1> -> vector<16xi32>
          %parallel_loop3A_432 = arith.addi %parallel_loop3A_414, %parallel_loop3A_431 : vector<16xi32>
          %parallel_loop3A_433 = arith.constant 4 : i32
          %parallel_loop3A_434 = arith.muli %parallel_loop3A_377, %parallel_loop3A_433 : i32
          %parallel_loop3A_435 = arith.constant 3 : i32
          %parallel_loop3A_436 = arith.addi %parallel_loop3A_434, %parallel_loop3A_435 : i32
          %parallel_loop3A_437 = arith.constant 16 : i32
          %parallel_loop3A_438 = arith.muli %parallel_loop3A_436, %parallel_loop3A_437 : i32
          %parallel_loop3A_439 = arith.index_cast %parallel_loop3A_438 : i32 to index
          %parallel_loop3A_440 = tpu.vector_load %arg19[%parallel_loop3A_439] {strides = array<i32>} : memref<4160xf32, #tpu.memory_space<vmem>>, vector<16xf32>,
          %parallel_loop3A_441 = vector.bitcast %parallel_loop3A_440 : vector<16xf32> to vector<16xi32>
          %parallel_loop3A_442 = arith.constant 16 : i32
          %parallel_loop3A_443 = arith.muli %parallel_loop3A_436, %parallel_loop3A_442 : i32
          %parallel_loop3A_444 = vector.broadcast %parallel_loop3A_443 : i32 to vector<16xi32>
          %parallel_loop3A_445 = arith.addi %iota3A, %parallel_loop3A_444 : vector<16xi32>
          %parallel_loop3A_446 = arith.cmpi slt, %parallel_loop3A_445, %parallel_loop3A_227 : vector<16xi32>
          %parallel_loop3A_447 = arith.cmpi sle, %parallel_loop3A_441, %shift_right_arithmetic3A_366 : vector<16xi32>
          %parallel_loop3A_448 = arith.andi %parallel_loop3A_447, %parallel_loop3A_446 : vector<16xi1>
          %parallel_loop3A_449 = tpu.all_reduce %parallel_loop3A_448 {dim = 0 : i64, kind = #tpu.reduction_kind<sum>} : vector<16xi1> -> vector<16xi32>
          %parallel_loop3A_450 = arith.addi %parallel_loop3A_432, %parallel_loop3A_449 : vector<16xi32>
          scf.yield %parallel_loop3A_450 : vector<16xi32>
        } {sc.loop_unroll_factor = 1 : i64, sc.parallel_access}
        %ge3A = arith.constant 32 : i32
        %ge3A_372 = vector.broadcast %ge3A : i32 to vector<16xi32>
        %ge3A_373 = arith.cmpi sge, %parallel_loop3A_371, %ge3A_372 : vector<16xi32>
        %select_n3A_374 = arith.select %ge3A_373, %shift_right_arithmetic3A_366, %scan3A_362 : vector<16xi1>, vector<16xi32>
        %select_n3A_375 = arith.select %ge3A_373, %scan3A_361, %shift_right_arithmetic3A_366 : vector<16xi1>, vector<16xi32>
        %select_n3A_376 = arith.select %ge3A_373, %scan3A_363, %parallel_loop3A_371 : vector<16xi1>, vector<16xi32>
        scf.yield %select_n3A_375, %select_n3A_374, %select_n3A_376 : vector<16xi32>, vector<16xi32>, vector<16xi32>
      }
      %scan3A_273 = arith.constant 32 : i32
      %sub3A_274 = arith.constant 32 : i32
      %sub3A_275 = vector.broadcast %sub3A_274 : i32 to vector<16xi32>
      %sub3A_276 = arith.subi %sub3A_275, %scan3A_272#2 : vector<16xi32>
      %broadcast_in_dim3A_277 = arith.constant 0 : i32
      %broadcast_in_dim3A_278 = vector.broadcast %broadcast_in_dim3A_277 : i32 to vector<16xi32>
      %broadcast_in_dim3A_279 = arith.constant 0 : i32
      %broadcast_in_dim3A_280 = vector.broadcast %broadcast_in_dim3A_279 : i32 to vector<16xi32>
      %parallel_loop3A_281 = arith.constant 0 : i32
      %parallel_loop3A_282 = arith.constant 1 : i32
      %parallel_loop3A_283:2 = scf.for %parallel_loop3A_360 = %parallel_loop3A_281 to %select_n3A_261 step %parallel_loop3A_282 iter_args(%parallel_loop3A_361 = %broadcast_in_dim3A_278, %parallel_loop3A_362 = %broadcast_in_dim3A_280) -> (vector<16xi32>, vector<16xi32>)  : i32 {
        %parallel_loop3A_363 = arith.constant 4 : i32
        %parallel_loop3A_364 = arith.muli %parallel_loop3A_360, %parallel_loop3A_363 : i32
        %parallel_loop3A_365 = arith.constant 0 : i32
        %parallel_loop3A_366 = arith.addi %parallel_loop3A_364, %parallel_loop3A_365 : i32
        %parallel_loop3A_367 = arith.constant 16 : i32
        %parallel_loop3A_368 = arith.muli %parallel_loop3A_366, %parallel_loop3A_367 : i32
        %parallel_loop3A_369 = arith.index_cast %parallel_loop3A_368 : i32 to index
        %parallel_loop3A_370 = tpu.vector_load %arg19[%parallel_loop3A_369] {strides = array<i32>} : memref<4160xf32, #tpu.memory_space<vmem>>, vector<16xf32>,
        %parallel_loop3A_371 = vector.bitcast %parallel_loop3A_370 : vector<16xf32> to vector<16xi32>
        %parallel_loop3A_372 = arith.constant 16 : i32
        %parallel_loop3A_373 = arith.muli %parallel_loop3A_366, %parallel_loop3A_372 : i32
        %parallel_loop3A_374 = arith.index_cast %parallel_loop3A_373 : i32 to index
        %parallel_loop3A_375 = tpu.vector_load %arg20[%parallel_loop3A_374] {strides = array<i32>} : memref<4160xi32, #tpu.memory_space<vmem>>, vector<16xi32>,
        %parallel_loop3A_376 = arith.constant 16 : i32
        %parallel_loop3A_377 = arith.muli %parallel_loop3A_366, %parallel_loop3A_376 : i32
        %parallel_loop3A_378 = vector.broadcast %parallel_loop3A_377 : i32 to vector<16xi32>
        %parallel_loop3A_379 = arith.addi %iota3A, %parallel_loop3A_378 : vector<16xi32>
        %parallel_loop3A_380 = arith.cmpi slt, %parallel_loop3A_379, %parallel_loop3A_227 : vector<16xi32>
        %parallel_loop3A_381 = arith.cmpi slt, %parallel_loop3A_371, %scan3A_272#1 : vector<16xi32>
        %parallel_loop3A_382 = arith.andi %parallel_loop3A_381, %parallel_loop3A_380 : vector<16xi1>
        %parallel_loop3A_383 = arith.cmpi eq, %parallel_loop3A_371, %scan3A_272#1 : vector<16xi32>
        %parallel_loop3A_384 = arith.andi %parallel_loop3A_383, %parallel_loop3A_380 : vector<16xi1>
        %parallel_loop3A_385 = arith.extui %parallel_loop3A_384 : vector<16xi1> to vector<16xi32>
        %parallel_loop3A_386 = arith.constant true
        %parallel_loop3A_387 = vector.broadcast %parallel_loop3A_386 : i1 to vector<16xi1>
        %parallel_loop3A_388 = tpu.scan <sum>, %parallel_loop3A_385 masked %parallel_loop3A_387 : vector<16xi32>, vector<16xi1> -> vector<16xi32>
        %parallel_loop3A_389 = arith.addi %parallel_loop3A_362, %parallel_loop3A_388 : vector<16xi32>
        %parallel_loop3A_390 = arith.cmpi sle, %parallel_loop3A_389, %sub3A_276 : vector<16xi32>
        %parallel_loop3A_391 = arith.andi %parallel_loop3A_384, %parallel_loop3A_390 : vector<16xi1>
        %parallel_loop3A_392 = arith.ori %parallel_loop3A_382, %parallel_loop3A_391 : vector<16xi1>
        %parallel_loop3A_393 = arith.extui %parallel_loop3A_392 : vector<16xi1> to vector<16xi32>
        %parallel_loop3A_394 = arith.constant true
        %parallel_loop3A_395 = vector.broadcast %parallel_loop3A_394 : i1 to vector<16xi1>
        %parallel_loop3A_396 = tpu.scan <sum>, %parallel_loop3A_393 masked %parallel_loop3A_395 : vector<16xi32>, vector<16xi1> -> vector<16xi32>
        %parallel_loop3A_397 = arith.addi %parallel_loop3A_361, %parallel_loop3A_396 : vector<16xi32>
        %parallel_loop3A_398 = arith.constant 1 : i32
        %parallel_loop3A_399 = vector.broadcast %parallel_loop3A_398 : i32 to vector<16xi32>
        %parallel_loop3A_400 = arith.subi %parallel_loop3A_397, %parallel_loop3A_399 : vector<16xi32>
        %parallel_loop3A_401 = arith.constant 63 : i32
        %parallel_loop3A_402 = vector.broadcast %parallel_loop3A_401 : i32 to vector<16xi32>
        %parallel_loop3A_403 = arith.minsi %parallel_loop3A_400, %parallel_loop3A_402 : vector<16xi32>
        tpu.vector_store_idx %arg21[%parallel_loop3A_403], %parallel_loop3A_375 masked %parallel_loop3A_392 : memref<64xi32, #tpu.memory_space<vmem>>[vector<16xi32>], vector<16xi32>, vector<16xi1>
        %parallel_loop3A_404 = tpu.all_reduce %parallel_loop3A_392 {dim = 0 : i64, kind = #tpu.reduction_kind<sum>} : vector<16xi1> -> vector<16xi32>
        %parallel_loop3A_405 = arith.addi %parallel_loop3A_361, %parallel_loop3A_404 : vector<16xi32>
        %parallel_loop3A_406 = tpu.all_reduce %parallel_loop3A_384 {dim = 0 : i64, kind = #tpu.reduction_kind<sum>} : vector<16xi1> -> vector<16xi32>
        %parallel_loop3A_407 = arith.addi %parallel_loop3A_362, %parallel_loop3A_406 : vector<16xi32>
        %parallel_loop3A_408 = arith.constant 4 : i32
        %parallel_loop3A_409 = arith.muli %parallel_loop3A_360, %parallel_loop3A_408 : i32
        %parallel_loop3A_410 = arith.constant 1 : i32
        %parallel_loop3A_411 = arith.addi %parallel_loop3A_409, %parallel_loop3A_410 : i32
        %parallel_loop3A_412 = arith.constant 16 : i32
        %parallel_loop3A_413 = arith.muli %parallel_loop3A_411, %parallel_loop3A_412 : i32
        %parallel_loop3A_414 = arith.index_cast %parallel_loop3A_413 : i32 to index
        %parallel_loop3A_415 = tpu.vector_load %arg19[%parallel_loop3A_414] {strides = array<i32>} : memref<4160xf32, #tpu.memory_space<vmem>>, vector<16xf32>,
        %parallel_loop3A_416 = vector.bitcast %parallel_loop3A_415 : vector<16xf32> to vector<16xi32>
        %parallel_loop3A_417 = arith.constant 16 : i32
        %parallel_loop3A_418 = arith.muli %parallel_loop3A_411, %parallel_loop3A_417 : i32
        %parallel_loop3A_419 = arith.index_cast %parallel_loop3A_418 : i32 to index
        %parallel_loop3A_420 = tpu.vector_load %arg20[%parallel_loop3A_419] {strides = array<i32>} : memref<4160xi32, #tpu.memory_space<vmem>>, vector<16xi32>,
        %parallel_loop3A_421 = arith.constant 16 : i32
        %parallel_loop3A_422 = arith.muli %parallel_loop3A_411, %parallel_loop3A_421 : i32
        %parallel_loop3A_423 = vector.broadcast %parallel_loop3A_422 : i32 to vector<16xi32>
        %parallel_loop3A_424 = arith.addi %iota3A, %parallel_loop3A_423 : vector<16xi32>
        %parallel_loop3A_425 = arith.cmpi slt, %parallel_loop3A_424, %parallel_loop3A_227 : vector<16xi32>
        %parallel_loop3A_426 = arith.cmpi slt, %parallel_loop3A_416, %scan3A_272#1 : vector<16xi32>
        %parallel_loop3A_427 = arith.andi %parallel_loop3A_426, %parallel_loop3A_425 : vector<16xi1>
        %parallel_loop3A_428 = arith.cmpi eq, %parallel_loop3A_416, %scan3A_272#1 : vector<16xi32>
        %parallel_loop3A_429 = arith.andi %parallel_loop3A_428, %parallel_loop3A_425 : vector<16xi1>
        %parallel_loop3A_430 = arith.extui %parallel_loop3A_429 : vector<16xi1> to vector<16xi32>
        %parallel_loop3A_431 = arith.constant true
        %parallel_loop3A_432 = vector.broadcast %parallel_loop3A_431 : i1 to vector<16xi1>
        %parallel_loop3A_433 = tpu.scan <sum>, %parallel_loop3A_430 masked %parallel_loop3A_432 : vector<16xi32>, vector<16xi1> -> vector<16xi32>
        %parallel_loop3A_434 = arith.addi %parallel_loop3A_407, %parallel_loop3A_433 : vector<16xi32>
        %parallel_loop3A_435 = arith.cmpi sle, %parallel_loop3A_434, %sub3A_276 : vector<16xi32>
        %parallel_loop3A_436 = arith.andi %parallel_loop3A_429, %parallel_loop3A_435 : vector<16xi1>
        %parallel_loop3A_437 = arith.ori %parallel_loop3A_427, %parallel_loop3A_436 : vector<16xi1>
        %parallel_loop3A_438 = arith.extui %parallel_loop3A_437 : vector<16xi1> to vector<16xi32>
        %parallel_loop3A_439 = arith.constant true
        %parallel_loop3A_440 = vector.broadcast %parallel_loop3A_439 : i1 to vector<16xi1>
        %parallel_loop3A_441 = tpu.scan <sum>, %parallel_loop3A_438 masked %parallel_loop3A_440 : vector<16xi32>, vector<16xi1> -> vector<16xi32>
        %parallel_loop3A_442 = arith.addi %parallel_loop3A_405, %parallel_loop3A_441 : vector<16xi32>
        %parallel_loop3A_443 = arith.constant 1 : i32
        %parallel_loop3A_444 = vector.broadcast %parallel_loop3A_443 : i32 to vector<16xi32>
        %parallel_loop3A_445 = arith.subi %parallel_loop3A_442, %parallel_loop3A_444 : vector<16xi32>
        %parallel_loop3A_446 = arith.constant 63 : i32
        %parallel_loop3A_447 = vector.broadcast %parallel_loop3A_446 : i32 to vector<16xi32>
        %parallel_loop3A_448 = arith.minsi %parallel_loop3A_445, %parallel_loop3A_447 : vector<16xi32>
        tpu.vector_store_idx %arg21[%parallel_loop3A_448], %parallel_loop3A_420 masked %parallel_loop3A_437 : memref<64xi32, #tpu.memory_space<vmem>>[vector<16xi32>], vector<16xi32>, vector<16xi1>
        %parallel_loop3A_449 = tpu.all_reduce %parallel_loop3A_437 {dim = 0 : i64, kind = #tpu.reduction_kind<sum>} : vector<16xi1> -> vector<16xi32>
        %parallel_loop3A_450 = arith.addi %parallel_loop3A_405, %parallel_loop3A_449 : vector<16xi32>
        %parallel_loop3A_451 = tpu.all_reduce %parallel_loop3A_429 {dim = 0 : i64, kind = #tpu.reduction_kind<sum>} : vector<16xi1> -> vector<16xi32>
        %parallel_loop3A_452 = arith.addi %parallel_loop3A_407, %parallel_loop3A_451 : vector<16xi32>
        %parallel_loop3A_453 = arith.constant 4 : i32
        %parallel_loop3A_454 = arith.muli %parallel_loop3A_360, %parallel_loop3A_453 : i32
        %parallel_loop3A_455 = arith.constant 2 : i32
        %parallel_loop3A_456 = arith.addi %parallel_loop3A_454, %parallel_loop3A_455 : i32
        %parallel_loop3A_457 = arith.constant 16 : i32
        %parallel_loop3A_458 = arith.muli %parallel_loop3A_456, %parallel_loop3A_457 : i32
        %parallel_loop3A_459 = arith.index_cast %parallel_loop3A_458 : i32 to index
        %parallel_loop3A_460 = tpu.vector_load %arg19[%parallel_loop3A_459] {strides = array<i32>} : memref<4160xf32, #tpu.memory_space<vmem>>, vector<16xf32>,
        %parallel_loop3A_461 = vector.bitcast %parallel_loop3A_460 : vector<16xf32> to vector<16xi32>
        %parallel_loop3A_462 = arith.constant 16 : i32
        %parallel_loop3A_463 = arith.muli %parallel_loop3A_456, %parallel_loop3A_462 : i32
        %parallel_loop3A_464 = arith.index_cast %parallel_loop3A_463 : i32 to index
        %parallel_loop3A_465 = tpu.vector_load %arg20[%parallel_loop3A_464] {strides = array<i32>} : memref<4160xi32, #tpu.memory_space<vmem>>, vector<16xi32>,
        %parallel_loop3A_466 = arith.constant 16 : i32
        %parallel_loop3A_467 = arith.muli %parallel_loop3A_456, %parallel_loop3A_466 : i32
        %parallel_loop3A_468 = vector.broadcast %parallel_loop3A_467 : i32 to vector<16xi32>
        %parallel_loop3A_469 = arith.addi %iota3A, %parallel_loop3A_468 : vector<16xi32>
        %parallel_loop3A_470 = arith.cmpi slt, %parallel_loop3A_469, %parallel_loop3A_227 : vector<16xi32>
        %parallel_loop3A_471 = arith.cmpi slt, %parallel_loop3A_461, %scan3A_272#1 : vector<16xi32>
        %parallel_loop3A_472 = arith.andi %parallel_loop3A_471, %parallel_loop3A_470 : vector<16xi1>
        %parallel_loop3A_473 = arith.cmpi eq, %parallel_loop3A_461, %scan3A_272#1 : vector<16xi32>
        %parallel_loop3A_474 = arith.andi %parallel_loop3A_473, %parallel_loop3A_470 : vector<16xi1>
        %parallel_loop3A_475 = arith.extui %parallel_loop3A_474 : vector<16xi1> to vector<16xi32>
        %parallel_loop3A_476 = arith.constant true
        %parallel_loop3A_477 = vector.broadcast %parallel_loop3A_476 : i1 to vector<16xi1>
        %parallel_loop3A_478 = tpu.scan <sum>, %parallel_loop3A_475 masked %parallel_loop3A_477 : vector<16xi32>, vector<16xi1> -> vector<16xi32>
        %parallel_loop3A_479 = arith.addi %parallel_loop3A_452, %parallel_loop3A_478 : vector<16xi32>
        %parallel_loop3A_480 = arith.cmpi sle, %parallel_loop3A_479, %sub3A_276 : vector<16xi32>
        %parallel_loop3A_481 = arith.andi %parallel_loop3A_474, %parallel_loop3A_480 : vector<16xi1>
        %parallel_loop3A_482 = arith.ori %parallel_loop3A_472, %parallel_loop3A_481 : vector<16xi1>
        %parallel_loop3A_483 = arith.extui %parallel_loop3A_482 : vector<16xi1> to vector<16xi32>
        %parallel_loop3A_484 = arith.constant true
        %parallel_loop3A_485 = vector.broadcast %parallel_loop3A_484 : i1 to vector<16xi1>
        %parallel_loop3A_486 = tpu.scan <sum>, %parallel_loop3A_483 masked %parallel_loop3A_485 : vector<16xi32>, vector<16xi1> -> vector<16xi32>
        %parallel_loop3A_487 = arith.addi %parallel_loop3A_450, %parallel_loop3A_486 : vector<16xi32>
        %parallel_loop3A_488 = arith.constant 1 : i32
        %parallel_loop3A_489 = vector.broadcast %parallel_loop3A_488 : i32 to vector<16xi32>
        %parallel_loop3A_490 = arith.subi %parallel_loop3A_487, %parallel_loop3A_489 : vector<16xi32>
        %parallel_loop3A_491 = arith.constant 63 : i32
        %parallel_loop3A_492 = vector.broadcast %parallel_loop3A_491 : i32 to vector<16xi32>
        %parallel_loop3A_493 = arith.minsi %parallel_loop3A_490, %parallel_loop3A_492 : vector<16xi32>
        tpu.vector_store_idx %arg21[%parallel_loop3A_493], %parallel_loop3A_465 masked %parallel_loop3A_482 : memref<64xi32, #tpu.memory_space<vmem>>[vector<16xi32>], vector<16xi32>, vector<16xi1>
        %parallel_loop3A_494 = tpu.all_reduce %parallel_loop3A_482 {dim = 0 : i64, kind = #tpu.reduction_kind<sum>} : vector<16xi1> -> vector<16xi32>
        %parallel_loop3A_495 = arith.addi %parallel_loop3A_450, %parallel_loop3A_494 : vector<16xi32>
        %parallel_loop3A_496 = tpu.all_reduce %parallel_loop3A_474 {dim = 0 : i64, kind = #tpu.reduction_kind<sum>} : vector<16xi1> -> vector<16xi32>
        %parallel_loop3A_497 = arith.addi %parallel_loop3A_452, %parallel_loop3A_496 : vector<16xi32>
        %parallel_loop3A_498 = arith.constant 4 : i32
        %parallel_loop3A_499 = arith.muli %parallel_loop3A_360, %parallel_loop3A_498 : i32
        %parallel_loop3A_500 = arith.constant 3 : i32
        %parallel_loop3A_501 = arith.addi %parallel_loop3A_499, %parallel_loop3A_500 : i32
        %parallel_loop3A_502 = arith.constant 16 : i32
        %parallel_loop3A_503 = arith.muli %parallel_loop3A_501, %parallel_loop3A_502 : i32
        %parallel_loop3A_504 = arith.index_cast %parallel_loop3A_503 : i32 to index
        %parallel_loop3A_505 = tpu.vector_load %arg19[%parallel_loop3A_504] {strides = array<i32>} : memref<4160xf32, #tpu.memory_space<vmem>>, vector<16xf32>,
        %parallel_loop3A_506 = vector.bitcast %parallel_loop3A_505 : vector<16xf32> to vector<16xi32>
        %parallel_loop3A_507 = arith.constant 16 : i32
        %parallel_loop3A_508 = arith.muli %parallel_loop3A_501, %parallel_loop3A_507 : i32
        %parallel_loop3A_509 = arith.index_cast %parallel_loop3A_508 : i32 to index
        %parallel_loop3A_510 = tpu.vector_load %arg20[%parallel_loop3A_509] {strides = array<i32>} : memref<4160xi32, #tpu.memory_space<vmem>>, vector<16xi32>,
        %parallel_loop3A_511 = arith.constant 16 : i32
        %parallel_loop3A_512 = arith.muli %parallel_loop3A_501, %parallel_loop3A_511 : i32
        %parallel_loop3A_513 = vector.broadcast %parallel_loop3A_512 : i32 to vector<16xi32>
        %parallel_loop3A_514 = arith.addi %iota3A, %parallel_loop3A_513 : vector<16xi32>
        %parallel_loop3A_515 = arith.cmpi slt, %parallel_loop3A_514, %parallel_loop3A_227 : vector<16xi32>
        %parallel_loop3A_516 = arith.cmpi slt, %parallel_loop3A_506, %scan3A_272#1 : vector<16xi32>
        %parallel_loop3A_517 = arith.andi %parallel_loop3A_516, %parallel_loop3A_515 : vector<16xi1>
        %parallel_loop3A_518 = arith.cmpi eq, %parallel_loop3A_506, %scan3A_272#1 : vector<16xi32>
        %parallel_loop3A_519 = arith.andi %parallel_loop3A_518, %parallel_loop3A_515 : vector<16xi1>
        %parallel_loop3A_520 = arith.extui %parallel_loop3A_519 : vector<16xi1> to vector<16xi32>
        %parallel_loop3A_521 = arith.constant true
        %parallel_loop3A_522 = vector.broadcast %parallel_loop3A_521 : i1 to vector<16xi1>
        %parallel_loop3A_523 = tpu.scan <sum>, %parallel_loop3A_520 masked %parallel_loop3A_522 : vector<16xi32>, vector<16xi1> -> vector<16xi32>
        %parallel_loop3A_524 = arith.addi %parallel_loop3A_497, %parallel_loop3A_523 : vector<16xi32>
        %parallel_loop3A_525 = arith.cmpi sle, %parallel_loop3A_524, %sub3A_276 : vector<16xi32>
        %parallel_loop3A_526 = arith.andi %parallel_loop3A_519, %parallel_loop3A_525 : vector<16xi1>
        %parallel_loop3A_527 = arith.ori %parallel_loop3A_517, %parallel_loop3A_526 : vector<16xi1>
        %parallel_loop3A_528 = arith.extui %parallel_loop3A_527 : vector<16xi1> to vector<16xi32>
        %parallel_loop3A_529 = arith.constant true
        %parallel_loop3A_530 = vector.broadcast %parallel_loop3A_529 : i1 to vector<16xi1>
        %parallel_loop3A_531 = tpu.scan <sum>, %parallel_loop3A_528 masked %parallel_loop3A_530 : vector<16xi32>, vector<16xi1> -> vector<16xi32>
        %parallel_loop3A_532 = arith.addi %parallel_loop3A_495, %parallel_loop3A_531 : vector<16xi32>
        %parallel_loop3A_533 = arith.constant 1 : i32
        %parallel_loop3A_534 = vector.broadcast %parallel_loop3A_533 : i32 to vector<16xi32>
        %parallel_loop3A_535 = arith.subi %parallel_loop3A_532, %parallel_loop3A_534 : vector<16xi32>
        %parallel_loop3A_536 = arith.constant 63 : i32
        %parallel_loop3A_537 = vector.broadcast %parallel_loop3A_536 : i32 to vector<16xi32>
        %parallel_loop3A_538 = arith.minsi %parallel_loop3A_535, %parallel_loop3A_537 : vector<16xi32>
        tpu.vector_store_idx %arg21[%parallel_loop3A_538], %parallel_loop3A_510 masked %parallel_loop3A_527 : memref<64xi32, #tpu.memory_space<vmem>>[vector<16xi32>], vector<16xi32>, vector<16xi1>
        %parallel_loop3A_539 = tpu.all_reduce %parallel_loop3A_527 {dim = 0 : i64, kind = #tpu.reduction_kind<sum>} : vector<16xi1> -> vector<16xi32>
        %parallel_loop3A_540 = arith.addi %parallel_loop3A_495, %parallel_loop3A_539 : vector<16xi32>
        %parallel_loop3A_541 = tpu.all_reduce %parallel_loop3A_519 {dim = 0 : i64, kind = #tpu.reduction_kind<sum>} : vector<16xi1> -> vector<16xi32>
        %parallel_loop3A_542 = arith.addi %parallel_loop3A_497, %parallel_loop3A_541 : vector<16xi32>
        scf.yield %parallel_loop3A_540, %parallel_loop3A_542 : vector<16xi32>, vector<16xi32>
      } {sc.loop_unroll_factor = 1 : i64, sc.parallel_access}
      %get3A_284 = arith.constant 0 : index
      %get3A_285 = tpu.vector_load %arg21[%get3A_284] {strides = array<i32>} : memref<64xi32, #tpu.memory_space<vmem>>, vector<16xi32>,
      %gather3A_286 = tpu.vector_load_idx %arg8[%get3A_285] : memref<8192xf32, #tpu.memory_space<vmem>>[vector<16xi32>], vector<16xf32>,
      %sub3A_287 = arith.subf %gather3A_286, %gather3A_219 : vector<16xf32>
      %gather3A_288 = tpu.vector_load_idx %arg9[%get3A_285] : memref<8192xf32, #tpu.memory_space<vmem>>[vector<16xi32>], vector<16xf32>,
      %sub3A_289 = arith.subf %gather3A_288, %gather3A_220 : vector<16xf32>
      %gather3A_290 = tpu.vector_load_idx %arg10[%get3A_285] : memref<8192xf32, #tpu.memory_space<vmem>>[vector<16xi32>], vector<16xf32>,
      %sub3A_291 = arith.subf %gather3A_290, %gather3A_221 : vector<16xf32>
      %mul3A_292 = arith.constant 96 : i32
      %mul3A_293 = arith.muli %add3A_216, %mul3A_292 : i32
      %add3A_294 = arith.constant 0 : i32
      %add3A_295 = arith.addi %mul3A_293, %add3A_294 : i32
      %mul3A_296 = arith.constant 3 : i32
      %mul3A_297 = vector.broadcast %mul3A_296 : i32 to vector<16xi32>
      %mul3A_298 = arith.muli %iota3A, %mul3A_297 : vector<16xi32>
      %add3A_299 = vector.broadcast %add3A_295 : i32 to vector<16xi32>
      %add3A_300 = arith.addi %add3A_299, %mul3A_298 : vector<16xi32>
      tpu.vector_store_idx %arg22[%add3A_300], %sub3A_287 : memref<12288xf32, #tpu.memory_space<vmem>>[vector<16xi32>], vector<16xf32>,
      %add3A_301 = arith.constant 1 : i32
      %add3A_302 = vector.broadcast %add3A_301 : i32 to vector<16xi32>
      %add3A_303 = arith.addi %add3A_300, %add3A_302 : vector<16xi32>
      tpu.vector_store_idx %arg22[%add3A_303], %sub3A_289 : memref<12288xf32, #tpu.memory_space<vmem>>[vector<16xi32>], vector<16xf32>,
      %add3A_304 = arith.constant 2 : i32
      %add3A_305 = vector.broadcast %add3A_304 : i32 to vector<16xi32>
      %add3A_306 = arith.addi %add3A_300, %add3A_305 : vector<16xi32>
      tpu.vector_store_idx %arg22[%add3A_306], %sub3A_291 : memref<12288xf32, #tpu.memory_space<vmem>>[vector<16xi32>], vector<16xf32>,
      %add3A_307 = arith.addf %add3A_187, %sub3A_287 : vector<16xf32>
      %add3A_308 = arith.addf %add3A_188, %sub3A_289 : vector<16xf32>
      %add3A_309 = arith.addf %add3A_189, %sub3A_291 : vector<16xf32>
      %mul3A_310 = arith.mulf %sub3A_287, %sub3A_287 : vector<16xf32>
      %add3A_311 = arith.addf %add3A_191, %mul3A_310 : vector<16xf32>
      %mul3A_312 = arith.mulf %sub3A_289, %sub3A_289 : vector<16xf32>
      %add3A_313 = arith.addf %add3A_193, %mul3A_312 : vector<16xf32>
      %mul3A_314 = arith.mulf %sub3A_291, %sub3A_291 : vector<16xf32>
      %add3A_315 = arith.addf %add3A_195, %mul3A_314 : vector<16xf32>
      %mul3A_316 = arith.mulf %sub3A_287, %sub3A_289 : vector<16xf32>
      %add3A_317 = arith.addf %add3A_197, %mul3A_316 : vector<16xf32>
      %mul3A_318 = arith.mulf %sub3A_287, %sub3A_291 : vector<16xf32>
      %add3A_319 = arith.addf %add3A_199, %mul3A_318 : vector<16xf32>
      %mul3A_320 = arith.mulf %sub3A_289, %sub3A_291 : vector<16xf32>
      %add3A_321 = arith.addf %add3A_201, %mul3A_320 : vector<16xf32>
      %get3A_322 = arith.constant 16 : index
      %get3A_323 = tpu.vector_load %arg21[%get3A_322] {strides = array<i32>} : memref<64xi32, #tpu.memory_space<vmem>>, vector<16xi32>,
      %gather3A_324 = tpu.vector_load_idx %arg8[%get3A_323] : memref<8192xf32, #tpu.memory_space<vmem>>[vector<16xi32>], vector<16xf32>,
      %sub3A_325 = arith.subf %gather3A_324, %gather3A_219 : vector<16xf32>
      %gather3A_326 = tpu.vector_load_idx %arg9[%get3A_323] : memref<8192xf32, #tpu.memory_space<vmem>>[vector<16xi32>], vector<16xf32>,
      %sub3A_327 = arith.subf %gather3A_326, %gather3A_220 : vector<16xf32>
      %gather3A_328 = tpu.vector_load_idx %arg10[%get3A_323] : memref<8192xf32, #tpu.memory_space<vmem>>[vector<16xi32>], vector<16xf32>,
      %sub3A_329 = arith.subf %gather3A_328, %gather3A_221 : vector<16xf32>
      %mul3A_330 = arith.constant 96 : i32
      %mul3A_331 = arith.muli %add3A_216, %mul3A_330 : i32
      %add3A_332 = arith.constant 48 : i32
      %add3A_333 = arith.addi %mul3A_331, %add3A_332 : i32
      %mul3A_334 = arith.constant 3 : i32
      %mul3A_335 = vector.broadcast %mul3A_334 : i32 to vector<16xi32>
      %mul3A_336 = arith.muli %iota3A, %mul3A_335 : vector<16xi32>
      %add3A_337 = vector.broadcast %add3A_333 : i32 to vector<16xi32>
      %add3A_338 = arith.addi %add3A_337, %mul3A_336 : vector<16xi32>
      tpu.vector_store_idx %arg22[%add3A_338], %sub3A_325 : memref<12288xf32, #tpu.memory_space<vmem>>[vector<16xi32>], vector<16xf32>,
      %add3A_339 = arith.constant 1 : i32
      %add3A_340 = vector.broadcast %add3A_339 : i32 to vector<16xi32>
      %add3A_341 = arith.addi %add3A_338, %add3A_340 : vector<16xi32>
      tpu.vector_store_idx %arg22[%add3A_341], %sub3A_327 : memref<12288xf32, #tpu.memory_space<vmem>>[vector<16xi32>], vector<16xf32>,
      %add3A_342 = arith.constant 2 : i32
      %add3A_343 = vector.broadcast %add3A_342 : i32 to vector<16xi32>
      %add3A_344 = arith.addi %add3A_338, %add3A_343 : vector<16xi32>
      tpu.vector_store_idx %arg22[%add3A_344], %sub3A_329 : memref<12288xf32, #tpu.memory_space<vmem>>[vector<16xi32>], vector<16xf32>,
      %add3A_345 = arith.addf %add3A_307, %sub3A_325 : vector<16xf32>
      %add3A_346 = arith.addf %add3A_308, %sub3A_327 : vector<16xf32>
      %add3A_347 = arith.addf %add3A_309, %sub3A_329 : vector<16xf32>
      %mul3A_348 = arith.mulf %sub3A_325, %sub3A_325 : vector<16xf32>
      %add3A_349 = arith.addf %add3A_311, %mul3A_348 : vector<16xf32>
      %mul3A_350 = arith.mulf %sub3A_327, %sub3A_327 : vector<16xf32>
      %add3A_351 = arith.addf %add3A_313, %mul3A_350 : vector<16xf32>
      %mul3A_352 = arith.mulf %sub3A_329, %sub3A_329 : vector<16xf32>
      %add3A_353 = arith.addf %add3A_315, %mul3A_352 : vector<16xf32>
      %mul3A_354 = arith.mulf %sub3A_325, %sub3A_327 : vector<16xf32>
      %add3A_355 = arith.addf %add3A_317, %mul3A_354 : vector<16xf32>
      %mul3A_356 = arith.mulf %sub3A_325, %sub3A_329 : vector<16xf32>
      %add3A_357 = arith.addf %add3A_319, %mul3A_356 : vector<16xf32>
      %mul3A_358 = arith.mulf %sub3A_327, %sub3A_329 : vector<16xf32>
      %add3A_359 = arith.addf %add3A_321, %mul3A_358 : vector<16xf32>
      scf.yield %add3A_345, %add3A_346, %add3A_347, %add3A_349, %add3A_351, %add3A_353, %add3A_355, %add3A_357, %add3A_359 : vector<16xf32>, vector<16xf32>, vector<16xf32>, vector<16xf32>, vector<16xf32>, vector<16xf32>, vector<16xf32>, vector<16xf32>, vector<16xf32>
    }
    %scan3A_20 = arith.constant 64 : i32
    %swap3A = arith.constant 0 : index
    %swap3A_21 = tpu.vector_load %arg23[%swap3A] {strides = array<i32>} : memref<144xf32, #tpu.memory_space<vmem>>, vector<16xf32>,
    tpu.vector_store %arg23[%swap3A], %scan3A_19#0 {strides = array<i32>} : memref<144xf32, #tpu.memory_space<vmem>>, vector<16xf32>,
    %swap3A_22 = arith.constant 16 : index
    %swap3A_23 = tpu.vector_load %arg23[%swap3A_22] {strides = array<i32>} : memref<144xf32, #tpu.memory_space<vmem>>, vector<16xf32>,
    tpu.vector_store %arg23[%swap3A_22], %scan3A_19#1 {strides = array<i32>} : memref<144xf32, #tpu.memory_space<vmem>>, vector<16xf32>,
    %swap3A_24 = arith.constant 32 : index
    %swap3A_25 = tpu.vector_load %arg23[%swap3A_24] {strides = array<i32>} : memref<144xf32, #tpu.memory_space<vmem>>, vector<16xf32>,
    tpu.vector_store %arg23[%swap3A_24], %scan3A_19#2 {strides = array<i32>} : memref<144xf32, #tpu.memory_space<vmem>>, vector<16xf32>,
    %swap3A_26 = arith.constant 48 : index
    %swap3A_27 = tpu.vector_load %arg23[%swap3A_26] {strides = array<i32>} : memref<144xf32, #tpu.memory_space<vmem>>, vector<16xf32>,
    tpu.vector_store %arg23[%swap3A_26], %scan3A_19#3 {strides = array<i32>} : memref<144xf32, #tpu.memory_space<vmem>>, vector<16xf32>,
    %swap3A_28 = arith.constant 64 : index
    %swap3A_29 = tpu.vector_load %arg23[%swap3A_28] {strides = array<i32>} : memref<144xf32, #tpu.memory_space<vmem>>, vector<16xf32>,
    tpu.vector_store %arg23[%swap3A_28], %scan3A_19#4 {strides = array<i32>} : memref<144xf32, #tpu.memory_space<vmem>>, vector<16xf32>,
    %swap3A_30 = arith.constant 80 : index
    %swap3A_31 = tpu.vector_load %arg23[%swap3A_30] {strides = array<i32>} : memref<144xf32, #tpu.memory_space<vmem>>, vector<16xf32>,
    tpu.vector_store %arg23[%swap3A_30], %scan3A_19#5 {strides = array<i32>} : memref<144xf32, #tpu.memory_space<vmem>>, vector<16xf32>,
    %swap3A_32 = arith.constant 96 : index
    %swap3A_33 = tpu.vector_load %arg23[%swap3A_32] {strides = array<i32>} : memref<144xf32, #tpu.memory_space<vmem>>, vector<16xf32>,
    tpu.vector_store %arg23[%swap3A_32], %scan3A_19#6 {strides = array<i32>} : memref<144xf32, #tpu.memory_space<vmem>>, vector<16xf32>,
    %swap3A_34 = arith.constant 112 : index
    %swap3A_35 = tpu.vector_load %arg23[%swap3A_34] {strides = array<i32>} : memref<144xf32, #tpu.memory_space<vmem>>, vector<16xf32>,
    tpu.vector_store %arg23[%swap3A_34], %scan3A_19#7 {strides = array<i32>} : memref<144xf32, #tpu.memory_space<vmem>>, vector<16xf32>,
    %swap3A_36 = arith.constant 128 : index
    %swap3A_37 = tpu.vector_load %arg23[%swap3A_36] {strides = array<i32>} : memref<144xf32, #tpu.memory_space<vmem>>, vector<16xf32>,
    tpu.vector_store %arg23[%swap3A_36], %scan3A_19#8 {strides = array<i32>} : memref<144xf32, #tpu.memory_space<vmem>>, vector<16xf32>,
    %mul3A_38 = arith.constant 12288 : i32
    %mul3A_39 = arith.muli %add3A, %mul3A_38 : i32
    "tpu.region"() ({
      %run_scoped3A_40 = tpu.sem_alloc : memref<!tpu.dma_semaphore, #tpu.memory_space<semaphore_mem>>
      %dma_start3A_41 = tpu.memref_slice %arg6[%mul3A_39] : memref<393216xf32, #tpu.memory_space<hbm>> -> memref<12288xf32, #tpu.memory_space<hbm>>
      %dma_start3A_42 = tpu.memref_slice %arg6[%mul3A_39] : memref<393216xf32, #tpu.memory_space<hbm>> -> memref<12288xf32, #tpu.memory_space<hbm>>
      tpu.enqueue_dma source(%arg22 : memref<12288xf32, #tpu.memory_space<vmem>>) target(%dma_start3A_42 : memref<12288xf32, #tpu.memory_space<hbm>>) target_semaphore(%run_scoped3A_40 : memref<!tpu.dma_semaphore, #tpu.memory_space<semaphore_mem>>)
      %dma_wait3A = tpu.memref_slice %arg6[%mul3A_39] : memref<393216xf32, #tpu.memory_space<hbm>> -> memref<12288xf32, #tpu.memory_space<hbm>>
      %dma_wait3A_43 = tpu.memref_slice %arg6[%mul3A_39] : memref<393216xf32, #tpu.memory_space<hbm>> -> memref<12288xf32, #tpu.memory_space<hbm>>
      tpu.wait_dma2 semaphore(%run_scoped3A_40 : memref<!tpu.dma_semaphore, #tpu.memory_space<semaphore_mem>>) src(%arg22 : memref<12288xf32, #tpu.memory_space<vmem>>) dst(%dma_wait3A_43 : memref<12288xf32, #tpu.memory_space<hbm>>)
      tpu.yield
    }) : () -> ()
    "tpu.region"() ({
      %run_scoped3A_40 = tpu.sem_alloc : memref<!tpu.dma_semaphore, #tpu.memory_space<semaphore_mem>>
      %dma_start3A_41 = arith.constant 0 : i32
      %dma_start3A_42 = tpu.memref_slice %arg7[%add3A, %dma_start3A_41] : memref<32x144xf32, #tpu.memory_space<hbm>> -> memref<1x144xf32, #tpu.memory_space<hbm>>
      %dma_start3A_43 = tpu.memref_squeeze %dma_start3A_42 : memref<1x144xf32, #tpu.memory_space<hbm>> -> memref<144xf32, #tpu.memory_space<hbm>>
      %dma_start3A_44 = arith.constant 0 : i32
      %dma_start3A_45 = tpu.memref_slice %arg7[%add3A, %dma_start3A_44] : memref<32x144xf32, #tpu.memory_space<hbm>> -> memref<1x144xf32, #tpu.memory_space<hbm>>
      %dma_start3A_46 = tpu.memref_squeeze %dma_start3A_45 : memref<1x144xf32, #tpu.memory_space<hbm>> -> memref<144xf32, #tpu.memory_space<hbm>>
      tpu.enqueue_dma source(%arg23 : memref<144xf32, #tpu.memory_space<vmem>>) target(%dma_start3A_46 : memref<144xf32, #tpu.memory_space<hbm>>) target_semaphore(%run_scoped3A_40 : memref<!tpu.dma_semaphore, #tpu.memory_space<semaphore_mem>>)
      %dma_wait3A = arith.constant 0 : i32
      %dma_wait3A_47 = tpu.memref_slice %arg7[%add3A, %dma_wait3A] : memref<32x144xf32, #tpu.memory_space<hbm>> -> memref<1x144xf32, #tpu.memory_space<hbm>>
      %dma_wait3A_48 = tpu.memref_squeeze %dma_wait3A_47 : memref<1x144xf32, #tpu.memory_space<hbm>> -> memref<144xf32, #tpu.memory_space<hbm>>
      %dma_wait3A_49 = arith.constant 0 : i32
      %dma_wait3A_50 = tpu.memref_slice %arg7[%add3A, %dma_wait3A_49] : memref<32x144xf32, #tpu.memory_space<hbm>> -> memref<1x144xf32, #tpu.memory_space<hbm>>
      %dma_wait3A_51 = tpu.memref_squeeze %dma_wait3A_50 : memref<1x144xf32, #tpu.memory_space<hbm>> -> memref<144xf32, #tpu.memory_space<hbm>>
      tpu.wait_dma2 semaphore(%run_scoped3A_40 : memref<!tpu.dma_semaphore, #tpu.memory_space<semaphore_mem>>) src(%arg23 : memref<144xf32, #tpu.memory_space<vmem>>) dst(%dma_wait3A_51 : memref<144xf32, #tpu.memory_space<hbm>>)
      tpu.yield
    }) : () -> ()
    return
  }
}

module attributes {stable_mosaic.version = 14 : i64} {
  func.func @_k2_body(%arg0: i32, %arg1: memref<3x1x1x8192xf32, #tpu.memory_space<vmem>>, %arg2: memref<3x1x1x128xf32, #tpu.memory_space<vmem>>, %arg3: memref<128x8192xf32, #tpu.memory_space<vmem>>, %arg4: memref<1x1x128xf32, #tpu.memory_space<vmem>>) attributes {dimension_semantics = [#tpu.dimension_semantics<arbitrary>], iteration_bounds = array<i64: 32>, scalar_prefetch = 0 : i64, scratch_operands = 0 : i64, tpu.core_type = #tpu.core_type<tc>, window_params = [{transform_indices = @transform_0, window_bounds = array<i64: 3, 1, 1, 8192>}, {transform_indices = @transform_1, window_bounds = array<i64: 3, 1, 1, 128>}, {transform_indices = @transform_2, window_bounds = array<i64: 128, 8192>}, {transform_indices = @transform_3, window_bounds = array<i64: 1, 1, 128>}]} {
    %get3A = arith.constant 0 : index
    %get3A_0 = arith.constant 0 : index
    %get3A_1 = arith.constant 0 : index
    %get3A_2 = arith.constant 0 : index
    %get3A_3 = vector.load %arg1[%get3A, %get3A_0, %get3A_1, %get3A_2] : memref<3x1x1x8192xf32, #tpu.memory_space<vmem>>, vector<3x1x1x8192xf32>
    %get3A_4 = vector.shape_cast %get3A_3 : vector<3x1x1x8192xf32> to vector<3x8192xf32>
    %get3A_5 = arith.constant 0 : index
    %get3A_6 = arith.constant 0 : index
    %get3A_7 = arith.constant 0 : index
    %get3A_8 = arith.constant 0 : index
    %get3A_9 = vector.load %arg2[%get3A_5, %get3A_6, %get3A_7, %get3A_8] : memref<3x1x1x128xf32, #tpu.memory_space<vmem>>, vector<3x1x1x128xf32>
    %get3A_10 = vector.shape_cast %get3A_9 : vector<3x1x1x128xf32> to vector<3x128xf32>
    %mul3A = arith.mulf %get3A_4, %get3A_4 : vector<3x8192xf32>
    %slice3A = vector.extract_strided_slice %mul3A {offsets = [0, 0], sizes = [1, 8192], strides = [1, 1]} : vector<3x8192xf32> to vector<1x8192xf32>
    %slice3A_11 = vector.extract_strided_slice %mul3A {offsets = [1, 0], sizes = [1, 8192], strides = [1, 1]} : vector<3x8192xf32> to vector<1x8192xf32>
    %add3A = arith.addf %slice3A, %slice3A_11 : vector<1x8192xf32>
    %slice3A_12 = vector.extract_strided_slice %mul3A {offsets = [2, 0], sizes = [1, 8192], strides = [1, 1]} : vector<3x8192xf32> to vector<1x8192xf32>
    %add3A_13 = arith.addf %add3A, %slice3A_12 : vector<1x8192xf32>
    %mul3A_14 = arith.mulf %get3A_10, %get3A_10 : vector<3x128xf32>
    %slice3A_15 = vector.extract_strided_slice %mul3A_14 {offsets = [0, 0], sizes = [1, 128], strides = [1, 1]} : vector<3x128xf32> to vector<1x128xf32>
    %slice3A_16 = vector.extract_strided_slice %mul3A_14 {offsets = [1, 0], sizes = [1, 128], strides = [1, 1]} : vector<3x128xf32> to vector<1x128xf32>
    %add3A_17 = arith.addf %slice3A_15, %slice3A_16 : vector<1x128xf32>
    %slice3A_18 = vector.extract_strided_slice %mul3A_14 {offsets = [2, 0], sizes = [1, 128], strides = [1, 1]} : vector<3x128xf32> to vector<1x128xf32>
    %add3A_19 = arith.addf %add3A_17, %slice3A_18 : vector<1x128xf32>
    %dot_general3A = arith.constant dense<0.000000e+00> : vector<128x8192xf32>
    %dot_general3A_20 = tpu.matmul %get3A_10, %get3A_4, %dot_general3A {dimension_numbers = #tpu.dot_dimension_numbers<[0], [0], [1], [1], [0, 1, 1, 1], [], []>, transpose_lhs_hint = false} : vector<3x128xf32>, vector<3x8192xf32>, vector<128x8192xf32> -> vector<128x8192xf32>
    %transpose3A = tpu.transpose %add3A_19, [1, 0] : vector<1x128xf32> -> vector<128x1xf32>
    %add3A_21 = vector.broadcast %transpose3A : vector<128x1xf32> to vector<128x8192xf32>
    %add3A_22 = vector.broadcast %add3A_13 : vector<1x8192xf32> to vector<128x8192xf32>
    %add3A_23 = arith.addf %add3A_21, %add3A_22 : vector<128x8192xf32>
    %mul3A_24 = arith.constant 2.000000e+00 : f32
    %mul3A_25 = vector.broadcast %mul3A_24 : f32 to vector<128x8192xf32>
    %mul3A_26 = arith.mulf %mul3A_25, %dot_general3A_20 : vector<128x8192xf32>
    %sub3A = arith.subf %add3A_23, %mul3A_26 : vector<128x8192xf32>
    %swap3A = arith.constant 0 : index
    %swap3A_27 = arith.constant 0 : index
    %swap3A_28 = vector.load %arg3[%swap3A, %swap3A_27] : memref<128x8192xf32, #tpu.memory_space<vmem>>, vector<128x8192xf32>
    tpu.vector_store %arg3[%swap3A, %swap3A_27], %sub3A {strides = array<i32>} : memref<128x8192xf32, #tpu.memory_space<vmem>>, vector<128x8192xf32>,
    %reshape3A = vector.shape_cast %sub3A : vector<128x8192xf32> to vector<128x32x256xf32>
    %reduce_min3A = arith.constant dense<0x7F800000> : vector<128x32xf32>
    %reduce_min3A_29 = vector.multi_reduction <minimumf>, %reshape3A, %reduce_min3A [2] : vector<128x32x256xf32> to vector<128x32xf32>
    %reduce_max3A = arith.constant dense<0xFF800000> : vector<128xf32>
    %reduce_max3A_30 = vector.multi_reduction <maximumf>, %reduce_min3A_29, %reduce_max3A [1] : vector<128x32xf32> to vector<128xf32>
    %swap3A_31 = arith.constant 0 : index
    %swap3A_32 = arith.constant 0 : index
    %swap3A_33 = arith.constant 0 : index
    %swap3A_34 = vector.load %arg4[%swap3A_31, %swap3A_32, %swap3A_33] : memref<1x1x128xf32, #tpu.memory_space<vmem>>, vector<1x1x128xf32>
    %swap3A_35 = vector.shape_cast %swap3A_34 : vector<1x1x128xf32> to vector<128xf32>
    %swap3A_36 = vector.shape_cast %reduce_max3A_30 : vector<128xf32> to vector<1x1x128xf32>
    tpu.vector_store %arg4[%swap3A_31, %swap3A_32, %swap3A_33], %swap3A_36 {strides = array<i32>} : memref<1x1x128xf32, #tpu.memory_space<vmem>>, vector<1x1x128xf32>,
    return
  }
  func.func @transform_0(%arg0: i32) -> (i32, i32, i32, i32) {
    %c0_i32 = arith.constant 0 : i32
    %c0_i32_0 = arith.constant 0 : i32
    %c0_i32_1 = arith.constant 0 : i32
    %c0_i32_2 = arith.constant 0 : i32
    return %c0_i32, %arg0, %c0_i32_0, %c0_i32_1 : i32, i32, i32, i32
  }
  func.func @transform_1(%arg0: i32) -> (i32, i32, i32, i32) {
    %c0_i32 = arith.constant 0 : i32
    %c0_i32_0 = arith.constant 0 : i32
    %c0_i32_1 = arith.constant 0 : i32
    %c0_i32_2 = arith.constant 0 : i32
    return %c0_i32, %arg0, %c0_i32_0, %c0_i32_1 : i32, i32, i32, i32
  }
  func.func @transform_2(%arg0: i32) -> (i32, i32) {
    %c0_i32 = arith.constant 0 : i32
    %c0_i32_0 = arith.constant 0 : i32
    return %arg0, %c0_i32 : i32, i32
  }
  func.func @transform_3(%arg0: i32) -> (i32, i32, i32) {
    %c0_i32 = arith.constant 0 : i32
    %c0_i32_0 = arith.constant 0 : i32
    %c0_i32_1 = arith.constant 0 : i32
    return %arg0, %c0_i32, %c0_i32_0 : i32, i32, i32
  }
}

module attributes {stable_mosaic.version = 14 : i64} {
  func.func @_k1_body(%arg0: memref<3x32x8192xf32, #tpu.memory_space<vmem>>, %arg1: memref<3x32x128xf32, #tpu.memory_space<vmem>>) attributes {dimension_semantics = [], scalar_prefetch = 0 : i64, scratch_operands = 0 : i64, tpu.core_type = #tpu.core_type<tc>} {
    %get3A = arith.constant 0 : index
    %get3A_0 = arith.constant 0 : index
    %get3A_1 = arith.constant 0 : index
    %get3A_2 = vector.load %arg0[%get3A, %get3A_0, %get3A_1] : memref<3x32x8192xf32, #tpu.memory_space<vmem>>, vector<1x32x8192xf32>
    %get3A_3 = vector.shape_cast %get3A_2 : vector<1x32x8192xf32> to vector<32x8192xf32>
    %get3A_4 = arith.constant 1 : index
    %get3A_5 = arith.constant 0 : index
    %get3A_6 = arith.constant 0 : index
    %get3A_7 = vector.load %arg0[%get3A_4, %get3A_5, %get3A_6] : memref<3x32x8192xf32, #tpu.memory_space<vmem>>, vector<1x32x8192xf32>
    %get3A_8 = vector.shape_cast %get3A_7 : vector<1x32x8192xf32> to vector<32x8192xf32>
    %get3A_9 = arith.constant 2 : index
    %get3A_10 = arith.constant 0 : index
    %get3A_11 = arith.constant 0 : index
    %get3A_12 = vector.load %arg0[%get3A_9, %get3A_10, %get3A_11] : memref<3x32x8192xf32, #tpu.memory_space<vmem>>, vector<1x32x8192xf32>
    %get3A_13 = vector.shape_cast %get3A_12 : vector<1x32x8192xf32> to vector<32x8192xf32>
    %iota3A = tpu.iota {dimensions = array<i32: 1>} : vector<32x8192xi32>
    %iota3A_14 = tpu.iota {dimensions = array<i32: 1>} : vector<32x128xi32>
    %broadcast_in_dim3A = arith.constant 1.000000e+10 : f32
    %broadcast_in_dim3A_15 = vector.broadcast %broadcast_in_dim3A : f32 to vector<32x8192xf32>
    %broadcast_in_dim3A_16 = arith.constant 0 : i32
    %broadcast_in_dim3A_17 = vector.broadcast %broadcast_in_dim3A_16 : i32 to vector<32x1xi32>
    %broadcast_in_dim3A_18 = arith.constant 0.000000e+00 : f32
    %broadcast_in_dim3A_19 = vector.broadcast %broadcast_in_dim3A_18 : f32 to vector<32x128xf32>
    %broadcast_in_dim3A_20 = arith.constant 0.000000e+00 : f32
    %broadcast_in_dim3A_21 = vector.broadcast %broadcast_in_dim3A_20 : f32 to vector<32x128xf32>
    %broadcast_in_dim3A_22 = arith.constant 0.000000e+00 : f32
    %broadcast_in_dim3A_23 = vector.broadcast %broadcast_in_dim3A_22 : f32 to vector<32x128xf32>
    %scan3A = arith.constant 0 : i32
    %scan3A_24 = arith.constant 128 : i32
    %scan3A_25 = arith.addi %scan3A, %scan3A_24 : i32
    %scan3A_26 = arith.constant 1 : i32
    %scan3A_27:5 = scf.for %scan3A_46 = %scan3A to %scan3A_25 step %scan3A_26 iter_args(%scan3A_47 = %broadcast_in_dim3A_15, %scan3A_48 = %broadcast_in_dim3A_17, %scan3A_49 = %broadcast_in_dim3A_19, %scan3A_50 = %broadcast_in_dim3A_21, %scan3A_51 = %broadcast_in_dim3A_23) -> (vector<32x8192xf32>, vector<32x1xi32>, vector<32x128xf32>, vector<32x128xf32>, vector<32x128xf32>)  : i32 {
      %eq3A = vector.broadcast %scan3A_48 : vector<32x1xi32> to vector<32x8192xi32>
      %eq3A_52 = arith.cmpi eq, %iota3A, %eq3A : vector<32x8192xi32>
      %jit3A = arith.constant 0.000000e+00 : f32
      %broadcast_in_dim3A_53 = vector.broadcast %jit3A : f32 to vector<32x8192xf32>
      %select_n3A = arith.select %eq3A_52, %get3A_3, %broadcast_in_dim3A_53 : vector<32x8192xi1>, vector<32x8192xf32>
      %reduce_sum3A = arith.constant dense<0.000000e+00> : vector<32xf32>
      %reduce_sum3A_54 = vector.multi_reduction <add>, %select_n3A, %reduce_sum3A [1] : vector<32x8192xf32> to vector<32xf32>
      %broadcast_in_dim3A_55 = vector.shape_cast %reduce_sum3A_54 : vector<32xf32> to vector<32x1xf32>
      %jit3A_56 = arith.constant 0.000000e+00 : f32
      %broadcast_in_dim3A_57 = vector.broadcast %jit3A_56 : f32 to vector<32x8192xf32>
      %select_n3A_58 = arith.select %eq3A_52, %get3A_8, %broadcast_in_dim3A_57 : vector<32x8192xi1>, vector<32x8192xf32>
      %reduce_sum3A_59 = arith.constant dense<0.000000e+00> : vector<32xf32>
      %reduce_sum3A_60 = vector.multi_reduction <add>, %select_n3A_58, %reduce_sum3A_59 [1] : vector<32x8192xf32> to vector<32xf32>
      %broadcast_in_dim3A_61 = vector.shape_cast %reduce_sum3A_60 : vector<32xf32> to vector<32x1xf32>
      %jit3A_62 = arith.constant 0.000000e+00 : f32
      %broadcast_in_dim3A_63 = vector.broadcast %jit3A_62 : f32 to vector<32x8192xf32>
      %select_n3A_64 = arith.select %eq3A_52, %get3A_13, %broadcast_in_dim3A_63 : vector<32x8192xi1>, vector<32x8192xf32>
      %reduce_sum3A_65 = arith.constant dense<0.000000e+00> : vector<32xf32>
      %reduce_sum3A_66 = vector.multi_reduction <add>, %select_n3A_64, %reduce_sum3A_65 [1] : vector<32x8192xf32> to vector<32xf32>
      %broadcast_in_dim3A_67 = vector.shape_cast %reduce_sum3A_66 : vector<32xf32> to vector<32x1xf32>
      %eq3A_68 = vector.broadcast %scan3A_46 : i32 to vector<32x128xi32>
      %eq3A_69 = arith.cmpi eq, %iota3A_14, %eq3A_68 : vector<32x128xi32>
      %broadcast_in_dim3A_70 = vector.shape_cast %broadcast_in_dim3A_55 : vector<32x1xf32> to vector<32x1xf32>
      %broadcast_in_dim3A_71 = vector.broadcast %broadcast_in_dim3A_70 : vector<32x1xf32> to vector<32x128xf32>
      %select_n3A_72 = arith.select %eq3A_69, %broadcast_in_dim3A_71, %scan3A_49 : vector<32x128xi1>, vector<32x128xf32>
      %broadcast_in_dim3A_73 = vector.shape_cast %broadcast_in_dim3A_61 : vector<32x1xf32> to vector<32x1xf32>
      %broadcast_in_dim3A_74 = vector.broadcast %broadcast_in_dim3A_73 : vector<32x1xf32> to vector<32x128xf32>
      %select_n3A_75 = arith.select %eq3A_69, %broadcast_in_dim3A_74, %scan3A_50 : vector<32x128xi1>, vector<32x128xf32>
      %broadcast_in_dim3A_76 = vector.shape_cast %broadcast_in_dim3A_67 : vector<32x1xf32> to vector<32x1xf32>
      %broadcast_in_dim3A_77 = vector.broadcast %broadcast_in_dim3A_76 : vector<32x1xf32> to vector<32x128xf32>
      %select_n3A_78 = arith.select %eq3A_69, %broadcast_in_dim3A_77, %scan3A_51 : vector<32x128xi1>, vector<32x128xf32>
      %sub3A = vector.broadcast %broadcast_in_dim3A_55 : vector<32x1xf32> to vector<32x8192xf32>
      %sub3A_79 = arith.subf %get3A_3, %sub3A : vector<32x8192xf32>
      %sub3A_80 = vector.broadcast %broadcast_in_dim3A_61 : vector<32x1xf32> to vector<32x8192xf32>
      %sub3A_81 = arith.subf %get3A_8, %sub3A_80 : vector<32x8192xf32>
      %sub3A_82 = vector.broadcast %broadcast_in_dim3A_67 : vector<32x1xf32> to vector<32x8192xf32>
      %sub3A_83 = arith.subf %get3A_13, %sub3A_82 : vector<32x8192xf32>
      %mul3A = arith.mulf %sub3A_79, %sub3A_79 : vector<32x8192xf32>
      %mul3A_84 = arith.mulf %sub3A_81, %sub3A_81 : vector<32x8192xf32>
      %add3A = arith.addf %mul3A, %mul3A_84 : vector<32x8192xf32>
      %mul3A_85 = arith.mulf %sub3A_83, %sub3A_83 : vector<32x8192xf32>
      %add3A_86 = arith.addf %add3A, %mul3A_85 : vector<32x8192xf32>
      %min3A = arith.minimumf %scan3A_47, %add3A_86 : vector<32x8192xf32>
      %reduce_max3A = arith.constant dense<0xFF800000> : vector<32xf32>
      %reduce_max3A_87 = vector.multi_reduction <maximumf>, %min3A, %reduce_max3A [1] : vector<32x8192xf32> to vector<32xf32>
      %broadcast_in_dim3A_88 = vector.shape_cast %reduce_max3A_87 : vector<32xf32> to vector<32x1xf32>
      %eq3A_89 = vector.broadcast %broadcast_in_dim3A_88 : vector<32x1xf32> to vector<32x8192xf32>
      %eq3A_90 = arith.cmpf oeq, %min3A, %eq3A_89 : vector<32x8192xf32>
      %jit3A_91 = arith.constant 8192 : i32
      %broadcast_in_dim3A_92 = vector.broadcast %jit3A_91 : i32 to vector<32x8192xi32>
      %select_n3A_93 = arith.select %eq3A_90, %iota3A, %broadcast_in_dim3A_92 : vector<32x8192xi1>, vector<32x8192xi32>
      %reduce_min3A = arith.constant dense<2147483647> : vector<32xi32>
      %reduce_min3A_94 = vector.multi_reduction <minsi>, %select_n3A_93, %reduce_min3A [1] : vector<32x8192xi32> to vector<32xi32>
      %broadcast_in_dim3A_95 = vector.shape_cast %reduce_min3A_94 : vector<32xi32> to vector<32x1xi32>
      scf.yield %min3A, %broadcast_in_dim3A_95, %select_n3A_72, %select_n3A_75, %select_n3A_78 : vector<32x8192xf32>, vector<32x1xi32>, vector<32x128xf32>, vector<32x128xf32>, vector<32x128xf32>
    }
    %scan3A_28 = arith.constant 128 : i32
    %swap3A = arith.constant 0 : index
    %swap3A_29 = arith.constant 0 : index
    %swap3A_30 = arith.constant 0 : index
    %swap3A_31 = vector.load %arg1[%swap3A, %swap3A_29, %swap3A_30] : memref<3x32x128xf32, #tpu.memory_space<vmem>>, vector<1x32x128xf32>
    %swap3A_32 = vector.shape_cast %swap3A_31 : vector<1x32x128xf32> to vector<32x128xf32>
    %swap3A_33 = vector.shape_cast %scan3A_27#2 : vector<32x128xf32> to vector<1x32x128xf32>
    tpu.vector_store %arg1[%swap3A, %swap3A_29, %swap3A_30], %swap3A_33 {strides = array<i32>} : memref<3x32x128xf32, #tpu.memory_space<vmem>>, vector<1x32x128xf32>,
    %swap3A_34 = arith.constant 1 : index
    %swap3A_35 = arith.constant 0 : index
    %swap3A_36 = arith.constant 0 : index
    %swap3A_37 = vector.load %arg1[%swap3A_34, %swap3A_35, %swap3A_36] : memref<3x32x128xf32, #tpu.memory_space<vmem>>, vector<1x32x128xf32>
    %swap3A_38 = vector.shape_cast %swap3A_37 : vector<1x32x128xf32> to vector<32x128xf32>
    %swap3A_39 = vector.shape_cast %scan3A_27#3 : vector<32x128xf32> to vector<1x32x128xf32>
    tpu.vector_store %arg1[%swap3A_34, %swap3A_35, %swap3A_36], %swap3A_39 {strides = array<i32>} : memref<3x32x128xf32, #tpu.memory_space<vmem>>, vector<1x32x128xf32>,
    %swap3A_40 = arith.constant 2 : index
    %swap3A_41 = arith.constant 0 : index
    %swap3A_42 = arith.constant 0 : index
    %swap3A_43 = vector.load %arg1[%swap3A_40, %swap3A_41, %swap3A_42] : memref<3x32x128xf32, #tpu.memory_space<vmem>>, vector<1x32x128xf32>
    %swap3A_44 = vector.shape_cast %swap3A_43 : vector<1x32x128xf32> to vector<32x128xf32>
    %swap3A_45 = vector.shape_cast %scan3A_27#4 : vector<32x128xf32> to vector<1x32x128xf32>
    tpu.vector_store %arg1[%swap3A_40, %swap3A_41, %swap3A_42], %swap3A_45 {strides = array<i32>} : memref<3x32x128xf32, #tpu.memory_space<vmem>>, vector<1x32x128xf32>,
    return
  }
}

module attributes {stable_mosaic.version = 14 : i64} {
  func.func @_k4b_body(%arg0: i32, %arg1: memref<1024x3xf32, #tpu.memory_space<vmem>>, %arg2: memref<32x144xf32, #tpu.memory_space<vmem>>, %arg3: memref<128x3xf32, #tpu.memory_space<vmem>>, %arg4: memref<128xf32, #tpu.memory_space<vmem>>, %arg5: memref<128xf32, #tpu.memory_space<vmem>>, %arg6: memref<128xf32, #tpu.memory_space<vmem>>, %arg7: memref<256x128xf32, #tpu.memory_space<vmem>>, %arg8: memref<256xf32, #tpu.memory_space<vmem>>, %arg9: memref<512x512xf32, #tpu.memory_space<vmem>>, %arg10: memref<512xf32, #tpu.memory_space<vmem>>, %arg11: memref<1024x512xbf16, #tpu.memory_space<vmem>>, %arg12: memref<2x512xf32, #tpu.memory_space<vmem>>, %arg13: memref<2x512xf32, #tpu.memory_space<vmem>>) attributes {dimension_semantics = [#tpu.dimension_semantics<arbitrary>], iteration_bounds = array<i64: 128>, scalar_prefetch = 0 : i64, scratch_operands = 1 : i64, tpu.core_type = #tpu.core_type<tc>, window_params = [{transform_indices = @transform_0, window_bounds = array<i64: 1024, 3>}, {pipeline_mode = #tpu.pipeline_mode<synchronous>, transform_indices = @transform_1, window_bounds = array<i64: 32, 144>}, {pipeline_mode = #tpu.pipeline_mode<synchronous>, transform_indices = @transform_2, window_bounds = array<i64: 128, 3>}, {pipeline_mode = #tpu.pipeline_mode<synchronous>, transform_indices = @transform_3, window_bounds = array<i64: 128>}, {pipeline_mode = #tpu.pipeline_mode<synchronous>, transform_indices = @transform_4, window_bounds = array<i64: 128>}, {pipeline_mode = #tpu.pipeline_mode<synchronous>, transform_indices = @transform_5, window_bounds = array<i64: 128>}, {pipeline_mode = #tpu.pipeline_mode<synchronous>, transform_indices = @transform_6, window_bounds = array<i64: 256, 128>}, {pipeline_mode = #tpu.pipeline_mode<synchronous>, transform_indices = @transform_7, window_bounds = array<i64: 256>}, {pipeline_mode = #tpu.pipeline_mode<synchronous>, transform_indices = @transform_8, window_bounds = array<i64: 512, 512>}, {pipeline_mode = #tpu.pipeline_mode<synchronous>, transform_indices = @transform_9, window_bounds = array<i64: 512>}, {transform_indices = @transform_10, window_bounds = array<i64: 1024, 512>}, {pipeline_mode = #tpu.pipeline_mode<synchronous>, transform_indices = @transform_11, window_bounds = array<i64: 2, 512>}]} {
    %eq3A = arith.constant 0 : i32
    %eq3A_0 = arith.cmpi eq, %arg0, %eq3A : i32
    %convert_element_type3A = arith.extui %eq3A_0 : i1 to i32
    %cond3A = arith.constant 0 : i32
    %cond3A_1 = arith.cmpi ne, %convert_element_type3A, %cond3A : i32
    scf.if %cond3A_1 {
      %broadcast_in_dim3A_204 = arith.constant 0.000000e+00 : f32
      %broadcast_in_dim3A_205 = vector.broadcast %broadcast_in_dim3A_204 : f32 to vector<2x512xf32>
      %swap3A_206 = arith.constant 0 : index
      %swap3A_207 = arith.constant 0 : index
      %swap3A_208 = vector.load %arg13[%swap3A_206, %swap3A_207] : memref<2x512xf32, #tpu.memory_space<vmem>>, vector<2x512xf32>
      tpu.vector_store %arg13[%swap3A_206, %swap3A_207], %broadcast_in_dim3A_205 {strides = array<i32>} : memref<2x512xf32, #tpu.memory_space<vmem>>, vector<2x512xf32>,
    } else {
    }
    %get3A = arith.constant 0 : index
    %get3A_2 = arith.constant 0 : index
    %get3A_3 = vector.load %arg2[%get3A, %get3A_2] : memref<32x144xf32, #tpu.memory_space<vmem>>, vector<32x144xf32>
    %slice3A = vector.extract_strided_slice %get3A_3 {offsets = [0, 0], sizes = [32, 16], strides = [1, 1]} : vector<32x144xf32> to vector<32x16xf32>
    %reduce_sum3A = vector.shape_cast %slice3A : vector<32x16xf32> to vector<1x32x16xf32>
    %reduce_sum3A_4 = arith.constant dense<0.000000e+00> : vector<1xf32>
    %reduce_sum3A_5 = vector.multi_reduction <add>, %reduce_sum3A, %reduce_sum3A_4 [1, 2] : vector<1x32x16xf32> to vector<1xf32>
    %reduce_sum3A_6 = vector.shape_cast %reduce_sum3A_5 : vector<1xf32> to vector<1x1x1xf32>
    %reduce_sum3A_7 = vector.extract %reduce_sum3A_6[0, 0, 0] : f32 from vector<1x1x1xf32>
    %slice3A_8 = vector.extract_strided_slice %get3A_3 {offsets = [0, 16], sizes = [32, 16], strides = [1, 1]} : vector<32x144xf32> to vector<32x16xf32>
    %reduce_sum3A_9 = vector.shape_cast %slice3A_8 : vector<32x16xf32> to vector<1x32x16xf32>
    %reduce_sum3A_10 = arith.constant dense<0.000000e+00> : vector<1xf32>
    %reduce_sum3A_11 = vector.multi_reduction <add>, %reduce_sum3A_9, %reduce_sum3A_10 [1, 2] : vector<1x32x16xf32> to vector<1xf32>
    %reduce_sum3A_12 = vector.shape_cast %reduce_sum3A_11 : vector<1xf32> to vector<1x1x1xf32>
    %reduce_sum3A_13 = vector.extract %reduce_sum3A_12[0, 0, 0] : f32 from vector<1x1x1xf32>
    %slice3A_14 = vector.extract_strided_slice %get3A_3 {offsets = [0, 32], sizes = [32, 16], strides = [1, 1]} : vector<32x144xf32> to vector<32x16xf32>
    %reduce_sum3A_15 = vector.shape_cast %slice3A_14 : vector<32x16xf32> to vector<1x32x16xf32>
    %reduce_sum3A_16 = arith.constant dense<0.000000e+00> : vector<1xf32>
    %reduce_sum3A_17 = vector.multi_reduction <add>, %reduce_sum3A_15, %reduce_sum3A_16 [1, 2] : vector<1x32x16xf32> to vector<1xf32>
    %reduce_sum3A_18 = vector.shape_cast %reduce_sum3A_17 : vector<1xf32> to vector<1x1x1xf32>
    %reduce_sum3A_19 = vector.extract %reduce_sum3A_18[0, 0, 0] : f32 from vector<1x1x1xf32>
    %slice3A_20 = vector.extract_strided_slice %get3A_3 {offsets = [0, 48], sizes = [32, 16], strides = [1, 1]} : vector<32x144xf32> to vector<32x16xf32>
    %reduce_sum3A_21 = vector.shape_cast %slice3A_20 : vector<32x16xf32> to vector<1x32x16xf32>
    %reduce_sum3A_22 = arith.constant dense<0.000000e+00> : vector<1xf32>
    %reduce_sum3A_23 = vector.multi_reduction <add>, %reduce_sum3A_21, %reduce_sum3A_22 [1, 2] : vector<1x32x16xf32> to vector<1xf32>
    %reduce_sum3A_24 = vector.shape_cast %reduce_sum3A_23 : vector<1xf32> to vector<1x1x1xf32>
    %reduce_sum3A_25 = vector.extract %reduce_sum3A_24[0, 0, 0] : f32 from vector<1x1x1xf32>
    %slice3A_26 = vector.extract_strided_slice %get3A_3 {offsets = [0, 64], sizes = [32, 16], strides = [1, 1]} : vector<32x144xf32> to vector<32x16xf32>
    %reduce_sum3A_27 = vector.shape_cast %slice3A_26 : vector<32x16xf32> to vector<1x32x16xf32>
    %reduce_sum3A_28 = arith.constant dense<0.000000e+00> : vector<1xf32>
    %reduce_sum3A_29 = vector.multi_reduction <add>, %reduce_sum3A_27, %reduce_sum3A_28 [1, 2] : vector<1x32x16xf32> to vector<1xf32>
    %reduce_sum3A_30 = vector.shape_cast %reduce_sum3A_29 : vector<1xf32> to vector<1x1x1xf32>
    %reduce_sum3A_31 = vector.extract %reduce_sum3A_30[0, 0, 0] : f32 from vector<1x1x1xf32>
    %slice3A_32 = vector.extract_strided_slice %get3A_3 {offsets = [0, 80], sizes = [32, 16], strides = [1, 1]} : vector<32x144xf32> to vector<32x16xf32>
    %reduce_sum3A_33 = vector.shape_cast %slice3A_32 : vector<32x16xf32> to vector<1x32x16xf32>
    %reduce_sum3A_34 = arith.constant dense<0.000000e+00> : vector<1xf32>
    %reduce_sum3A_35 = vector.multi_reduction <add>, %reduce_sum3A_33, %reduce_sum3A_34 [1, 2] : vector<1x32x16xf32> to vector<1xf32>
    %reduce_sum3A_36 = vector.shape_cast %reduce_sum3A_35 : vector<1xf32> to vector<1x1x1xf32>
    %reduce_sum3A_37 = vector.extract %reduce_sum3A_36[0, 0, 0] : f32 from vector<1x1x1xf32>
    %slice3A_38 = vector.extract_strided_slice %get3A_3 {offsets = [0, 96], sizes = [32, 16], strides = [1, 1]} : vector<32x144xf32> to vector<32x16xf32>
    %reduce_sum3A_39 = vector.shape_cast %slice3A_38 : vector<32x16xf32> to vector<1x32x16xf32>
    %reduce_sum3A_40 = arith.constant dense<0.000000e+00> : vector<1xf32>
    %reduce_sum3A_41 = vector.multi_reduction <add>, %reduce_sum3A_39, %reduce_sum3A_40 [1, 2] : vector<1x32x16xf32> to vector<1xf32>
    %reduce_sum3A_42 = vector.shape_cast %reduce_sum3A_41 : vector<1xf32> to vector<1x1x1xf32>
    %reduce_sum3A_43 = vector.extract %reduce_sum3A_42[0, 0, 0] : f32 from vector<1x1x1xf32>
    %slice3A_44 = vector.extract_strided_slice %get3A_3 {offsets = [0, 112], sizes = [32, 16], strides = [1, 1]} : vector<32x144xf32> to vector<32x16xf32>
    %reduce_sum3A_45 = vector.shape_cast %slice3A_44 : vector<32x16xf32> to vector<1x32x16xf32>
    %reduce_sum3A_46 = arith.constant dense<0.000000e+00> : vector<1xf32>
    %reduce_sum3A_47 = vector.multi_reduction <add>, %reduce_sum3A_45, %reduce_sum3A_46 [1, 2] : vector<1x32x16xf32> to vector<1xf32>
    %reduce_sum3A_48 = vector.shape_cast %reduce_sum3A_47 : vector<1xf32> to vector<1x1x1xf32>
    %reduce_sum3A_49 = vector.extract %reduce_sum3A_48[0, 0, 0] : f32 from vector<1x1x1xf32>
    %slice3A_50 = vector.extract_strided_slice %get3A_3 {offsets = [0, 128], sizes = [32, 16], strides = [1, 1]} : vector<32x144xf32> to vector<32x16xf32>
    %reduce_sum3A_51 = vector.shape_cast %slice3A_50 : vector<32x16xf32> to vector<1x32x16xf32>
    %reduce_sum3A_52 = arith.constant dense<0.000000e+00> : vector<1xf32>
    %reduce_sum3A_53 = vector.multi_reduction <add>, %reduce_sum3A_51, %reduce_sum3A_52 [1, 2] : vector<1x32x16xf32> to vector<1xf32>
    %reduce_sum3A_54 = vector.shape_cast %reduce_sum3A_53 : vector<1xf32> to vector<1x1x1xf32>
    %reduce_sum3A_55 = vector.extract %reduce_sum3A_54[0, 0, 0] : f32 from vector<1x1x1xf32>
    %div3A = arith.constant 1.310720e+05 : f32
    %div3A_56 = arith.divf %reduce_sum3A_7, %div3A : f32
    %div3A_57 = arith.constant 1.310720e+05 : f32
    %div3A_58 = arith.divf %reduce_sum3A_13, %div3A_57 : f32
    %div3A_59 = arith.constant 1.310720e+05 : f32
    %div3A_60 = arith.divf %reduce_sum3A_19, %div3A_59 : f32
    %div3A_61 = arith.constant 1.310720e+05 : f32
    %div3A_62 = arith.divf %reduce_sum3A_25, %div3A_61 : f32
    %div3A_63 = arith.constant 1.310720e+05 : f32
    %div3A_64 = arith.divf %reduce_sum3A_31, %div3A_63 : f32
    %div3A_65 = arith.constant 1.310720e+05 : f32
    %div3A_66 = arith.divf %reduce_sum3A_37, %div3A_65 : f32
    %div3A_67 = arith.constant 1.310720e+05 : f32
    %div3A_68 = arith.divf %reduce_sum3A_43, %div3A_67 : f32
    %div3A_69 = arith.constant 1.310720e+05 : f32
    %div3A_70 = arith.divf %reduce_sum3A_49, %div3A_69 : f32
    %div3A_71 = arith.constant 1.310720e+05 : f32
    %div3A_72 = arith.divf %reduce_sum3A_55, %div3A_71 : f32
    %get3A_73 = arith.constant 0 : index
    %get3A_74 = arith.constant 0 : index
    %get3A_75 = vector.load %arg3[%get3A_73, %get3A_74] : memref<128x3xf32, #tpu.memory_space<vmem>>, vector<128x3xf32>
    %slice3A_76 = vector.extract_strided_slice %get3A_75 {offsets = [0, 0], sizes = [128, 1], strides = [1, 1]} : vector<128x3xf32> to vector<128x1xf32>
    %squeeze3A = vector.shape_cast %slice3A_76 : vector<128x1xf32> to vector<128xf32>
    %slice3A_77 = vector.extract_strided_slice %get3A_75 {offsets = [0, 1], sizes = [128, 1], strides = [1, 1]} : vector<128x3xf32> to vector<128x1xf32>
    %squeeze3A_78 = vector.shape_cast %slice3A_77 : vector<128x1xf32> to vector<128xf32>
    %slice3A_79 = vector.extract_strided_slice %get3A_75 {offsets = [0, 2], sizes = [128, 1], strides = [1, 1]} : vector<128x3xf32> to vector<128x1xf32>
    %squeeze3A_80 = vector.shape_cast %slice3A_79 : vector<128x1xf32> to vector<128xf32>
    %mul3A = vector.broadcast %div3A_56 : f32 to vector<128xf32>
    %mul3A_81 = arith.mulf %squeeze3A, %mul3A : vector<128xf32>
    %mul3A_82 = vector.broadcast %div3A_58 : f32 to vector<128xf32>
    %mul3A_83 = arith.mulf %squeeze3A_78, %mul3A_82 : vector<128xf32>
    %add3A = arith.addf %mul3A_81, %mul3A_83 : vector<128xf32>
    %mul3A_84 = vector.broadcast %div3A_60 : f32 to vector<128xf32>
    %mul3A_85 = arith.mulf %squeeze3A_80, %mul3A_84 : vector<128xf32>
    %add3A_86 = arith.addf %add3A, %mul3A_85 : vector<128xf32>
    %mul3A_87 = arith.mulf %squeeze3A, %squeeze3A : vector<128xf32>
    %mul3A_88 = vector.broadcast %div3A_62 : f32 to vector<128xf32>
    %mul3A_89 = arith.mulf %mul3A_87, %mul3A_88 : vector<128xf32>
    %mul3A_90 = arith.mulf %squeeze3A_78, %squeeze3A_78 : vector<128xf32>
    %mul3A_91 = vector.broadcast %div3A_64 : f32 to vector<128xf32>
    %mul3A_92 = arith.mulf %mul3A_90, %mul3A_91 : vector<128xf32>
    %add3A_93 = arith.addf %mul3A_89, %mul3A_92 : vector<128xf32>
    %mul3A_94 = arith.mulf %squeeze3A_80, %squeeze3A_80 : vector<128xf32>
    %mul3A_95 = vector.broadcast %div3A_66 : f32 to vector<128xf32>
    %mul3A_96 = arith.mulf %mul3A_94, %mul3A_95 : vector<128xf32>
    %add3A_97 = arith.addf %add3A_93, %mul3A_96 : vector<128xf32>
    %mul3A_98 = arith.mulf %squeeze3A, %squeeze3A_78 : vector<128xf32>
    %mul3A_99 = vector.broadcast %div3A_68 : f32 to vector<128xf32>
    %mul3A_100 = arith.mulf %mul3A_98, %mul3A_99 : vector<128xf32>
    %mul3A_101 = arith.mulf %squeeze3A, %squeeze3A_80 : vector<128xf32>
    %mul3A_102 = vector.broadcast %div3A_70 : f32 to vector<128xf32>
    %mul3A_103 = arith.mulf %mul3A_101, %mul3A_102 : vector<128xf32>
    %add3A_104 = arith.addf %mul3A_100, %mul3A_103 : vector<128xf32>
    %mul3A_105 = arith.mulf %squeeze3A_78, %squeeze3A_80 : vector<128xf32>
    %mul3A_106 = vector.broadcast %div3A_72 : f32 to vector<128xf32>
    %mul3A_107 = arith.mulf %mul3A_105, %mul3A_106 : vector<128xf32>
    %add3A_108 = arith.addf %add3A_104, %mul3A_107 : vector<128xf32>
    %mul3A_109 = arith.constant 2.000000e+00 : f32
    %mul3A_110 = vector.broadcast %mul3A_109 : f32 to vector<128xf32>
    %mul3A_111 = arith.mulf %mul3A_110, %add3A_108 : vector<128xf32>
    %add3A_112 = arith.addf %add3A_97, %mul3A_111 : vector<128xf32>
    %mul3A_113 = arith.mulf %add3A_86, %add3A_86 : vector<128xf32>
    %sub3A = arith.subf %add3A_112, %mul3A_113 : vector<128xf32>
    %get3A_114 = arith.constant 0 : index
    %get3A_115 = vector.load %arg4[%get3A_114] : memref<128xf32, #tpu.memory_space<vmem>>, vector<128xf32>
    %add3A_116 = arith.addf %add3A_86, %get3A_115 : vector<128xf32>
    %get3A_117 = arith.constant 0 : index
    %get3A_118 = vector.load %arg5[%get3A_117] : memref<128xf32, #tpu.memory_space<vmem>>, vector<128xf32>
    %add3A_119 = arith.constant 9.99999974E-6 : f32
    %add3A_120 = vector.broadcast %add3A_119 : f32 to vector<128xf32>
    %add3A_121 = arith.addf %sub3A, %add3A_120 : vector<128xf32>
    %sqrt3A = math.sqrt %add3A_121 : vector<128xf32>
    %div3A_122 = arith.divf %get3A_118, %sqrt3A : vector<128xf32>
    %get3A_123 = arith.constant 0 : index
    %get3A_124 = vector.load %arg6[%get3A_123] : memref<128xf32, #tpu.memory_space<vmem>>, vector<128xf32>
    %mul3A_125 = arith.mulf %add3A_116, %div3A_122 : vector<128xf32>
    %sub3A_126 = arith.subf %get3A_124, %mul3A_125 : vector<128xf32>
    %get3A_127 = arith.constant 0 : index
    %get3A_128 = arith.constant 0 : index
    %get3A_129 = vector.load %arg1[%get3A_127, %get3A_128] : memref<1024x3xf32, #tpu.memory_space<vmem>>, vector<1024x3xf32>
    %dot_general3A = arith.constant dense<0.000000e+00> : vector<1024x128xf32>
    %dot_general3A_130 = tpu.matmul %get3A_129, %get3A_75, %dot_general3A {dimension_numbers = #tpu.dot_dimension_numbers<[1], [1], [0], [0], [0, 0, 1, 0], [], []>, transpose_lhs_hint = false} : vector<1024x3xf32>, vector<128x3xf32>, vector<1024x128xf32> -> vector<1024x128xf32>
    %get3A_131 = arith.constant 0 : index
    %get3A_132 = vector.load %arg4[%get3A_131] : memref<128xf32, #tpu.memory_space<vmem>>, vector<128xf32>
    %broadcast_in_dim3A = vector.shape_cast %get3A_132 : vector<128xf32> to vector<1x128xf32>
    %add3A_133 = vector.broadcast %broadcast_in_dim3A : vector<1x128xf32> to vector<1024x128xf32>
    %add3A_134 = arith.addf %dot_general3A_130, %add3A_133 : vector<1024x128xf32>
    %broadcast_in_dim3A_135 = vector.shape_cast %div3A_122 : vector<128xf32> to vector<1x128xf32>
    %mul3A_136 = vector.broadcast %broadcast_in_dim3A_135 : vector<1x128xf32> to vector<1024x128xf32>
    %mul3A_137 = arith.mulf %add3A_134, %mul3A_136 : vector<1024x128xf32>
    %broadcast_in_dim3A_138 = vector.shape_cast %sub3A_126 : vector<128xf32> to vector<1x128xf32>
    %add3A_139 = vector.broadcast %broadcast_in_dim3A_138 : vector<1x128xf32> to vector<1024x128xf32>
    %add3A_140 = arith.addf %mul3A_137, %add3A_139 : vector<1024x128xf32>
    %max3A = arith.constant 0.000000e+00 : f32
    %max3A_141 = vector.broadcast %max3A : f32 to vector<1024x128xf32>
    %max3A_142 = arith.maximumf %add3A_140, %max3A_141 : vector<1024x128xf32>
    %get3A_143 = arith.constant 0 : index
    %get3A_144 = arith.constant 0 : index
    %get3A_145 = vector.load %arg7[%get3A_143, %get3A_144] : memref<256x128xf32, #tpu.memory_space<vmem>>, vector<256x128xf32>
    %dot_general3A_146 = arith.constant dense<0.000000e+00> : vector<1024x256xf32>
    %dot_general3A_147 = tpu.matmul %max3A_142, %get3A_145, %dot_general3A_146 {dimension_numbers = #tpu.dot_dimension_numbers<[1], [1], [0], [0], [0, 0, 1, 0], [], []>, transpose_lhs_hint = false} : vector<1024x128xf32>, vector<256x128xf32>, vector<1024x256xf32> -> vector<1024x256xf32>
    %get3A_148 = arith.constant 0 : index
    %get3A_149 = vector.load %arg8[%get3A_148] : memref<256xf32, #tpu.memory_space<vmem>>, vector<256xf32>
    %broadcast_in_dim3A_150 = vector.shape_cast %get3A_149 : vector<256xf32> to vector<1x256xf32>
    %add3A_151 = vector.broadcast %broadcast_in_dim3A_150 : vector<1x256xf32> to vector<1024x256xf32>
    %add3A_152 = arith.addf %dot_general3A_147, %add3A_151 : vector<1024x256xf32>
    %reshape3A = vector.shape_cast %add3A_152 : vector<1024x256xf32> to vector<32x32x256xf32>
    %reduce_max3A = arith.constant dense<0xFF800000> : vector<32x256xf32>
    %reduce_max3A_153 = vector.multi_reduction <maximumf>, %reshape3A, %reduce_max3A [1] : vector<32x32x256xf32> to vector<32x256xf32>
    %broadcast_in_dim3A_154 = vector.shape_cast %reduce_max3A_153 : vector<32x256xf32> to vector<32x1x256xf32>
    %broadcast_in_dim3A_155 = vector.shape_cast %broadcast_in_dim3A_154 : vector<32x1x256xf32> to vector<32x1x256xf32>
    %broadcast_in_dim3A_156 = vector.broadcast %broadcast_in_dim3A_155 : vector<32x1x256xf32> to vector<32x32x256xf32>
    %concatenate3A = tpu.concatenate %broadcast_in_dim3A_156, %reshape3A in 2 : vector<32x32x256xf32>, vector<32x32x256xf32> -> vector<32x32x512xf32>
    %reshape3A_157 = vector.shape_cast %concatenate3A : vector<32x32x512xf32> to vector<1024x512xf32>
    %convert_element_type3A_158 = arith.truncf %reshape3A_157 : vector<1024x512xf32> to vector<1024x512xbf16>
    %get3A_159 = arith.constant 0 : index
    %get3A_160 = arith.constant 0 : index
    %get3A_161 = vector.load %arg9[%get3A_159, %get3A_160] : memref<512x512xf32, #tpu.memory_space<vmem>>, vector<512x512xf32>
    %convert_element_type3A_162 = arith.truncf %get3A_161 : vector<512x512xf32> to vector<512x512xbf16>
    %dot_general3A_163 = arith.constant dense<0.000000e+00> : vector<1024x512xf32>
    %dot_general3A_164 = tpu.matmul %convert_element_type3A_158, %convert_element_type3A_162, %dot_general3A_163 {dimension_numbers = #tpu.dot_dimension_numbers<[1], [1], [0], [0], [0, 0, 1, 0], [], []>, transpose_lhs_hint = false} : vector<1024x512xbf16>, vector<512x512xbf16>, vector<1024x512xf32> -> vector<1024x512xf32>
    %get3A_165 = arith.constant 0 : index
    %get3A_166 = vector.load %arg10[%get3A_165] : memref<512xf32, #tpu.memory_space<vmem>>, vector<512xf32>
    %broadcast_in_dim3A_167 = vector.shape_cast %get3A_166 : vector<512xf32> to vector<1x512xf32>
    %add3A_168 = vector.broadcast %broadcast_in_dim3A_167 : vector<1x512xf32> to vector<1024x512xf32>
    %add3A_169 = arith.addf %dot_general3A_164, %add3A_168 : vector<1024x512xf32>
    %convert_element_type3A_170 = arith.truncf %add3A_169 : vector<1024x512xf32> to vector<1024x512xbf16>
    %swap3A = arith.constant 0 : index
    %swap3A_171 = arith.constant 0 : index
    %swap3A_172 = vector.load %arg11[%swap3A, %swap3A_171] : memref<1024x512xbf16, #tpu.memory_space<vmem>>, vector<1024x512xbf16>
    tpu.vector_store %arg11[%swap3A, %swap3A_171], %convert_element_type3A_170 {strides = array<i32>} : memref<1024x512xbf16, #tpu.memory_space<vmem>>, vector<1024x512xbf16>,
    %get3A_173 = arith.constant 0 : index
    %get3A_174 = arith.constant 0 : index
    %get3A_175 = vector.load %arg13[%get3A_173, %get3A_174] : memref<2x512xf32, #tpu.memory_space<vmem>>, vector<1x512xf32>
    %get3A_176 = vector.shape_cast %get3A_175 : vector<1x512xf32> to vector<512xf32>
    %reduce_sum3A_177 = arith.constant dense<0.000000e+00> : vector<512xf32>
    %reduce_sum3A_178 = vector.multi_reduction <add>, %add3A_169, %reduce_sum3A_177 [0] : vector<1024x512xf32> to vector<512xf32>
    %add3A_179 = arith.addf %get3A_176, %reduce_sum3A_178 : vector<512xf32>
    %swap3A_180 = arith.constant 0 : index
    %swap3A_181 = arith.constant 0 : index
    %swap3A_182 = vector.load %arg13[%swap3A_180, %swap3A_181] : memref<2x512xf32, #tpu.memory_space<vmem>>, vector<1x512xf32>
    %swap3A_183 = vector.shape_cast %swap3A_182 : vector<1x512xf32> to vector<512xf32>
    %swap3A_184 = vector.shape_cast %add3A_179 : vector<512xf32> to vector<1x512xf32>
    tpu.vector_store %arg13[%swap3A_180, %swap3A_181], %swap3A_184 {strides = array<i32>} : memref<2x512xf32, #tpu.memory_space<vmem>>, vector<1x512xf32>,
    %get3A_185 = arith.constant 1 : index
    %get3A_186 = arith.constant 0 : index
    %get3A_187 = vector.load %arg13[%get3A_185, %get3A_186] : memref<2x512xf32, #tpu.memory_space<vmem>>, vector<1x512xf32>
    %get3A_188 = vector.shape_cast %get3A_187 : vector<1x512xf32> to vector<512xf32>
    %mul3A_189 = arith.mulf %add3A_169, %add3A_169 : vector<1024x512xf32>
    %reduce_sum3A_190 = arith.constant dense<0.000000e+00> : vector<512xf32>
    %reduce_sum3A_191 = vector.multi_reduction <add>, %mul3A_189, %reduce_sum3A_190 [0] : vector<1024x512xf32> to vector<512xf32>
    %add3A_192 = arith.addf %get3A_188, %reduce_sum3A_191 : vector<512xf32>
    %swap3A_193 = arith.constant 1 : index
    %swap3A_194 = arith.constant 0 : index
    %swap3A_195 = vector.load %arg13[%swap3A_193, %swap3A_194] : memref<2x512xf32, #tpu.memory_space<vmem>>, vector<1x512xf32>
    %swap3A_196 = vector.shape_cast %swap3A_195 : vector<1x512xf32> to vector<512xf32>
    %swap3A_197 = vector.shape_cast %add3A_192 : vector<512xf32> to vector<1x512xf32>
    tpu.vector_store %arg13[%swap3A_193, %swap3A_194], %swap3A_197 {strides = array<i32>} : memref<2x512xf32, #tpu.memory_space<vmem>>, vector<1x512xf32>,
    %get3A_198 = arith.constant 0 : index
    %get3A_199 = arith.constant 0 : index
    %get3A_200 = vector.load %arg13[%get3A_198, %get3A_199] : memref<2x512xf32, #tpu.memory_space<vmem>>, vector<2x512xf32>
    %swap3A_201 = arith.constant 0 : index
    %swap3A_202 = arith.constant 0 : index
    %swap3A_203 = vector.load %arg12[%swap3A_201, %swap3A_202] : memref<2x512xf32, #tpu.memory_space<vmem>>, vector<2x512xf32>
    tpu.vector_store %arg12[%swap3A_201, %swap3A_202], %get3A_200 {strides = array<i32>} : memref<2x512xf32, #tpu.memory_space<vmem>>, vector<2x512xf32>,
    return
  }
  func.func @transform_0(%arg0: i32) -> (i32, i32) {
    %c0_i32 = arith.constant 0 : i32
    %c0_i32_0 = arith.constant 0 : i32
    return %arg0, %c0_i32 : i32, i32
  }
  func.func @transform_1(%arg0: i32) -> (i32, i32) {
    %c0_i32 = arith.constant 0 : i32
    %c0_i32_0 = arith.constant 0 : i32
    %c0_i32_1 = arith.constant 0 : i32
    return %c0_i32, %c0_i32_0 : i32, i32
  }
  func.func @transform_2(%arg0: i32) -> (i32, i32) {
    %c0_i32 = arith.constant 0 : i32
    %c0_i32_0 = arith.constant 0 : i32
    %c0_i32_1 = arith.constant 0 : i32
    return %c0_i32, %c0_i32_0 : i32, i32
  }
  func.func @transform_3(%arg0: i32) -> i32 {
    %c0_i32 = arith.constant 0 : i32
    %c0_i32_0 = arith.constant 0 : i32
    return %c0_i32 : i32
  }
  func.func @transform_4(%arg0: i32) -> i32 {
    %c0_i32 = arith.constant 0 : i32
    %c0_i32_0 = arith.constant 0 : i32
    return %c0_i32 : i32
  }
  func.func @transform_5(%arg0: i32) -> i32 {
    %c0_i32 = arith.constant 0 : i32
    %c0_i32_0 = arith.constant 0 : i32
    return %c0_i32 : i32
  }
  func.func @transform_6(%arg0: i32) -> (i32, i32) {
    %c0_i32 = arith.constant 0 : i32
    %c0_i32_0 = arith.constant 0 : i32
    %c0_i32_1 = arith.constant 0 : i32
    return %c0_i32, %c0_i32_0 : i32, i32
  }
  func.func @transform_7(%arg0: i32) -> i32 {
    %c0_i32 = arith.constant 0 : i32
    %c0_i32_0 = arith.constant 0 : i32
    return %c0_i32 : i32
  }
  func.func @transform_8(%arg0: i32) -> (i32, i32) {
    %c0_i32 = arith.constant 0 : i32
    %c0_i32_0 = arith.constant 0 : i32
    %c0_i32_1 = arith.constant 0 : i32
    return %c0_i32, %c0_i32_0 : i32, i32
  }
  func.func @transform_9(%arg0: i32) -> i32 {
    %c0_i32 = arith.constant 0 : i32
    %c0_i32_0 = arith.constant 0 : i32
    return %c0_i32 : i32
  }
  func.func @transform_10(%arg0: i32) -> (i32, i32) {
    %c0_i32 = arith.constant 0 : i32
    %c0_i32_0 = arith.constant 0 : i32
    return %arg0, %c0_i32 : i32, i32
  }
  func.func @transform_11(%arg0: i32) -> (i32, i32) {
    %c0_i32 = arith.constant 0 : i32
    %c0_i32_0 = arith.constant 0 : i32
    %c0_i32_1 = arith.constant 0 : i32
    return %c0_i32, %c0_i32_0 : i32, i32
  }
}

module attributes {stable_mosaic.version = 14 : i64} {
  func.func @_k4c_body(%arg0: i32, %arg1: memref<1024x512xbf16, #tpu.memory_space<vmem>>, %arg2: memref<2x512xf32, #tpu.memory_space<vmem>>, %arg3: memref<512xf32, #tpu.memory_space<vmem>>, %arg4: memref<512xf32, #tpu.memory_space<vmem>>, %arg5: memref<384x512xf32, #tpu.memory_space<vmem>>, %arg6: memref<384xf32, #tpu.memory_space<vmem>>, %arg7: memref<32x384xf32, #tpu.memory_space<vmem>>) attributes {dimension_semantics = [#tpu.dimension_semantics<arbitrary>], iteration_bounds = array<i64: 128>, scalar_prefetch = 0 : i64, scratch_operands = 0 : i64, tpu.core_type = #tpu.core_type<tc>, window_params = [{transform_indices = @transform_0, window_bounds = array<i64: 1024, 512>}, {pipeline_mode = #tpu.pipeline_mode<synchronous>, transform_indices = @transform_1, window_bounds = array<i64: 2, 512>}, {pipeline_mode = #tpu.pipeline_mode<synchronous>, transform_indices = @transform_2, window_bounds = array<i64: 512>}, {pipeline_mode = #tpu.pipeline_mode<synchronous>, transform_indices = @transform_3, window_bounds = array<i64: 512>}, {pipeline_mode = #tpu.pipeline_mode<synchronous>, transform_indices = @transform_4, window_bounds = array<i64: 384, 512>}, {pipeline_mode = #tpu.pipeline_mode<synchronous>, transform_indices = @transform_5, window_bounds = array<i64: 384>}, {transform_indices = @transform_6, window_bounds = array<i64: 32, 384>}]} {
    %get3A = arith.constant 0 : index
    %get3A_0 = arith.constant 0 : index
    %get3A_1 = vector.load %arg2[%get3A, %get3A_0] : memref<2x512xf32, #tpu.memory_space<vmem>>, vector<1x512xf32>
    %get3A_2 = vector.shape_cast %get3A_1 : vector<1x512xf32> to vector<512xf32>
    %div3A = arith.constant 1.310720e+05 : f32
    %div3A_3 = vector.broadcast %div3A : f32 to vector<512xf32>
    %div3A_4 = arith.divf %get3A_2, %div3A_3 : vector<512xf32>
    %get3A_5 = arith.constant 1 : index
    %get3A_6 = arith.constant 0 : index
    %get3A_7 = vector.load %arg2[%get3A_5, %get3A_6] : memref<2x512xf32, #tpu.memory_space<vmem>>, vector<1x512xf32>
    %get3A_8 = vector.shape_cast %get3A_7 : vector<1x512xf32> to vector<512xf32>
    %div3A_9 = arith.constant 1.310720e+05 : f32
    %div3A_10 = vector.broadcast %div3A_9 : f32 to vector<512xf32>
    %div3A_11 = arith.divf %get3A_8, %div3A_10 : vector<512xf32>
    %mul3A = arith.mulf %div3A_4, %div3A_4 : vector<512xf32>
    %sub3A = arith.subf %div3A_11, %mul3A : vector<512xf32>
    %get3A_12 = arith.constant 0 : index
    %get3A_13 = vector.load %arg3[%get3A_12] : memref<512xf32, #tpu.memory_space<vmem>>, vector<512xf32>
    %add3A = arith.constant 9.99999974E-6 : f32
    %add3A_14 = vector.broadcast %add3A : f32 to vector<512xf32>
    %add3A_15 = arith.addf %sub3A, %add3A_14 : vector<512xf32>
    %sqrt3A = math.sqrt %add3A_15 : vector<512xf32>
    %div3A_16 = arith.divf %get3A_13, %sqrt3A : vector<512xf32>
    %get3A_17 = arith.constant 0 : index
    %get3A_18 = vector.load %arg4[%get3A_17] : memref<512xf32, #tpu.memory_space<vmem>>, vector<512xf32>
    %mul3A_19 = arith.mulf %div3A_4, %div3A_16 : vector<512xf32>
    %sub3A_20 = arith.subf %get3A_18, %mul3A_19 : vector<512xf32>
    %get3A_21 = arith.constant 0 : index
    %get3A_22 = arith.constant 0 : index
    %get3A_23 = vector.load %arg1[%get3A_21, %get3A_22] : memref<1024x512xbf16, #tpu.memory_space<vmem>>, vector<1024x512xbf16>
    %convert_element_type3A = arith.extf %get3A_23 : vector<1024x512xbf16> to vector<1024x512xf32>
    %broadcast_in_dim3A = vector.shape_cast %div3A_16 : vector<512xf32> to vector<1x512xf32>
    %mul3A_24 = vector.broadcast %broadcast_in_dim3A : vector<1x512xf32> to vector<1024x512xf32>
    %mul3A_25 = arith.mulf %convert_element_type3A, %mul3A_24 : vector<1024x512xf32>
    %broadcast_in_dim3A_26 = vector.shape_cast %sub3A_20 : vector<512xf32> to vector<1x512xf32>
    %add3A_27 = vector.broadcast %broadcast_in_dim3A_26 : vector<1x512xf32> to vector<1024x512xf32>
    %add3A_28 = arith.addf %mul3A_25, %add3A_27 : vector<1024x512xf32>
    %max3A = arith.constant 0.000000e+00 : f32
    %max3A_29 = vector.broadcast %max3A : f32 to vector<1024x512xf32>
    %max3A_30 = arith.maximumf %add3A_28, %max3A_29 : vector<1024x512xf32>
    %convert_element_type3A_31 = arith.truncf %max3A_30 : vector<1024x512xf32> to vector<1024x512xbf16>
    %get3A_32 = arith.constant 0 : index
    %get3A_33 = arith.constant 0 : index
    %get3A_34 = vector.load %arg5[%get3A_32, %get3A_33] : memref<384x512xf32, #tpu.memory_space<vmem>>, vector<384x512xf32>
    %convert_element_type3A_35 = arith.truncf %get3A_34 : vector<384x512xf32> to vector<384x512xbf16>
    %dot_general3A = arith.constant dense<0.000000e+00> : vector<1024x384xf32>
    %dot_general3A_36 = tpu.matmul %convert_element_type3A_31, %convert_element_type3A_35, %dot_general3A {dimension_numbers = #tpu.dot_dimension_numbers<[1], [1], [0], [0], [0, 0, 1, 0], [], []>, transpose_lhs_hint = false} : vector<1024x512xbf16>, vector<384x512xbf16>, vector<1024x384xf32> -> vector<1024x384xf32>
    %get3A_37 = arith.constant 0 : index
    %get3A_38 = vector.load %arg6[%get3A_37] : memref<384xf32, #tpu.memory_space<vmem>>, vector<384xf32>
    %broadcast_in_dim3A_39 = vector.shape_cast %get3A_38 : vector<384xf32> to vector<1x384xf32>
    %add3A_40 = vector.broadcast %broadcast_in_dim3A_39 : vector<1x384xf32> to vector<1024x384xf32>
    %add3A_41 = arith.addf %dot_general3A_36, %add3A_40 : vector<1024x384xf32>
    %reshape3A = vector.shape_cast %add3A_41 : vector<1024x384xf32> to vector<32x32x384xf32>
    %reduce_max3A = arith.constant dense<0xFF800000> : vector<32x384xf32>
    %reduce_max3A_42 = vector.multi_reduction <maximumf>, %reshape3A, %reduce_max3A [1] : vector<32x32x384xf32> to vector<32x384xf32>
    %swap3A = arith.constant 0 : index
    %swap3A_43 = arith.constant 0 : index
    %swap3A_44 = vector.load %arg7[%swap3A, %swap3A_43] : memref<32x384xf32, #tpu.memory_space<vmem>>, vector<32x384xf32>
    tpu.vector_store %arg7[%swap3A, %swap3A_43], %reduce_max3A_42 {strides = array<i32>} : memref<32x384xf32, #tpu.memory_space<vmem>>, vector<32x384xf32>,
    return
  }
  func.func @transform_0(%arg0: i32) -> (i32, i32) {
    %c0_i32 = arith.constant 0 : i32
    %c0_i32_0 = arith.constant 0 : i32
    return %arg0, %c0_i32 : i32, i32
  }
  func.func @transform_1(%arg0: i32) -> (i32, i32) {
    %c0_i32 = arith.constant 0 : i32
    %c0_i32_0 = arith.constant 0 : i32
    %c0_i32_1 = arith.constant 0 : i32
    return %c0_i32, %c0_i32_0 : i32, i32
  }
  func.func @transform_2(%arg0: i32) -> i32 {
    %c0_i32 = arith.constant 0 : i32
    %c0_i32_0 = arith.constant 0 : i32
    return %c0_i32 : i32
  }
  func.func @transform_3(%arg0: i32) -> i32 {
    %c0_i32 = arith.constant 0 : i32
    %c0_i32_0 = arith.constant 0 : i32
    return %c0_i32 : i32
  }
  func.func @transform_4(%arg0: i32) -> (i32, i32) {
    %c0_i32 = arith.constant 0 : i32
    %c0_i32_0 = arith.constant 0 : i32
    %c0_i32_1 = arith.constant 0 : i32
    return %c0_i32, %c0_i32_0 : i32, i32
  }
  func.func @transform_5(%arg0: i32) -> i32 {
    %c0_i32 = arith.constant 0 : i32
    %c0_i32_0 = arith.constant 0 : i32
    return %c0_i32 : i32
  }
  func.func @transform_6(%arg0: i32) -> (i32, i32) {
    %c0_i32 = arith.constant 0 : i32
    %c0_i32_0 = arith.constant 0 : i32
    return %arg0, %c0_i32 : i32, i32
  }
}

module attributes {stable_mosaic.version = 14 : i64} {
  func.func @_k5_body(%arg0: i32, %arg1: memref<1x128x384xf32, #tpu.memory_space<vmem>>, %arg2: memref<3x1x1x128xf32, #tpu.memory_space<vmem>>, %arg3: memref<128x3xf32, #tpu.memory_space<vmem>>, %arg4: memref<128xf32, #tpu.memory_space<vmem>>, %arg5: memref<384x128xf32, #tpu.memory_space<vmem>>, %arg6: memref<384xf32, #tpu.memory_space<vmem>>, %arg7: memref<384xf32, #tpu.memory_space<vmem>>, %arg8: memref<384xf32, #tpu.memory_space<vmem>>, %arg9: memref<384xf32, #tpu.memory_space<vmem>>, %arg10: memref<384xf32, #tpu.memory_space<vmem>>, %arg11: memref<1x1x384xf32, #tpu.memory_space<vmem>>, %arg12: memref<1x1x384xf32, #tpu.memory_space<vmem>>, %arg13: memref<1x1x768xf32, #tpu.memory_space<vmem>>) attributes {dimension_semantics = [#tpu.dimension_semantics<arbitrary>], iteration_bounds = array<i64: 32>, scalar_prefetch = 0 : i64, scratch_operands = 0 : i64, tpu.core_type = #tpu.core_type<tc>, window_params = [{transform_indices = @transform_0, window_bounds = array<i64: 1, 128, 384>}, {transform_indices = @transform_1, window_bounds = array<i64: 3, 1, 1, 128>}, {pipeline_mode = #tpu.pipeline_mode<synchronous>, transform_indices = @transform_2, window_bounds = array<i64: 128, 3>}, {pipeline_mode = #tpu.pipeline_mode<synchronous>, transform_indices = @transform_3, window_bounds = array<i64: 128>}, {pipeline_mode = #tpu.pipeline_mode<synchronous>, transform_indices = @transform_4, window_bounds = array<i64: 384, 128>}, {pipeline_mode = #tpu.pipeline_mode<synchronous>, transform_indices = @transform_5, window_bounds = array<i64: 384>}, {pipeline_mode = #tpu.pipeline_mode<synchronous>, transform_indices = @transform_6, window_bounds = array<i64: 384>}, {pipeline_mode = #tpu.pipeline_mode<synchronous>, transform_indices = @transform_7, window_bounds = array<i64: 384>}, {pipeline_mode = #tpu.pipeline_mode<synchronous>, transform_indices = @transform_8, window_bounds = array<i64: 384>}, {pipeline_mode = #tpu.pipeline_mode<synchronous>, transform_indices = @transform_9, window_bounds = array<i64: 384>}, {pipeline_mode = #tpu.pipeline_mode<synchronous>, transform_indices = @transform_10, window_bounds = array<i64: 1, 1, 384>}, {pipeline_mode = #tpu.pipeline_mode<synchronous>, transform_indices = @transform_11, window_bounds = array<i64: 1, 1, 384>}, {transform_indices = @transform_12, window_bounds = array<i64: 1, 1, 768>}]} {
    %get3A = arith.constant 0 : index
    %get3A_0 = arith.constant 0 : index
    %get3A_1 = arith.constant 0 : index
    %get3A_2 = arith.constant 0 : index
    %get3A_3 = vector.load %arg2[%get3A, %get3A_0, %get3A_1, %get3A_2] : memref<3x1x1x128xf32, #tpu.memory_space<vmem>>, vector<3x1x1x128xf32>
    %get3A_4 = vector.shape_cast %get3A_3 : vector<3x1x1x128xf32> to vector<3x128xf32>
    %get3A_5 = arith.constant 0 : index
    %get3A_6 = arith.constant 0 : index
    %get3A_7 = arith.constant 0 : index
    %get3A_8 = vector.load %arg1[%get3A_5, %get3A_6, %get3A_7] : memref<1x128x384xf32, #tpu.memory_space<vmem>>, vector<1x128x384xf32>
    %get3A_9 = vector.shape_cast %get3A_8 : vector<1x128x384xf32> to vector<128x384xf32>
    %transpose3A = tpu.transpose %get3A_4, [1, 0] : vector<3x128xf32> -> vector<128x3xf32>
    %get3A_10 = arith.constant 0 : index
    %get3A_11 = arith.constant 0 : index
    %get3A_12 = vector.load %arg3[%get3A_10, %get3A_11] : memref<128x3xf32, #tpu.memory_space<vmem>>, vector<128x3xf32>
    %dot_general3A = arith.constant dense<0.000000e+00> : vector<128x128xf32>
    %dot_general3A_13 = tpu.matmul %transpose3A, %get3A_12, %dot_general3A {dimension_numbers = #tpu.dot_dimension_numbers<[1], [1], [0], [0], [0, 0, 1, 0], [], []>, transpose_lhs_hint = false} : vector<128x3xf32>, vector<128x3xf32>, vector<128x128xf32> -> vector<128x128xf32>
    %get3A_14 = arith.constant 0 : index
    %get3A_15 = vector.load %arg4[%get3A_14] : memref<128xf32, #tpu.memory_space<vmem>>, vector<128xf32>
    %broadcast_in_dim3A = vector.shape_cast %get3A_15 : vector<128xf32> to vector<1x128xf32>
    %add3A = vector.broadcast %broadcast_in_dim3A : vector<1x128xf32> to vector<128x128xf32>
    %add3A_16 = arith.addf %dot_general3A_13, %add3A : vector<128x128xf32>
    %integer_pow3A = arith.mulf %add3A_16, %add3A_16 : vector<128x128xf32>
    %integer_pow3A_17 = arith.mulf %add3A_16, %integer_pow3A : vector<128x128xf32>
    %mul3A = arith.constant 4.471500e-02 : f32
    %mul3A_18 = vector.broadcast %mul3A : f32 to vector<128x128xf32>
    %mul3A_19 = arith.mulf %mul3A_18, %integer_pow3A_17 : vector<128x128xf32>
    %add3A_20 = arith.addf %add3A_16, %mul3A_19 : vector<128x128xf32>
    %mul3A_21 = arith.constant 0.797884583 : f32
    %mul3A_22 = vector.broadcast %mul3A_21 : f32 to vector<128x128xf32>
    %mul3A_23 = arith.mulf %mul3A_22, %add3A_20 : vector<128x128xf32>
    %tanh3A = math.tanh %mul3A_23 : vector<128x128xf32>
    %add3A_24 = arith.constant 1.000000e+00 : f32
    %add3A_25 = vector.broadcast %add3A_24 : f32 to vector<128x128xf32>
    %add3A_26 = arith.addf %add3A_25, %tanh3A : vector<128x128xf32>
    %mul3A_27 = arith.constant 5.000000e-01 : f32
    %mul3A_28 = vector.broadcast %mul3A_27 : f32 to vector<128x128xf32>
    %mul3A_29 = arith.mulf %mul3A_28, %add3A_26 : vector<128x128xf32>
    %mul3A_30 = arith.mulf %add3A_16, %mul3A_29 : vector<128x128xf32>
    %get3A_31 = arith.constant 0 : index
    %get3A_32 = arith.constant 0 : index
    %get3A_33 = vector.load %arg5[%get3A_31, %get3A_32] : memref<384x128xf32, #tpu.memory_space<vmem>>, vector<384x128xf32>
    %dot_general3A_34 = arith.constant dense<0.000000e+00> : vector<128x384xf32>
    %dot_general3A_35 = tpu.matmul %mul3A_30, %get3A_33, %dot_general3A_34 {dimension_numbers = #tpu.dot_dimension_numbers<[1], [1], [0], [0], [0, 0, 1, 0], [], []>, transpose_lhs_hint = false} : vector<128x128xf32>, vector<384x128xf32>, vector<128x384xf32> -> vector<128x384xf32>
    %get3A_36 = arith.constant 0 : index
    %get3A_37 = vector.load %arg6[%get3A_36] : memref<384xf32, #tpu.memory_space<vmem>>, vector<384xf32>
    %broadcast_in_dim3A_38 = vector.shape_cast %get3A_37 : vector<384xf32> to vector<1x384xf32>
    %add3A_39 = vector.broadcast %broadcast_in_dim3A_38 : vector<1x384xf32> to vector<128x384xf32>
    %add3A_40 = arith.addf %dot_general3A_35, %add3A_39 : vector<128x384xf32>
    %mul3A_41 = arith.constant 5.000000e+01 : f32
    %mul3A_42 = vector.broadcast %mul3A_41 : f32 to vector<3x128xf32>
    %mul3A_43 = arith.mulf %get3A_4, %mul3A_42 : vector<3x128xf32>
    %floor3A = math.floor %mul3A_43 : vector<3x128xf32>
    %convert_element_type3A = arith.fptosi %floor3A : vector<3x128xf32> to vector<3x128xi32>
    %reduce_min3A = arith.constant dense<2147483647> : vector<3xi32>
    %reduce_min3A_44 = vector.multi_reduction <minsi>, %convert_element_type3A, %reduce_min3A [1] : vector<3x128xi32> to vector<3xi32>
    %broadcast_in_dim3A_45 = vector.shape_cast %reduce_min3A_44 : vector<3xi32> to vector<3x1xi32>
    %sub3A = vector.broadcast %broadcast_in_dim3A_45 : vector<3x1xi32> to vector<3x128xi32>
    %sub3A_46 = arith.subi %convert_element_type3A, %sub3A : vector<3x128xi32>
    %jit3A = arith.constant 0 : i32
    %jit3A_47 = arith.constant 1023 : i32
    %max3A = vector.broadcast %jit3A : i32 to vector<3x128xi32>
    %max3A_48 = arith.maxsi %max3A, %sub3A_46 : vector<3x128xi32>
    %min3A = vector.broadcast %jit3A_47 : i32 to vector<3x128xi32>
    %min3A_49 = arith.minsi %min3A, %max3A_48 : vector<3x128xi32>
    %slice3A = vector.extract_strided_slice %min3A_49 {offsets = [0, 0], sizes = [1, 128], strides = [1, 1]} : vector<3x128xi32> to vector<1x128xi32>
    %slice3A_50 = vector.extract_strided_slice %min3A_49 {offsets = [1, 0], sizes = [1, 128], strides = [1, 1]} : vector<3x128xi32> to vector<1x128xi32>
    %slice3A_51 = vector.extract_strided_slice %min3A_49 {offsets = [2, 0], sizes = [1, 128], strides = [1, 1]} : vector<3x128xi32> to vector<1x128xi32>
    %broadcast_in_dim3A_52 = arith.constant 0 : i32
    %broadcast_in_dim3A_53 = vector.broadcast %broadcast_in_dim3A_52 : i32 to vector<1x128xi32>
    %shift_right_arithmetic3A = arith.constant 0 : i32
    %shift_right_arithmetic3A_54 = vector.broadcast %shift_right_arithmetic3A : i32 to vector<1x128xi32>
    %shift_right_arithmetic3A_55 = arith.shrsi %slice3A, %shift_right_arithmetic3A_54 : vector<1x128xi32>
    %and3A = arith.constant 1 : i32
    %and3A_56 = vector.broadcast %and3A : i32 to vector<1x128xi32>
    %and3A_57 = arith.andi %shift_right_arithmetic3A_55, %and3A_56 : vector<1x128xi32>
    %shift_left3A = arith.constant 2 : i32
    %shift_left3A_58 = vector.broadcast %shift_left3A : i32 to vector<1x128xi32>
    %shift_left3A_59 = arith.shli %and3A_57, %shift_left3A_58 : vector<1x128xi32>
    %or3A = arith.ori %broadcast_in_dim3A_53, %shift_left3A_59 : vector<1x128xi32>
    %shift_right_arithmetic3A_60 = arith.constant 0 : i32
    %shift_right_arithmetic3A_61 = vector.broadcast %shift_right_arithmetic3A_60 : i32 to vector<1x128xi32>
    %shift_right_arithmetic3A_62 = arith.shrsi %slice3A_50, %shift_right_arithmetic3A_61 : vector<1x128xi32>
    %and3A_63 = arith.constant 1 : i32
    %and3A_64 = vector.broadcast %and3A_63 : i32 to vector<1x128xi32>
    %and3A_65 = arith.andi %shift_right_arithmetic3A_62, %and3A_64 : vector<1x128xi32>
    %shift_left3A_66 = arith.constant 1 : i32
    %shift_left3A_67 = vector.broadcast %shift_left3A_66 : i32 to vector<1x128xi32>
    %shift_left3A_68 = arith.shli %and3A_65, %shift_left3A_67 : vector<1x128xi32>
    %or3A_69 = arith.ori %or3A, %shift_left3A_68 : vector<1x128xi32>
    %shift_right_arithmetic3A_70 = arith.constant 0 : i32
    %shift_right_arithmetic3A_71 = vector.broadcast %shift_right_arithmetic3A_70 : i32 to vector<1x128xi32>
    %shift_right_arithmetic3A_72 = arith.shrsi %slice3A_51, %shift_right_arithmetic3A_71 : vector<1x128xi32>
    %and3A_73 = arith.constant 1 : i32
    %and3A_74 = vector.broadcast %and3A_73 : i32 to vector<1x128xi32>
    %and3A_75 = arith.andi %shift_right_arithmetic3A_72, %and3A_74 : vector<1x128xi32>
    %shift_left3A_76 = arith.constant 0 : i32
    %shift_left3A_77 = vector.broadcast %shift_left3A_76 : i32 to vector<1x128xi32>
    %shift_left3A_78 = arith.shli %and3A_75, %shift_left3A_77 : vector<1x128xi32>
    %or3A_79 = arith.ori %or3A_69, %shift_left3A_78 : vector<1x128xi32>
    %shift_right_arithmetic3A_80 = arith.constant 1 : i32
    %shift_right_arithmetic3A_81 = vector.broadcast %shift_right_arithmetic3A_80 : i32 to vector<1x128xi32>
    %shift_right_arithmetic3A_82 = arith.shrsi %slice3A, %shift_right_arithmetic3A_81 : vector<1x128xi32>
    %and3A_83 = arith.constant 1 : i32
    %and3A_84 = vector.broadcast %and3A_83 : i32 to vector<1x128xi32>
    %and3A_85 = arith.andi %shift_right_arithmetic3A_82, %and3A_84 : vector<1x128xi32>
    %shift_left3A_86 = arith.constant 5 : i32
    %shift_left3A_87 = vector.broadcast %shift_left3A_86 : i32 to vector<1x128xi32>
    %shift_left3A_88 = arith.shli %and3A_85, %shift_left3A_87 : vector<1x128xi32>
    %or3A_89 = arith.ori %or3A_79, %shift_left3A_88 : vector<1x128xi32>
    %shift_right_arithmetic3A_90 = arith.constant 1 : i32
    %shift_right_arithmetic3A_91 = vector.broadcast %shift_right_arithmetic3A_90 : i32 to vector<1x128xi32>
    %shift_right_arithmetic3A_92 = arith.shrsi %slice3A_50, %shift_right_arithmetic3A_91 : vector<1x128xi32>
    %and3A_93 = arith.constant 1 : i32
    %and3A_94 = vector.broadcast %and3A_93 : i32 to vector<1x128xi32>
    %and3A_95 = arith.andi %shift_right_arithmetic3A_92, %and3A_94 : vector<1x128xi32>
    %shift_left3A_96 = arith.constant 4 : i32
    %shift_left3A_97 = vector.broadcast %shift_left3A_96 : i32 to vector<1x128xi32>
    %shift_left3A_98 = arith.shli %and3A_95, %shift_left3A_97 : vector<1x128xi32>
    %or3A_99 = arith.ori %or3A_89, %shift_left3A_98 : vector<1x128xi32>
    %shift_right_arithmetic3A_100 = arith.constant 1 : i32
    %shift_right_arithmetic3A_101 = vector.broadcast %shift_right_arithmetic3A_100 : i32 to vector<1x128xi32>
    %shift_right_arithmetic3A_102 = arith.shrsi %slice3A_51, %shift_right_arithmetic3A_101 : vector<1x128xi32>
    %and3A_103 = arith.constant 1 : i32
    %and3A_104 = vector.broadcast %and3A_103 : i32 to vector<1x128xi32>
    %and3A_105 = arith.andi %shift_right_arithmetic3A_102, %and3A_104 : vector<1x128xi32>
    %shift_left3A_106 = arith.constant 3 : i32
    %shift_left3A_107 = vector.broadcast %shift_left3A_106 : i32 to vector<1x128xi32>
    %shift_left3A_108 = arith.shli %and3A_105, %shift_left3A_107 : vector<1x128xi32>
    %or3A_109 = arith.ori %or3A_99, %shift_left3A_108 : vector<1x128xi32>
    %shift_right_arithmetic3A_110 = arith.constant 2 : i32
    %shift_right_arithmetic3A_111 = vector.broadcast %shift_right_arithmetic3A_110 : i32 to vector<1x128xi32>
    %shift_right_arithmetic3A_112 = arith.shrsi %slice3A, %shift_right_arithmetic3A_111 : vector<1x128xi32>
    %and3A_113 = arith.constant 1 : i32
    %and3A_114 = vector.broadcast %and3A_113 : i32 to vector<1x128xi32>
    %and3A_115 = arith.andi %shift_right_arithmetic3A_112, %and3A_114 : vector<1x128xi32>
    %shift_left3A_116 = arith.constant 8 : i32
    %shift_left3A_117 = vector.broadcast %shift_left3A_116 : i32 to vector<1x128xi32>
    %shift_left3A_118 = arith.shli %and3A_115, %shift_left3A_117 : vector<1x128xi32>
    %or3A_119 = arith.ori %or3A_109, %shift_left3A_118 : vector<1x128xi32>
    %shift_right_arithmetic3A_120 = arith.constant 2 : i32
    %shift_right_arithmetic3A_121 = vector.broadcast %shift_right_arithmetic3A_120 : i32 to vector<1x128xi32>
    %shift_right_arithmetic3A_122 = arith.shrsi %slice3A_50, %shift_right_arithmetic3A_121 : vector<1x128xi32>
    %and3A_123 = arith.constant 1 : i32
    %and3A_124 = vector.broadcast %and3A_123 : i32 to vector<1x128xi32>
    %and3A_125 = arith.andi %shift_right_arithmetic3A_122, %and3A_124 : vector<1x128xi32>
    %shift_left3A_126 = arith.constant 7 : i32
    %shift_left3A_127 = vector.broadcast %shift_left3A_126 : i32 to vector<1x128xi32>
    %shift_left3A_128 = arith.shli %and3A_125, %shift_left3A_127 : vector<1x128xi32>
    %or3A_129 = arith.ori %or3A_119, %shift_left3A_128 : vector<1x128xi32>
    %shift_right_arithmetic3A_130 = arith.constant 2 : i32
    %shift_right_arithmetic3A_131 = vector.broadcast %shift_right_arithmetic3A_130 : i32 to vector<1x128xi32>
    %shift_right_arithmetic3A_132 = arith.shrsi %slice3A_51, %shift_right_arithmetic3A_131 : vector<1x128xi32>
    %and3A_133 = arith.constant 1 : i32
    %and3A_134 = vector.broadcast %and3A_133 : i32 to vector<1x128xi32>
    %and3A_135 = arith.andi %shift_right_arithmetic3A_132, %and3A_134 : vector<1x128xi32>
    %shift_left3A_136 = arith.constant 6 : i32
    %shift_left3A_137 = vector.broadcast %shift_left3A_136 : i32 to vector<1x128xi32>
    %shift_left3A_138 = arith.shli %and3A_135, %shift_left3A_137 : vector<1x128xi32>
    %or3A_139 = arith.ori %or3A_129, %shift_left3A_138 : vector<1x128xi32>
    %shift_right_arithmetic3A_140 = arith.constant 3 : i32
    %shift_right_arithmetic3A_141 = vector.broadcast %shift_right_arithmetic3A_140 : i32 to vector<1x128xi32>
    %shift_right_arithmetic3A_142 = arith.shrsi %slice3A, %shift_right_arithmetic3A_141 : vector<1x128xi32>
    %and3A_143 = arith.constant 1 : i32
    %and3A_144 = vector.broadcast %and3A_143 : i32 to vector<1x128xi32>
    %and3A_145 = arith.andi %shift_right_arithmetic3A_142, %and3A_144 : vector<1x128xi32>
    %shift_left3A_146 = arith.constant 11 : i32
    %shift_left3A_147 = vector.broadcast %shift_left3A_146 : i32 to vector<1x128xi32>
    %shift_left3A_148 = arith.shli %and3A_145, %shift_left3A_147 : vector<1x128xi32>
    %or3A_149 = arith.ori %or3A_139, %shift_left3A_148 : vector<1x128xi32>
    %shift_right_arithmetic3A_150 = arith.constant 3 : i32
    %shift_right_arithmetic3A_151 = vector.broadcast %shift_right_arithmetic3A_150 : i32 to vector<1x128xi32>
    %shift_right_arithmetic3A_152 = arith.shrsi %slice3A_50, %shift_right_arithmetic3A_151 : vector<1x128xi32>
    %and3A_153 = arith.constant 1 : i32
    %and3A_154 = vector.broadcast %and3A_153 : i32 to vector<1x128xi32>
    %and3A_155 = arith.andi %shift_right_arithmetic3A_152, %and3A_154 : vector<1x128xi32>
    %shift_left3A_156 = arith.constant 10 : i32
    %shift_left3A_157 = vector.broadcast %shift_left3A_156 : i32 to vector<1x128xi32>
    %shift_left3A_158 = arith.shli %and3A_155, %shift_left3A_157 : vector<1x128xi32>
    %or3A_159 = arith.ori %or3A_149, %shift_left3A_158 : vector<1x128xi32>
    %shift_right_arithmetic3A_160 = arith.constant 3 : i32
    %shift_right_arithmetic3A_161 = vector.broadcast %shift_right_arithmetic3A_160 : i32 to vector<1x128xi32>
    %shift_right_arithmetic3A_162 = arith.shrsi %slice3A_51, %shift_right_arithmetic3A_161 : vector<1x128xi32>
    %and3A_163 = arith.constant 1 : i32
    %and3A_164 = vector.broadcast %and3A_163 : i32 to vector<1x128xi32>
    %and3A_165 = arith.andi %shift_right_arithmetic3A_162, %and3A_164 : vector<1x128xi32>
    %shift_left3A_166 = arith.constant 9 : i32
    %shift_left3A_167 = vector.broadcast %shift_left3A_166 : i32 to vector<1x128xi32>
    %shift_left3A_168 = arith.shli %and3A_165, %shift_left3A_167 : vector<1x128xi32>
    %or3A_169 = arith.ori %or3A_159, %shift_left3A_168 : vector<1x128xi32>
    %shift_right_arithmetic3A_170 = arith.constant 4 : i32
    %shift_right_arithmetic3A_171 = vector.broadcast %shift_right_arithmetic3A_170 : i32 to vector<1x128xi32>
    %shift_right_arithmetic3A_172 = arith.shrsi %slice3A, %shift_right_arithmetic3A_171 : vector<1x128xi32>
    %and3A_173 = arith.constant 1 : i32
    %and3A_174 = vector.broadcast %and3A_173 : i32 to vector<1x128xi32>
    %and3A_175 = arith.andi %shift_right_arithmetic3A_172, %and3A_174 : vector<1x128xi32>
    %shift_left3A_176 = arith.constant 14 : i32
    %shift_left3A_177 = vector.broadcast %shift_left3A_176 : i32 to vector<1x128xi32>
    %shift_left3A_178 = arith.shli %and3A_175, %shift_left3A_177 : vector<1x128xi32>
    %or3A_179 = arith.ori %or3A_169, %shift_left3A_178 : vector<1x128xi32>
    %shift_right_arithmetic3A_180 = arith.constant 4 : i32
    %shift_right_arithmetic3A_181 = vector.broadcast %shift_right_arithmetic3A_180 : i32 to vector<1x128xi32>
    %shift_right_arithmetic3A_182 = arith.shrsi %slice3A_50, %shift_right_arithmetic3A_181 : vector<1x128xi32>
    %and3A_183 = arith.constant 1 : i32
    %and3A_184 = vector.broadcast %and3A_183 : i32 to vector<1x128xi32>
    %and3A_185 = arith.andi %shift_right_arithmetic3A_182, %and3A_184 : vector<1x128xi32>
    %shift_left3A_186 = arith.constant 13 : i32
    %shift_left3A_187 = vector.broadcast %shift_left3A_186 : i32 to vector<1x128xi32>
    %shift_left3A_188 = arith.shli %and3A_185, %shift_left3A_187 : vector<1x128xi32>
    %or3A_189 = arith.ori %or3A_179, %shift_left3A_188 : vector<1x128xi32>
    %shift_right_arithmetic3A_190 = arith.constant 4 : i32
    %shift_right_arithmetic3A_191 = vector.broadcast %shift_right_arithmetic3A_190 : i32 to vector<1x128xi32>
    %shift_right_arithmetic3A_192 = arith.shrsi %slice3A_51, %shift_right_arithmetic3A_191 : vector<1x128xi32>
    %and3A_193 = arith.constant 1 : i32
    %and3A_194 = vector.broadcast %and3A_193 : i32 to vector<1x128xi32>
    %and3A_195 = arith.andi %shift_right_arithmetic3A_192, %and3A_194 : vector<1x128xi32>
    %shift_left3A_196 = arith.constant 12 : i32
    %shift_left3A_197 = vector.broadcast %shift_left3A_196 : i32 to vector<1x128xi32>
    %shift_left3A_198 = arith.shli %and3A_195, %shift_left3A_197 : vector<1x128xi32>
    %or3A_199 = arith.ori %or3A_189, %shift_left3A_198 : vector<1x128xi32>
    %shift_right_arithmetic3A_200 = arith.constant 5 : i32
    %shift_right_arithmetic3A_201 = vector.broadcast %shift_right_arithmetic3A_200 : i32 to vector<1x128xi32>
    %shift_right_arithmetic3A_202 = arith.shrsi %slice3A, %shift_right_arithmetic3A_201 : vector<1x128xi32>
    %and3A_203 = arith.constant 1 : i32
    %and3A_204 = vector.broadcast %and3A_203 : i32 to vector<1x128xi32>
    %and3A_205 = arith.andi %shift_right_arithmetic3A_202, %and3A_204 : vector<1x128xi32>
    %shift_left3A_206 = arith.constant 17 : i32
    %shift_left3A_207 = vector.broadcast %shift_left3A_206 : i32 to vector<1x128xi32>
    %shift_left3A_208 = arith.shli %and3A_205, %shift_left3A_207 : vector<1x128xi32>
    %or3A_209 = arith.ori %or3A_199, %shift_left3A_208 : vector<1x128xi32>
    %shift_right_arithmetic3A_210 = arith.constant 5 : i32
    %shift_right_arithmetic3A_211 = vector.broadcast %shift_right_arithmetic3A_210 : i32 to vector<1x128xi32>
    %shift_right_arithmetic3A_212 = arith.shrsi %slice3A_50, %shift_right_arithmetic3A_211 : vector<1x128xi32>
    %and3A_213 = arith.constant 1 : i32
    %and3A_214 = vector.broadcast %and3A_213 : i32 to vector<1x128xi32>
    %and3A_215 = arith.andi %shift_right_arithmetic3A_212, %and3A_214 : vector<1x128xi32>
    %shift_left3A_216 = arith.constant 16 : i32
    %shift_left3A_217 = vector.broadcast %shift_left3A_216 : i32 to vector<1x128xi32>
    %shift_left3A_218 = arith.shli %and3A_215, %shift_left3A_217 : vector<1x128xi32>
    %or3A_219 = arith.ori %or3A_209, %shift_left3A_218 : vector<1x128xi32>
    %shift_right_arithmetic3A_220 = arith.constant 5 : i32
    %shift_right_arithmetic3A_221 = vector.broadcast %shift_right_arithmetic3A_220 : i32 to vector<1x128xi32>
    %shift_right_arithmetic3A_222 = arith.shrsi %slice3A_51, %shift_right_arithmetic3A_221 : vector<1x128xi32>
    %and3A_223 = arith.constant 1 : i32
    %and3A_224 = vector.broadcast %and3A_223 : i32 to vector<1x128xi32>
    %and3A_225 = arith.andi %shift_right_arithmetic3A_222, %and3A_224 : vector<1x128xi32>
    %shift_left3A_226 = arith.constant 15 : i32
    %shift_left3A_227 = vector.broadcast %shift_left3A_226 : i32 to vector<1x128xi32>
    %shift_left3A_228 = arith.shli %and3A_225, %shift_left3A_227 : vector<1x128xi32>
    %or3A_229 = arith.ori %or3A_219, %shift_left3A_228 : vector<1x128xi32>
    %shift_right_arithmetic3A_230 = arith.constant 6 : i32
    %shift_right_arithmetic3A_231 = vector.broadcast %shift_right_arithmetic3A_230 : i32 to vector<1x128xi32>
    %shift_right_arithmetic3A_232 = arith.shrsi %slice3A, %shift_right_arithmetic3A_231 : vector<1x128xi32>
    %and3A_233 = arith.constant 1 : i32
    %and3A_234 = vector.broadcast %and3A_233 : i32 to vector<1x128xi32>
    %and3A_235 = arith.andi %shift_right_arithmetic3A_232, %and3A_234 : vector<1x128xi32>
    %shift_left3A_236 = arith.constant 20 : i32
    %shift_left3A_237 = vector.broadcast %shift_left3A_236 : i32 to vector<1x128xi32>
    %shift_left3A_238 = arith.shli %and3A_235, %shift_left3A_237 : vector<1x128xi32>
    %or3A_239 = arith.ori %or3A_229, %shift_left3A_238 : vector<1x128xi32>
    %shift_right_arithmetic3A_240 = arith.constant 6 : i32
    %shift_right_arithmetic3A_241 = vector.broadcast %shift_right_arithmetic3A_240 : i32 to vector<1x128xi32>
    %shift_right_arithmetic3A_242 = arith.shrsi %slice3A_50, %shift_right_arithmetic3A_241 : vector<1x128xi32>
    %and3A_243 = arith.constant 1 : i32
    %and3A_244 = vector.broadcast %and3A_243 : i32 to vector<1x128xi32>
    %and3A_245 = arith.andi %shift_right_arithmetic3A_242, %and3A_244 : vector<1x128xi32>
    %shift_left3A_246 = arith.constant 19 : i32
    %shift_left3A_247 = vector.broadcast %shift_left3A_246 : i32 to vector<1x128xi32>
    %shift_left3A_248 = arith.shli %and3A_245, %shift_left3A_247 : vector<1x128xi32>
    %or3A_249 = arith.ori %or3A_239, %shift_left3A_248 : vector<1x128xi32>
    %shift_right_arithmetic3A_250 = arith.constant 6 : i32
    %shift_right_arithmetic3A_251 = vector.broadcast %shift_right_arithmetic3A_250 : i32 to vector<1x128xi32>
    %shift_right_arithmetic3A_252 = arith.shrsi %slice3A_51, %shift_right_arithmetic3A_251 : vector<1x128xi32>
    %and3A_253 = arith.constant 1 : i32
    %and3A_254 = vector.broadcast %and3A_253 : i32 to vector<1x128xi32>
    %and3A_255 = arith.andi %shift_right_arithmetic3A_252, %and3A_254 : vector<1x128xi32>
    %shift_left3A_256 = arith.constant 18 : i32
    %shift_left3A_257 = vector.broadcast %shift_left3A_256 : i32 to vector<1x128xi32>
    %shift_left3A_258 = arith.shli %and3A_255, %shift_left3A_257 : vector<1x128xi32>
    %or3A_259 = arith.ori %or3A_249, %shift_left3A_258 : vector<1x128xi32>
    %shift_right_arithmetic3A_260 = arith.constant 7 : i32
    %shift_right_arithmetic3A_261 = vector.broadcast %shift_right_arithmetic3A_260 : i32 to vector<1x128xi32>
    %shift_right_arithmetic3A_262 = arith.shrsi %slice3A, %shift_right_arithmetic3A_261 : vector<1x128xi32>
    %and3A_263 = arith.constant 1 : i32
    %and3A_264 = vector.broadcast %and3A_263 : i32 to vector<1x128xi32>
    %and3A_265 = arith.andi %shift_right_arithmetic3A_262, %and3A_264 : vector<1x128xi32>
    %shift_left3A_266 = arith.constant 23 : i32
    %shift_left3A_267 = vector.broadcast %shift_left3A_266 : i32 to vector<1x128xi32>
    %shift_left3A_268 = arith.shli %and3A_265, %shift_left3A_267 : vector<1x128xi32>
    %or3A_269 = arith.ori %or3A_259, %shift_left3A_268 : vector<1x128xi32>
    %shift_right_arithmetic3A_270 = arith.constant 7 : i32
    %shift_right_arithmetic3A_271 = vector.broadcast %shift_right_arithmetic3A_270 : i32 to vector<1x128xi32>
    %shift_right_arithmetic3A_272 = arith.shrsi %slice3A_50, %shift_right_arithmetic3A_271 : vector<1x128xi32>
    %and3A_273 = arith.constant 1 : i32
    %and3A_274 = vector.broadcast %and3A_273 : i32 to vector<1x128xi32>
    %and3A_275 = arith.andi %shift_right_arithmetic3A_272, %and3A_274 : vector<1x128xi32>
    %shift_left3A_276 = arith.constant 22 : i32
    %shift_left3A_277 = vector.broadcast %shift_left3A_276 : i32 to vector<1x128xi32>
    %shift_left3A_278 = arith.shli %and3A_275, %shift_left3A_277 : vector<1x128xi32>
    %or3A_279 = arith.ori %or3A_269, %shift_left3A_278 : vector<1x128xi32>
    %shift_right_arithmetic3A_280 = arith.constant 7 : i32
    %shift_right_arithmetic3A_281 = vector.broadcast %shift_right_arithmetic3A_280 : i32 to vector<1x128xi32>
    %shift_right_arithmetic3A_282 = arith.shrsi %slice3A_51, %shift_right_arithmetic3A_281 : vector<1x128xi32>
    %and3A_283 = arith.constant 1 : i32
    %and3A_284 = vector.broadcast %and3A_283 : i32 to vector<1x128xi32>
    %and3A_285 = arith.andi %shift_right_arithmetic3A_282, %and3A_284 : vector<1x128xi32>
    %shift_left3A_286 = arith.constant 21 : i32
    %shift_left3A_287 = vector.broadcast %shift_left3A_286 : i32 to vector<1x128xi32>
    %shift_left3A_288 = arith.shli %and3A_285, %shift_left3A_287 : vector<1x128xi32>
    %or3A_289 = arith.ori %or3A_279, %shift_left3A_288 : vector<1x128xi32>
    %shift_right_arithmetic3A_290 = arith.constant 8 : i32
    %shift_right_arithmetic3A_291 = vector.broadcast %shift_right_arithmetic3A_290 : i32 to vector<1x128xi32>
    %shift_right_arithmetic3A_292 = arith.shrsi %slice3A, %shift_right_arithmetic3A_291 : vector<1x128xi32>
    %and3A_293 = arith.constant 1 : i32
    %and3A_294 = vector.broadcast %and3A_293 : i32 to vector<1x128xi32>
    %and3A_295 = arith.andi %shift_right_arithmetic3A_292, %and3A_294 : vector<1x128xi32>
    %shift_left3A_296 = arith.constant 26 : i32
    %shift_left3A_297 = vector.broadcast %shift_left3A_296 : i32 to vector<1x128xi32>
    %shift_left3A_298 = arith.shli %and3A_295, %shift_left3A_297 : vector<1x128xi32>
    %or3A_299 = arith.ori %or3A_289, %shift_left3A_298 : vector<1x128xi32>
    %shift_right_arithmetic3A_300 = arith.constant 8 : i32
    %shift_right_arithmetic3A_301 = vector.broadcast %shift_right_arithmetic3A_300 : i32 to vector<1x128xi32>
    %shift_right_arithmetic3A_302 = arith.shrsi %slice3A_50, %shift_right_arithmetic3A_301 : vector<1x128xi32>
    %and3A_303 = arith.constant 1 : i32
    %and3A_304 = vector.broadcast %and3A_303 : i32 to vector<1x128xi32>
    %and3A_305 = arith.andi %shift_right_arithmetic3A_302, %and3A_304 : vector<1x128xi32>
    %shift_left3A_306 = arith.constant 25 : i32
    %shift_left3A_307 = vector.broadcast %shift_left3A_306 : i32 to vector<1x128xi32>
    %shift_left3A_308 = arith.shli %and3A_305, %shift_left3A_307 : vector<1x128xi32>
    %or3A_309 = arith.ori %or3A_299, %shift_left3A_308 : vector<1x128xi32>
    %shift_right_arithmetic3A_310 = arith.constant 8 : i32
    %shift_right_arithmetic3A_311 = vector.broadcast %shift_right_arithmetic3A_310 : i32 to vector<1x128xi32>
    %shift_right_arithmetic3A_312 = arith.shrsi %slice3A_51, %shift_right_arithmetic3A_311 : vector<1x128xi32>
    %and3A_313 = arith.constant 1 : i32
    %and3A_314 = vector.broadcast %and3A_313 : i32 to vector<1x128xi32>
    %and3A_315 = arith.andi %shift_right_arithmetic3A_312, %and3A_314 : vector<1x128xi32>
    %shift_left3A_316 = arith.constant 24 : i32
    %shift_left3A_317 = vector.broadcast %shift_left3A_316 : i32 to vector<1x128xi32>
    %shift_left3A_318 = arith.shli %and3A_315, %shift_left3A_317 : vector<1x128xi32>
    %or3A_319 = arith.ori %or3A_309, %shift_left3A_318 : vector<1x128xi32>
    %shift_right_arithmetic3A_320 = arith.constant 9 : i32
    %shift_right_arithmetic3A_321 = vector.broadcast %shift_right_arithmetic3A_320 : i32 to vector<1x128xi32>
    %shift_right_arithmetic3A_322 = arith.shrsi %slice3A, %shift_right_arithmetic3A_321 : vector<1x128xi32>
    %and3A_323 = arith.constant 1 : i32
    %and3A_324 = vector.broadcast %and3A_323 : i32 to vector<1x128xi32>
    %and3A_325 = arith.andi %shift_right_arithmetic3A_322, %and3A_324 : vector<1x128xi32>
    %shift_left3A_326 = arith.constant 29 : i32
    %shift_left3A_327 = vector.broadcast %shift_left3A_326 : i32 to vector<1x128xi32>
    %shift_left3A_328 = arith.shli %and3A_325, %shift_left3A_327 : vector<1x128xi32>
    %or3A_329 = arith.ori %or3A_319, %shift_left3A_328 : vector<1x128xi32>
    %shift_right_arithmetic3A_330 = arith.constant 9 : i32
    %shift_right_arithmetic3A_331 = vector.broadcast %shift_right_arithmetic3A_330 : i32 to vector<1x128xi32>
    %shift_right_arithmetic3A_332 = arith.shrsi %slice3A_50, %shift_right_arithmetic3A_331 : vector<1x128xi32>
    %and3A_333 = arith.constant 1 : i32
    %and3A_334 = vector.broadcast %and3A_333 : i32 to vector<1x128xi32>
    %and3A_335 = arith.andi %shift_right_arithmetic3A_332, %and3A_334 : vector<1x128xi32>
    %shift_left3A_336 = arith.constant 28 : i32
    %shift_left3A_337 = vector.broadcast %shift_left3A_336 : i32 to vector<1x128xi32>
    %shift_left3A_338 = arith.shli %and3A_335, %shift_left3A_337 : vector<1x128xi32>
    %or3A_339 = arith.ori %or3A_329, %shift_left3A_338 : vector<1x128xi32>
    %shift_right_arithmetic3A_340 = arith.constant 9 : i32
    %shift_right_arithmetic3A_341 = vector.broadcast %shift_right_arithmetic3A_340 : i32 to vector<1x128xi32>
    %shift_right_arithmetic3A_342 = arith.shrsi %slice3A_51, %shift_right_arithmetic3A_341 : vector<1x128xi32>
    %and3A_343 = arith.constant 1 : i32
    %and3A_344 = vector.broadcast %and3A_343 : i32 to vector<1x128xi32>
    %and3A_345 = arith.andi %shift_right_arithmetic3A_342, %and3A_344 : vector<1x128xi32>
    %shift_left3A_346 = arith.constant 27 : i32
    %shift_left3A_347 = vector.broadcast %shift_left3A_346 : i32 to vector<1x128xi32>
    %shift_left3A_348 = arith.shli %and3A_345, %shift_left3A_347 : vector<1x128xi32>
    %or3A_349 = arith.ori %or3A_339, %shift_left3A_348 : vector<1x128xi32>
    %broadcast_in_dim3A_350 = arith.constant 0 : i32
    %broadcast_in_dim3A_351 = vector.broadcast %broadcast_in_dim3A_350 : i32 to vector<1x128xi32>
    %shift_right_arithmetic3A_352 = arith.constant 0 : i32
    %shift_right_arithmetic3A_353 = vector.broadcast %shift_right_arithmetic3A_352 : i32 to vector<1x128xi32>
    %shift_right_arithmetic3A_354 = arith.shrsi %slice3A_51, %shift_right_arithmetic3A_353 : vector<1x128xi32>
    %and3A_355 = arith.constant 1 : i32
    %and3A_356 = vector.broadcast %and3A_355 : i32 to vector<1x128xi32>
    %and3A_357 = arith.andi %shift_right_arithmetic3A_354, %and3A_356 : vector<1x128xi32>
    %shift_left3A_358 = arith.constant 2 : i32
    %shift_left3A_359 = vector.broadcast %shift_left3A_358 : i32 to vector<1x128xi32>
    %shift_left3A_360 = arith.shli %and3A_357, %shift_left3A_359 : vector<1x128xi32>
    %or3A_361 = arith.ori %broadcast_in_dim3A_351, %shift_left3A_360 : vector<1x128xi32>
    %shift_right_arithmetic3A_362 = arith.constant 0 : i32
    %shift_right_arithmetic3A_363 = vector.broadcast %shift_right_arithmetic3A_362 : i32 to vector<1x128xi32>
    %shift_right_arithmetic3A_364 = arith.shrsi %slice3A_50, %shift_right_arithmetic3A_363 : vector<1x128xi32>
    %and3A_365 = arith.constant 1 : i32
    %and3A_366 = vector.broadcast %and3A_365 : i32 to vector<1x128xi32>
    %and3A_367 = arith.andi %shift_right_arithmetic3A_364, %and3A_366 : vector<1x128xi32>
    %shift_left3A_368 = arith.constant 1 : i32
    %shift_left3A_369 = vector.broadcast %shift_left3A_368 : i32 to vector<1x128xi32>
    %shift_left3A_370 = arith.shli %and3A_367, %shift_left3A_369 : vector<1x128xi32>
    %or3A_371 = arith.ori %or3A_361, %shift_left3A_370 : vector<1x128xi32>
    %shift_right_arithmetic3A_372 = arith.constant 0 : i32
    %shift_right_arithmetic3A_373 = vector.broadcast %shift_right_arithmetic3A_372 : i32 to vector<1x128xi32>
    %shift_right_arithmetic3A_374 = arith.shrsi %slice3A, %shift_right_arithmetic3A_373 : vector<1x128xi32>
    %and3A_375 = arith.constant 1 : i32
    %and3A_376 = vector.broadcast %and3A_375 : i32 to vector<1x128xi32>
    %and3A_377 = arith.andi %shift_right_arithmetic3A_374, %and3A_376 : vector<1x128xi32>
    %shift_left3A_378 = arith.constant 0 : i32
    %shift_left3A_379 = vector.broadcast %shift_left3A_378 : i32 to vector<1x128xi32>
    %shift_left3A_380 = arith.shli %and3A_377, %shift_left3A_379 : vector<1x128xi32>
    %or3A_381 = arith.ori %or3A_371, %shift_left3A_380 : vector<1x128xi32>
    %shift_right_arithmetic3A_382 = arith.constant 1 : i32
    %shift_right_arithmetic3A_383 = vector.broadcast %shift_right_arithmetic3A_382 : i32 to vector<1x128xi32>
    %shift_right_arithmetic3A_384 = arith.shrsi %slice3A_51, %shift_right_arithmetic3A_383 : vector<1x128xi32>
    %and3A_385 = arith.constant 1 : i32
    %and3A_386 = vector.broadcast %and3A_385 : i32 to vector<1x128xi32>
    %and3A_387 = arith.andi %shift_right_arithmetic3A_384, %and3A_386 : vector<1x128xi32>
    %shift_left3A_388 = arith.constant 5 : i32
    %shift_left3A_389 = vector.broadcast %shift_left3A_388 : i32 to vector<1x128xi32>
    %shift_left3A_390 = arith.shli %and3A_387, %shift_left3A_389 : vector<1x128xi32>
    %or3A_391 = arith.ori %or3A_381, %shift_left3A_390 : vector<1x128xi32>
    %shift_right_arithmetic3A_392 = arith.constant 1 : i32
    %shift_right_arithmetic3A_393 = vector.broadcast %shift_right_arithmetic3A_392 : i32 to vector<1x128xi32>
    %shift_right_arithmetic3A_394 = arith.shrsi %slice3A_50, %shift_right_arithmetic3A_393 : vector<1x128xi32>
    %and3A_395 = arith.constant 1 : i32
    %and3A_396 = vector.broadcast %and3A_395 : i32 to vector<1x128xi32>
    %and3A_397 = arith.andi %shift_right_arithmetic3A_394, %and3A_396 : vector<1x128xi32>
    %shift_left3A_398 = arith.constant 4 : i32
    %shift_left3A_399 = vector.broadcast %shift_left3A_398 : i32 to vector<1x128xi32>
    %shift_left3A_400 = arith.shli %and3A_397, %shift_left3A_399 : vector<1x128xi32>
    %or3A_401 = arith.ori %or3A_391, %shift_left3A_400 : vector<1x128xi32>
    %shift_right_arithmetic3A_402 = arith.constant 1 : i32
    %shift_right_arithmetic3A_403 = vector.broadcast %shift_right_arithmetic3A_402 : i32 to vector<1x128xi32>
    %shift_right_arithmetic3A_404 = arith.shrsi %slice3A, %shift_right_arithmetic3A_403 : vector<1x128xi32>
    %and3A_405 = arith.constant 1 : i32
    %and3A_406 = vector.broadcast %and3A_405 : i32 to vector<1x128xi32>
    %and3A_407 = arith.andi %shift_right_arithmetic3A_404, %and3A_406 : vector<1x128xi32>
    %shift_left3A_408 = arith.constant 3 : i32
    %shift_left3A_409 = vector.broadcast %shift_left3A_408 : i32 to vector<1x128xi32>
    %shift_left3A_410 = arith.shli %and3A_407, %shift_left3A_409 : vector<1x128xi32>
    %or3A_411 = arith.ori %or3A_401, %shift_left3A_410 : vector<1x128xi32>
    %shift_right_arithmetic3A_412 = arith.constant 2 : i32
    %shift_right_arithmetic3A_413 = vector.broadcast %shift_right_arithmetic3A_412 : i32 to vector<1x128xi32>
    %shift_right_arithmetic3A_414 = arith.shrsi %slice3A_51, %shift_right_arithmetic3A_413 : vector<1x128xi32>
    %and3A_415 = arith.constant 1 : i32
    %and3A_416 = vector.broadcast %and3A_415 : i32 to vector<1x128xi32>
    %and3A_417 = arith.andi %shift_right_arithmetic3A_414, %and3A_416 : vector<1x128xi32>
    %shift_left3A_418 = arith.constant 8 : i32
    %shift_left3A_419 = vector.broadcast %shift_left3A_418 : i32 to vector<1x128xi32>
    %shift_left3A_420 = arith.shli %and3A_417, %shift_left3A_419 : vector<1x128xi32>
    %or3A_421 = arith.ori %or3A_411, %shift_left3A_420 : vector<1x128xi32>
    %shift_right_arithmetic3A_422 = arith.constant 2 : i32
    %shift_right_arithmetic3A_423 = vector.broadcast %shift_right_arithmetic3A_422 : i32 to vector<1x128xi32>
    %shift_right_arithmetic3A_424 = arith.shrsi %slice3A_50, %shift_right_arithmetic3A_423 : vector<1x128xi32>
    %and3A_425 = arith.constant 1 : i32
    %and3A_426 = vector.broadcast %and3A_425 : i32 to vector<1x128xi32>
    %and3A_427 = arith.andi %shift_right_arithmetic3A_424, %and3A_426 : vector<1x128xi32>
    %shift_left3A_428 = arith.constant 7 : i32
    %shift_left3A_429 = vector.broadcast %shift_left3A_428 : i32 to vector<1x128xi32>
    %shift_left3A_430 = arith.shli %and3A_427, %shift_left3A_429 : vector<1x128xi32>
    %or3A_431 = arith.ori %or3A_421, %shift_left3A_430 : vector<1x128xi32>
    %shift_right_arithmetic3A_432 = arith.constant 2 : i32
    %shift_right_arithmetic3A_433 = vector.broadcast %shift_right_arithmetic3A_432 : i32 to vector<1x128xi32>
    %shift_right_arithmetic3A_434 = arith.shrsi %slice3A, %shift_right_arithmetic3A_433 : vector<1x128xi32>
    %and3A_435 = arith.constant 1 : i32
    %and3A_436 = vector.broadcast %and3A_435 : i32 to vector<1x128xi32>
    %and3A_437 = arith.andi %shift_right_arithmetic3A_434, %and3A_436 : vector<1x128xi32>
    %shift_left3A_438 = arith.constant 6 : i32
    %shift_left3A_439 = vector.broadcast %shift_left3A_438 : i32 to vector<1x128xi32>
    %shift_left3A_440 = arith.shli %and3A_437, %shift_left3A_439 : vector<1x128xi32>
    %or3A_441 = arith.ori %or3A_431, %shift_left3A_440 : vector<1x128xi32>
    %shift_right_arithmetic3A_442 = arith.constant 3 : i32
    %shift_right_arithmetic3A_443 = vector.broadcast %shift_right_arithmetic3A_442 : i32 to vector<1x128xi32>
    %shift_right_arithmetic3A_444 = arith.shrsi %slice3A_51, %shift_right_arithmetic3A_443 : vector<1x128xi32>
    %and3A_445 = arith.constant 1 : i32
    %and3A_446 = vector.broadcast %and3A_445 : i32 to vector<1x128xi32>
    %and3A_447 = arith.andi %shift_right_arithmetic3A_444, %and3A_446 : vector<1x128xi32>
    %shift_left3A_448 = arith.constant 11 : i32
    %shift_left3A_449 = vector.broadcast %shift_left3A_448 : i32 to vector<1x128xi32>
    %shift_left3A_450 = arith.shli %and3A_447, %shift_left3A_449 : vector<1x128xi32>
    %or3A_451 = arith.ori %or3A_441, %shift_left3A_450 : vector<1x128xi32>
    %shift_right_arithmetic3A_452 = arith.constant 3 : i32
    %shift_right_arithmetic3A_453 = vector.broadcast %shift_right_arithmetic3A_452 : i32 to vector<1x128xi32>
    %shift_right_arithmetic3A_454 = arith.shrsi %slice3A_50, %shift_right_arithmetic3A_453 : vector<1x128xi32>
    %and3A_455 = arith.constant 1 : i32
    %and3A_456 = vector.broadcast %and3A_455 : i32 to vector<1x128xi32>
    %and3A_457 = arith.andi %shift_right_arithmetic3A_454, %and3A_456 : vector<1x128xi32>
    %shift_left3A_458 = arith.constant 10 : i32
    %shift_left3A_459 = vector.broadcast %shift_left3A_458 : i32 to vector<1x128xi32>
    %shift_left3A_460 = arith.shli %and3A_457, %shift_left3A_459 : vector<1x128xi32>
    %or3A_461 = arith.ori %or3A_451, %shift_left3A_460 : vector<1x128xi32>
    %shift_right_arithmetic3A_462 = arith.constant 3 : i32
    %shift_right_arithmetic3A_463 = vector.broadcast %shift_right_arithmetic3A_462 : i32 to vector<1x128xi32>
    %shift_right_arithmetic3A_464 = arith.shrsi %slice3A, %shift_right_arithmetic3A_463 : vector<1x128xi32>
    %and3A_465 = arith.constant 1 : i32
    %and3A_466 = vector.broadcast %and3A_465 : i32 to vector<1x128xi32>
    %and3A_467 = arith.andi %shift_right_arithmetic3A_464, %and3A_466 : vector<1x128xi32>
    %shift_left3A_468 = arith.constant 9 : i32
    %shift_left3A_469 = vector.broadcast %shift_left3A_468 : i32 to vector<1x128xi32>
    %shift_left3A_470 = arith.shli %and3A_467, %shift_left3A_469 : vector<1x128xi32>
    %or3A_471 = arith.ori %or3A_461, %shift_left3A_470 : vector<1x128xi32>
    %shift_right_arithmetic3A_472 = arith.constant 4 : i32
    %shift_right_arithmetic3A_473 = vector.broadcast %shift_right_arithmetic3A_472 : i32 to vector<1x128xi32>
    %shift_right_arithmetic3A_474 = arith.shrsi %slice3A_51, %shift_right_arithmetic3A_473 : vector<1x128xi32>
    %and3A_475 = arith.constant 1 : i32
    %and3A_476 = vector.broadcast %and3A_475 : i32 to vector<1x128xi32>
    %and3A_477 = arith.andi %shift_right_arithmetic3A_474, %and3A_476 : vector<1x128xi32>
    %shift_left3A_478 = arith.constant 14 : i32
    %shift_left3A_479 = vector.broadcast %shift_left3A_478 : i32 to vector<1x128xi32>
    %shift_left3A_480 = arith.shli %and3A_477, %shift_left3A_479 : vector<1x128xi32>
    %or3A_481 = arith.ori %or3A_471, %shift_left3A_480 : vector<1x128xi32>
    %shift_right_arithmetic3A_482 = arith.constant 4 : i32
    %shift_right_arithmetic3A_483 = vector.broadcast %shift_right_arithmetic3A_482 : i32 to vector<1x128xi32>
    %shift_right_arithmetic3A_484 = arith.shrsi %slice3A_50, %shift_right_arithmetic3A_483 : vector<1x128xi32>
    %and3A_485 = arith.constant 1 : i32
    %and3A_486 = vector.broadcast %and3A_485 : i32 to vector<1x128xi32>
    %and3A_487 = arith.andi %shift_right_arithmetic3A_484, %and3A_486 : vector<1x128xi32>
    %shift_left3A_488 = arith.constant 13 : i32
    %shift_left3A_489 = vector.broadcast %shift_left3A_488 : i32 to vector<1x128xi32>
    %shift_left3A_490 = arith.shli %and3A_487, %shift_left3A_489 : vector<1x128xi32>
    %or3A_491 = arith.ori %or3A_481, %shift_left3A_490 : vector<1x128xi32>
    %shift_right_arithmetic3A_492 = arith.constant 4 : i32
    %shift_right_arithmetic3A_493 = vector.broadcast %shift_right_arithmetic3A_492 : i32 to vector<1x128xi32>
    %shift_right_arithmetic3A_494 = arith.shrsi %slice3A, %shift_right_arithmetic3A_493 : vector<1x128xi32>
    %and3A_495 = arith.constant 1 : i32
    %and3A_496 = vector.broadcast %and3A_495 : i32 to vector<1x128xi32>
    %and3A_497 = arith.andi %shift_right_arithmetic3A_494, %and3A_496 : vector<1x128xi32>
    %shift_left3A_498 = arith.constant 12 : i32
    %shift_left3A_499 = vector.broadcast %shift_left3A_498 : i32 to vector<1x128xi32>
    %shift_left3A_500 = arith.shli %and3A_497, %shift_left3A_499 : vector<1x128xi32>
    %or3A_501 = arith.ori %or3A_491, %shift_left3A_500 : vector<1x128xi32>
    %shift_right_arithmetic3A_502 = arith.constant 5 : i32
    %shift_right_arithmetic3A_503 = vector.broadcast %shift_right_arithmetic3A_502 : i32 to vector<1x128xi32>
    %shift_right_arithmetic3A_504 = arith.shrsi %slice3A_51, %shift_right_arithmetic3A_503 : vector<1x128xi32>
    %and3A_505 = arith.constant 1 : i32
    %and3A_506 = vector.broadcast %and3A_505 : i32 to vector<1x128xi32>
    %and3A_507 = arith.andi %shift_right_arithmetic3A_504, %and3A_506 : vector<1x128xi32>
    %shift_left3A_508 = arith.constant 17 : i32
    %shift_left3A_509 = vector.broadcast %shift_left3A_508 : i32 to vector<1x128xi32>
    %shift_left3A_510 = arith.shli %and3A_507, %shift_left3A_509 : vector<1x128xi32>
    %or3A_511 = arith.ori %or3A_501, %shift_left3A_510 : vector<1x128xi32>
    %shift_right_arithmetic3A_512 = arith.constant 5 : i32
    %shift_right_arithmetic3A_513 = vector.broadcast %shift_right_arithmetic3A_512 : i32 to vector<1x128xi32>
    %shift_right_arithmetic3A_514 = arith.shrsi %slice3A_50, %shift_right_arithmetic3A_513 : vector<1x128xi32>
    %and3A_515 = arith.constant 1 : i32
    %and3A_516 = vector.broadcast %and3A_515 : i32 to vector<1x128xi32>
    %and3A_517 = arith.andi %shift_right_arithmetic3A_514, %and3A_516 : vector<1x128xi32>
    %shift_left3A_518 = arith.constant 16 : i32
    %shift_left3A_519 = vector.broadcast %shift_left3A_518 : i32 to vector<1x128xi32>
    %shift_left3A_520 = arith.shli %and3A_517, %shift_left3A_519 : vector<1x128xi32>
    %or3A_521 = arith.ori %or3A_511, %shift_left3A_520 : vector<1x128xi32>
    %shift_right_arithmetic3A_522 = arith.constant 5 : i32
    %shift_right_arithmetic3A_523 = vector.broadcast %shift_right_arithmetic3A_522 : i32 to vector<1x128xi32>
    %shift_right_arithmetic3A_524 = arith.shrsi %slice3A, %shift_right_arithmetic3A_523 : vector<1x128xi32>
    %and3A_525 = arith.constant 1 : i32
    %and3A_526 = vector.broadcast %and3A_525 : i32 to vector<1x128xi32>
    %and3A_527 = arith.andi %shift_right_arithmetic3A_524, %and3A_526 : vector<1x128xi32>
    %shift_left3A_528 = arith.constant 15 : i32
    %shift_left3A_529 = vector.broadcast %shift_left3A_528 : i32 to vector<1x128xi32>
    %shift_left3A_530 = arith.shli %and3A_527, %shift_left3A_529 : vector<1x128xi32>
    %or3A_531 = arith.ori %or3A_521, %shift_left3A_530 : vector<1x128xi32>
    %shift_right_arithmetic3A_532 = arith.constant 6 : i32
    %shift_right_arithmetic3A_533 = vector.broadcast %shift_right_arithmetic3A_532 : i32 to vector<1x128xi32>
    %shift_right_arithmetic3A_534 = arith.shrsi %slice3A_51, %shift_right_arithmetic3A_533 : vector<1x128xi32>
    %and3A_535 = arith.constant 1 : i32
    %and3A_536 = vector.broadcast %and3A_535 : i32 to vector<1x128xi32>
    %and3A_537 = arith.andi %shift_right_arithmetic3A_534, %and3A_536 : vector<1x128xi32>
    %shift_left3A_538 = arith.constant 20 : i32
    %shift_left3A_539 = vector.broadcast %shift_left3A_538 : i32 to vector<1x128xi32>
    %shift_left3A_540 = arith.shli %and3A_537, %shift_left3A_539 : vector<1x128xi32>
    %or3A_541 = arith.ori %or3A_531, %shift_left3A_540 : vector<1x128xi32>
    %shift_right_arithmetic3A_542 = arith.constant 6 : i32
    %shift_right_arithmetic3A_543 = vector.broadcast %shift_right_arithmetic3A_542 : i32 to vector<1x128xi32>
    %shift_right_arithmetic3A_544 = arith.shrsi %slice3A_50, %shift_right_arithmetic3A_543 : vector<1x128xi32>
    %and3A_545 = arith.constant 1 : i32
    %and3A_546 = vector.broadcast %and3A_545 : i32 to vector<1x128xi32>
    %and3A_547 = arith.andi %shift_right_arithmetic3A_544, %and3A_546 : vector<1x128xi32>
    %shift_left3A_548 = arith.constant 19 : i32
    %shift_left3A_549 = vector.broadcast %shift_left3A_548 : i32 to vector<1x128xi32>
    %shift_left3A_550 = arith.shli %and3A_547, %shift_left3A_549 : vector<1x128xi32>
    %or3A_551 = arith.ori %or3A_541, %shift_left3A_550 : vector<1x128xi32>
    %shift_right_arithmetic3A_552 = arith.constant 6 : i32
    %shift_right_arithmetic3A_553 = vector.broadcast %shift_right_arithmetic3A_552 : i32 to vector<1x128xi32>
    %shift_right_arithmetic3A_554 = arith.shrsi %slice3A, %shift_right_arithmetic3A_553 : vector<1x128xi32>
    %and3A_555 = arith.constant 1 : i32
    %and3A_556 = vector.broadcast %and3A_555 : i32 to vector<1x128xi32>
    %and3A_557 = arith.andi %shift_right_arithmetic3A_554, %and3A_556 : vector<1x128xi32>
    %shift_left3A_558 = arith.constant 18 : i32
    %shift_left3A_559 = vector.broadcast %shift_left3A_558 : i32 to vector<1x128xi32>
    %shift_left3A_560 = arith.shli %and3A_557, %shift_left3A_559 : vector<1x128xi32>
    %or3A_561 = arith.ori %or3A_551, %shift_left3A_560 : vector<1x128xi32>
    %shift_right_arithmetic3A_562 = arith.constant 7 : i32
    %shift_right_arithmetic3A_563 = vector.broadcast %shift_right_arithmetic3A_562 : i32 to vector<1x128xi32>
    %shift_right_arithmetic3A_564 = arith.shrsi %slice3A_51, %shift_right_arithmetic3A_563 : vector<1x128xi32>
    %and3A_565 = arith.constant 1 : i32
    %and3A_566 = vector.broadcast %and3A_565 : i32 to vector<1x128xi32>
    %and3A_567 = arith.andi %shift_right_arithmetic3A_564, %and3A_566 : vector<1x128xi32>
    %shift_left3A_568 = arith.constant 23 : i32
    %shift_left3A_569 = vector.broadcast %shift_left3A_568 : i32 to vector<1x128xi32>
    %shift_left3A_570 = arith.shli %and3A_567, %shift_left3A_569 : vector<1x128xi32>
    %or3A_571 = arith.ori %or3A_561, %shift_left3A_570 : vector<1x128xi32>
    %shift_right_arithmetic3A_572 = arith.constant 7 : i32
    %shift_right_arithmetic3A_573 = vector.broadcast %shift_right_arithmetic3A_572 : i32 to vector<1x128xi32>
    %shift_right_arithmetic3A_574 = arith.shrsi %slice3A_50, %shift_right_arithmetic3A_573 : vector<1x128xi32>
    %and3A_575 = arith.constant 1 : i32
    %and3A_576 = vector.broadcast %and3A_575 : i32 to vector<1x128xi32>
    %and3A_577 = arith.andi %shift_right_arithmetic3A_574, %and3A_576 : vector<1x128xi32>
    %shift_left3A_578 = arith.constant 22 : i32
    %shift_left3A_579 = vector.broadcast %shift_left3A_578 : i32 to vector<1x128xi32>
    %shift_left3A_580 = arith.shli %and3A_577, %shift_left3A_579 : vector<1x128xi32>
    %or3A_581 = arith.ori %or3A_571, %shift_left3A_580 : vector<1x128xi32>
    %shift_right_arithmetic3A_582 = arith.constant 7 : i32
    %shift_right_arithmetic3A_583 = vector.broadcast %shift_right_arithmetic3A_582 : i32 to vector<1x128xi32>
    %shift_right_arithmetic3A_584 = arith.shrsi %slice3A, %shift_right_arithmetic3A_583 : vector<1x128xi32>
    %and3A_585 = arith.constant 1 : i32
    %and3A_586 = vector.broadcast %and3A_585 : i32 to vector<1x128xi32>
    %and3A_587 = arith.andi %shift_right_arithmetic3A_584, %and3A_586 : vector<1x128xi32>
    %shift_left3A_588 = arith.constant 21 : i32
    %shift_left3A_589 = vector.broadcast %shift_left3A_588 : i32 to vector<1x128xi32>
    %shift_left3A_590 = arith.shli %and3A_587, %shift_left3A_589 : vector<1x128xi32>
    %or3A_591 = arith.ori %or3A_581, %shift_left3A_590 : vector<1x128xi32>
    %shift_right_arithmetic3A_592 = arith.constant 8 : i32
    %shift_right_arithmetic3A_593 = vector.broadcast %shift_right_arithmetic3A_592 : i32 to vector<1x128xi32>
    %shift_right_arithmetic3A_594 = arith.shrsi %slice3A_51, %shift_right_arithmetic3A_593 : vector<1x128xi32>
    %and3A_595 = arith.constant 1 : i32
    %and3A_596 = vector.broadcast %and3A_595 : i32 to vector<1x128xi32>
    %and3A_597 = arith.andi %shift_right_arithmetic3A_594, %and3A_596 : vector<1x128xi32>
    %shift_left3A_598 = arith.constant 26 : i32
    %shift_left3A_599 = vector.broadcast %shift_left3A_598 : i32 to vector<1x128xi32>
    %shift_left3A_600 = arith.shli %and3A_597, %shift_left3A_599 : vector<1x128xi32>
    %or3A_601 = arith.ori %or3A_591, %shift_left3A_600 : vector<1x128xi32>
    %shift_right_arithmetic3A_602 = arith.constant 8 : i32
    %shift_right_arithmetic3A_603 = vector.broadcast %shift_right_arithmetic3A_602 : i32 to vector<1x128xi32>
    %shift_right_arithmetic3A_604 = arith.shrsi %slice3A_50, %shift_right_arithmetic3A_603 : vector<1x128xi32>
    %and3A_605 = arith.constant 1 : i32
    %and3A_606 = vector.broadcast %and3A_605 : i32 to vector<1x128xi32>
    %and3A_607 = arith.andi %shift_right_arithmetic3A_604, %and3A_606 : vector<1x128xi32>
    %shift_left3A_608 = arith.constant 25 : i32
    %shift_left3A_609 = vector.broadcast %shift_left3A_608 : i32 to vector<1x128xi32>
    %shift_left3A_610 = arith.shli %and3A_607, %shift_left3A_609 : vector<1x128xi32>
    %or3A_611 = arith.ori %or3A_601, %shift_left3A_610 : vector<1x128xi32>
    %shift_right_arithmetic3A_612 = arith.constant 8 : i32
    %shift_right_arithmetic3A_613 = vector.broadcast %shift_right_arithmetic3A_612 : i32 to vector<1x128xi32>
    %shift_right_arithmetic3A_614 = arith.shrsi %slice3A, %shift_right_arithmetic3A_613 : vector<1x128xi32>
    %and3A_615 = arith.constant 1 : i32
    %and3A_616 = vector.broadcast %and3A_615 : i32 to vector<1x128xi32>
    %and3A_617 = arith.andi %shift_right_arithmetic3A_614, %and3A_616 : vector<1x128xi32>
    %shift_left3A_618 = arith.constant 24 : i32
    %shift_left3A_619 = vector.broadcast %shift_left3A_618 : i32 to vector<1x128xi32>
    %shift_left3A_620 = arith.shli %and3A_617, %shift_left3A_619 : vector<1x128xi32>
    %or3A_621 = arith.ori %or3A_611, %shift_left3A_620 : vector<1x128xi32>
    %shift_right_arithmetic3A_622 = arith.constant 9 : i32
    %shift_right_arithmetic3A_623 = vector.broadcast %shift_right_arithmetic3A_622 : i32 to vector<1x128xi32>
    %shift_right_arithmetic3A_624 = arith.shrsi %slice3A_51, %shift_right_arithmetic3A_623 : vector<1x128xi32>
    %and3A_625 = arith.constant 1 : i32
    %and3A_626 = vector.broadcast %and3A_625 : i32 to vector<1x128xi32>
    %and3A_627 = arith.andi %shift_right_arithmetic3A_624, %and3A_626 : vector<1x128xi32>
    %shift_left3A_628 = arith.constant 29 : i32
    %shift_left3A_629 = vector.broadcast %shift_left3A_628 : i32 to vector<1x128xi32>
    %shift_left3A_630 = arith.shli %and3A_627, %shift_left3A_629 : vector<1x128xi32>
    %or3A_631 = arith.ori %or3A_621, %shift_left3A_630 : vector<1x128xi32>
    %shift_right_arithmetic3A_632 = arith.constant 9 : i32
    %shift_right_arithmetic3A_633 = vector.broadcast %shift_right_arithmetic3A_632 : i32 to vector<1x128xi32>
    %shift_right_arithmetic3A_634 = arith.shrsi %slice3A_50, %shift_right_arithmetic3A_633 : vector<1x128xi32>
    %and3A_635 = arith.constant 1 : i32
    %and3A_636 = vector.broadcast %and3A_635 : i32 to vector<1x128xi32>
    %and3A_637 = arith.andi %shift_right_arithmetic3A_634, %and3A_636 : vector<1x128xi32>
    %shift_left3A_638 = arith.constant 28 : i32
    %shift_left3A_639 = vector.broadcast %shift_left3A_638 : i32 to vector<1x128xi32>
    %shift_left3A_640 = arith.shli %and3A_637, %shift_left3A_639 : vector<1x128xi32>
    %or3A_641 = arith.ori %or3A_631, %shift_left3A_640 : vector<1x128xi32>
    %shift_right_arithmetic3A_642 = arith.constant 9 : i32
    %shift_right_arithmetic3A_643 = vector.broadcast %shift_right_arithmetic3A_642 : i32 to vector<1x128xi32>
    %shift_right_arithmetic3A_644 = arith.shrsi %slice3A, %shift_right_arithmetic3A_643 : vector<1x128xi32>
    %and3A_645 = arith.constant 1 : i32
    %and3A_646 = vector.broadcast %and3A_645 : i32 to vector<1x128xi32>
    %and3A_647 = arith.andi %shift_right_arithmetic3A_644, %and3A_646 : vector<1x128xi32>
    %shift_left3A_648 = arith.constant 27 : i32
    %shift_left3A_649 = vector.broadcast %shift_left3A_648 : i32 to vector<1x128xi32>
    %shift_left3A_650 = arith.shli %and3A_647, %shift_left3A_649 : vector<1x128xi32>
    %or3A_651 = arith.ori %or3A_641, %shift_left3A_650 : vector<1x128xi32>
    %iota3A = tpu.iota {dimensions = array<i32: 1>} : vector<128x128xi32>
    %iota3A_652 = tpu.iota {dimensions = array<i32: 0>} : vector<128x128xi32>
    %transpose3A_653 = tpu.transpose %or3A_349, [1, 0] : vector<1x128xi32> -> vector<128x1xi32>
    %lt3A = vector.broadcast %or3A_349 : vector<1x128xi32> to vector<128x128xi32>
    %lt3A_654 = vector.broadcast %transpose3A_653 : vector<128x1xi32> to vector<128x128xi32>
    %lt3A_655 = arith.cmpi slt, %lt3A, %lt3A_654 : vector<128x128xi32>
    %eq3A = vector.broadcast %or3A_349 : vector<1x128xi32> to vector<128x128xi32>
    %eq3A_656 = vector.broadcast %transpose3A_653 : vector<128x1xi32> to vector<128x128xi32>
    %eq3A_657 = arith.cmpi eq, %eq3A, %eq3A_656 : vector<128x128xi32>
    %lt3A_658 = arith.cmpi slt, %iota3A, %iota3A_652 : vector<128x128xi32>
    %and3A_659 = arith.andi %eq3A_657, %lt3A_658 : vector<128x128xi1>
    %or3A_660 = arith.ori %lt3A_655, %and3A_659 : vector<128x128xi1>
    %convert_element_type3A_661 = arith.extui %or3A_660 : vector<128x128xi1> to vector<128x128xi32>
    %reduce_sum3A = arith.constant dense<0> : vector<128xi32>
    %reduce_sum3A_662 = vector.multi_reduction <add>, %convert_element_type3A_661, %reduce_sum3A [1] : vector<128x128xi32> to vector<128xi32>
    %broadcast_in_dim3A_663 = vector.shape_cast %reduce_sum3A_662 : vector<128xi32> to vector<128x1xi32>
    %transpose3A_664 = tpu.transpose %broadcast_in_dim3A_663, [1, 0] : vector<128x1xi32> -> vector<1x128xi32>
    %eq3A_665 = vector.broadcast %transpose3A_664 : vector<1x128xi32> to vector<128x128xi32>
    %eq3A_666 = arith.cmpi eq, %iota3A_652, %eq3A_665 : vector<128x128xi32>
    %convert_element_type3A_667 = arith.extui %eq3A_666 : vector<128x128xi1> to vector<128x128xi32>
    %convert_element_type3A_668 = arith.sitofp %convert_element_type3A_667 : vector<128x128xi32> to vector<128x128xf32>
    %transpose3A_669 = tpu.transpose %or3A_651, [1, 0] : vector<1x128xi32> -> vector<128x1xi32>
    %lt3A_670 = vector.broadcast %or3A_651 : vector<1x128xi32> to vector<128x128xi32>
    %lt3A_671 = vector.broadcast %transpose3A_669 : vector<128x1xi32> to vector<128x128xi32>
    %lt3A_672 = arith.cmpi slt, %lt3A_670, %lt3A_671 : vector<128x128xi32>
    %eq3A_673 = vector.broadcast %or3A_651 : vector<1x128xi32> to vector<128x128xi32>
    %eq3A_674 = vector.broadcast %transpose3A_669 : vector<128x1xi32> to vector<128x128xi32>
    %eq3A_675 = arith.cmpi eq, %eq3A_673, %eq3A_674 : vector<128x128xi32>
    %lt3A_676 = arith.cmpi slt, %iota3A, %iota3A_652 : vector<128x128xi32>
    %and3A_677 = arith.andi %eq3A_675, %lt3A_676 : vector<128x128xi1>
    %or3A_678 = arith.ori %lt3A_672, %and3A_677 : vector<128x128xi1>
    %convert_element_type3A_679 = arith.extui %or3A_678 : vector<128x128xi1> to vector<128x128xi32>
    %reduce_sum3A_680 = arith.constant dense<0> : vector<128xi32>
    %reduce_sum3A_681 = vector.multi_reduction <add>, %convert_element_type3A_679, %reduce_sum3A_680 [1] : vector<128x128xi32> to vector<128xi32>
    %broadcast_in_dim3A_682 = vector.shape_cast %reduce_sum3A_681 : vector<128xi32> to vector<128x1xi32>
    %transpose3A_683 = tpu.transpose %broadcast_in_dim3A_682, [1, 0] : vector<128x1xi32> -> vector<1x128xi32>
    %eq3A_684 = vector.broadcast %transpose3A_683 : vector<1x128xi32> to vector<128x128xi32>
    %eq3A_685 = arith.cmpi eq, %iota3A_652, %eq3A_684 : vector<128x128xi32>
    %convert_element_type3A_686 = arith.extui %eq3A_685 : vector<128x128xi1> to vector<128x128xi32>
    %convert_element_type3A_687 = arith.sitofp %convert_element_type3A_686 : vector<128x128xi32> to vector<128x128xf32>
    %dot_general3A_688 = arith.constant dense<0.000000e+00> : vector<128x384xf32>
    %dot_general3A_689 = tpu.matmul %convert_element_type3A_668, %get3A_9, %dot_general3A_688 {dimension_numbers = #tpu.dot_dimension_numbers<[1], [0], [0], [1], [0, 0, 1, 1], [], []>, transpose_lhs_hint = false} : vector<128x128xf32>, vector<128x384xf32>, vector<128x384xf32> -> vector<128x384xf32>
    %get3A_690 = arith.constant 0 : index
    %get3A_691 = vector.load %arg7[%get3A_690] : memref<384xf32, #tpu.memory_space<vmem>>, vector<384xf32>
    %broadcast_in_dim3A_692 = vector.shape_cast %get3A_691 : vector<384xf32> to vector<1x384xf32>
    %mul3A_693 = vector.broadcast %broadcast_in_dim3A_692 : vector<1x384xf32> to vector<128x384xf32>
    %mul3A_694 = arith.mulf %dot_general3A_689, %mul3A_693 : vector<128x384xf32>
    %get3A_695 = arith.constant 0 : index
    %get3A_696 = vector.load %arg8[%get3A_695] : memref<384xf32, #tpu.memory_space<vmem>>, vector<384xf32>
    %broadcast_in_dim3A_697 = vector.shape_cast %get3A_696 : vector<384xf32> to vector<1x384xf32>
    %add3A_698 = vector.broadcast %broadcast_in_dim3A_697 : vector<1x384xf32> to vector<128x384xf32>
    %add3A_699 = arith.addf %mul3A_694, %add3A_698 : vector<128x384xf32>
    %dot_general3A_700 = arith.constant dense<0.000000e+00> : vector<128x384xf32>
    %dot_general3A_701 = tpu.matmul %convert_element_type3A_668, %add3A_40, %dot_general3A_700 {dimension_numbers = #tpu.dot_dimension_numbers<[1], [0], [0], [1], [0, 0, 1, 1], [], []>, transpose_lhs_hint = false} : vector<128x128xf32>, vector<128x384xf32>, vector<128x384xf32> -> vector<128x384xf32>
    %dot_general3A_702 = arith.constant dense<0.000000e+00> : vector<128x384xf32>
    %dot_general3A_703 = tpu.matmul %convert_element_type3A_687, %get3A_9, %dot_general3A_702 {dimension_numbers = #tpu.dot_dimension_numbers<[1], [0], [0], [1], [0, 0, 1, 1], [], []>, transpose_lhs_hint = false} : vector<128x128xf32>, vector<128x384xf32>, vector<128x384xf32> -> vector<128x384xf32>
    %get3A_704 = arith.constant 0 : index
    %get3A_705 = vector.load %arg9[%get3A_704] : memref<384xf32, #tpu.memory_space<vmem>>, vector<384xf32>
    %broadcast_in_dim3A_706 = vector.shape_cast %get3A_705 : vector<384xf32> to vector<1x384xf32>
    %mul3A_707 = vector.broadcast %broadcast_in_dim3A_706 : vector<1x384xf32> to vector<128x384xf32>
    %mul3A_708 = arith.mulf %dot_general3A_703, %mul3A_707 : vector<128x384xf32>
    %get3A_709 = arith.constant 0 : index
    %get3A_710 = vector.load %arg10[%get3A_709] : memref<384xf32, #tpu.memory_space<vmem>>, vector<384xf32>
    %broadcast_in_dim3A_711 = vector.shape_cast %get3A_710 : vector<384xf32> to vector<1x384xf32>
    %add3A_712 = vector.broadcast %broadcast_in_dim3A_711 : vector<1x384xf32> to vector<128x384xf32>
    %add3A_713 = arith.addf %mul3A_708, %add3A_712 : vector<128x384xf32>
    %dot_general3A_714 = arith.constant dense<0.000000e+00> : vector<128x384xf32>
    %dot_general3A_715 = tpu.matmul %convert_element_type3A_687, %add3A_40, %dot_general3A_714 {dimension_numbers = #tpu.dot_dimension_numbers<[1], [0], [0], [1], [0, 0, 1, 1], [], []>, transpose_lhs_hint = false} : vector<128x128xf32>, vector<128x384xf32>, vector<128x384xf32> -> vector<128x384xf32>
    %get3A_716 = arith.constant 0 : index
    %get3A_717 = arith.constant 0 : index
    %get3A_718 = arith.constant 0 : index
    %get3A_719 = vector.load %arg12[%get3A_716, %get3A_717, %get3A_718] : memref<1x1x384xf32, #tpu.memory_space<vmem>>, vector<1x1x384xf32>
    %get3A_720 = vector.shape_cast %get3A_719 : vector<1x1x384xf32> to vector<384xf32>
    %get3A_721 = arith.constant 0 : index
    %get3A_722 = arith.constant 0 : index
    %get3A_723 = arith.constant 0 : index
    %get3A_724 = vector.load %arg11[%get3A_721, %get3A_722, %get3A_723] : memref<1x1x384xf32, #tpu.memory_space<vmem>>, vector<1x1x384xf32>
    %get3A_725 = vector.shape_cast %get3A_724 : vector<1x1x384xf32> to vector<384xf32>
    %add3A_726 = arith.addf %get3A_720, %get3A_725 : vector<384xf32>
    %add3A_727 = arith.addf %add3A_699, %dot_general3A_701 : vector<128x384xf32>
    %add3A_728 = arith.addf %add3A_713, %dot_general3A_715 : vector<128x384xf32>
    %reduce_sum3A_729 = arith.constant dense<0.000000e+00> : vector<384xf32>
    %reduce_sum3A_730 = vector.multi_reduction <add>, %add3A_727, %reduce_sum3A_729 [0] : vector<128x384xf32> to vector<384xf32>
    %reduce_sum3A_731 = arith.constant dense<0.000000e+00> : vector<384xf32>
    %reduce_sum3A_732 = vector.multi_reduction <add>, %add3A_728, %reduce_sum3A_731 [0] : vector<128x384xf32> to vector<384xf32>
    %add3A_733 = arith.addf %reduce_sum3A_730, %reduce_sum3A_732 : vector<384xf32>
    %add3A_734 = arith.addf %add3A_733, %add3A_726 : vector<384xf32>
    %mul3A_735 = arith.constant 0.00389105058 : f32
    %mul3A_736 = vector.broadcast %mul3A_735 : f32 to vector<384xf32>
    %mul3A_737 = arith.mulf %add3A_734, %mul3A_736 : vector<384xf32>
    %concatenate3A = tpu.concatenate %add3A_726, %mul3A_737 in 0 : vector<384xf32>, vector<384xf32> -> vector<768xf32>
    %swap3A = arith.constant 0 : index
    %swap3A_738 = arith.constant 0 : index
    %swap3A_739 = arith.constant 0 : index
    %swap3A_740 = vector.load %arg13[%swap3A, %swap3A_738, %swap3A_739] : memref<1x1x768xf32, #tpu.memory_space<vmem>>, vector<1x1x768xf32>
    %swap3A_741 = vector.shape_cast %swap3A_740 : vector<1x1x768xf32> to vector<768xf32>
    %swap3A_742 = vector.shape_cast %concatenate3A : vector<768xf32> to vector<1x1x768xf32>
    tpu.vector_store %arg13[%swap3A, %swap3A_738, %swap3A_739], %swap3A_742 {strides = array<i32>} : memref<1x1x768xf32, #tpu.memory_space<vmem>>, vector<1x1x768xf32>,
    return
  }
  func.func @transform_0(%arg0: i32) -> (i32, i32, i32) {
    %c0_i32 = arith.constant 0 : i32
    %c0_i32_0 = arith.constant 0 : i32
    %c0_i32_1 = arith.constant 0 : i32
    return %arg0, %c0_i32, %c0_i32_0 : i32, i32, i32
  }
  func.func @transform_1(%arg0: i32) -> (i32, i32, i32, i32) {
    %c0_i32 = arith.constant 0 : i32
    %c0_i32_0 = arith.constant 0 : i32
    %c0_i32_1 = arith.constant 0 : i32
    %c0_i32_2 = arith.constant 0 : i32
    return %c0_i32, %arg0, %c0_i32_0, %c0_i32_1 : i32, i32, i32, i32
  }
  func.func @transform_2(%arg0: i32) -> (i32, i32) {
    %c0_i32 = arith.constant 0 : i32
    %c0_i32_0 = arith.constant 0 : i32
    %c0_i32_1 = arith.constant 0 : i32
    return %c0_i32, %c0_i32_0 : i32, i32
  }
  func.func @transform_3(%arg0: i32) -> i32 {
    %c0_i32 = arith.constant 0 : i32
    %c0_i32_0 = arith.constant 0 : i32
    return %c0_i32 : i32
  }
  func.func @transform_4(%arg0: i32) -> (i32, i32) {
    %c0_i32 = arith.constant 0 : i32
    %c0_i32_0 = arith.constant 0 : i32
    %c0_i32_1 = arith.constant 0 : i32
    return %c0_i32, %c0_i32_0 : i32, i32
  }
  func.func @transform_5(%arg0: i32) -> i32 {
    %c0_i32 = arith.constant 0 : i32
    %c0_i32_0 = arith.constant 0 : i32
    return %c0_i32 : i32
  }
  func.func @transform_6(%arg0: i32) -> i32 {
    %c0_i32 = arith.constant 0 : i32
    %c0_i32_0 = arith.constant 0 : i32
    return %c0_i32 : i32
  }
  func.func @transform_7(%arg0: i32) -> i32 {
    %c0_i32 = arith.constant 0 : i32
    %c0_i32_0 = arith.constant 0 : i32
    return %c0_i32 : i32
  }
  func.func @transform_8(%arg0: i32) -> i32 {
    %c0_i32 = arith.constant 0 : i32
    %c0_i32_0 = arith.constant 0 : i32
    return %c0_i32 : i32
  }
  func.func @transform_9(%arg0: i32) -> i32 {
    %c0_i32 = arith.constant 0 : i32
    %c0_i32_0 = arith.constant 0 : i32
    return %c0_i32 : i32
  }
  func.func @transform_10(%arg0: i32) -> (i32, i32, i32) {
    %c0_i32 = arith.constant 0 : i32
    %c0_i32_0 = arith.constant 0 : i32
    %c0_i32_1 = arith.constant 0 : i32
    %c0_i32_2 = arith.constant 0 : i32
    return %c0_i32, %c0_i32_0, %c0_i32_1 : i32, i32, i32
  }
  func.func @transform_11(%arg0: i32) -> (i32, i32, i32) {
    %c0_i32 = arith.constant 0 : i32
    %c0_i32_0 = arith.constant 0 : i32
    %c0_i32_1 = arith.constant 0 : i32
    %c0_i32_2 = arith.constant 0 : i32
    return %c0_i32, %c0_i32_0, %c0_i32_1 : i32, i32, i32
  }
  func.func @transform_12(%arg0: i32) -> (i32, i32, i32) {
    %c0_i32 = arith.constant 0 : i32
    %c0_i32_0 = arith.constant 0 : i32
    %c0_i32_1 = arith.constant 0 : i32
    return %arg0, %c0_i32, %c0_i32_0 : i32, i32, i32
  }
}

</mosaic_0001>

<sc_bundles>
// kernel: kernel.8.cloned.1.call-start
scs
__scs_entry_jumppad:
0x0: {  	(pc) =	sbr.rel $0x88, $3  }
0x1: {  	(tag) =	ssettag $0x0;
	lr =	simm.s32 $0x1  }
0x2: {  	[smem:$0x3F8A] =	sst lr;
	_ =	strace $0xD0000000  }
0x3: {  	_ = 	snop  }
0x4: {  	_ = 	snop  }
0x5: {  	_ = 	snop  }
0x6: {  	_ = 	snop  }
0x7: {  	_ = 	snop  }
__scs_overlays_trampoline_lowered:
0x8: {  	[smem:$0x3F99] =	sst s0  }
0x9: {  	[smem:$0x3F9A] =	sst s1  }
0xa: {  	[smem:$0x3F9B] =	sst s2  }
0xb: {  	[smem:$0x3F9C] =	sst s3  }
0xc: {  	[smem:$0x3F9D] =	sst s4  }
0xd: {  	[smem:$0x3F9E] =	sst s5  }
0xe: {  	[smem:$0x3F9F] =	sst s6  }
0xf: {  	[smem:$0x3FA0] =	sst s7  }
0x10: {  	[smem:$0x3FA1] =	sst s8  }
0x11: {  	[smem:$0x3FA2] =	sst s9;
	s0 =	simm.s32 @!p0 $0x0  }
0x12: {  	s1 =	sld [smem:$0x3F88];
	s0 =	simm.s32 @p0 $0x1  }
0x13: {  	[smem:$0x3FA3] =	sst s0;
	s0 =	simm.s32 @!p1 $0x0  }
0x14: {  	s2 =	sld [smem:$0x3F87];
	s0 =	simm.s32 @p1 $0x1  }
0x15: {  	[smem:$0x3FA4] =	sst s0;
	s0 =	simm.s32 @!p2 $0x0  }
0x16: {  	s3 =	sld [smem:$0x3FDB];
	s0 =	simm.s32 @p2 $0x1  }
0x17: {  	s4 =	simm.s32 $0x1BF5;
	[smem:$0x3FA6] =	sst s0  }
0x18: {  	s0 =	sld [smem:$0x3F89];
	_ =	swait.ge [sflag:s4], $0x0  }
0x19: {  	s7 =	sld [smem:$0x3F8A]  }
0x1a: {  	s8 =	sadd.s32 $0xFFFFE003, lr  }
0x1b: {  	s9 =	sadd.s32 $0xFFFFFEF7, lr;
	s5 =	simm.s32 $0xFFFFFFFF;
	p2 =	slt.u32 s8, $0xFFFFF086  }
0x1c: {  	p1 =	slt.u32 s9, $0xF7A;
	s5 =	simm.s32 @!p2 $0x0  }
0x1d: {  	s5 =	simm.s32 @p1 $0x1;
	p0 =	seq.s32 s7, s2  }
0x1e: {  	s7 =	smul.u32 @!p0 $0xF7A, s2;
	p2 =	seq.s32 @!p0 s5, $0x0  }
0x1f: {  	s9 =	smul.u32 $0xF7A, s1;
	s8 =	simm.s32 @!p0 $0x1BF5;
	p2 =	por !p2, p0  }
0x20: {  	[sflag:s8] =	ssyncset.s32 @!p0 $0xFFFFF086;
	s6 =	sadd.s32 @!p0 s3, s7;
	s7 =	simm.s32 @!p0 $0x108  }
0x21: {  	s3 =	sadd.s32 s3, s9;
	s6 =	sadd.s32 @!p0 $0x88, s6;
	s7 =	simm.s32 @p2 $0x1082  }
0x22: {  	[simem:s7], [sflag:s8] =	dma.local @!p0 [hbm:s6], $0xF7A  }
0x23: {  	s9 =	sor.u32 $0xD0000000, s2;
	s6 =	simm.s32 $0x108;
	_ =	swait.ge @!p0 [sflag:s8], $0x0  }
0x24: {  	s3 =	sadd.s32 $0x88, s3;
	s6 =	simm.s32 @!p1 $0x1082;
	[sflag:s4] =	ssyncset.s32 $0xFFFFF086  }
0x25: {  	[simem:s6], [sflag:s4] =	dma.local [hbm:s3], $0xF7A  }
0x26: {  	[smem:$0x3F8A] =	sst s1;
	(tag) =	ssettag s2;
	_ =	strace s9  }
0x27: {  	s1 =	sld [smem:$0x3F9A]  }
0x28: {  	s2 =	sld [smem:$0x3F9B]  }
0x29: {  	s4 =	sld [smem:$0x3F9D]  }
0x2a: {  	p0 =	seq.s32 s5, $0x0;
	s5 =	sld [smem:$0x3F9E]  }
0x2b: {  	s6 =	sld [smem:$0x3F9F]  }
0x2c: {  	s7 =	sld [smem:$0x3FA0]  }
0x2d: {  	s3 =	simm.s32 $0x108;
	s8 =	sld [smem:$0x3FA1]  }
0x2e: {  	s3 =	simm.s32 @!p0 $0x1082;
	s9 =	sld [smem:$0x3FA2]  }
0x2f: {  	lr =	sadd.s32 s0, s3;
	s0 =	sld [smem:$0x3F99]  }
0x30: {  	s3 =	sld [smem:$0x3F9C]  }
0x31: {  	[smem:$0x3FA5] =	sst s10  }
0x32: {  	s10 =	sld [smem:$0x3FA3];
	_ =	sdelay $0x3  }
0x33: {  	p0 =	seq.s32 s10, $0x1;
	s10 =	sld [smem:$0x3FA5];
	_ =	sdelay $0x3  }
0x34: {  	[smem:$0x3FA5] =	sst s10  }
0x35: {  	s10 =	sld [smem:$0x3FA4];
	_ =	sdelay $0x3  }
0x36: {  	p1 =	seq.s32 s10, $0x1;
	s10 =	sld [smem:$0x3FA5];
	_ =	sdelay $0x3  }
0x37: {  	[smem:$0x3FA5] =	sst s10  }
0x38: {  	s10 =	sld [smem:$0x3FA6]  }
0x39: {  	_ = 	snop;
	(pc) =	sbr.ind lr, $3  }
0x3a: {  	_ = 	snop  }
0x3b: {  	_ = 	snop  }
0x3c: {  	p2 =	seq.s32 s10, $0x1;
	s10 =	sld [smem:$0x3FA5]  }
0x3d: {  	_ =	shalt  }
0x3e: {  	_ =	shalt  }
0x3f: {  	_ =	shalt  }
0x40: {  	_ =	shalt  }
0x41: {  	_ =	shalt  }
0x42: {  	_ =	shalt  }
0x43: {  	_ =	shalt  }
0x44: {  	_ =	shalt  }
0x45: {  	_ =	shalt  }
0x46: {  	_ =	shalt  }
0x47: {  	_ =	shalt  }
0x48: {  	_ =	shalt  }
0x49: {  	_ =	shalt  }
0x4a: {  	_ =	shalt  }
0x4b: {  	_ =	shalt  }
0x4c: {  	_ =	shalt  }
0x4d: {  	_ =	shalt  }
0x4e: {  	_ =	shalt  }
0x4f: {  	_ =	shalt  }
0x50: {  	_ =	shalt  }
0x51: {  	_ =	shalt  }
0x52: {  	_ =	shalt  }
0x53: {  	_ =	shalt  }
0x54: {  	_ =	shalt  }
0x55: {  	_ =	shalt  }
0x56: {  	_ =	shalt  }
0x57: {  	_ =	shalt  }
0x58: {  	_ =	shalt  }
0x59: {  	_ =	shalt  }
0x5a: {  	_ =	shalt  }
0x5b: {  	_ =	shalt  }
0x5c: {  	_ =	shalt  }
0x5d: {  	_ =	shalt  }
0x5e: {  	_ =	shalt  }
0x5f: {  	_ =	shalt  }
0x60: {  	_ =	shalt  }
0x61: {  	_ =	shalt  }
0x62: {  	_ =	shalt  }
0x63: {  	_ =	shalt  }
0x64: {  	_ =	shalt  }
0x65: {  	_ =	shalt  }
0x66: {  	_ =	shalt  }
0x67: {  	_ =	shalt  }
0x68: {  	_ =	shalt  }
0x69: {  	_ =	shalt  }
0x6a: {  	_ =	shalt  }
0x6b: {  	_ =	shalt  }
0x6c: {  	_ =	shalt  }
0x6d: {  	_ =	shalt  }
0x6e: {  	_ =	shalt  }
0x6f: {  	_ =	shalt  }
0x70: {  	_ =	shalt  }
0x71: {  	_ =	shalt  }
0x72: {  	_ =	shalt  }
0x73: {  	_ =	shalt  }
0x74: {  	_ =	shalt  }
0x75: {  	_ =	shalt  }
0x76: {  	_ =	shalt  }
0x77: {  	_ =	shalt  }
0x78: {  	_ =	shalt  }
0x79: {  	_ =	shalt  }
0x7a: {  	_ =	shalt  }
0x7b: {  	_ =	shalt  }
0x7c: {  	_ =	shalt  }
0x7d: {  	_ =	shalt  }
0x7e: {  	_ =	shalt  }
0x7f: {  	_ =	shalt  }
0x80: {  	_ =	shalt  }
0x81: {  	_ =	shalt  }
0x82: {  	_ =	shalt  }
0x83: {  	_ =	shalt  }
0x84: {  	_ =	shalt  }
0x85: {  	_ =	shalt  }
0x86: {  	_ =	shalt  }
0x87: {  	_ =	shalt  }
.Lfunc_end0:
.L_simem_size_0:
called_computation_lowered:
.L_overlay_start_0:
0x88: {  	s2 =	sld [smem:$0x3FD9]  }
0x89: {  	s3 =	sld [smem:$0x3FFE];
	_ =	sdelay $0x1  }
0x8a: {  	s1 =	srdreg.scid  }
0x8b: {  	s0 =	sand.u32 $0x1, s1  }
0x8c: {  	s17 =	sshll.u32 s0, $0xA;
	s2 =	sadd.s32 s3, s2  }
0x8d: {  	s2 =	sadd.s32 s2, s17  }
0x8e: {  	[smem:$0x3FB1] =	sst s2  }
0x8f: {  	_ = 	snop  }
0x90: {  	s2 =	sld [smem:$0x3FC9]  }
0x91: {  	s18 =	sld [smem:$0x3FD0];
	(tm) =	ssettm $0x1  }
0x92: {  	s4 =	sld [smem:$0x3FFB];
	_ =	sdelay $0x3  }
0x93: {  	_ =	strace s4  }
0x94: {  	s4 =	sld [smem:$0x3FFC];
	_ =	sdelay $0x3  }
0x95: {  	_ =	strace s4  }
0x96: {  	s4 =	sld [smem:$0x3FFD];
	_ =	sdelay $0x3  }
0x97: {  	_ =	strace s4  }
0x98: {  	_ =	strace $0x8FFFFFFF  }
0x99: {  	s19 =	sld [smem:$0x3FDB];
	_ =	sdelay $0x1  }
0x9a: {  	s5 =	simm.s32 $_scs_section_size  }
0x9b: {  	s6 =	simm.s32 $_size__tile_overlayer_lowered;
	s7 =	simm.s32 $_tile_overlayer_lowered  }
0x9c: {  	s22 =	simm.s32 $0x1BFF;
	s21 =	sshll.u32 s7, $0x1;
	s4 =	sadd.s32 s5, s19  }
0x9d: {  	s8 =	simm.s32 $0x0;
	s20 =	sshll.u32 s6, $0x1;
	s6 =	sadd.s32 s21, s4  }
0x9e: {  	[timem:s8], [sflag:s22] =	dma.local [hbm:s6], s20  }
0x9f: {  	_ =	swait.ge [sflag:s22], s20  }
0xa0: {  	s5 =	ssub.s32 $0x0, s20;
	[sflag:s22] =	ssyncset.done $0x0  }
0xa1: {  	[sflag:s22] =	ssyncadd.s32 s5;
	_ =	sdelay $0x1  }
0xa2: {  	s23 =	simm.s32 $0x1B8B  }
0xa3: {  	_ =	swait.ge [sflag:s23], $0x1  }
0xa4: {  	[sflag:s23] =	ssyncset.done $0x0  }
0xa5: {  	s25 =	simm.s32 $0x1B8E;
	s24 =	sld [smem:$0x3FFE];
	[sflag:s23] =	ssyncadd.s32 $0xFFFFFFFF  }
0xa6: {  	s26 =	simm.s32 $execute0_lowered;
	[smem:$0x3FD2] =	sst s25  }
0xa7: {  	s6 =	sshll.u32 s26, $0x1;
	_ =	strace $0x80000046;
	[dreg:$0x1] =	wrdreg $0xFFFFFFFF  }
0xa8: {  	s28 =	simm.s32 $_size_execute0_lowered;
	s4 =	sadd.s32 s4, s6;
	[dreg:$0x0] =	wrdreg $0x0  }
0xa9: {  	s6 =	sshll.u32 s28, $0x1;
	[dreg:$0x2] =	wrdreg s4  }
0xaa: {  	[dreg:$0x3] =	wrdreg s6  }
0xab: {  	[dreg:$0x4] =	wrdreg $0xC0  }
0xac: {  	_ =	task [dreg:s8], $0x5FFFF  }
0xad: {  	[dreg:$0x1] =	wrdreg $0xFFFFFFFF  }
0xae: {  	[dreg:$0x0] =	wrdreg $0x60  }
0xaf: {  	[dreg:$0x2] =	wrdreg s24  }
0xb0: {  	[dreg:$0x3] =	wrdreg s2  }
0xb1: {  	[dreg:$0x4] =	wrdreg s18  }
0xb2: {  	[dreg:$0x5] =	wrdreg $0x9  }
0xb3: {  	_ =	task.clear_ibuf [dreg:s8], $0x6FFFF;
	_ =	strace $0x90000046  }
0xb4: {  	s29 =	simm.s32 $0x9;
	_ =	strace $0x80000048  }
0xb5: {  	_ =	swait.ge [sflag:s29], $0x1  }
0xb6: {  	[sflag:s29] =	ssyncadd.s32 $0xFFFFFFFF  }
0xb7: {  	_ =	strace $0x90000048  }
0xb8: {  	_ =	sfence  }
0xb9: {  	s30 =	sld [smem:$0x0];
	_ =	sdelay $0x2  }
0xba: {  	s31 =	sshll.u32 s1, $0xD;
	s1 =	sshrl.u32 s1, $0x2  }
0xbb: {  	s3 =	sand.u32 $0x4000, s31;
	s1 =	sadd.s32 s1, s30  }
0xbc: {  	s0 =	sor.u32 s3, s0;
	s1 =	sshll.u32 s1, $0x11  }
0xbd: {  	s0 =	sor.u32 s1, s0  }
0xbe: {  	s0 =	sadd.s32 $0x8F2B, s0  }
0xbf: {  	[sflag:s0] =	ssyncadd.remote.s32 $0x1  }
0xc0: {  	_ =	sfence.sel $0xFFFF  }
0xc1: {  	[dreg:$0x0] =	wrdreg $0xFFFFFFFF;
	(pc) =	sbr.abs _section_cstart, $3  }
0xc2: {  	[dreg:$0x1] =	wrdreg $0xFFFFFFFF  }
0xc3: {  	_ =	task.clear_ibuf [dreg:s8], $0x2FFFF;
	_ =	strace $0x9FFFFFFF  }
0xc4: {  	(tm) =	ssettm $0x7FFFFFFF  }
0xc5: {  	_ =	shalt  }
tec
execute0_lowered:
.L_overlay_start_1:
0x0: {  	(tag) =	ssettag $0x1  }
0x1: {  	s5 =	rddreg [dreg:$0x0]  }
0x2: {  	s0 =	srdreg.scid;
	s6 =	rddreg [dreg:$0x1]  }
0x3: {  	s2 =	stileid.u32;
	s8 =	rddreg [dreg:$0x2];
	s3 =	simm.s32 $0x0  }
0x4: {  	s16 =	simm.s32 $0x80;
	s17 =	simm.s32 $0x400;
	s19 =	simm.s32 $0x2000  }
0x5: {  	s28 =	simm.s32 $0x8200;
	s29 =	simm.s32 $0xA200;
	s30 =	simm.s32 $0xB280  }
0x6: {  	s31 =	simm.s32 $0xC300;
	s0 =	sand.u32 $0x1, s0;
	s1 =	sshll.u32 s2, $0x1  }
0x7: {  	s7 =	sshrl.u32 s2, $0x2;
	[smem:$0x7FF] =	sst s3;
	s1 =	sor.u32 s0, s1  }
0x8: {  	s4 =	sshll.u32 s7, $0xA;
	_ =	strace $0x80000047;
	s13 =	sshll.u32 s7, $0xB  }
0x9: {  	s7 =	sshll.u32 s7, $0x10;
	s0 =	ssub.s32 $0x2, s0;
	s2 =	sshll.u32 s1, $0x7  }
0xa: {  	s11 =	smul.u32 $0x600, s1;
	s21 =	sshrl.u32 s0, $0x1;
	s1 =	sshll.u32 s1, $0x11  }
0xb: {  	s9 =	sand.u32 $0x380, s2;
	s0 =	ssub.s32 s0, s21;
	s21 =	simm.s32 $0x6000  }
0xc: {  	s4 =	sor.u32 s4, s9;
	s11 =	sadd.s32 s11, s5;
	s13 =	sor.u32 s13, s9  }
0xd: {  	s7 =	sor.u32 s7, s9;
	s0 =	smax.u32 s0, $0x1;
	s10 =	sshrl.u32 s4, $0x3  }
0xe: {  	s7 =	sshrl.u32 s7, $0x3;
	s25 =	sadd.s32 $0x404400, s11;
	[dreg:$0xe] =	wrdreg s0  }
0xf: {  	s4 =	sadd.s32 $0x4200, s5;
	s6 =	sadd.s32 s6, s7;
	[dreg:$0xc] =	wrdreg s25  }
0x10: {  	s20 =	sshrl.u32 s13, $0x3;
	s22 =	sadd.s32 s8, s10;
	[dreg:$0x4] =	wrdreg s6  }
0x11: {  	s0 =	simm.s32 $0x2;
	s1 =	sadd.s32 s4, s1;
	[dreg:$0x7] =	wrdreg s22  }
0x12: {  	s12 =	sadd.s32 s10, s5;
	s7 =	sadd.s32 $0x8000, s6;
	[dreg:$0xb] =	wrdreg s1  }
0x13: {  	s5 =	sadd.s32 s20, s5;
	s6 =	sadd.s32 $0x10000, s6;
	[dreg:$0x5] =	wrdreg s7  }
0x14: {  	s20 =	simm.s32 $0x4000;
	s23 =	sadd.s32 $0x200, s22;
	[dreg:$0x6] =	wrdreg s6  }
.Ltmp0:
0x15: {  	s24 =	sadd.s32 $0x404200, s12;
	[dreg:$0x8] =	wrdreg s23;
	(pc) =	sbr.rel .LBB2_1-.Ltmp0, $4  }
0x16: {  	s26 =	sadd.s32 $0x410400, s5;
	s1 =	simm.s32 $0xC380;
	[dreg:$0xa] =	wrdreg s24  }
0x17: {  	s6 =	sadd.s32 $0x400, s22;
	[dreg:$0xd] =	wrdreg s26;
	s22 =	simm.s32 $0x6080  }
0x18: {  	s23 =	simm.s32 $0x6100;
	s24 =	simm.s32 $0x6180;
	s26 =	simm.s32 $0x1  }
0x19: {  	v0 =	vimm.s32 $0x0;
	v1 =	vlaneseq.u32;
	s7 =	simm.s32 $0x0;
	[dreg:$0x9] =	wrdreg s6;
	s6 =	simm.s32 $0x3  }
.LBB2_41:
0x1a: {  	[tilespmem:$0xF380] =	vst v10  }
0x1b: {  	[tilespmem:$0xF390] =	vst v9  }
0x1c: {  	[tilespmem:$0xF3A0] =	vst v8  }
0x1d: {  	[tilespmem:$0xF3B0] =	vst v12  }
0x1e: {  	[tilespmem:$0xF3C0] =	vst v11  }
0x1f: {  	[tilespmem:$0xF3D0] =	vst v13  }
0x20: {  	[tilespmem:$0xF3E0] =	vst v7  }
0x21: {  	[tilespmem:$0xF3F0] =	vst v6  }
0x22: {  	[tilespmem:$0xF400] =	vst v5;
	s5 =	rddreg [dreg:$0xc];
	s6 =	simm.s32 $0x3  }
0x23: {  	[hbm4b:s5+s3] =	stream.linear.scatter [tilespmem:s1], [sflag:$0x3], $0x3000, $0x38;
	[tilespmem:$0xF480] =	vst v63  }
0x24: {  	_ =	swait.ge [sflag:s6], $0x3000  }
0x25: {  	[sflag:s6] =	ssyncset.done $0x0  }
0x26: {  	s7 =	simm.s32 $0xF380;
	s15 =	rddreg [dreg:$0xd];
	[sflag:s6] =	ssyncadd.s32 $0xFFFFD000  }
0x27: {  	[hbm4b:s15+s16] =	stream.strided.scatter [tilespmem:s7], [sflag:$0x3], $0x100, s17, s16, $0x38;
	[tilespmem:$0xF480] =	vst v63  }
0x28: {  	_ =	swait.ge [sflag:s6], $0x100  }
0x29: {  	s18 =	rddreg [dreg:$0xf]  }
0x2a: {  	s25 =	rddreg [dreg:$0xe];
	s7 =	sadd.s32 $0x1, s18  }
0x2b: {  	p0 =	sne.s32 s7, s25  }
.Ltmp1:
0x2c: {  	_ = 	snop;
	(pc) =	sbr.rel @!p0 .LBB2_42-.Ltmp1, $3  }
0x2d: {  	_ =	sdelay $0x1  }
0x2e: {  	[sflag:s6] =	ssyncset.done $0x0  }
0x2f: {  	[sflag:s6] =	ssyncadd.s32 $0xFFFFFF00  }
.LBB2_1:
0x30: {  	[dreg:$0xf] =	wrdreg s7  }
0x31: {  	s5 =	rddreg [dreg:$0x4]  }
0x32: {  	[tilespmem:s3], [sflag:$0x3] =	stream.strided.gather [hbm4b:s5+s16], $0x2000, s17, s16, $0x38;
	[tilespmem:$0xF480] =	vst v63  }
0x33: {  	_ =	swait.ge [sflag:s6], $0x2000  }
0x34: {  	[sflag:s6] =	ssyncset.done $0x0  }
0x35: {  	s10 =	rddreg [dreg:$0x5];
	[sflag:s6] =	ssyncadd.s32 $0xFFFFE000  }
0x36: {  	[tilespmem:s19], [sflag:$0x3] =	stream.strided.gather [hbm4b:s10+s16], $0x2000, s17, s16, $0x38;
	[tilespmem:$0xF480] =	vst v63  }
0x37: {  	_ =	swait.ge [sflag:s6], $0x2000  }
0x38: {  	[sflag:s6] =	ssyncset.done $0x0  }
0x39: {  	s11 =	rddreg [dreg:$0x6];
	[sflag:s6] =	ssyncadd.s32 $0xFFFFE000  }
0x3a: {  	[tilespmem:s20], [sflag:$0x3] =	stream.strided.gather [hbm4b:s11+s16], $0x2000, s17, s16, $0x38;
	[tilespmem:$0xF480] =	vst v63  }
0x3b: {  	_ =	swait.ge [sflag:s6], $0x2000  }
0x3c: {  	[sflag:s6] =	ssyncset.done $0x0  }
0x3d: {  	s12 =	rddreg [dreg:$0x7];
	[sflag:s6] =	ssyncadd.s32 $0xFFFFE000  }
0x3e: {  	[tilespmem:s21], [sflag:$0x3] =	stream.linear.gather [hbm4b:s12+s3], $0x80, $0x38;
	[tilespmem:$0xF480] =	vst v63  }
0x3f: {  	_ =	swait.ge [sflag:s6], $0x80  }
0x40: {  	[sflag:s6] =	ssyncset.done $0x0  }
0x41: {  	s13 =	rddreg [dreg:$0x8];
	[sflag:s6] =	ssyncadd.s32 $0xFFFFFF80  }
0x42: {  	[tilespmem:s22], [sflag:$0x3] =	stream.linear.gather [hbm4b:s13+s3], $0x80, $0x38;
	[tilespmem:$0xF480] =	vst v63  }
0x43: {  	_ =	swait.ge [sflag:s6], $0x80  }
0x44: {  	[sflag:s6] =	ssyncset.done $0x0  }
0x45: {  	s14 =	rddreg [dreg:$0x9];
	[sflag:s6] =	ssyncadd.s32 $0xFFFFFF80  }
0x46: {  	[tilespmem:s23], [sflag:$0x3] =	stream.linear.gather [hbm4b:s14+s3], $0x80, $0x38;
	[tilespmem:$0xF480] =	vst v63  }
0x47: {  	_ =	swait.ge [sflag:s6], $0x80  }
0x48: {  	[sflag:s6] =	ssyncset.done $0x0  }
0x49: {  	s15 =	rddreg [dreg:$0xa];
	[sflag:s6] =	ssyncadd.s32 $0xFFFFFF80  }
0x4a: {  	[tilespmem:s24], [sflag:$0x3] =	stream.linear.gather [hbm4b:s15+s3], $0x80, $0x38;
	[tilespmem:$0xF480] =	vst v63  }
.Ltmp2:
0x4b: {  	_ = 	snop;
	(pc) =	sbr.rel .LBB2_2-.Ltmp2, $4  }
0x4c: {  	_ =	swait.ge [sflag:s6], $0x80  }
0x4d: {  	s25 =	simm.s32 $0x6200;
	v5 =	vimm.f32 $0.0e+00;
	v6 =	vimm.f32 $0.0e+00;
	v7 =	vimm.f32 $0.0e+00;
	[sflag:s6] =	ssyncset.done $0x0  }
0x4e: {  	v13 =	vimm.f32 $0.0e+00;
	v11 =	vimm.f32 $0.0e+00;
	v12 =	vimm.f32 $0.0e+00;
	s18 =	rddreg [dreg:$0xb];
	[sflag:s6] =	ssyncadd.s32 $0xFFFFFF80;
	s6 =	simm.s32 $0x0  }
0x4f: {  	v8 =	vimm.f32 $0.0e+00;
	v9 =	vimm.f32 $0.0e+00;
	v10 =	vimm.f32 $0.0e+00;
	[tilespmem:s25], [sflag:$0x1] =	stream.strided.gather [hbm4b:s18+s16], $0x2000, s17, s16, $0x38;
	[tilespmem:$0xF480] =	vst v63  }
.LBB2_34:
0x50: {  	v23 =	vimm.s32 $0x0;
	s12 =	simm.s32 $0xA220  }
.LBB2_39:
0x51: {  	v26 =	vor.u32 s8, v1  }
0x52: {  	vm4 =	veq.s32 v25, v18;
	vm3 =	vlt.s32 v26, v17  }
0x53: {  	vm4 =	vmand vm3, vm4  }
0x54: {  	v48 =	vsel vm4, $0x1, v0  }
0x55: {  	(xrf0) =	vadd.scan.msk.s32 $0xffff, v48;
	_ =	sdelay $0x3  }
0x56: {  	v49 =	vmpcnt.ones.xlane vm0;
	_ =	sdelay $0x1  }
0x57: {  	v21 =	vadd.s32 v21, v49;
	v50, _, _ =	vpop (xrf0)  }
0x58: {  	v26 =	vadd.s32 v21, v50  }
0x59: {  	vm9 =	vlt.s32 v25, v18;
	vm5 =	vle.s32 v26, v19  }
0x5a: {  	vm0 =	vmand vm3, vm9;
	vm10 =	vmand vm4, vm5  }
0x5b: {  	vm0 =	vmor vm0, vm10  }
0x5c: {  	v51 =	vsel vm0, $0x1, v0  }
0x5d: {  	(xrf0) =	vadd.scan.msk.s32 $0xffff, v51;
	_ =	sdelay $0x3  }
0x5e: {  	v52 =	vmpcnt.ones.xlane vm1;
	_ =	sdelay $0x1  }
0x5f: {  	v23 =	vadd.s32 v23, v52;
	v53, _, _ =	vpop (xrf0)  }
0x60: {  	v25 =	vadd.s32 v53, v23  }
0x61: {  	v25 =	vadd.s32 $0xFFFFFFFF, v25  }
0x62: {  	vm11 =	vlt.s32 v25, $0x3F  }
0x63: {  	v54 =	vld [tilespmem:s9+$0xFFFFFFF0];
	v25 =	vnsel vm11, $0x3F, v25;
	_ =	sdelay $0x4  }
0x64: {  	[tilespmem:v25+s31+$0x0] =	vst.idx.msk vm0, v54  }
0x65: {  	v25 =	vld [tilespmem:s5+$0x0];
	_ =	sdelay $0x2  }
0x66: {  	s25 =	sadd.s32 $0x20, s10  }
0x67: {  	v55 =	vor.u32 s25, v1  }
0x68: {  	vm12 =	vlt.s32 v55, v17;
	vm13 =	veq.s32 v25, v18  }
0x69: {  	vm3 =	vmand vm12, vm13  }
0x6a: {  	v56 =	vsel vm3, $0x1, v0  }
0x6b: {  	(xrf0) =	vadd.scan.msk.s32 $0xffff, v56;
	_ =	sdelay $0x3  }
0x6c: {  	v57 =	vmpcnt.ones.xlane vm4;
	_ =	sdelay $0x1  }
0x6d: {  	v21 =	vadd.s32 v21, v57;
	v58, _, _ =	vpop (xrf0)  }
0x6e: {  	v26 =	vadd.s32 v21, v58  }
0x6f: {  	vm14 =	vlt.s32 v25, v18;
	vm15 =	vle.s32 v26, v19  }
0x70: {  	vm1 =	vmand vm12, vm14;
	vm8 =	vmand vm3, vm15  }
0x71: {  	vm1 =	vmor vm1, vm8  }
0x72: {  	v59 =	vsel vm1, $0x1, v0  }
0x73: {  	(xrf0) =	vadd.scan.msk.s32 $0xffff, v59;
	_ =	sdelay $0x3  }
0x74: {  	v60 =	vmpcnt.ones.xlane vm0;
	_ =	sdelay $0x1  }
0x75: {  	v23 =	vadd.s32 v23, v60;
	v61, _, _ =	vpop (xrf0)  }
0x76: {  	v25 =	vadd.s32 v61, v23  }
0x77: {  	v25 =	vadd.s32 $0xFFFFFFFF, v25  }
0x78: {  	vm9 =	vlt.s32 v25, $0x3F  }
0x79: {  	v62 =	vld [tilespmem:s9+$0x0];
	v25 =	vnsel vm9, $0x3F, v25;
	_ =	sdelay $0x4  }
0x7a: {  	[tilespmem:v25+s31+$0x0] =	vst.idx.msk vm1, v62  }
0x7b: {  	v25 =	vld [tilespmem:s12+$0x10];
	_ =	sdelay $0x4  }
0x7c: {  	vm10 =	vlt.s32 v20, v17;
	vm11 =	veq.s32 v25, v18  }
0x7d: {  	vm4 =	vmand vm10, vm11  }
0x7e: {  	v17 =	vsel vm4, $0x1, v0  }
0x7f: {  	(xrf0) =	vadd.scan.msk.s32 $0xffff, v17;
	_ =	sdelay $0x3  }
0x80: {  	v17 =	vmpcnt.ones.xlane vm3;
	_ =	sdelay $0x1  }
0x81: {  	v17 =	vadd.s32 v21, v17;
	v63, _, _ =	vpop (xrf0)  }
0x82: {  	v17 =	vadd.s32 v17, v63  }
0x83: {  	vm12 =	vlt.s32 v25, v18;
	vm13 =	vle.s32 v17, v19  }
0x84: {  	vm0 =	vmand vm10, vm12;
	vm14 =	vmand vm4, vm13  }
0x85: {  	vm0 =	vmor vm0, vm14  }
0x86: {  	v17 =	vsel vm0, $0x1, v0  }
0x87: {  	(xrf0) =	vadd.scan.msk.s32 $0xffff, v17;
	_ =	sdelay $0x3  }
0x88: {  	v17 =	vmpcnt.ones.xlane vm1;
	_ =	sdelay $0x1  }
0x89: {  	v17 =	vadd.s32 v23, v17;
	v18, _, _ =	vpop (xrf0)  }
0x8a: {  	v17 =	vadd.s32 v18, v17  }
0x8b: {  	v17 =	vadd.s32 $0xFFFFFFFF, v17  }
0x8c: {  	vm15 =	vlt.s32 v17, $0x3F  }
0x8d: {  	v18 =	vld [tilespmem:s9+$0x10];
	v17 =	vnsel vm15, $0x3F, v17;
	_ =	sdelay $0x3  }
0x8e: {  	[tilespmem:v24+s31+$0x0] =	vst.idx.msk @p0 vm2, v22  }
0x8f: {  	[tilespmem:v17+s31+$0x0] =	vst.idx.msk vm0, v18  }
.LBB2_40:
0x90: {  	v17 =	vld [tilespmem:$0xC300];
	_ =	sdelay $0x7  }
0x91: {  	s5 =	smul.u32 $0x60, s7;
	v18 =	vld.idx.msk [tilespmem:v17+s3+$0x0], $0xffff  }
0x92: {  	v19 =	vld.idx.msk [tilespmem:v17+s19+$0x0], $0xffff  }
0x93: {  	v20 =	vadd.s32 s5, v4;
	v17 =	vld.idx.msk [tilespmem:v17+s20+$0x0], $0xffff  }
0x94: {  	v21 =	vadd.s32 s5, v2  }
0x95: {  	v22 =	vadd.s32 s5, v3  }
0x96: {  	v18 =	vsub.f32 v18, v14  }
0x97: {  	v19 =	vsub.f32 v19, v15  }
0x98: {  	v17 =	vsub.f32 v17, v16;
	[tilespmem:v20+s1+$0x0] =	vst.idx.msk $0xffff, v18  }
0x99: {  	[tilespmem:v21+s1+$0x0] =	vst.idx.msk $0xffff, v19  }
0x9a: {  	[tilespmem:v22+s1+$0x0] =	vst.idx.msk $0xffff, v17  }
0x9b: {  	v20 =	vld [tilespmem:$0xC310];
	_ =	sdelay $0x6  }
0x9c: {  	v59 =	vmul.f32 v19, v19  }
0x9d: {  	s5 =	sadd.s32 $0x30, s5;
	v24 =	vld.idx.msk [tilespmem:v20+s3+$0x0], $0xffff  }
0x9e: {  	v4 =	vadd.s32 s5, v4;
	v58 =	vmul.f32 v18, v18;
	v60 =	vadd.f32 v59, v12;
	v12 =	vld.idx.msk [tilespmem:v20+s19+$0x0], $0xffff  }
0x9f: {  	v23 =	vmul.f32 v17, v17;
	v7 =	vadd.f32 v18, v7;
	v61 =	vmul.f32 v19, v18;
	v20 =	vld.idx.msk [tilespmem:v20+s20+$0x0], $0xffff  }
0xa0: {  	v18 =	vmul.f32 v17, v18;
	v5 =	vadd.f32 v19, v5;
	v6 =	vadd.f32 v17, v6  }
0xa1: {  	v11 =	vadd.f32 v58, v11;
	v13 =	vadd.f32 v23, v13;
	v17 =	vmul.f32 v17, v19  }
0xa2: {  	v62 =	vadd.f32 v61, v8;
	v18 =	vadd.f32 v18, v9  }
0xa3: {  	v17 =	vadd.f32 v17, v10;
	v14 =	vsub.f32 v24, v14  }
0xa4: {  	s6 =	sadd.s32 $0x1, s6;
	v2 =	vadd.s32 s5, v2;
	v15 =	vsub.f32 v12, v15;
	v63 =	vsub.f32 v20, v16  }
0xa5: {  	p0 =	seq.s32 s6, $0x40;
	v3 =	vadd.s32 s5, v3;
	[tilespmem:v4+s1+$0x0] =	vst.idx.msk $0xffff, v14;
	v10 =	vadd.f32 v14, v7;
	v4 =	vmul.f32 v14, v14  }
.Ltmp3:
0xa6: {  	v9 =	vadd.f32 v15, v5;
	v8 =	vadd.f32 v63, v6;
	v5 =	vmul.f32 v15, v15;
	(pc) =	sbr.rel @p0 .LBB2_41-.Ltmp3, $4  }
0xa7: {  	v6 =	vmul.f32 v15, v14;
	v12 =	vadd.f32 v4, v11;
	v4 =	vmul.f32 v63, v63  }
0xa8: {  	v11 =	vadd.f32 v5, v60;
	v5 =	vmul.f32 v63, v14;
	v14 =	vmul.f32 v63, v15  }
0xa9: {  	[tilespmem:v2+s1+$0x0] =	vst.idx.msk $0xffff, v15;
	v7 =	vadd.f32 v6, v62;
	v13 =	vadd.f32 v4, v13  }
0xaa: {  	[tilespmem:v3+s1+$0x0] =	vst.idx.msk $0xffff, v63;
	v6 =	vadd.f32 v5, v18;
	v5 =	vadd.f32 v14, v17  }
.LBB2_2:
0xab: {  	s9 =	sshll.u32 s6, $0x1  }
0xac: {  	s7 =	sshllo.u32 s6, $0x1;
	v2 =	vmov s9  }
0xad: {  	s5 =	sadd.s32 s2, s9;
	s8 =	sshll.u32 s7, $0x4;
	v3 =	vbroadcast v2, $0x0  }
0xae: {  	_ =	swait.ge [sflag:s26], $0x2000;
	s5 =	sshll.u32 s5, $0xA;
	s8 =	sand.u32 $0x70, s8  }
0xaf: {  	[sflag:s26] =	ssyncset.done $0x0;
	s5 =	sand.u32 $0xFFFE000, s5;
	s8 =	sadd.s32 s4, s8  }
0xb0: {  	s11 =	simm.s32 $0x6240;
	[sflag:s26] =	ssyncadd.s32 $0xFFFFE000;
	s5 =	sadd.s32 s5, s8  }
0xb1: {  	[tilespmem:s28], [sflag:$0x2] =	stream.strided.gather [hbm4b:s5+s16], $0x2000, s17, s16, $0x38;
	[tilespmem:$0xF480] =	vst v63  }
0xb2: {  	v25 =	vld [tilespmem:s11+$0x20]  }
0xb3: {  	v2 =	vld.idx.msk [tilespmem:v3+s24+$0x0], $0xffff  }
0xb4: {  	v17 =	vld [tilespmem:s11+$0xFFFFFFC0]  }
0xb5: {  	v19 =	vld [tilespmem:s11+$0xFFFFFFE0]  }
0xb6: {  	v24 =	vld [tilespmem:s11+$0xFFFFFFF0]  }
0xb7: {  	s12 =	simm.s32 $0x10;
	v22 =	vld [tilespmem:s11+$0xFFFFFFD0]  }
0xb8: {  	s10 =	simm.s32 $0x0;
	v34 =	vor.u32 s12, v1;
	v23 =	vld [tilespmem:s11+$0x10];
	vm0 =	vle.f32 v25, v2  }
0xb9: {  	s13 =	simm.s32 $0x20;
	v35 =	vor.u32 s10, v1;
	v26 =	vld [tilespmem:s11+$0x0];
	vm5 =	vle.f32 v17, v2;
	v4 =	vsel vm0, $0x1, v0  }
0xba: {  	s14 =	simm.s32 $0x50;
	v36 =	vor.u32 s13, v1;
	v32 =	vld [tilespmem:s11+$0x30];
	vm2 =	vle.f32 v19, v2;
	v14 =	vsel vm5, $0x1, v0;
	(xrf0) =	vadd.scan.msk.s32 $0xffff, v4  }
0xbb: {  	s18 =	simm.s32 $0x40;
	s25 =	simm.s32 $0x70;
	v58 =	vor.u32 s14, v1;
	vm1 =	vle.f32 v24, v2;
	v4 =	vsel vm2, $0x1, v0;
	(xrf0) =	vadd.scan.msk.s32 $0xffff, v14  }
0xbc: {  	v61 =	vor.u32 s18, v1;
	v62 =	vor.u32 s25, v1;
	s11 =	simm.s32 $0x30;
	v14 =	vsel vm1, $0x1, v0;
	(xrf0) =	vadd.scan.msk.s32 $0xffff, v4  }
0xbd: {  	v37 =	vor.u32 s11, v1;
	vm3 =	vle.f32 v22, v2;
	v15 =	vmpcnt.ones.xlane vm5;
	(xrf0) =	vadd.scan.msk.s32 $0xffff, v14  }
0xbe: {  	vm6 =	vle.f32 v23, v2;
	vm4 =	vle.f32 v26, v2;
	v14 =	vsel vm3, $0x1, v0  }
0xbf: {  	vm9 =	vle.f32 v32, v2;
	v18 =	vsel vm6, $0x1, v0;
	v20 =	vmpcnt.ones.xlane vm2;
	(xrf0) =	vadd.scan.msk.s32 $0xffff, v14  }
0xc0: {  	v16 =	vsel vm4, $0x1, v0;
	v4 =	vimm.s32 $0x0;
	v14 =	vmpcnt.ones.xlane vm3;
	v27, _, _ =	vpop (xrf0)  }
0xc1: {  	v21 =	vmpcnt.ones.xlane vm4;
	vm5 =	vmmov vm5;
	v28 =	vadd.s32 v4, v15;
	v15, _, _ =	vpop (xrf0)  }
0xc2: {  	vm8 =	vmmov vm6;
	v14 =	vadd.s32 v28, v14;
	v4 =	vadd.s32 v15, v4;
	v15, _, _ =	vpop (xrf0)  }
0xc3: {  	v29 =	vadd.s32 v14, v20;
	(xrf0) =	vadd.scan.msk.s32 $0xffff, v16;
	v16 =	vld.idx.msk [tilespmem:v3+s23+$0x0], $0xffff;
	v4 =	vadd.s32 $0xFFFFFFFF, v4;
	v15 =	vadd.s32 v15, v14;
	v20, _, _ =	vpop (xrf0)  }
0xc4: {  	v14 =	vld.idx.msk [tilespmem:v3+s21+$0x0], $0xffff;
	(xrf0) =	vadd.scan.msk.s32 $0xffff, v18;
	vm7 =	vlt.s32 v4, $0xFFF;
	v30 =	vadd.s32 $0xFFFFFFFF, v15;
	v15 =	vadd.s32 v20, v29  }
0xc5: {  	s5 =	simm.s32 $0x62C0;
	v20, _, _ =	vpop (xrf0);
	v31 =	vnsel vm7, $0xFFF, v4;
	vm7 =	vlt.s32 v30, $0xFFF;
	v4 =	vadd.s32 $0xFFFFFFFF, v15;
	v15 =	vld.idx.msk [tilespmem:v3+s22+$0x0], $0xffff  }
0xc6: {  	vm0 =	vmmov vm0;
	v20 =	vadd.s32 v20, v28;
	v3 =	vld [tilespmem:s5+$0x20];
	v28 =	vnsel vm7, $0xFFF, v30  }
0xc7: {  	vm10 =	vmmov vm4;
	v18 =	vmpcnt.ones.xlane vm1;
	v30 =	vadd.s32 $0xFFFFFFFF, v20;
	v20 =	vld [tilespmem:s5+$0xFFFFFFC0]  }
0xc8: {  	vm11 =	vmmov vm3;
	v40 =	vsel vm9, $0x1, v0;
	vm7 =	vlt.s32 v4, $0xFFF  }
0xc9: {  	v42 =	vmpcnt.ones.xlane vm9;
	(xrf0) =	vadd.scan.msk.s32 $0xffff, v40;
	v29 =	vadd.s32 v29, v18;
	v33 =	vnsel vm7, $0xFFF, v4;
	v41, _, _ =	vpop (xrf0)  }
0xca: {  	v39 =	vmpcnt.ones.xlane vm8;
	v48 =	vadd.s32 v41, v29;
	v29 =	vadd.s32 v29, v21;
	v49, _, _ =	vpop (xrf0);
	[tilespmem:v31+s29+$0x0] =	vst.idx.msk vm5, v17  }
0xcb: {  	v38 =	vmpcnt.ones.xlane vm0;
	v18 =	vld [tilespmem:s5+$0xFFFFFFF0];
	v41 =	vadd.s32 v49, v29;
	vm4 =	vle.f32 v3, v2;
	[tilespmem:v28+s29+$0x0] =	vst.idx.msk vm2, v19  }
0xcc: {  	vm7 =	vlt.s32 v30, $0xFFF;
	v21 =	vld [tilespmem:s5+$0xFFFFFFE0];
	vm6 =	vle.f32 v20, v2;
	v19 =	vadd.s32 v29, v39;
	[tilespmem:v31+s30+$0x0] =	vst.idx.msk vm5, v35  }
0xcd: {  	[tilespmem:v28+s30+$0x0] =	vst.idx.msk vm2, v36;
	v28 =	vnsel vm7, $0xFFF, v30;
	v30 =	vadd.s32 v19, v38;
	v27 =	vadd.s32 v27, v19;
	v19 =	vld [tilespmem:s5+$0xFFFFFFD0]  }
0xce: {  	v31 =	vadd.s32 $0xFFFFFFFF, v48;
	v51 =	vadd.s32 $0xFFFFFFFF, v41;
	v43 =	vmpcnt.ones.xlane vm6;
	[tilespmem:v33+s29+$0x0] =	vst.idx.msk vm1, v24  }
0xcf: {  	v52, _, _ =	vpop (xrf0);
	v29 =	vsel vm6, $0x1, v0;
	v24 =	vsel vm4, $0x1, v0;
	vm7 =	vlt.s32 v31, $0xFFF;
	[tilespmem:v33+s30+$0x0] =	vst.idx.msk vm1, v37  }
0xd0: {  	vm1 =	vle.f32 v18, v2;
	v36 =	vadd.s32 v52, v30;
	(xrf0) =	vadd.scan.msk.s32 $0xffff, v24;
	v31 =	vnsel vm7, $0xFFF, v31  }
0xd1: {  	v17 =	vld [tilespmem:s5+$0x0];
	v27 =	vadd.s32 $0xFFFFFFFF, v27;
	vm2 =	vle.f32 v21, v2;
	v54 =	vsel vm1, $0x1, v0;
	(xrf0) =	vadd.scan.msk.s32 $0xffff, v29  }
0xd2: {  	v4 =	vld [tilespmem:s5+$0x10];
	v29 =	vadd.s32 $0xFFFFFFFF, v36;
	v53 =	vsel vm2, $0x1, v0;
	vm7 =	vle.f32 v19, v2  }
0xd3: {  	vm13 =	vlt.s32 v27, $0xFFF;
	(xrf0) =	vadd.scan.msk.s32 $0xffff, v53;
	[tilespmem:v28+s29+$0x0] =	vst.idx.msk vm11, v22;
	v22 =	vsel vm7, $0x1, v0  }
0xd4: {  	v30 =	vadd.s32 v30, v42;
	vm12 =	vlt.s32 v29, $0xFFF;
	v27 =	vnsel vm13, $0xFFF, v27;
	(xrf0) =	vadd.scan.msk.s32 $0xffff, v54  }
0xd5: {  	v36 =	vnsel vm12, $0xFFF, v29;
	vm12 =	vlt.s32 v51, $0xFFF;
	[tilespmem:v28+s30+$0x0] =	vst.idx.msk vm11, v34;
	v28 =	vmpcnt.ones.xlane vm7  }
0xd6: {  	v59 =	vadd.s32 v30, v43;
	vm5 =	vle.f32 v17, v2;
	v57 =	vnsel vm12, $0xFFF, v51;
	(xrf0) =	vadd.scan.msk.s32 $0xffff, v22;
	v22, _, _ =	vpop (xrf0)  }
0xd7: {  	vm3 =	vle.f32 v4, v2;
	v55 =	vsel vm5, $0x1, v0;
	[tilespmem:v31+s29+$0x0] =	vst.idx.msk vm10, v26;
	v28 =	vadd.s32 v59, v28;
	v60, _, _ =	vpop (xrf0)  }
0xd8: {  	v56 =	vmpcnt.ones.xlane vm2;
	[tilespmem:v31+s30+$0x0] =	vst.idx.msk vm10, v61;
	(xrf0) =	vadd.scan.msk.s32 $0xffff, v55;
	v26 =	vadd.s32 v60, v30  }
0xd9: {  	vm6 =	vmmov vm6;
	v50 =	vsel vm3, $0x1, v0;
	[tilespmem:v27+s29+$0x0] =	vst.idx.msk vm0, v25;
	v30, _, _ =	vpop (xrf0);
	v26 =	vadd.s32 $0xFFFFFFFF, v26  }
0xda: {  	s15 =	simm.s32 $0x60;
	v24 =	vmpcnt.ones.xlane vm5;
	v31 =	vadd.s32 v28, v56;
	[tilespmem:v36+s29+$0x0] =	vst.idx.msk vm9, v32;
	v30 =	vadd.s32 v30, v28;
	v28, _, _ =	vpop (xrf0)  }
0xdb: {  	v29 =	vor.u32 s15, v1;
	[tilespmem:v57+s29+$0x0] =	vst.idx.msk vm8, v23;
	v23 =	vld [tilespmem:s5+$0x30];
	vm13 =	vlt.s32 v26, $0xFFF;
	v63 =	vadd.s32 v28, v31  }
0xdc: {  	s10 =	simm.s32 $0xF0;
	s12 =	simm.s32 $0xB0;
	[tilespmem:v36+s30+$0x0] =	vst.idx.msk vm9, v62;
	v30 =	vadd.s32 $0xFFFFFFFF, v30;
	v28 =	vnsel vm13, $0xFFF, v26;
	v25 =	vadd.s32 $0xFFFFFFFF, v63;
	v26, _, _ =	vpop (xrf0)  }
0xdd: {  	s14 =	simm.s32 $0x8;
	s13 =	simm.s32 $0x80;
	s8 =	simm.s32 $0x90;
	[tilespmem:v57+s30+$0x0] =	vst.idx.msk vm8, v58;
	vm14 =	vlt.s32 v30, $0xFFF;
	vm15 =	vlt.s32 v25, $0xFFF;
	v26 =	vadd.s32 v26, v59  }
0xde: {  	s11 =	simm.s32 $0xA0;
	s15 =	simm.s32 $0x170;
	s5 =	simm.s32 $0x6340;
	v33 =	vnsel vm14, $0xFFF, v30;
	(xrf0) =	vadd.scan.msk.s32 $0xffff, v50;
	v30 =	vnsel vm15, $0xFFF, v25;
	v34, _, _ =	vpop (xrf0);
	v32 =	vadd.s32 $0xFFFFFFFF, v26  }
.LBB2_3:
0xdf: {  	v36 =	vor.u32 s8, v1;
	vm8 =	vmmov vm3  }
0xe0: {  	v35 =	vld [tilespmem:s5+$0xFFFFFFC0];
	s25 =	sadd.s32 $0xFFFFFFB0, s15;
	s18 =	sadd.s32 $0xFFFFFFC0, s15;
	s14 =	sadd.s32 $0x8, s14;
	[tilespmem:v27+s30+$0x0] =	vst.idx.msk vm0, v29;
	v26 =	vmovc v23;
	v37 =	vmovc v17;
	vm0 =	vmmov vm4;
	vm10 =	vmmov vm5;
	vm11 =	vmmov vm7  }
0xe1: {  	v27 =	vor.u32 s13, v1;
	s13 =	sadd.s32 $0xFFFFFF90, s15;
	v29 =	vor.u32 s11, v1;
	v39 =	vor.u32 s12, v1;
	v38 =	vld [tilespmem:s5+$0x20];
	p0 =	slt.u32 s14, $0x1F8;
	s11 =	smov.u32 s25  }
0xe2: {  	v40 =	vmpcnt.ones.xlane vm0;
	vm9 =	vle.f32 v26, v2;
	s12 =	smov.u32 s18;
	v25 =	vld [tilespmem:s5+$0x10];
	[tilespmem:v28+s29+$0x0] =	vst.idx.msk vm6, v20;
	v20 =	vmpcnt.ones.xlane vm1  }
0xe3: {  	v41 =	vmpcnt.ones.xlane vm8;
	v42 =	vmpcnt.ones.xlane vm9;
	v23 =	vld [tilespmem:s5+$0x30];
	[tilespmem:v33+s29+$0x0] =	vst.idx.msk vm2, v21;
	v21 =	vsel vm9, $0x1, v0  }
0xe4: {  	vm5 =	vlt.s32 v32, $0xFFF;
	v17 =	vld [tilespmem:s5+$0x0];
	[tilespmem:v33+s30+$0x0] =	vst.idx.msk vm2, v29;
	v20 =	vadd.s32 v31, v20;
	(xrf0) =	vadd.scan.msk.s32 $0xffff, v21  }
0xe5: {  	vm12 =	vle.f32 v35, v2;
	v29 =	vld [tilespmem:s5+$0xFFFFFFF0];
	v31 =	vadd.s32 v34, v20;
	v20 =	vadd.s32 v20, v24;
	v24, _, _ =	vpop (xrf0)  }
0xe6: {  	v33 =	vmpcnt.ones.xlane vm12;
	v21 =	vld [tilespmem:s5+$0xFFFFFFE0];
	[tilespmem:v28+s30+$0x0] =	vst.idx.msk vm6, v27;
	v24 =	vadd.s32 v24, v20;
	v27 =	vadd.s32 v20, v41  }
0xe7: {  	vm4 =	vle.f32 v38, v2;
	v28 =	vnsel vm5, $0xFFF, v32;
	vm3 =	vle.f32 v25, v2;
	[tilespmem:v30+s29+$0x0] =	vst.idx.msk vm1, v18  }
0xe8: {  	v32 =	vsel vm12, $0x1, v0;
	v41 =	vsel vm3, $0x1, v0;
	[tilespmem:v30+s30+$0x0] =	vst.idx.msk vm1, v39;
	v30 =	vadd.s32 v27, v40;
	v20 =	vmovc v35  }
0xe9: {  	v31 =	vadd.s32 $0xFFFFFFFF, v31;
	v22 =	vadd.s32 v22, v27;
	v35 =	vsel vm4, $0x1, v0  }
0xea: {  	vm6 =	vlt.s32 v31, $0xFFF;
	v34 =	vadd.s32 $0xFFFFFFFF, v24;
	v27 =	vld [tilespmem:s5+$0xFFFFFFD0];
	vm1 =	vle.f32 v29, v2;
	(xrf0) =	vadd.scan.msk.s32 $0xffff, v35;
	v18, _, _ =	vpop (xrf0)  }
0xeb: {  	vm5 =	vle.f32 v17, v2;
	vm2 =	vle.f32 v21, v2;
	v35 =	vadd.s32 v18, v30;
	v18 =	vmovc v29  }
0xec: {  	v40 =	vsel vm5, $0x1, v0;
	v39 =	vsel vm1, $0x1, v0;
	v29 =	vsel vm2, $0x1, v0;
	[tilespmem:v28+s29+$0x0] =	vst.idx.msk vm11, v19  }
0xed: {  	v24 =	vmpcnt.ones.xlane vm5;
	v43 =	vmpcnt.ones.xlane vm2;
	v35 =	vadd.s32 $0xFFFFFFFF, v35;
	(xrf0) =	vadd.scan.msk.s32 $0xffff, v32  }
0xee: {  	v31 =	vnsel vm6, $0xFFF, v31;
	vm6 =	vlt.s32 v35, $0xFFF;
	(xrf0) =	vadd.scan.msk.s32 $0xffff, v29;
	v29 =	vadd.s32 $0xFFFFFFFF, v22  }
0xef: {  	v32 =	vnsel vm6, $0xFFF, v35;
	vm7 =	vle.f32 v27, v2;
	(xrf0) =	vadd.scan.msk.s32 $0xffff, v39;
	vm13 =	vlt.s32 v29, $0xFFF;
	v19 =	vmovc v27  }
0xf0: {  	vm6 =	vlt.s32 v34, $0xFFF;
	v35 =	vsel vm7, $0x1, v0;
	v22, _, _ =	vpop (xrf0);
	[tilespmem:v28+s30+$0x0] =	vst.idx.msk vm11, v36;
	v27 =	vnsel vm13, $0xFFF, v29  }
0xf1: {  	s8 =	sadd.s32 $0xFFFFFFE0, s10;
	s18 =	sadd.s32 $0xFFFFFFF0, s10;
	v28 =	vadd.s32 v30, v42;
	(xrf0) =	vadd.scan.msk.s32 $0xffff, v35;
	v35 =	vnsel vm6, $0xFFF, v34;
	vm6 =	vmmov vm12  }
0xf2: {  	s25 =	sadd.s32 $0xFFFFFFD0, s10;
	v42 =	vmpcnt.ones.xlane vm7;
	v36 =	vor.u32 s8, v1;
	v29 =	vor.u32 s18, v1  }
0xf3: {  	v39 =	vor.u32 s25, v1;
	v33 =	vadd.s32 v28, v33;
	v34, _, _ =	vpop (xrf0);
	(xrf0) =	vadd.scan.msk.s32 $0xffff, v40;
	[tilespmem:v31+s29+$0x0] =	vst.idx.msk vm10, v37  }
0xf4: {  	v40 =	vadd.s32 v33, v42;
	v37 =	vor.u32 s10, v1;
	s10 =	smov.u32 s15;
	v28 =	vadd.s32 v34, v28;
	v34, _, _ =	vpop (xrf0);
	[tilespmem:v31+s30+$0x0] =	vst.idx.msk vm10, v39  }
.Ltmp4:
0xf5: {  	v31 =	vadd.s32 v40, v43;
	v28 =	vadd.s32 $0xFFFFFFFF, v28;
	v39 =	vadd.s32 v34, v40;
	v30, _, _ =	vpop (xrf0);
	[tilespmem:v32+s29+$0x0] =	vst.idx.msk vm9, v26;
	(pc) =	sbr.rel @p0 .LBB2_3-.Ltmp4, $4  }
0xf6: {  	vm10 =	vlt.s32 v28, $0xFFF;
	v26 =	vadd.s32 $0xFFFFFFFF, v39;
	v30 =	vadd.s32 v30, v31;
	[tilespmem:v27+s29+$0x0] =	vst.idx.msk vm0, v3;
	v3 =	vmovc v38  }
0xf7: {  	v28 =	vnsel vm10, $0xFFF, v28;
	vm10 =	vlt.s32 v26, $0xFFF;
	v30 =	vadd.s32 $0xFFFFFFFF, v30;
	v34, _, _ =	vpop (xrf0);
	[tilespmem:v35+s29+$0x0] =	vst.idx.msk vm8, v4  }
0xf8: {  	v4 =	vmovc v25;
	v38 =	vadd.s32 v34, v33;
	v33 =	vnsel vm10, $0xFFF, v26;
	vm10 =	vlt.s32 v30, $0xFFF;
	[tilespmem:v32+s30+$0x0] =	vst.idx.msk vm9, v37  }
0xf9: {  	s5 =	sadd.s32 $0x80, s5;
	s15 =	sadd.s32 $0x80, s15;
	s8 =	sadd.s32 $0xFFFFFFA0, s10;
	v32 =	vadd.s32 $0xFFFFFFFF, v38;
	v30 =	vnsel vm10, $0xFFF, v30;
	v34, _, _ =	vpop (xrf0);
	(xrf0) =	vadd.scan.msk.s32 $0xffff, v41;
	[tilespmem:v35+s30+$0x0] =	vst.idx.msk vm8, v36  }
0xfa: {  	v25 =	vmpcnt.ones.xlane vm1  }
0xfb: {  	vm8 =	vmmov vm3  }
0xfc: {  	vm3 =	vmmov vm4;
	v26 =	vmpcnt.ones.xlane vm8;
	v25 =	vadd.s32 v31, v25  }
0xfd: {  	vm4 =	vle.f32 v23, v2;
	v51 =	vmpcnt.ones.xlane vm3;
	v24 =	vadd.s32 v25, v24  }
0xfe: {  	v2 =	vmpcnt.ones.xlane vm4;
	v26 =	vadd.s32 v24, v26  }
0xff: {  	v31 =	vadd.s32 v26, v51  }
0x100: {  	v35 =	vsel vm4, $0x1, v0;
	v2 =	vadd.s32 v31, v2  }
0x101: {  	(xrf0) =	vadd.scan.msk.s32 $0xffff, v35;
	v52 =	vxor.u32 $0x80000000, v2  }
0x102: {  	(xrf0) =	vmax.scan.msk.u32 $0xffff, v52;
	_ =	sdelay $0x3  }
0x103: {  	v53, _, _ =	vpop (xrf0)  }
0x104: {  	v36, _, _ =	vpop (xrf0)  }
0x105: {  	v37, _, _ =	vpop (xrf0)  }
0x106: {  	(v2sf) =	vpush v37, $0xF;
	_ =	sdelay $0x6  }
0x107: {  	[tilespmem:v27+s30+$0x0] =	vst.idx.msk vm0, v29;
	vm9 =	vmmov vm5  }
0x108: {  	vm10 =	vmmov vm7;
	[tilespmem:v28+s29+$0x0] =	vst.idx.msk vm6, v20;
	vm11 =	vlt.s32 v32, $0xFFF;
	v55 =	vadd.s32 v34, v25  }
0x109: {  	v54 =	vor.u32 s13, v1;
	[tilespmem:v33+s29+$0x0] =	vst.idx.msk vm2, v21;
	v57 =	vnsel vm11, $0xFFF, v32;
	v20 =	vadd.s32 $0xFFFFFFFF, v55  }
0x10a: {  	v56 =	vor.u32 s11, v1;
	[tilespmem:v30+s29+$0x0] =	vst.idx.msk vm1, v18;
	vm12 =	vlt.s32 v20, $0xFFF;
	v22 =	vadd.s32 v22, v26  }
0x10b: {  	[tilespmem:v33+s30+$0x0] =	vst.idx.msk vm2, v56;
	v20 =	vnsel vm12, $0xFFF, v20;
	v24 =	vadd.s32 v53, v24;
	v18 =	vadd.s32 $0xFFFFFFFF, v22  }
0x10c: {  	v58 =	vor.u32 s12, v1;
	[tilespmem:v28+s30+$0x0] =	vst.idx.msk vm6, v54;
	v60 =	vadd.s32 $0xFFFFFFFF, v24;
	vm14 =	vlt.s32 v18, $0xFFF  }
0x10d: {  	[tilespmem:v30+s30+$0x0] =	vst.idx.msk vm1, v58;
	vm15 =	vlt.s32 v60, $0xFFF;
	v18 =	vnsel vm14, $0xFFF, v18;
	v59 =	vadd.s32 v36, v31  }
0x10e: {  	v62 =	vor.u32 s8, v1;
	[tilespmem:v57+s29+$0x0] =	vst.idx.msk vm10, v19;
	v19 =	vnsel vm15, $0xFFF, v60;
	v25 =	vadd.s32 $0xFFFFFFFF, v59  }
0x10f: {  	s5 =	sadd.s32 $0xFFFFFFD0, s10;
	[tilespmem:v57+s30+$0x0] =	vst.idx.msk vm10, v62;
	vm13 =	vlt.s32 v25, $0xFFF;
	s13 =	spop (v2sf)  }
0x110: {  	v63 =	vor.u32 s5, v1;
	[tilespmem:v20+s29+$0x0] =	vst.idx.msk vm9, v17;
	v61 =	vnsel vm13, $0xFFF, v25;
	s14 =	sadd.s32 $0x8000003F, s13  }
0x111: {  	s18 =	sadd.s32 $0xFFFFFFE0, s10;
	[tilespmem:v20+s30+$0x0] =	vst.idx.msk vm9, v63;
	s8 =	sand.u32 $0x3F, s14  }
0x112: {  	[tilespmem:v18+s29+$0x0] =	vst.idx.msk vm3, v3;
	s15 =	sshra.s32 s14, $0x1F;
	p0 =	slt.s32 s14, $0x1;
	p1 =	sne.s32 s8, $0x0  }
.Ltmp5:
0x113: {  	[tilespmem:v19+s29+$0x0] =	vst.idx.msk vm8, v4;
	v4 =	vor.u32 s18, v1;
	s11 =	sshrl.u32 s15, $0x1A;
	p0 =	por !p0, !p1;
	(pc) =	sbr.rel .LBB2_5-.Ltmp5, $4  }
0x114: {  	[tilespmem:v19+s30+$0x0] =	vst.idx.msk vm8, v4;
	s5 =	sadd.s32 s11, s14;
	s11 =	simm.s32 $0x1;
	p0 =	por !p0, !p0  }
0x115: {  	s25 =	sadd.s32 $0xFFFFFFF0, s10;
	v3 =	vor.u32 s10, v1;
	[tilespmem:v61+s29+$0x0] =	vst.idx.msk vm4, v23;
	s5 =	sshra.s32 s5, $0x6;
	s11 =	simm.s32 @!p0 $0x0  }
0x116: {  	[tilespmem:v61+s30+$0x0] =	vst.idx.msk vm4, v3;
	v3 =	vor.u32 s25, v1;
	s12 =	ssub.s32 s5, s11  }
0x117: {  	v17 =	vimm.s32 $0x80000001;
	v4 =	vimm.s32 $0x0;
	[tilespmem:v18+s30+$0x0] =	vst.idx.msk vm3, v3;
	v3 =	vimm.s32 $0x7F800000;
	s5 =	simm.s32 $0x0;
	p0 =	slt.s32 s12, $0x1  }
.LBB2_7:
0x118: {  	v23 =	vimm.s32 $0x0;
	s8 =	simm.s32 $0x0  }
.LBB2_11:
0x119: {  	s8 =	sadd.s32 @p1 $0x40, s8;
	v22 =	vadd.s32 @p1 v23, v22  }
0x11a: {  	v24 =	vld [tilespmem:s11+$0xFFFFFFF0];
	v23 =	vmpcnt.ones.xlane @p1 vm1;
	vm0 =	vmand @p1 vm0, vm2;
	vm10 =	vle.s32 v20, v18;
	s10 =	smov.u32 @p1 s8  }
0x11b: {  	v26 =	vld [tilespmem:s11+$0x0];
	v21 =	vadd.s32 @p1 v21, v22;
	v22 =	vmpcnt.ones.xlane @p1 vm0;
	v25 =	vor.u32 s10, v1;
	s8 =	sadd.s32 $0x20, s10;
	s13 =	sadd.s32 $0x30, s10  }
0x11c: {  	v28 =	vld [tilespmem:s11+$0x10];
	s25 =	sadd.s32 $0x10, s10;
	v21 =	vadd.s32 @p1 v23, v21;
	v27 =	vor.u32 s8, v1;
	v29 =	vor.u32 s13, v1  }
0x11d: {  	vm9 =	vlt.s32 v25, v2;
	v61 =	vor.u32 s25, v1;
	v21 =	vadd.s32 @p1 v22, v21  }
0x11e: {  	vm11 =	vlt.s32 v27, v2;
	vm3 =	vlt.s32 v61, v2;
	vm0 =	vmand vm9, vm10  }
0x11f: {  	vm12 =	vlt.s32 v29, v2;
	v19 =	vpsel p1, v21, v19;
	vm4 =	vle.s32 v24, v18  }
0x120: {  	v20 =	vmpcnt.ones.xlane vm0;
	vm13 =	vle.s32 v26, v18;
	vm3 =	vmand vm3, vm4  }
0x121: {  	vm14 =	vle.s32 v28, v18;
	vm0 =	vmand vm11, vm13;
	v62 =	vmpcnt.ones.xlane vm3  }
0x122: {  	vm15 =	vmand vm12, vm14;
	v19 =	vadd.s32 v19, v20;
	v20 =	vmpcnt.ones.xlane vm0  }
0x123: {  	v63 =	vmpcnt.ones.xlane vm15;
	v19 =	vadd.s32 v62, v19  }
0x124: {  	v19 =	vadd.s32 v20, v19  }
0x125: {  	v19 =	vadd.s32 v63, v19  }
.LBB2_12:
0x126: {  	s5 =	sadd.s32 $0x1, s5  }
0x127: {  	p1 =	seq.s32 s5, $0x20  }
.Ltmp6:
0x128: {  	_ = 	snop;
	(pc) =	sbr.rel @p1 .LBB2_13-.Ltmp6, $3  }
0x129: {  	_ =	sdelay $0x1  }
0x12a: {  	vm0 =	vgt.s32 v19, $0x1F  }
0x12b: {  	v3 =	vsel vm0, v18, v3;
	v17 =	vsel vm0, v17, v18;
	v4 =	vsel vm0, v4, v19  }
.LBB2_5:
.Ltmp7:
0x12c: {  	(pc) =	sbr.rel @p0 .LBB2_12-.Ltmp7, $3  }
0x12d: {  	_ =	sdelay $0x1  }
0x12e: {  	v18 =	vadd.s32 v17, v3  }
0x12f: {  	v19 =	vimm.s32 $0x0;
	v18 =	vshra.s32 v18, $0x1  }
0x130: {  	p2 =	seq.s32 s12, $0x1  }
.Ltmp8:
0x131: {  	s11 =	simm.s32 $0xA220;
	(pc) =	sbr.rel @p2 .LBB2_7-.Ltmp8, $2  }
0x132: {  	v20 =	vld [tilespmem:s11+$0xFFFFFFE0];
	_ =	sdelay $0x2  }
0x133: {  	v19 =	vimm.s32 $0x0;
	s10 =	simm.s32 $0x0;
	s8 =	sadd.s32 $0xFFFFFFFF, s12;
	p1 =	por $0x0, $0x0  }
0x134: {  	v21 =	vld [tilespmem:s11+$0xFFFFFFF0]  }
0x135: {  	s13 =	simm.s32 $0x20;
	v23 =	vld [tilespmem:s11+$0x0];
	s14 =	simm.s32 $0x30  }
0x136: {  	v22 =	vor.u32 s10, v1;
	s15 =	simm.s32 $0x10;
	v25 =	vld [tilespmem:s11+$0x10];
	p2 =	seq.s32 s8, $0x1;
	v24 =	vor.u32 s13, v1;
	v26 =	vor.u32 s14, v1  }
.Ltmp9:
0x137: {  	s11 =	simm.s32 $0xA260;
	vm0 =	vlt.s32 v22, v2;
	v22 =	vor.u32 s15, v1;
	vm1 =	vle.s32 v20, v18;
	(pc) =	sbr.rel @p2 .LBB2_9-.Ltmp9, $4  }
0x138: {  	v20 =	vld [tilespmem:s11+$0xFFFFFFE0];
	vm2 =	vlt.s32 v24, v2;
	vm3 =	vlt.s32 v22, v2;
	vm1 =	vmand vm0, vm1  }
0x139: {  	vm0 =	vlt.s32 v26, v2;
	v22 =	vmpcnt.ones.xlane vm1;
	vm4 =	vle.s32 v21, v18  }
0x13a: {  	vm1 =	vle.s32 v23, v18;
	v23 =	vimm.s32 $0x0;
	vm3 =	vmand vm3, vm4  }
0x13b: {  	p1 =	por $0x1, $0x1;
	s13 =	sadd.s32 $0xFFFFFFFF, s8;
	s8 =	simm.s32 $0x0;
	vm1 =	vmand vm2, vm1;
	vm2 =	vle.s32 v25, v18;
	v21 =	vmpcnt.ones.xlane vm3  }
.LBB2_10:
0x13c: {  	p2 =	seq.s32 s13, $0x1;
	v24 =	vld [tilespmem:s11+$0xFFFFFFF0];
	v22 =	vadd.s32 v23, v22;
	v23 =	vmpcnt.ones.xlane vm1;
	vm0 =	vmand vm0, vm2;
	s8 =	sadd.s32 $0x40, s8  }
0x13d: {  	v25 =	vor.u32 s8, v1;
	s14 =	sadd.s32 $0x20, s8;
	v26 =	vld [tilespmem:s11+$0x0];
	s15 =	sadd.s32 $0x30, s8;
	v21 =	vadd.s32 v21, v22;
	v22 =	vmpcnt.ones.xlane vm0  }
0x13e: {  	s18 =	sadd.s32 $0x10, s8;
	v27 =	vor.u32 s14, v1;
	v28 =	vld [tilespmem:s11+$0x10];
	v29 =	vor.u32 s15, v1;
	v21 =	vadd.s32 v23, v21  }
.Ltmp10:
0x13f: {  	vm1 =	vlt.s32 v25, v2;
	v25 =	vor.u32 s18, v1;
	v23 =	vadd.s32 v22, v21;
	(pc) =	sbr.rel @!p2 .LBB2_10-.Ltmp10, $4  }
0x140: {  	vm2 =	vle.s32 v20, v18;
	vm3 =	vlt.s32 v27, v2;
	vm0 =	vlt.s32 v29, v2  }
0x141: {  	vm1 =	vmand vm1, vm2;
	vm2 =	vlt.s32 v25, v2;
	vm4 =	vle.s32 v24, v18  }
0x142: {  	s11 =	sadd.s32 $0x40, s11;
	v22 =	vmpcnt.ones.xlane vm1;
	vm1 =	vmand vm2, vm4;
	vm2 =	vle.s32 v26, v18  }
0x143: {  	s13 =	sadd.s32 $0xFFFFFFFF, s13;
	v20 =	vld [tilespmem:s11+$0xFFFFFFE0];
	v21 =	vmpcnt.ones.xlane vm1;
	vm1 =	vmand vm3, vm2;
	vm2 =	vle.s32 v28, v18  }
.Ltmp11:
0x144: {  	_ = 	snop;
	(pc) =	sbr.rel .LBB2_11-.Ltmp11, $1  }
0x145: {  	_ =	sdelay $0x3  }
.LBB2_9:
.Ltmp12:
0x146: {  	(pc) =	sbr.rel .LBB2_11-.Ltmp12, $2  }
0x147: {  	_ =	sdelay $0x2  }
0x148: {  	v23 =	vimm.s32 $0x0;
	s8 =	simm.s32 $0x0  }
.LBB2_13:
.Ltmp13:
0x149: {  	(pc) =	sbr.rel @p0 .LBB2_21-.Ltmp13, $1  }
0x14a: {  	_ =	sdelay $0x3  }
0x14b: {  	s5 =	simm.s32 $0xA220  }
0x14c: {  	v17 =	vld [tilespmem:s5+$0xFFFFFFE0];
	_ =	sdelay $0x2  }
0x14d: {  	s11 =	simm.s32 $0x0  }
0x14e: {  	v19 =	vor.u32 s11, v1  }
0x14f: {  	vm1 =	vlt.s32 v19, v2;
	vm0 =	veq.s32 v17, v3  }
0x150: {  	vm0 =	vmand vm1, vm0  }
0x151: {  	v19 =	vsel vm0, $0x1, v0  }
0x152: {  	(xrf0) =	vadd.scan.msk.s32 $0xffff, v19;
	_ =	sdelay $0x5  }
0x153: {  	v18 =	vimm.s32 $0x0;
	v19, _, _ =	vpop (xrf0)  }
0x154: {  	v4 =	vsub.s32 $0x20, v4;
	v19 =	vadd.s32 v18, v19  }
0x155: {  	vm2 =	vlt.s32 v17, v3;
	vm3 =	vle.s32 v19, v4  }
0x156: {  	vm1 =	vmand vm1, vm2;
	vm2 =	vmand vm0, vm3  }
0x157: {  	vm1 =	vmor vm1, vm2  }
0x158: {  	v17 =	vsel vm1, $0x1, v0  }
0x159: {  	(xrf0) =	vadd.scan.msk.s32 $0xffff, v17;
	_ =	sdelay $0x5  }
0x15a: {  	v17, _, _ =	vpop (xrf0)  }
0x15b: {  	v17 =	vadd.s32 v17, v18  }
0x15c: {  	v17 =	vadd.s32 $0xFFFFFFFF, v17  }
0x15d: {  	s10 =	simm.s32 $0xB2A0;
	vm2 =	vlt.s32 v17, $0x3F  }
0x15e: {  	v19 =	vld [tilespmem:s10+$0xFFFFFFE0];
	v17 =	vnsel vm2, $0x3F, v17  }
0x15f: {  	p1 =	seq.s32 s12, $0x1  }
.Ltmp14:
0x160: {  	_ = 	snop;
	(pc) =	sbr.rel @p1 .LBB2_15-.Ltmp14, $3  }
0x161: {  	_ =	sdelay $0x1  }
0x162: {  	s8 =	simm.s32 $0x30;
	[tilespmem:v17+s31+$0x0] =	vst.idx.msk vm1, v19  }
0x163: {  	s13 =	sadd.s32 $0xFFFFFFFF, s12;
	p0 =	por $0x0, $0x0;
	v17 =	vor.u32 s8, v1;
	s8 =	simm.s32 $0x10;
	v22 =	vld [tilespmem:s5+$0xFFFFFFF0]  }
0x164: {  	_ =	sdelay $0x2  }
0x165: {  	v19 =	vor.u32 s8, v1  }
0x166: {  	vm2 =	vlt.s32 v19, v2;
	vm3 =	veq.s32 v22, v3  }
0x167: {  	vm3 =	vmand vm2, vm3  }
0x168: {  	v19 =	vsel vm3, $0x1, v0  }
0x169: {  	(xrf0) =	vadd.scan.msk.s32 $0xffff, v19;
	_ =	sdelay $0x3  }
0x16a: {  	v19 =	vmpcnt.ones.xlane vm0;
	_ =	sdelay $0x1  }
0x16b: {  	v19 =	vadd.s32 v18, v19;
	v20, _, _ =	vpop (xrf0)  }
0x16c: {  	v20 =	vadd.s32 v19, v20  }
0x16d: {  	vm0 =	vlt.s32 v22, v3;
	vm4 =	vle.s32 v20, v4  }
0x16e: {  	vm0 =	vmand vm2, vm0;
	vm2 =	vmand vm3, vm4  }
0x16f: {  	vm0 =	vmor vm0, vm2  }
0x170: {  	v20 =	vsel vm0, $0x1, v0  }
0x171: {  	(xrf0) =	vadd.scan.msk.s32 $0xffff, v20;
	_ =	sdelay $0x1  }
0x172: {  	v20 =	vmpcnt.ones.xlane vm1;
	_ =	sdelay $0x3  }
0x173: {  	v18 =	vadd.s32 v18, v20;
	v20, _, _ =	vpop (xrf0)  }
0x174: {  	v20 =	vadd.s32 v20, v18  }
0x175: {  	v20 =	vadd.s32 $0xFFFFFFFF, v20  }
0x176: {  	vm1 =	vlt.s32 v20, $0x3F  }
0x177: {  	v21 =	vld [tilespmem:s10+$0xFFFFFFF0];
	v20 =	vnsel vm1, $0x3F, v20;
	_ =	sdelay $0x4  }
0x178: {  	[tilespmem:v20+s31+$0x0] =	vst.idx.msk vm0, v21  }
0x179: {  	v20 =	vld [tilespmem:s5+$0x0];
	_ =	sdelay $0x2  }
0x17a: {  	s18 =	simm.s32 $0x20  }
0x17b: {  	v21 =	vor.u32 s18, v1  }
0x17c: {  	vm2 =	vlt.s32 v21, v2;
	vm1 =	veq.s32 v20, v3  }
0x17d: {  	vm1 =	vmand vm2, vm1  }
0x17e: {  	v21 =	vsel vm1, $0x1, v0  }
0x17f: {  	(xrf0) =	vadd.scan.msk.s32 $0xffff, v21;
	_ =	sdelay $0x1  }
0x180: {  	v21 =	vmpcnt.ones.xlane vm3;
	_ =	sdelay $0x3  }
0x181: {  	v19 =	vadd.s32 v19, v21;
	v21, _, _ =	vpop (xrf0)  }
0x182: {  	v21 =	vadd.s32 v19, v21  }
0x183: {  	vm3 =	vlt.s32 v20, v3;
	vm12 =	vle.s32 v21, v4  }
0x184: {  	vm2 =	vmand vm2, vm3;
	vm3 =	vmand vm1, vm12  }
0x185: {  	vm2 =	vmor vm2, vm3  }
0x186: {  	v20 =	vsel vm2, $0x1, v0  }
0x187: {  	(xrf0) =	vadd.scan.msk.s32 $0xffff, v20;
	_ =	sdelay $0x3  }
0x188: {  	v20 =	vmpcnt.ones.xlane vm0;
	_ =	sdelay $0x1  }
0x189: {  	v20 =	vadd.s32 v18, v20;
	v18, _, _ =	vpop (xrf0)  }
0x18a: {  	v18 =	vadd.s32 v18, v20  }
0x18b: {  	v18 =	vadd.s32 $0xFFFFFFFF, v18  }
0x18c: {  	vm0 =	vlt.s32 v18, $0x3F  }
0x18d: {  	v21 =	vld [tilespmem:s10+$0x0];
	v18 =	vnsel vm0, $0x3F, v18  }
0x18e: {  	s12 =	simm.s32 $0xA260  }
0x18f: {  	v22 =	vld [tilespmem:s12+$0xFFFFFFE0];
	_ =	sdelay $0x2  }
0x190: {  	s11 =	simm.s32 $0x40;
	[tilespmem:v18+s31+$0x0] =	vst.idx.msk vm2, v21  }
0x191: {  	v23 =	vor.u32 s11, v1;
	v21 =	vld [tilespmem:s5+$0x10]  }
0x192: {  	vm3 =	vlt.s32 v23, v2;
	vm0 =	veq.s32 v22, v3  }
0x193: {  	vm0 =	vmand vm3, vm0  }
0x194: {  	v18 =	vsel vm0, $0x1, v0  }
0x195: {  	(xrf0) =	vadd.scan.msk.s32 $0xffff, v18  }
0x196: {  	vm13 =	vlt.s32 v17, v2;
	vm5 =	veq.s32 v21, v3  }
0x197: {  	vm5 =	vmand vm13, vm5  }
0x198: {  	v17 =	vmpcnt.ones.xlane vm1;
	v18 =	vsel vm5, $0x1, v0  }
0x199: {  	v23 =	vmpcnt.ones.xlane vm5;
	(xrf0) =	vadd.scan.msk.s32 $0xffff, v18  }
0x19a: {  	v17 =	vadd.s32 v19, v17  }
0x19b: {  	v19, _, _ =	vpop (xrf0);
	v18 =	vadd.s32 v17, v23  }
0x19c: {  	v19 =	vadd.s32 v18, v19  }
0x19d: {  	vm1 =	vlt.s32 v22, v3;
	vm6 =	vle.s32 v19, v4  }
0x19e: {  	vm1 =	vmand vm3, vm1;
	vm3 =	vmand vm0, vm6  }
0x19f: {  	vm1 =	vmor vm1, vm3;
	v22, _, _ =	vpop (xrf0)  }
0x1a0: {  	v19 =	vsel vm1, $0x1, v0;
	v17 =	vadd.s32 v17, v22  }
0x1a1: {  	vm3 =	vlt.s32 v21, v3;
	(xrf0) =	vadd.scan.msk.s32 $0xffff, v19;
	vm14 =	vle.s32 v17, v4  }
0x1a2: {  	vm3 =	vmand vm13, vm3;
	vm15 =	vmand vm5, vm14  }
0x1a3: {  	v17 =	vmpcnt.ones.xlane vm2;
	vm2 =	vmor vm3, vm15  }
0x1a4: {  	v21 =	vsel vm2, $0x1, v0  }
0x1a5: {  	v19 =	vmpcnt.ones.xlane vm2  }
0x1a6: {  	v17 =	vadd.s32 v20, v17;
	(xrf0) =	vadd.scan.msk.s32 $0xffff, v21  }
0x1a7: {  	v20 =	vadd.s32 v17, v19;
	v21, _, _ =	vpop (xrf0)  }
0x1a8: {  	v21 =	vadd.s32 v21, v20  }
0x1a9: {  	v21 =	vadd.s32 $0xFFFFFFFF, v21  }
0x1aa: {  	v19 =	vld [tilespmem:s10+$0x10];
	s10 =	simm.s32 $0xB2E0;
	vm3 =	vlt.s32 v21, $0x3F  }
0x1ab: {  	v22 =	vld [tilespmem:s10+$0xFFFFFFE0];
	v21 =	vnsel vm3, $0x3F, v21  }
0x1ac: {  	v23, _, _ =	vpop (xrf0)  }
0x1ad: {  	v17 =	vadd.s32 v23, v17  }
0x1ae: {  	v23 =	vadd.s32 $0xFFFFFFFF, v17  }
0x1af: {  	p1 =	seq.s32 s13, $0x1;
	vm3 =	vlt.s32 v23, $0x3F  }
.Ltmp15:
0x1b0: {  	[tilespmem:v21+s31+$0x0] =	vst.idx.msk vm1, v22;
	v21 =	vnsel vm3, $0x3F, v23;
	(pc) =	sbr.rel @p1 .LBB2_17-.Ltmp15, $3  }
0x1b1: {  	v22 =	vld [tilespmem:s12+$0xFFFFFFF0];
	_ =	sdelay $0x1  }
0x1b2: {  	s14 =	sadd.s32 $0xFFFFFFFF, s13;
	s25 =	simm.s32 $0x70  }
0x1b3: {  	s8 =	simm.s32 $0x50;
	p0 =	por $0x1, $0x1;
	s13 =	simm.s32 $0xA260;
	v17 =	vor.u32 s25, v1  }
.LBB2_18:
0x1b4: {  	p1 =	seq.s32 s14, $0x1;
	s14 =	sadd.s32 $0xFFFFFFFF, s14;
	v23 =	vor.u32 s8, v1;
	[tilespmem:v21+s31+$0x0] =	vst.idx.msk vm2, v19  }
0x1b5: {  	vm3 =	vlt.s32 v23, v2;
	vm4 =	vlt.s32 v22, v3;
	vm2 =	veq.s32 v22, v3  }
0x1b6: {  	vm2 =	vmand vm3, vm2  }
0x1b7: {  	v19 =	vsel vm2, $0x1, v0  }
0x1b8: {  	(xrf0) =	vadd.scan.msk.s32 $0xffff, v19;
	_ =	sdelay $0x3  }
0x1b9: {  	v21 =	vmpcnt.ones.xlane vm0;
	_ =	sdelay $0x1  }
0x1ba: {  	v18 =	vadd.s32 v18, v21;
	v19, _, _ =	vpop (xrf0)  }
0x1bb: {  	v19 =	vadd.s32 v18, v19  }
0x1bc: {  	vm0 =	vle.s32 v19, v4  }
0x1bd: {  	vm3 =	vmand vm3, vm4;
	vm0 =	vmand vm2, vm0  }
0x1be: {  	vm0 =	vmor vm3, vm0  }
0x1bf: {  	v19 =	vsel vm0, $0x1, v0  }
0x1c0: {  	(xrf0) =	vadd.scan.msk.s32 $0xffff, v19;
	_ =	sdelay $0x3  }
0x1c1: {  	v19 =	vmpcnt.ones.xlane vm1;
	_ =	sdelay $0x1  }
0x1c2: {  	v19 =	vadd.s32 v20, v19;
	v20, _, _ =	vpop (xrf0)  }
0x1c3: {  	v20 =	vadd.s32 v20, v19  }
0x1c4: {  	v20 =	vadd.s32 $0xFFFFFFFF, v20  }
0x1c5: {  	vm1 =	vlt.s32 v20, $0x3F  }
0x1c6: {  	v21 =	vld [tilespmem:s10+$0xFFFFFFF0];
	v20 =	vnsel vm1, $0x3F, v20;
	_ =	sdelay $0x4  }
0x1c7: {  	[tilespmem:v20+s31+$0x0] =	vst.idx.msk vm0, v21  }
0x1c8: {  	v20 =	vld [tilespmem:s12+$0x0];
	_ =	sdelay $0x2  }
0x1c9: {  	s5 =	sadd.s32 $0x20, s11  }
0x1ca: {  	v21 =	vor.u32 s5, v1  }
0x1cb: {  	vm1 =	vlt.s32 v21, v2;
	vm3 =	vlt.s32 v20, v3;
	vm4 =	veq.s32 v20, v3  }
0x1cc: {  	vm4 =	vmand vm1, vm4  }
0x1cd: {  	v20 =	vsel vm4, $0x1, v0;
	v21 =	vmpcnt.ones.xlane vm4  }
0x1ce: {  	(xrf0) =	vadd.scan.msk.s32 $0xffff, v20;
	_ =	sdelay $0x3  }
0x1cf: {  	v22 =	vmpcnt.ones.xlane vm2;
	_ =	sdelay $0x1  }
0x1d0: {  	v18 =	vadd.s32 v18, v22;
	v20, _, _ =	vpop (xrf0)  }
0x1d1: {  	v20 =	vadd.s32 v18, v20  }
0x1d2: {  	vm2 =	vle.s32 v20, v4  }
0x1d3: {  	vm1 =	vmand vm1, vm3;
	vm2 =	vmand vm4, vm2  }
0x1d4: {  	vm1 =	vmor vm1, vm2  }
0x1d5: {  	v20 =	vsel vm1, $0x1, v0;
	v22 =	vmpcnt.ones.xlane vm1  }
0x1d6: {  	(xrf0) =	vadd.scan.msk.s32 $0xffff, v20;
	_ =	sdelay $0x3  }
0x1d7: {  	v20 =	vmpcnt.ones.xlane vm0;
	_ =	sdelay $0x1  }
0x1d8: {  	v20 =	vadd.s32 v19, v20;
	v19, _, _ =	vpop (xrf0)  }
0x1d9: {  	v19 =	vadd.s32 v19, v20  }
0x1da: {  	v19 =	vadd.s32 $0xFFFFFFFF, v19  }
0x1db: {  	vm0 =	vlt.s32 v19, $0x3F  }
0x1dc: {  	s12 =	sadd.s32 $0x40, s12;
	v23 =	vld [tilespmem:s10+$0x0];
	v19 =	vnsel vm0, $0x3F, v19  }
0x1dd: {  	v24 =	vld [tilespmem:s12+$0xFFFFFFE0];
	_ =	sdelay $0x2  }
0x1de: {  	s11 =	sadd.s32 $0x40, s11  }
0x1df: {  	v25 =	vor.u32 s11, v1;
	s5 =	sadd.s32 $0x30, s11;
	[tilespmem:v19+s31+$0x0] =	vst.idx.msk vm1, v23  }
0x1e0: {  	vm1 =	vlt.s32 v25, v2;
	vm2 =	vlt.s32 v24, v3;
	vm0 =	veq.s32 v24, v3;
	v23 =	vld [tilespmem:s13+$0x10];
	s13 =	smov.u32 s12  }
0x1e1: {  	v24 =	vor.u32 s5, v1;
	vm0 =	vmand vm1, vm0;
	v19 =	vld [tilespmem:s10+$0x10]  }
0x1e2: {  	v25 =	vsel vm0, $0x1, v0  }
0x1e3: {  	(xrf0) =	vadd.scan.msk.s32 $0xffff, v25;
	_ =	sdelay $0x1  }
0x1e4: {  	vm3 =	vlt.s32 v17, v2;
	v17 =	vmovc v24;
	vm4 =	vlt.s32 v23, v3;
	vm5 =	veq.s32 v23, v3  }
0x1e5: {  	vm5 =	vmand vm3, vm5  }
0x1e6: {  	v25 =	vsel vm5, $0x1, v0;
	v24 =	vmpcnt.ones.xlane vm5  }
0x1e7: {  	v21 =	vadd.s32 v18, v21;
	(xrf0) =	vadd.scan.msk.s32 $0xffff, v25  }
0x1e8: {  	v23, _, _ =	vpop (xrf0);
	v18 =	vadd.s32 v21, v24  }
0x1e9: {  	v23 =	vadd.s32 v18, v23  }
0x1ea: {  	vm6 =	vle.s32 v23, v4  }
0x1eb: {  	vm1 =	vmand vm1, vm2;
	vm2 =	vmand vm0, vm6  }
0x1ec: {  	vm1 =	vmor vm1, vm2  }
0x1ed: {  	v23 =	vsel vm1, $0x1, v0;
	v24, _, _ =	vpop (xrf0)  }
0x1ee: {  	(xrf0) =	vadd.scan.msk.s32 $0xffff, v23;
	v21 =	vadd.s32 v21, v24  }
0x1ef: {  	vm2 =	vle.s32 v21, v4  }
0x1f0: {  	vm3 =	vmand vm3, vm4;
	vm2 =	vmand vm5, vm2  }
0x1f1: {  	vm2 =	vmor vm3, vm2  }
0x1f2: {  	v24 =	vsel vm2, $0x1, v0;
	v23 =	vmpcnt.ones.xlane vm2  }
0x1f3: {  	v22 =	vadd.s32 v20, v22;
	(xrf0) =	vadd.scan.msk.s32 $0xffff, v24  }
0x1f4: {  	v21, _, _ =	vpop (xrf0);
	v20 =	vadd.s32 v22, v23  }
0x1f5: {  	v21 =	vadd.s32 v21, v20  }
0x1f6: {  	v21 =	vadd.s32 $0xFFFFFFFF, v21  }
0x1f7: {  	s10 =	sadd.s32 $0x40, s10;
	vm3 =	vlt.s32 v21, $0x3F  }
0x1f8: {  	v23 =	vld [tilespmem:s10+$0xFFFFFFE0];
	v21 =	vnsel vm3, $0x3F, v21  }
0x1f9: {  	v24, _, _ =	vpop (xrf0)  }
0x1fa: {  	v22 =	vadd.s32 v24, v22  }
0x1fb: {  	v22 =	vadd.s32 $0xFFFFFFFF, v22  }
0x1fc: {  	vm3 =	vlt.s32 v22, $0x3F  }
.Ltmp16:
0x1fd: {  	[tilespmem:v21+s31+$0x0] =	vst.idx.msk vm1, v23;
	v21 =	vnsel vm3, $0x3F, v22;
	(pc) =	sbr.rel @!p1 .LBB2_18-.Ltmp16, $2  }
0x1fe: {  	v22 =	vld [tilespmem:s12+$0xFFFFFFF0];
	_ =	sdelay $0x2  }
0x1ff: {  	s8 =	sadd.s32 $0x10, s11  }
0x200: {  	s5 =	smov.u32 s12  }
.LBB2_20:
0x201: {  	v23 =	vor.u32 s8, v1  }
0x202: {  	vm4 =	veq.s32 v22, v3;
	vm3 =	vlt.s32 v23, v2  }
0x203: {  	vm4 =	vmand vm3, vm4  }
0x204: {  	v49 =	vsel vm4, $0x1, v0  }
0x205: {  	(xrf0) =	vadd.scan.msk.s32 $0xffff, v49;
	_ =	sdelay $0x3  }
0x206: {  	v50 =	vmpcnt.ones.xlane vm0;
	_ =	sdelay $0x1  }
0x207: {  	v18 =	vadd.s32 v18, v50;
	v51, _, _ =	vpop (xrf0)  }
0x208: {  	v23 =	vadd.s32 v18, v51  }
0x209: {  	vm9 =	vlt.s32 v22, v3;
	vm5 =	vle.s32 v23, v4  }
0x20a: {  	vm0 =	vmand vm3, vm9;
	vm10 =	vmand vm4, vm5  }
0x20b: {  	vm0 =	vmor vm0, vm10  }
0x20c: {  	v52 =	vsel vm0, $0x1, v0  }
0x20d: {  	(xrf0) =	vadd.scan.msk.s32 $0xffff, v52;
	_ =	sdelay $0x3  }
0x20e: {  	v53 =	vmpcnt.ones.xlane vm1;
	_ =	sdelay $0x1  }
0x20f: {  	v20 =	vadd.s32 v20, v53;
	v54, _, _ =	vpop (xrf0)  }
0x210: {  	v22 =	vadd.s32 v54, v20  }
0x211: {  	v22 =	vadd.s32 $0xFFFFFFFF, v22  }
0x212: {  	vm11 =	vlt.s32 v22, $0x3F  }
0x213: {  	v55 =	vld [tilespmem:s10+$0xFFFFFFF0];
	v22 =	vnsel vm11, $0x3F, v22;
	_ =	sdelay $0x4  }
0x214: {  	[tilespmem:v22+s31+$0x0] =	vst.idx.msk vm0, v55  }
0x215: {  	v22 =	vld [tilespmem:s5+$0x0];
	_ =	sdelay $0x2  }
0x216: {  	s25 =	sadd.s32 $0x20, s11  }
0x217: {  	v56 =	vor.u32 s25, v1  }
0x218: {  	vm12 =	vlt.s32 v56, v2;
	vm13 =	veq.s32 v22, v3  }
0x219: {  	vm3 =	vmand vm12, vm13  }
0x21a: {  	v57 =	vsel vm3, $0x1, v0  }
0x21b: {  	(xrf0) =	vadd.scan.msk.s32 $0xffff, v57;
	_ =	sdelay $0x3  }
0x21c: {  	v58 =	vmpcnt.ones.xlane vm4;
	_ =	sdelay $0x1  }
0x21d: {  	v18 =	vadd.s32 v18, v58;
	v59, _, _ =	vpop (xrf0)  }
0x21e: {  	v23 =	vadd.s32 v18, v59  }
0x21f: {  	vm14 =	vlt.s32 v22, v3;
	vm15 =	vle.s32 v23, v4  }
0x220: {  	vm1 =	vmand vm12, vm14;
	vm8 =	vmand vm3, vm15  }
0x221: {  	vm1 =	vmor vm1, vm8  }
0x222: {  	v60 =	vsel vm1, $0x1, v0  }
0x223: {  	(xrf0) =	vadd.scan.msk.s32 $0xffff, v60;
	_ =	sdelay $0x3  }
0x224: {  	v61 =	vmpcnt.ones.xlane vm0;
	_ =	sdelay $0x1  }
0x225: {  	v20 =	vadd.s32 v20, v61;
	v62, _, _ =	vpop (xrf0)  }
0x226: {  	v22 =	vadd.s32 v62, v20  }
0x227: {  	v22 =	vadd.s32 $0xFFFFFFFF, v22  }
0x228: {  	vm9 =	vlt.s32 v22, $0x3F  }
0x229: {  	v63 =	vld [tilespmem:s10+$0x0];
	v22 =	vnsel vm9, $0x3F, v22;
	_ =	sdelay $0x4  }
0x22a: {  	[tilespmem:v22+s31+$0x0] =	vst.idx.msk vm1, v63  }
0x22b: {  	v22 =	vld [tilespmem:s13+$0x10];
	_ =	sdelay $0x4  }
0x22c: {  	vm10 =	vlt.s32 v17, v2;
	vm11 =	veq.s32 v22, v3  }
0x22d: {  	vm4 =	vmand vm10, vm11  }
0x22e: {  	v2 =	vsel vm4, $0x1, v0  }
0x22f: {  	(xrf0) =	vadd.scan.msk.s32 $0xffff, v2;
	_ =	sdelay $0x3  }
0x230: {  	v2 =	vmpcnt.ones.xlane vm3;
	_ =	sdelay $0x1  }
0x231: {  	v2 =	vadd.s32 v18, v2;
	v17, _, _ =	vpop (xrf0)  }
0x232: {  	v2 =	vadd.s32 v2, v17  }
0x233: {  	vm12 =	vlt.s32 v22, v3;
	vm13 =	vle.s32 v2, v4  }
0x234: {  	vm0 =	vmand vm10, vm12;
	vm14 =	vmand vm4, vm13  }
0x235: {  	vm0 =	vmor vm0, vm14  }
0x236: {  	v2 =	vsel vm0, $0x1, v0  }
0x237: {  	(xrf0) =	vadd.scan.msk.s32 $0xffff, v2;
	_ =	sdelay $0x3  }
0x238: {  	v2 =	vmpcnt.ones.xlane vm1;
	_ =	sdelay $0x1  }
0x239: {  	v2 =	vadd.s32 v20, v2;
	v3, _, _ =	vpop (xrf0)  }
0x23a: {  	v2 =	vadd.s32 v3, v2  }
0x23b: {  	v2 =	vadd.s32 $0xFFFFFFFF, v2  }
0x23c: {  	vm15 =	vlt.s32 v2, $0x3F  }
0x23d: {  	v3 =	vld [tilespmem:s10+$0x10];
	v2 =	vnsel vm15, $0x3F, v2;
	_ =	sdelay $0x3  }
0x23e: {  	[tilespmem:v21+s31+$0x0] =	vst.idx.msk @p0 vm2, v19  }
0x23f: {  	[tilespmem:v2+s31+$0x0] =	vst.idx.msk vm0, v3  }
.LBB2_21:
0x240: {  	v2 =	vld [tilespmem:$0xC300];
	_ =	sdelay $0x7  }
0x241: {  	s5 =	smul.u32 $0xC0, s6;
	v4 =	vmul.u32 $0x3, v1;
	v17 =	vld.idx.msk [tilespmem:v2+s3+$0x0], $0xffff  }
0x242: {  	v18 =	vld.idx.msk [tilespmem:v2+s19+$0x0], $0xffff  }
0x243: {  	v20 =	vor.u32 s5, v4;
	v19 =	vld.idx.msk [tilespmem:v2+s20+$0x0], $0xffff;
	v2 =	vadd.s32 $0x1, v4  }
0x244: {  	v3 =	vadd.s32 $0x2, v4;
	v21 =	vor.u32 s5, v2  }
0x245: {  	v22 =	vor.u32 s5, v3  }
0x246: {  	v17 =	vsub.f32 v17, v14  }
0x247: {  	v18 =	vsub.f32 v18, v15  }
0x248: {  	v19 =	vsub.f32 v19, v16;
	[tilespmem:v20+s1+$0x0] =	vst.idx.msk $0xffff, v17  }
0x249: {  	[tilespmem:v21+s1+$0x0] =	vst.idx.msk $0xffff, v18  }
0x24a: {  	[tilespmem:v22+s1+$0x0] =	vst.idx.msk $0xffff, v19  }
0x24b: {  	v20 =	vld [tilespmem:$0xC310];
	_ =	sdelay $0x7  }
0x24c: {  	v21 =	vld.idx.msk [tilespmem:v20+s3+$0x0], $0xffff  }
0x24d: {  	v22 =	vld.idx.msk [tilespmem:v20+s19+$0x0], $0xffff  }
0x24e: {  	s5 =	sor.u32 $0x30, s5;
	v20 =	vld.idx.msk [tilespmem:v20+s20+$0x0], $0xffff  }
0x24f: {  	v25 =	vadd.s32 s5, v4  }
0x250: {  	v23 =	vmul.f32 v17, v17;
	v24 =	vmul.f32 v18, v18;
	v10 =	vadd.f32 v17, v10  }
0x251: {  	v27 =	vadd.s32 s5, v2;
	v9 =	vadd.f32 v18, v9;
	v8 =	vadd.f32 v19, v8  }
0x252: {  	v12 =	vadd.f32 v23, v12;
	v23 =	vadd.f32 v24, v11;
	v11 =	vadd.s32 s5, v3  }
0x253: {  	v16 =	vsub.f32 v20, v16;
	v20 =	vmul.f32 v18, v17;
	v17 =	vmul.f32 v19, v17  }
0x254: {  	v14 =	vsub.f32 v21, v14;
	v15 =	vsub.f32 v22, v15;
	v18 =	vmul.f32 v19, v18  }
0x255: {  	v26 =	vmul.f32 v19, v19;
	v19 =	vadd.f32 v20, v7;
	v17 =	vadd.f32 v17, v6  }
0x256: {  	[tilespmem:v25+s1+$0x0] =	vst.idx.msk $0xffff, v14;
	v18 =	vadd.f32 v18, v5;
	v7 =	vadd.f32 v14, v10  }
0x257: {  	v10 =	vmul.f32 v14, v14;
	v5 =	vadd.f32 v15, v9;
	v6 =	vadd.f32 v16, v8  }
0x258: {  	p0 =	seq.s32 s6, $0x3F;
	v8 =	vmul.f32 v15, v15;
	v9 =	vmul.f32 v16, v16;
	[tilespmem:v27+s1+$0x0] =	vst.idx.msk $0xffff, v15  }
0x259: {  	s10 =	simm.s32 @!p0 $0x6200;
	s5 =	sadd.s32 @!p0 $0x2, s9;
	[tilespmem:v11+s1+$0x0] =	vst.idx.msk $0xffff, v16;
	v11 =	vadd.f32 v10, v12;
	v10 =	vmul.f32 v15, v14  }
0x25a: {  	s9 =	simm.s32 @!p0 $0x400;
	s8 =	sadd.s32 @!p0 s2, s5;
	s5 =	sshll.u32 @!p0 s5, $0x4;
	v14 =	vmul.f32 v16, v14;
	v15 =	vmul.f32 v16, v15;
	v16 =	vmov s7  }
0x25b: {  	s8 =	sshll.u32 @!p0 s8, $0xA;
	s5 =	sand.u32 @!p0 $0x60, s5;
	_ =	swait.ge [sflag:s0], $0x2000  }
0x25c: {  	s8 =	sand.u32 @!p0 $0xFFFE000, s8;
	s5 =	sadd.s32 @!p0 s4, s5;
	[sflag:s0] =	ssyncset.done $0x0  }
0x25d: {  	v13 =	vadd.f32 v26, v13;
	s5 =	sadd.s32 @!p0 s8, s5;
	s8 =	simm.s32 @!p0 $0x80;
	[sflag:s0] =	ssyncadd.s32 $0xFFFFE000  }
0x25e: {  	[tilespmem:s10], [sflag:$0x1] =	stream.strided.gather @!p0 [hbm4b:s5+s8], $0x2000, s9, s8, $0x38;
	[tilespmem:$0xF480] =	vst v63  }
0x25f: {  	v13 =	vadd.f32 v9, v13;
	v9 =	vadd.f32 v14, v17;
	s9 =	simm.s32 $0x8240;
	v17 =	vld.idx.msk [tilespmem:v16+s24+$0x0], $0xffff  }
0x260: {  	v28 =	vld [tilespmem:s9+$0x20]  }
0x261: {  	v20 =	vld [tilespmem:s9+$0xFFFFFFC0]  }
0x262: {  	v22 =	vld [tilespmem:s9+$0xFFFFFFE0]  }
0x263: {  	v27 =	vld [tilespmem:s9+$0xFFFFFFF0]  }
0x264: {  	v25 =	vld [tilespmem:s9+$0xFFFFFFD0]  }
0x265: {  	s11 =	simm.s32 $0x20;
	s12 =	simm.s32 $0x0;
	s13 =	simm.s32 $0x30;
	v26 =	vld [tilespmem:s9+$0x10]  }
0x266: {  	v38 =	vor.u32 s12, v1;
	v39 =	vor.u32 s11, v1;
	v40 =	vor.u32 s13, v1;
	v29 =	vld [tilespmem:s9+$0x0]  }
0x267: {  	v12 =	vadd.f32 v8, v23;
	v8 =	vadd.f32 v10, v19;
	vm0 =	vle.f32 v28, v17  }
0x268: {  	v10 =	vadd.f32 v15, v18;
	s10 =	simm.s32 $0x10;
	vm5 =	vle.f32 v20, v17;
	v14 =	vsel vm0, $0x1, v0  }
0x269: {  	v37 =	vor.u32 s10, v1;
	vm2 =	vle.f32 v22, v17;
	v15 =	vsel vm5, $0x1, v0;
	(xrf0) =	vadd.scan.msk.s32 $0xffff, v14  }
0x26a: {  	vm1 =	vle.f32 v27, v17;
	vm3 =	vle.f32 v25, v17;
	v14 =	vsel vm2, $0x1, v0;
	(xrf0) =	vadd.scan.msk.s32 $0xffff, v15  }
0x26b: {  	vm6 =	vle.f32 v26, v17;
	vm4 =	vle.f32 v29, v17;
	v15 =	vsel vm1, $0x1, v0;
	(xrf0) =	vadd.scan.msk.s32 $0xffff, v14  }
0x26c: {  	v18 =	vmpcnt.ones.xlane vm5;
	v19 =	vsel vm6, $0x1, v0;
	(xrf0) =	vadd.scan.msk.s32 $0xffff, v15;
	v15 =	vsel vm3, $0x1, v0  }
0x26d: {  	v21 =	vsel vm4, $0x1, v0;
	v14 =	vimm.s32 $0x0;
	(xrf0) =	vadd.scan.msk.s32 $0xffff, v15;
	v15 =	vmpcnt.ones.xlane vm3  }
0x26e: {  	v23 =	vmpcnt.ones.xlane vm2;
	v24 =	vmpcnt.ones.xlane vm4;
	v18 =	vadd.s32 v14, v18  }
0x26f: {  	vm5 =	vmmov vm5;
	vm8 =	vmmov vm6;
	v30, _, _ =	vpop (xrf0);
	v15 =	vadd.s32 v18, v15  }
0x270: {  	vm0 =	vmmov vm0;
	vm10 =	vmmov vm4;
	vm11 =	vmmov vm3;
	v31, _, _ =	vpop (xrf0)  }
0x271: {  	s5 =	simm.s32 $0x82C0;
	v41 =	vmpcnt.ones.xlane vm0;
	v42 =	vmpcnt.ones.xlane vm8;
	v14 =	vadd.s32 v31, v14;
	v31, _, _ =	vpop (xrf0);
	(xrf0) =	vadd.scan.msk.s32 $0xffff, v21  }
0x272: {  	v33 =	vadd.s32 v15, v23;
	v32 =	vadd.s32 $0xFFFFFFFF, v14;
	v31 =	vadd.s32 v31, v15;
	v15, _, _ =	vpop (xrf0);
	(xrf0) =	vadd.scan.msk.s32 $0xffff, v19;
	v19 =	vld [tilespmem:s5+$0x10]  }
0x273: {  	v21 =	vmpcnt.ones.xlane vm1;
	vm7 =	vlt.s32 v32, $0xFFF;
	v23 =	vadd.s32 $0xFFFFFFFF, v31;
	v31 =	vld [tilespmem:s9+$0x30]  }
0x274: {  	v15 =	vadd.s32 v15, v33;
	v35, _, _ =	vpop (xrf0);
	v32 =	vnsel vm7, $0xFFF, v32;
	vm7 =	vlt.s32 v23, $0xFFF  }
0x275: {  	v34 =	vadd.s32 $0xFFFFFFFF, v15;
	v18 =	vadd.s32 v35, v18;
	v57 =	vnsel vm7, $0xFFF, v23;
	v23 =	vld [tilespmem:s5+$0xFFFFFFC0]  }
0x276: {  	v33 =	vadd.s32 v33, v21;
	vm7 =	vlt.s32 v34, $0xFFF;
	v36 =	vadd.s32 $0xFFFFFFFF, v18;
	v18 =	vld [tilespmem:s5+$0x20]  }
0x277: {  	v14 =	vld.idx.msk [tilespmem:v16+s21+$0x0], $0xffff;
	v34 =	vnsel vm7, $0xFFF, v34;
	vm7 =	vlt.s32 v36, $0xFFF;
	v44, _, _ =	vpop (xrf0);
	vm3 =	vle.f32 v19, v17  }
0x278: {  	v15 =	vld.idx.msk [tilespmem:v16+s22+$0x0], $0xffff;
	v60 =	vnsel vm7, $0xFFF, v36;
	vm9 =	vle.f32 v31, v17;
	v58 =	vadd.s32 v44, v33  }
0x279: {  	v16 =	vld.idx.msk [tilespmem:v16+s23+$0x0], $0xffff;
	v33 =	vadd.s32 v33, v24;
	v59, _, _ =	vpop (xrf0);
	[tilespmem:v32+s29+$0x0] =	vst.idx.msk vm5, v20;
	v43 =	vsel vm9, $0x1, v0;
	v45 =	vmpcnt.ones.xlane vm9  }
0x27a: {  	s18 =	simm.s32 $0x40;
	v21 =	vld [tilespmem:s5+$0xFFFFFFF0];
	v44 =	vadd.s32 v59, v33;
	v63 =	vadd.s32 $0xFFFFFFFF, v58;
	(xrf0) =	vadd.scan.msk.s32 $0xffff, v43;
	vm6 =	vle.f32 v23, v17  }
0x27b: {  	v24 =	vld [tilespmem:s5+$0xFFFFFFE0];
	v59 =	vor.u32 s18, v1;
	[tilespmem:v57+s29+$0x0] =	vst.idx.msk vm2, v22;
	v22 =	vadd.s32 v33, v42;
	vm4 =	vle.f32 v18, v17  }
0x27c: {  	s15 =	simm.s32 $0x60;
	[tilespmem:v32+s30+$0x0] =	vst.idx.msk vm5, v38;
	v38 =	vsel vm3, $0x1, v0;
	v62 =	vadd.s32 v22, v41;
	v30 =	vadd.s32 v30, v22;
	v22 =	vld [tilespmem:s5+$0xFFFFFFD0]  }
0x27d: {  	vm7 =	vlt.s32 v63, $0xFFF;
	v47 =	vadd.s32 $0xFFFFFFFF, v44;
	v32 =	vor.u32 s15, v1;
	[tilespmem:v57+s30+$0x0] =	vst.idx.msk vm2, v39  }
0x27e: {  	v46 =	vmpcnt.ones.xlane vm6;
	v61 =	vsel vm6, $0x1, v0;
	[tilespmem:v34+s29+$0x0] =	vst.idx.msk vm1, v27;
	v27 =	vsel vm4, $0x1, v0  }
0x27f: {  	v36 =	vnsel vm7, $0xFFF, v63;
	vm6 =	vmmov vm6;
	[tilespmem:v34+s30+$0x0] =	vst.idx.msk vm1, v40;
	(xrf0) =	vadd.scan.msk.s32 $0xffff, v27  }
0x280: {  	v20 =	vld [tilespmem:s5+$0x0];
	vm1 =	vle.f32 v21, v17;
	v30 =	vadd.s32 $0xFFFFFFFF, v30;
	vm2 =	vle.f32 v24, v17;
	(xrf0) =	vadd.scan.msk.s32 $0xffff, v61;
	v48, _, _ =	vpop (xrf0)  }
0x281: {  	[tilespmem:v60+s29+$0x0] =	vst.idx.msk vm11, v25;
	v49 =	vsel vm2, $0x1, v0;
	vm7 =	vle.f32 v22, v17;
	v39 =	vadd.s32 v48, v62  }
0x282: {  	s14 =	simm.s32 $0x50;
	v50 =	vsel vm1, $0x1, v0;
	(xrf0) =	vadd.scan.msk.s32 $0xffff, v49;
	v25 =	vsel vm7, $0x1, v0;
	v53 =	vadd.s32 $0xFFFFFFFF, v39  }
0x283: {  	v57 =	vor.u32 s14, v1;
	vm13 =	vlt.s32 v30, $0xFFF;
	(xrf0) =	vadd.scan.msk.s32 $0xffff, v50;
	vm12 =	vlt.s32 v53, $0xFFF  }
0x284: {  	v30 =	vnsel vm13, $0xFFF, v30;
	v39 =	vnsel vm12, $0xFFF, v53;
	vm12 =	vlt.s32 v47, $0xFFF  }
0x285: {  	v55 =	vadd.s32 v62, v45;
	vm5 =	vle.f32 v20, v17;
	(xrf0) =	vadd.scan.msk.s32 $0xffff, v25;
	v25, _, _ =	vpop (xrf0);
	v54 =	vnsel vm12, $0xFFF, v47  }
0x286: {  	[tilespmem:v60+s30+$0x0] =	vst.idx.msk vm11, v37;
	v35 =	vadd.s32 v55, v46;
	v51 =	vsel vm5, $0x1, v0;
	v56 =	vmpcnt.ones.xlane vm7;
	v58, _, _ =	vpop (xrf0)  }
0x287: {  	s25 =	simm.s32 $0x70;
	v52 =	vmpcnt.ones.xlane vm2;
	[tilespmem:v36+s29+$0x0] =	vst.idx.msk vm10, v29;
	(xrf0) =	vadd.scan.msk.s32 $0xffff, v51;
	v29 =	vadd.s32 v58, v55  }
0x288: {  	v61 =	vor.u32 s25, v1;
	[tilespmem:v36+s30+$0x0] =	vst.idx.msk vm10, v59;
	v33 =	vadd.s32 v35, v56;
	v60, _, _ =	vpop (xrf0);
	v29 =	vadd.s32 $0xFFFFFFFF, v29  }
0x289: {  	v27 =	vmpcnt.ones.xlane vm5;
	[tilespmem:v30+s29+$0x0] =	vst.idx.msk vm0, v28;
	v34 =	vadd.s32 v33, v52;
	v62 =	vadd.s32 v60, v33;
	v63, _, _ =	vpop (xrf0)  }
0x28a: {  	vm13 =	vlt.s32 v29, $0xFFF;
	v36 =	vadd.s32 $0xFFFFFFFF, v62;
	v33 =	vadd.s32 v63, v34;
	[tilespmem:v54+s29+$0x0] =	vst.idx.msk vm8, v26;
	v26 =	vld [tilespmem:s5+$0x30]  }
0x28b: {  	s11 =	simm.s32 $0xB0;
	s13 =	simm.s32 $0x8;
	[tilespmem:v39+s29+$0x0] =	vst.idx.msk vm9, v31;
	v31 =	vnsel vm13, $0xFFF, v29;
	vm14 =	vlt.s32 v36, $0xFFF;
	v28 =	vadd.s32 $0xFFFFFFFF, v33;
	v29, _, _ =	vpop (xrf0)  }
0x28c: {  	s12 =	simm.s32 $0x80;
	s8 =	simm.s32 $0x90;
	s10 =	simm.s32 $0xA0;
	v36 =	vnsel vm14, $0xFFF, v36;
	vm15 =	vlt.s32 v28, $0xFFF;
	[tilespmem:v39+s30+$0x0] =	vst.idx.msk vm9, v61;
	v29 =	vadd.s32 v29, v35  }
0x28d: {  	s9 =	simm.s32 $0xF0;
	s14 =	simm.s32 $0x170;
	s5 =	simm.s32 $0x8340;
	(xrf0) =	vadd.scan.msk.s32 $0xffff, v38;
	v33 =	vnsel vm15, $0xFFF, v28;
	v37, _, _ =	vpop (xrf0);
	[tilespmem:v54+s30+$0x0] =	vst.idx.msk vm8, v57;
	v35 =	vadd.s32 $0xFFFFFFFF, v29  }
.LBB2_22:
0x28e: {  	v39 =	vor.u32 s8, v1;
	vm8 =	vmmov vm3  }
0x28f: {  	v38 =	vld [tilespmem:s5+$0xFFFFFFC0];
	s15 =	sadd.s32 $0xFFFFFFB0, s14;
	s18 =	sadd.s32 $0xFFFFFFC0, s14;
	s13 =	sadd.s32 $0x8, s13;
	[tilespmem:v30+s30+$0x0] =	vst.idx.msk vm0, v32;
	v29 =	vmovc v26;
	v40 =	vmovc v20;
	vm0 =	vmmov vm4;
	vm10 =	vmmov vm5;
	vm11 =	vmmov vm7  }
0x290: {  	v30 =	vor.u32 s12, v1;
	s12 =	sadd.s32 $0xFFFFFF90, s14;
	v32 =	vor.u32 s10, v1;
	v42 =	vor.u32 s11, v1;
	v41 =	vld [tilespmem:s5+$0x20];
	p0 =	slt.u32 s13, $0x1F8;
	s10 =	smov.u32 s15  }
0x291: {  	v43 =	vmpcnt.ones.xlane vm0;
	vm9 =	vle.f32 v29, v17;
	s11 =	smov.u32 s18;
	v28 =	vld [tilespmem:s5+$0x10];
	[tilespmem:v31+s29+$0x0] =	vst.idx.msk vm6, v23;
	v23 =	vmpcnt.ones.xlane vm1  }
0x292: {  	v44 =	vmpcnt.ones.xlane vm8;
	v45 =	vmpcnt.ones.xlane vm9;
	v26 =	vld [tilespmem:s5+$0x30];
	[tilespmem:v36+s29+$0x0] =	vst.idx.msk vm2, v24;
	v24 =	vsel vm9, $0x1, v0  }
0x293: {  	vm5 =	vlt.s32 v35, $0xFFF;
	v20 =	vld [tilespmem:s5+$0x0];
	[tilespmem:v36+s30+$0x0] =	vst.idx.msk vm2, v32;
	v23 =	vadd.s32 v34, v23;
	(xrf0) =	vadd.scan.msk.s32 $0xffff, v24  }
0x294: {  	vm12 =	vle.f32 v38, v17;
	v32 =	vld [tilespmem:s5+$0xFFFFFFF0];
	v34 =	vadd.s32 v37, v23;
	v23 =	vadd.s32 v23, v27;
	v27, _, _ =	vpop (xrf0)  }
0x295: {  	v36 =	vmpcnt.ones.xlane vm12;
	v24 =	vld [tilespmem:s5+$0xFFFFFFE0];
	[tilespmem:v31+s30+$0x0] =	vst.idx.msk vm6, v30;
	v27 =	vadd.s32 v27, v23;
	v30 =	vadd.s32 v23, v44  }
0x296: {  	vm4 =	vle.f32 v41, v17;
	v31 =	vnsel vm5, $0xFFF, v35;
	vm3 =	vle.f32 v28, v17;
	[tilespmem:v33+s29+$0x0] =	vst.idx.msk vm1, v21  }
0x297: {  	v35 =	vsel vm12, $0x1, v0;
	v44 =	vsel vm3, $0x1, v0;
	[tilespmem:v33+s30+$0x0] =	vst.idx.msk vm1, v42;
	v33 =	vadd.s32 v30, v43;
	v23 =	vmovc v38  }
0x298: {  	v34 =	vadd.s32 $0xFFFFFFFF, v34;
	v25 =	vadd.s32 v25, v30;
	v38 =	vsel vm4, $0x1, v0  }
0x299: {  	vm6 =	vlt.s32 v34, $0xFFF;
	v37 =	vadd.s32 $0xFFFFFFFF, v27;
	v30 =	vld [tilespmem:s5+$0xFFFFFFD0];
	vm1 =	vle.f32 v32, v17;
	(xrf0) =	vadd.scan.msk.s32 $0xffff, v38;
	v21, _, _ =	vpop (xrf0)  }
0x29a: {  	vm5 =	vle.f32 v20, v17;
	vm2 =	vle.f32 v24, v17;
	v38 =	vadd.s32 v21, v33;
	v21 =	vmovc v32  }
0x29b: {  	v43 =	vsel vm5, $0x1, v0;
	v42 =	vsel vm1, $0x1, v0;
	v32 =	vsel vm2, $0x1, v0;
	[tilespmem:v31+s29+$0x0] =	vst.idx.msk vm11, v22  }
0x29c: {  	v27 =	vmpcnt.ones.xlane vm5;
	v46 =	vmpcnt.ones.xlane vm2;
	v38 =	vadd.s32 $0xFFFFFFFF, v38;
	(xrf0) =	vadd.scan.msk.s32 $0xffff, v35  }
0x29d: {  	v34 =	vnsel vm6, $0xFFF, v34;
	vm6 =	vlt.s32 v38, $0xFFF;
	(xrf0) =	vadd.scan.msk.s32 $0xffff, v32;
	v32 =	vadd.s32 $0xFFFFFFFF, v25  }
0x29e: {  	v35 =	vnsel vm6, $0xFFF, v38;
	vm7 =	vle.f32 v30, v17;
	(xrf0) =	vadd.scan.msk.s32 $0xffff, v42;
	vm13 =	vlt.s32 v32, $0xFFF;
	v22 =	vmovc v30  }
0x29f: {  	vm6 =	vlt.s32 v37, $0xFFF;
	v38 =	vsel vm7, $0x1, v0;
	v25, _, _ =	vpop (xrf0);
	[tilespmem:v31+s30+$0x0] =	vst.idx.msk vm11, v39;
	v30 =	vnsel vm13, $0xFFF, v32  }
0x2a0: {  	s8 =	sadd.s32 $0xFFFFFFE0, s9;
	s15 =	sadd.s32 $0xFFFFFFF0, s9;
	v31 =	vadd.s32 v33, v45;
	(xrf0) =	vadd.scan.msk.s32 $0xffff, v38;
	v38 =	vnsel vm6, $0xFFF, v37;
	vm6 =	vmmov vm12  }
0x2a1: {  	s18 =	sadd.s32 $0xFFFFFFD0, s9;
	v45 =	vmpcnt.ones.xlane vm7;
	v39 =	vor.u32 s8, v1;
	v32 =	vor.u32 s15, v1  }
0x2a2: {  	v42 =	vor.u32 s18, v1;
	v36 =	vadd.s32 v31, v36;
	v37, _, _ =	vpop (xrf0);
	(xrf0) =	vadd.scan.msk.s32 $0xffff, v43;
	[tilespmem:v34+s29+$0x0] =	vst.idx.msk vm10, v40  }
0x2a3: {  	v43 =	vadd.s32 v36, v45;
	v40 =	vor.u32 s9, v1;
	s9 =	smov.u32 s14;
	v31 =	vadd.s32 v37, v31;
	v37, _, _ =	vpop (xrf0);
	[tilespmem:v34+s30+$0x0] =	vst.idx.msk vm10, v42  }
.Ltmp17:
0x2a4: {  	v34 =	vadd.s32 v43, v46;
	v31 =	vadd.s32 $0xFFFFFFFF, v31;
	v42 =	vadd.s32 v37, v43;
	v33, _, _ =	vpop (xrf0);
	[tilespmem:v35+s29+$0x0] =	vst.idx.msk vm9, v29;
	(pc) =	sbr.rel @p0 .LBB2_22-.Ltmp17, $4  }
0x2a5: {  	vm10 =	vlt.s32 v31, $0xFFF;
	v29 =	vadd.s32 $0xFFFFFFFF, v42;
	v33 =	vadd.s32 v33, v34;
	[tilespmem:v30+s29+$0x0] =	vst.idx.msk vm0, v18;
	v18 =	vmovc v41  }
0x2a6: {  	v31 =	vnsel vm10, $0xFFF, v31;
	vm10 =	vlt.s32 v29, $0xFFF;
	v33 =	vadd.s32 $0xFFFFFFFF, v33;
	v37, _, _ =	vpop (xrf0);
	[tilespmem:v38+s29+$0x0] =	vst.idx.msk vm8, v19  }
0x2a7: {  	v19 =	vmovc v28;
	v41 =	vadd.s32 v37, v36;
	v36 =	vnsel vm10, $0xFFF, v29;
	vm10 =	vlt.s32 v33, $0xFFF;
	[tilespmem:v35+s30+$0x0] =	vst.idx.msk vm9, v40  }
0x2a8: {  	s5 =	sadd.s32 $0x80, s5;
	s14 =	sadd.s32 $0x80, s14;
	s8 =	sadd.s32 $0xFFFFFFA0, s9;
	v35 =	vadd.s32 $0xFFFFFFFF, v41;
	v33 =	vnsel vm10, $0xFFF, v33;
	v37, _, _ =	vpop (xrf0);
	(xrf0) =	vadd.scan.msk.s32 $0xffff, v44;
	[tilespmem:v38+s30+$0x0] =	vst.idx.msk vm8, v39  }
0x2a9: {  	v28 =	vmpcnt.ones.xlane vm1  }
0x2aa: {  	vm8 =	vmmov vm3  }
0x2ab: {  	vm3 =	vmmov vm4;
	v29 =	vmpcnt.ones.xlane vm8;
	v28 =	vadd.s32 v34, v28  }
0x2ac: {  	vm4 =	vle.f32 v26, v17;
	v52 =	vmpcnt.ones.xlane vm3;
	v27 =	vadd.s32 v28, v27  }
0x2ad: {  	v17 =	vmpcnt.ones.xlane vm4;
	v29 =	vadd.s32 v27, v29  }
0x2ae: {  	v34 =	vadd.s32 v29, v52  }
0x2af: {  	v38 =	vsel vm4, $0x1, v0;
	v17 =	vadd.s32 v34, v17  }
0x2b0: {  	(xrf0) =	vadd.scan.msk.s32 $0xffff, v38;
	v53 =	vxor.u32 $0x80000000, v17  }
0x2b1: {  	(xrf0) =	vmax.scan.msk.u32 $0xffff, v53;
	_ =	sdelay $0x3  }
0x2b2: {  	v54, _, _ =	vpop (xrf0)  }
0x2b3: {  	v39, _, _ =	vpop (xrf0)  }
0x2b4: {  	v40, _, _ =	vpop (xrf0)  }
0x2b5: {  	(v2sf) =	vpush v40, $0xF;
	_ =	sdelay $0x6  }
0x2b6: {  	[tilespmem:v30+s30+$0x0] =	vst.idx.msk vm0, v32;
	vm9 =	vmmov vm5  }
0x2b7: {  	vm10 =	vmmov vm7;
	[tilespmem:v31+s29+$0x0] =	vst.idx.msk vm6, v23;
	vm11 =	vlt.s32 v35, $0xFFF;
	v23 =	vadd.s32 v37, v28  }
0x2b8: {  	v55 =	vor.u32 s12, v1;
	[tilespmem:v36+s29+$0x0] =	vst.idx.msk vm2, v24;
	v57 =	vnsel vm11, $0xFFF, v35;
	v23 =	vadd.s32 $0xFFFFFFFF, v23  }
0x2b9: {  	v56 =	vor.u32 s10, v1;
	[tilespmem:v33+s29+$0x0] =	vst.idx.msk vm1, v21;
	vm12 =	vlt.s32 v23, $0xFFF;
	v25 =	vadd.s32 v25, v29  }
0x2ba: {  	[tilespmem:v36+s30+$0x0] =	vst.idx.msk vm2, v56;
	v23 =	vnsel vm12, $0xFFF, v23;
	v27 =	vadd.s32 v54, v27;
	v21 =	vadd.s32 $0xFFFFFFFF, v25  }
0x2bb: {  	v58 =	vor.u32 s11, v1;
	[tilespmem:v31+s30+$0x0] =	vst.idx.msk vm6, v55;
	v60 =	vadd.s32 $0xFFFFFFFF, v27;
	vm14 =	vlt.s32 v21, $0xFFF  }
0x2bc: {  	[tilespmem:v33+s30+$0x0] =	vst.idx.msk vm1, v58;
	vm15 =	vlt.s32 v60, $0xFFF;
	v21 =	vnsel vm14, $0xFFF, v21;
	v59 =	vadd.s32 v39, v34  }
0x2bd: {  	v62 =	vor.u32 s8, v1;
	[tilespmem:v57+s29+$0x0] =	vst.idx.msk vm10, v22;
	v22 =	vnsel vm15, $0xFFF, v60;
	v28 =	vadd.s32 $0xFFFFFFFF, v59  }
0x2be: {  	s5 =	sadd.s32 $0xFFFFFFD0, s9;
	[tilespmem:v57+s30+$0x0] =	vst.idx.msk vm10, v62;
	vm13 =	vlt.s32 v28, $0xFFF;
	s13 =	spop (v2sf)  }
0x2bf: {  	v63 =	vor.u32 s5, v1;
	[tilespmem:v23+s29+$0x0] =	vst.idx.msk vm9, v20;
	v61 =	vnsel vm13, $0xFFF, v28;
	s14 =	sadd.s32 $0x8000003F, s13  }
0x2c0: {  	s18 =	sadd.s32 $0xFFFFFFE0, s9;
	[tilespmem:v23+s30+$0x0] =	vst.idx.msk vm9, v63;
	s8 =	sand.u32 $0x3F, s14  }
0x2c1: {  	[tilespmem:v21+s29+$0x0] =	vst.idx.msk vm3, v18;
	s15 =	sshra.s32 s14, $0x1F;
	p0 =	slt.s32 s14, $0x1;
	p1 =	sne.s32 s8, $0x0  }
.Ltmp18:
0x2c2: {  	[tilespmem:v22+s29+$0x0] =	vst.idx.msk vm8, v19;
	v19 =	vor.u32 s18, v1;
	s10 =	sshrl.u32 s15, $0x1A;
	p0 =	por !p0, !p1;
	(pc) =	sbr.rel .LBB2_24-.Ltmp18, $4  }
0x2c3: {  	[tilespmem:v22+s30+$0x0] =	vst.idx.msk vm8, v19;
	s5 =	sadd.s32 s10, s14;
	s10 =	simm.s32 $0x1;
	p0 =	por !p0, !p0  }
0x2c4: {  	s25 =	sadd.s32 $0xFFFFFFF0, s9;
	v18 =	vor.u32 s9, v1;
	[tilespmem:v61+s29+$0x0] =	vst.idx.msk vm4, v26;
	s5 =	sshra.s32 s5, $0x6;
	s10 =	simm.s32 @!p0 $0x0  }
0x2c5: {  	[tilespmem:v61+s30+$0x0] =	vst.idx.msk vm4, v18;
	v18 =	vor.u32 s25, v1;
	s11 =	ssub.s32 s5, s10  }
0x2c6: {  	v20 =	vimm.s32 $0x80000001;
	v19 =	vimm.s32 $0x0;
	[tilespmem:v21+s30+$0x0] =	vst.idx.msk vm3, v18;
	v18 =	vimm.s32 $0x7F800000;
	s5 =	simm.s32 $0x0;
	p0 =	slt.s32 s11, $0x1  }
.LBB2_26:
0x2c7: {  	v26 =	vimm.s32 $0x0;
	s8 =	simm.s32 $0x0  }
.LBB2_30:
0x2c8: {  	s8 =	sadd.s32 @p1 $0x40, s8;
	v25 =	vadd.s32 @p1 v26, v25  }
0x2c9: {  	v27 =	vld [tilespmem:s10+$0xFFFFFFF0];
	v26 =	vmpcnt.ones.xlane @p1 vm1;
	vm0 =	vmand @p1 vm0, vm2;
	vm10 =	vle.s32 v23, v21;
	s9 =	smov.u32 @p1 s8  }
0x2ca: {  	v29 =	vld [tilespmem:s10+$0x0];
	v24 =	vadd.s32 @p1 v24, v25;
	v25 =	vmpcnt.ones.xlane @p1 vm0;
	v28 =	vor.u32 s9, v1;
	s8 =	sadd.s32 $0x20, s9;
	s12 =	sadd.s32 $0x30, s9  }
0x2cb: {  	v31 =	vld [tilespmem:s10+$0x10];
	s25 =	sadd.s32 $0x10, s9;
	v24 =	vadd.s32 @p1 v26, v24;
	v30 =	vor.u32 s8, v1;
	v32 =	vor.u32 s12, v1  }
0x2cc: {  	vm9 =	vlt.s32 v28, v17;
	v61 =	vor.u32 s25, v1;
	v24 =	vadd.s32 @p1 v25, v24  }
0x2cd: {  	vm11 =	vlt.s32 v30, v17;
	vm3 =	vlt.s32 v61, v17;
	vm0 =	vmand vm9, vm10  }
0x2ce: {  	vm12 =	vlt.s32 v32, v17;
	v22 =	vpsel p1, v24, v22;
	vm4 =	vle.s32 v27, v21  }
0x2cf: {  	v23 =	vmpcnt.ones.xlane vm0;
	vm13 =	vle.s32 v29, v21;
	vm3 =	vmand vm3, vm4  }
0x2d0: {  	vm14 =	vle.s32 v31, v21;
	vm0 =	vmand vm11, vm13;
	v62 =	vmpcnt.ones.xlane vm3  }
0x2d1: {  	vm15 =	vmand vm12, vm14;
	v22 =	vadd.s32 v22, v23;
	v23 =	vmpcnt.ones.xlane vm0  }
0x2d2: {  	v63 =	vmpcnt.ones.xlane vm15;
	v22 =	vadd.s32 v62, v22  }
0x2d3: {  	v22 =	vadd.s32 v23, v22  }
0x2d4: {  	v22 =	vadd.s32 v63, v22  }
.LBB2_31:
0x2d5: {  	s5 =	sadd.s32 $0x1, s5  }
0x2d6: {  	p1 =	seq.s32 s5, $0x20  }
.Ltmp19:
0x2d7: {  	_ = 	snop;
	(pc) =	sbr.rel @p1 .LBB2_32-.Ltmp19, $3  }
0x2d8: {  	_ =	sdelay $0x1  }
0x2d9: {  	vm0 =	vgt.s32 v22, $0x1F  }
0x2da: {  	v18 =	vsel vm0, v21, v18;
	v20 =	vsel vm0, v20, v21;
	v19 =	vsel vm0, v19, v22  }
.LBB2_24:
.Ltmp20:
0x2db: {  	(pc) =	sbr.rel @p0 .LBB2_31-.Ltmp20, $3  }
0x2dc: {  	_ =	sdelay $0x1  }
0x2dd: {  	v21 =	vadd.s32 v20, v18  }
0x2de: {  	v22 =	vimm.s32 $0x0;
	v21 =	vshra.s32 v21, $0x1  }
0x2df: {  	p2 =	seq.s32 s11, $0x1  }
.Ltmp21:
0x2e0: {  	s10 =	simm.s32 $0xA220;
	(pc) =	sbr.rel @p2 .LBB2_26-.Ltmp21, $2  }
0x2e1: {  	v23 =	vld [tilespmem:s10+$0xFFFFFFE0];
	_ =	sdelay $0x2  }
0x2e2: {  	v22 =	vimm.s32 $0x0;
	s9 =	simm.s32 $0x0;
	s8 =	sadd.s32 $0xFFFFFFFF, s11;
	p1 =	por $0x0, $0x0  }
0x2e3: {  	v24 =	vld [tilespmem:s10+$0xFFFFFFF0]  }
0x2e4: {  	s12 =	simm.s32 $0x20;
	v26 =	vld [tilespmem:s10+$0x0];
	s13 =	simm.s32 $0x30  }
0x2e5: {  	v25 =	vor.u32 s9, v1;
	s14 =	simm.s32 $0x10;
	v28 =	vld [tilespmem:s10+$0x10];
	p2 =	seq.s32 s8, $0x1;
	v27 =	vor.u32 s12, v1;
	v29 =	vor.u32 s13, v1  }
.Ltmp22:
0x2e6: {  	s10 =	simm.s32 $0xA260;
	vm0 =	vlt.s32 v25, v17;
	v25 =	vor.u32 s14, v1;
	vm1 =	vle.s32 v23, v21;
	(pc) =	sbr.rel @p2 .LBB2_28-.Ltmp22, $4  }
0x2e7: {  	v23 =	vld [tilespmem:s10+$0xFFFFFFE0];
	vm2 =	vlt.s32 v27, v17;
	vm3 =	vlt.s32 v25, v17;
	vm1 =	vmand vm0, vm1  }
0x2e8: {  	vm0 =	vlt.s32 v29, v17;
	v25 =	vmpcnt.ones.xlane vm1;
	vm4 =	vle.s32 v24, v21  }
0x2e9: {  	vm1 =	vle.s32 v26, v21;
	v26 =	vimm.s32 $0x0;
	vm3 =	vmand vm3, vm4  }
0x2ea: {  	p1 =	por $0x1, $0x1;
	s12 =	sadd.s32 $0xFFFFFFFF, s8;
	s8 =	simm.s32 $0x0;
	vm1 =	vmand vm2, vm1;
	vm2 =	vle.s32 v28, v21;
	v24 =	vmpcnt.ones.xlane vm3  }
.LBB2_29:
0x2eb: {  	p2 =	seq.s32 s12, $0x1;
	v27 =	vld [tilespmem:s10+$0xFFFFFFF0];
	v25 =	vadd.s32 v26, v25;
	v26 =	vmpcnt.ones.xlane vm1;
	vm0 =	vmand vm0, vm2;
	s8 =	sadd.s32 $0x40, s8  }
0x2ec: {  	v28 =	vor.u32 s8, v1;
	s13 =	sadd.s32 $0x20, s8;
	v29 =	vld [tilespmem:s10+$0x0];
	s14 =	sadd.s32 $0x30, s8;
	v24 =	vadd.s32 v24, v25;
	v25 =	vmpcnt.ones.xlane vm0  }
0x2ed: {  	s15 =	sadd.s32 $0x10, s8;
	v30 =	vor.u32 s13, v1;
	v31 =	vld [tilespmem:s10+$0x10];
	v32 =	vor.u32 s14, v1;
	v24 =	vadd.s32 v26, v24  }
.Ltmp23:
0x2ee: {  	vm1 =	vlt.s32 v28, v17;
	v28 =	vor.u32 s15, v1;
	v26 =	vadd.s32 v25, v24;
	(pc) =	sbr.rel @!p2 .LBB2_29-.Ltmp23, $4  }
0x2ef: {  	vm2 =	vle.s32 v23, v21;
	vm3 =	vlt.s32 v30, v17;
	vm0 =	vlt.s32 v32, v17  }
0x2f0: {  	vm1 =	vmand vm1, vm2;
	vm2 =	vlt.s32 v28, v17;
	vm4 =	vle.s32 v27, v21  }
0x2f1: {  	s10 =	sadd.s32 $0x40, s10;
	v25 =	vmpcnt.ones.xlane vm1;
	vm1 =	vmand vm2, vm4;
	vm2 =	vle.s32 v29, v21  }
0x2f2: {  	s12 =	sadd.s32 $0xFFFFFFFF, s12;
	v23 =	vld [tilespmem:s10+$0xFFFFFFE0];
	v24 =	vmpcnt.ones.xlane vm1;
	vm1 =	vmand vm3, vm2;
	vm2 =	vle.s32 v31, v21  }
.Ltmp24:
0x2f3: {  	_ = 	snop;
	(pc) =	sbr.rel .LBB2_30-.Ltmp24, $1  }
0x2f4: {  	_ =	sdelay $0x3  }
.LBB2_28:
.Ltmp25:
0x2f5: {  	(pc) =	sbr.rel .LBB2_30-.Ltmp25, $2  }
0x2f6: {  	_ =	sdelay $0x2  }
0x2f7: {  	v26 =	vimm.s32 $0x0;
	s8 =	simm.s32 $0x0  }
.LBB2_32:
.Ltmp26:
0x2f8: {  	(pc) =	sbr.rel @p0 .LBB2_40-.Ltmp26, $1  }
0x2f9: {  	_ =	sdelay $0x3  }
0x2fa: {  	s5 =	simm.s32 $0xA220  }
0x2fb: {  	v20 =	vld [tilespmem:s5+$0xFFFFFFE0];
	_ =	sdelay $0x2  }
0x2fc: {  	s10 =	simm.s32 $0x0  }
0x2fd: {  	v22 =	vor.u32 s10, v1  }
0x2fe: {  	vm1 =	vlt.s32 v22, v17;
	vm0 =	veq.s32 v20, v18  }
0x2ff: {  	vm0 =	vmand vm1, vm0  }
0x300: {  	v22 =	vsel vm0, $0x1, v0  }
0x301: {  	(xrf0) =	vadd.scan.msk.s32 $0xffff, v22;
	_ =	sdelay $0x5  }
0x302: {  	v21 =	vimm.s32 $0x0;
	v22, _, _ =	vpop (xrf0)  }
0x303: {  	v19 =	vsub.s32 $0x20, v19;
	v22 =	vadd.s32 v21, v22  }
0x304: {  	vm2 =	vlt.s32 v20, v18;
	vm3 =	vle.s32 v22, v19  }
0x305: {  	vm1 =	vmand vm1, vm2;
	vm2 =	vmand vm0, vm3  }
0x306: {  	vm1 =	vmor vm1, vm2  }
0x307: {  	v20 =	vsel vm1, $0x1, v0  }
0x308: {  	(xrf0) =	vadd.scan.msk.s32 $0xffff, v20;
	_ =	sdelay $0x5  }
0x309: {  	v20, _, _ =	vpop (xrf0)  }
0x30a: {  	v20 =	vadd.s32 v20, v21  }
0x30b: {  	v20 =	vadd.s32 $0xFFFFFFFF, v20  }
0x30c: {  	s9 =	simm.s32 $0xB2A0;
	vm2 =	vlt.s32 v20, $0x3F  }
0x30d: {  	v22 =	vld [tilespmem:s9+$0xFFFFFFE0];
	v20 =	vnsel vm2, $0x3F, v20;
	_ =	sdelay $0x3  }
0x30e: {  	p1 =	seq.s32 s11, $0x1  }
.Ltmp27:
0x30f: {  	[tilespmem:v20+s31+$0x0] =	vst.idx.msk vm1, v22;
	(pc) =	sbr.rel @p1 .LBB2_34-.Ltmp27, $3  }
0x310: {  	v25 =	vld [tilespmem:s5+$0xFFFFFFF0];
	_ =	sdelay $0x1  }
0x311: {  	s8 =	simm.s32 $0x30  }
0x312: {  	s12 =	sadd.s32 $0xFFFFFFFF, s11;
	p0 =	por $0x0, $0x0;
	v20 =	vor.u32 s8, v1;
	s8 =	simm.s32 $0x10  }
0x313: {  	v22 =	vor.u32 s8, v1  }
0x314: {  	vm2 =	vlt.s32 v22, v17;
	vm3 =	veq.s32 v25, v18  }
0x315: {  	vm3 =	vmand vm2, vm3  }
0x316: {  	v22 =	vsel vm3, $0x1, v0  }
0x317: {  	(xrf0) =	vadd.scan.msk.s32 $0xffff, v22;
	_ =	sdelay $0x3  }
0x318: {  	v22 =	vmpcnt.ones.xlane vm0;
	_ =	sdelay $0x1  }
0x319: {  	v22 =	vadd.s32 v21, v22;
	v23, _, _ =	vpop (xrf0)  }
0x31a: {  	v23 =	vadd.s32 v22, v23  }
0x31b: {  	vm0 =	vlt.s32 v25, v18;
	vm4 =	vle.s32 v23, v19  }
0x31c: {  	vm0 =	vmand vm2, vm0;
	vm2 =	vmand vm3, vm4  }
0x31d: {  	vm0 =	vmor vm0, vm2  }
0x31e: {  	v23 =	vsel vm0, $0x1, v0  }
0x31f: {  	(xrf0) =	vadd.scan.msk.s32 $0xffff, v23;
	_ =	sdelay $0x1  }
0x320: {  	v23 =	vmpcnt.ones.xlane vm1;
	_ =	sdelay $0x3  }
0x321: {  	v21 =	vadd.s32 v21, v23;
	v23, _, _ =	vpop (xrf0)  }
0x322: {  	v23 =	vadd.s32 v23, v21  }
0x323: {  	v23 =	vadd.s32 $0xFFFFFFFF, v23  }
0x324: {  	vm1 =	vlt.s32 v23, $0x3F  }
0x325: {  	v24 =	vld [tilespmem:s9+$0xFFFFFFF0];
	v23 =	vnsel vm1, $0x3F, v23;
	_ =	sdelay $0x4  }
0x326: {  	[tilespmem:v23+s31+$0x0] =	vst.idx.msk vm0, v24  }
0x327: {  	v23 =	vld [tilespmem:s5+$0x0];
	_ =	sdelay $0x2  }
0x328: {  	s18 =	simm.s32 $0x20  }
0x329: {  	v24 =	vor.u32 s18, v1  }
0x32a: {  	vm2 =	vlt.s32 v24, v17;
	vm1 =	veq.s32 v23, v18  }
0x32b: {  	vm1 =	vmand vm2, vm1  }
0x32c: {  	v24 =	vsel vm1, $0x1, v0  }
0x32d: {  	(xrf0) =	vadd.scan.msk.s32 $0xffff, v24;
	_ =	sdelay $0x1  }
0x32e: {  	v24 =	vmpcnt.ones.xlane vm3;
	_ =	sdelay $0x3  }
0x32f: {  	v22 =	vadd.s32 v22, v24;
	v24, _, _ =	vpop (xrf0)  }
0x330: {  	v24 =	vadd.s32 v22, v24  }
0x331: {  	vm3 =	vlt.s32 v23, v18;
	vm12 =	vle.s32 v24, v19  }
0x332: {  	vm2 =	vmand vm2, vm3;
	vm3 =	vmand vm1, vm12  }
0x333: {  	vm2 =	vmor vm2, vm3  }
0x334: {  	v23 =	vsel vm2, $0x1, v0  }
0x335: {  	(xrf0) =	vadd.scan.msk.s32 $0xffff, v23;
	_ =	sdelay $0x3  }
0x336: {  	v23 =	vmpcnt.ones.xlane vm0;
	_ =	sdelay $0x1  }
0x337: {  	v23 =	vadd.s32 v21, v23;
	v21, _, _ =	vpop (xrf0)  }
0x338: {  	v21 =	vadd.s32 v21, v23  }
0x339: {  	v21 =	vadd.s32 $0xFFFFFFFF, v21  }
0x33a: {  	vm0 =	vlt.s32 v21, $0x3F  }
0x33b: {  	v24 =	vld [tilespmem:s9+$0x0];
	v21 =	vnsel vm0, $0x3F, v21  }
0x33c: {  	s11 =	simm.s32 $0xA260  }
0x33d: {  	v25 =	vld [tilespmem:s11+$0xFFFFFFE0];
	_ =	sdelay $0x2  }
0x33e: {  	s10 =	simm.s32 $0x40;
	[tilespmem:v21+s31+$0x0] =	vst.idx.msk vm2, v24  }
0x33f: {  	v26 =	vor.u32 s10, v1;
	v24 =	vld [tilespmem:s5+$0x10]  }
0x340: {  	vm3 =	vlt.s32 v26, v17;
	vm0 =	veq.s32 v25, v18  }
0x341: {  	vm0 =	vmand vm3, vm0  }
0x342: {  	v21 =	vsel vm0, $0x1, v0  }
0x343: {  	(xrf0) =	vadd.scan.msk.s32 $0xffff, v21  }
0x344: {  	vm13 =	vlt.s32 v20, v17;
	vm5 =	veq.s32 v24, v18  }
0x345: {  	vm5 =	vmand vm13, vm5  }
0x346: {  	v20 =	vmpcnt.ones.xlane vm1;
	v21 =	vsel vm5, $0x1, v0  }
0x347: {  	v26 =	vmpcnt.ones.xlane vm5;
	(xrf0) =	vadd.scan.msk.s32 $0xffff, v21  }
0x348: {  	v20 =	vadd.s32 v22, v20  }
0x349: {  	v22, _, _ =	vpop (xrf0);
	v21 =	vadd.s32 v20, v26  }
0x34a: {  	v22 =	vadd.s32 v21, v22  }
0x34b: {  	vm1 =	vlt.s32 v25, v18;
	vm6 =	vle.s32 v22, v19  }
0x34c: {  	vm1 =	vmand vm3, vm1;
	vm3 =	vmand vm0, vm6  }
0x34d: {  	vm1 =	vmor vm1, vm3;
	v25, _, _ =	vpop (xrf0)  }
0x34e: {  	v22 =	vsel vm1, $0x1, v0;
	v20 =	vadd.s32 v20, v25  }
0x34f: {  	vm3 =	vlt.s32 v24, v18;
	(xrf0) =	vadd.scan.msk.s32 $0xffff, v22;
	vm14 =	vle.s32 v20, v19  }
0x350: {  	vm3 =	vmand vm13, vm3;
	vm15 =	vmand vm5, vm14  }
0x351: {  	v20 =	vmpcnt.ones.xlane vm2;
	vm2 =	vmor vm3, vm15  }
0x352: {  	v24 =	vsel vm2, $0x1, v0  }
0x353: {  	v22 =	vmpcnt.ones.xlane vm2  }
0x354: {  	v20 =	vadd.s32 v23, v20;
	(xrf0) =	vadd.scan.msk.s32 $0xffff, v24  }
0x355: {  	v23 =	vadd.s32 v20, v22;
	v24, _, _ =	vpop (xrf0)  }
0x356: {  	v24 =	vadd.s32 v24, v23  }
0x357: {  	v24 =	vadd.s32 $0xFFFFFFFF, v24  }
0x358: {  	v22 =	vld [tilespmem:s9+$0x10];
	s9 =	simm.s32 $0xB2E0;
	vm3 =	vlt.s32 v24, $0x3F  }
0x359: {  	v25 =	vld [tilespmem:s9+$0xFFFFFFE0];
	v24 =	vnsel vm3, $0x3F, v24  }
0x35a: {  	v26, _, _ =	vpop (xrf0)  }
0x35b: {  	v20 =	vadd.s32 v26, v20  }
0x35c: {  	v26 =	vadd.s32 $0xFFFFFFFF, v20  }
0x35d: {  	p1 =	seq.s32 s12, $0x1;
	vm3 =	vlt.s32 v26, $0x3F  }
.Ltmp28:
0x35e: {  	[tilespmem:v24+s31+$0x0] =	vst.idx.msk vm1, v25;
	v24 =	vnsel vm3, $0x3F, v26;
	(pc) =	sbr.rel @p1 .LBB2_36-.Ltmp28, $3  }
0x35f: {  	v25 =	vld [tilespmem:s11+$0xFFFFFFF0];
	_ =	sdelay $0x1  }
0x360: {  	s13 =	sadd.s32 $0xFFFFFFFF, s12;
	s25 =	simm.s32 $0x70  }
0x361: {  	s8 =	simm.s32 $0x50;
	p0 =	por $0x1, $0x1;
	s12 =	simm.s32 $0xA260;
	v20 =	vor.u32 s25, v1  }
.LBB2_37:
0x362: {  	p1 =	seq.s32 s13, $0x1;
	s13 =	sadd.s32 $0xFFFFFFFF, s13;
	v26 =	vor.u32 s8, v1;
	[tilespmem:v24+s31+$0x0] =	vst.idx.msk vm2, v22  }
0x363: {  	vm3 =	vlt.s32 v26, v17;
	vm4 =	vlt.s32 v25, v18;
	vm2 =	veq.s32 v25, v18  }
0x364: {  	vm2 =	vmand vm3, vm2  }
0x365: {  	v22 =	vsel vm2, $0x1, v0  }
0x366: {  	(xrf0) =	vadd.scan.msk.s32 $0xffff, v22;
	_ =	sdelay $0x3  }
0x367: {  	v24 =	vmpcnt.ones.xlane vm0;
	_ =	sdelay $0x1  }
0x368: {  	v21 =	vadd.s32 v21, v24;
	v22, _, _ =	vpop (xrf0)  }
0x369: {  	v22 =	vadd.s32 v21, v22  }
0x36a: {  	vm0 =	vle.s32 v22, v19  }
0x36b: {  	vm3 =	vmand vm3, vm4;
	vm0 =	vmand vm2, vm0  }
0x36c: {  	vm0 =	vmor vm3, vm0  }
0x36d: {  	v22 =	vsel vm0, $0x1, v0  }
0x36e: {  	(xrf0) =	vadd.scan.msk.s32 $0xffff, v22;
	_ =	sdelay $0x3  }
0x36f: {  	v22 =	vmpcnt.ones.xlane vm1;
	_ =	sdelay $0x1  }
0x370: {  	v22 =	vadd.s32 v23, v22;
	v23, _, _ =	vpop (xrf0)  }
0x371: {  	v23 =	vadd.s32 v23, v22  }
0x372: {  	v23 =	vadd.s32 $0xFFFFFFFF, v23  }
0x373: {  	vm1 =	vlt.s32 v23, $0x3F  }
0x374: {  	v24 =	vld [tilespmem:s9+$0xFFFFFFF0];
	v23 =	vnsel vm1, $0x3F, v23;
	_ =	sdelay $0x4  }
0x375: {  	[tilespmem:v23+s31+$0x0] =	vst.idx.msk vm0, v24  }
0x376: {  	v23 =	vld [tilespmem:s11+$0x0];
	_ =	sdelay $0x2  }
0x377: {  	s5 =	sadd.s32 $0x20, s10  }
0x378: {  	v24 =	vor.u32 s5, v1  }
0x379: {  	vm1 =	vlt.s32 v24, v17;
	vm3 =	vlt.s32 v23, v18;
	vm4 =	veq.s32 v23, v18  }
0x37a: {  	vm4 =	vmand vm1, vm4  }
0x37b: {  	v23 =	vsel vm4, $0x1, v0;
	v24 =	vmpcnt.ones.xlane vm4  }
0x37c: {  	(xrf0) =	vadd.scan.msk.s32 $0xffff, v23;
	_ =	sdelay $0x3  }
0x37d: {  	v25 =	vmpcnt.ones.xlane vm2;
	_ =	sdelay $0x1  }
0x37e: {  	v21 =	vadd.s32 v21, v25;
	v23, _, _ =	vpop (xrf0)  }
0x37f: {  	v23 =	vadd.s32 v21, v23  }
0x380: {  	vm2 =	vle.s32 v23, v19  }
0x381: {  	vm1 =	vmand vm1, vm3;
	vm2 =	vmand vm4, vm2  }
0x382: {  	vm1 =	vmor vm1, vm2  }
0x383: {  	v23 =	vsel vm1, $0x1, v0;
	v25 =	vmpcnt.ones.xlane vm1  }
0x384: {  	(xrf0) =	vadd.scan.msk.s32 $0xffff, v23;
	_ =	sdelay $0x3  }
0x385: {  	v23 =	vmpcnt.ones.xlane vm0;
	_ =	sdelay $0x1  }
0x386: {  	v23 =	vadd.s32 v22, v23;
	v22, _, _ =	vpop (xrf0)  }
0x387: {  	v22 =	vadd.s32 v22, v23  }
0x388: {  	v22 =	vadd.s32 $0xFFFFFFFF, v22  }
0x389: {  	vm0 =	vlt.s32 v22, $0x3F  }
0x38a: {  	s11 =	sadd.s32 $0x40, s11;
	v26 =	vld [tilespmem:s9+$0x0];
	v22 =	vnsel vm0, $0x3F, v22  }
0x38b: {  	v27 =	vld [tilespmem:s11+$0xFFFFFFE0];
	_ =	sdelay $0x2  }
0x38c: {  	s10 =	sadd.s32 $0x40, s10  }
0x38d: {  	v28 =	vor.u32 s10, v1;
	s5 =	sadd.s32 $0x30, s10;
	[tilespmem:v22+s31+$0x0] =	vst.idx.msk vm1, v26  }
0x38e: {  	vm1 =	vlt.s32 v28, v17;
	vm2 =	vlt.s32 v27, v18;
	vm0 =	veq.s32 v27, v18;
	v26 =	vld [tilespmem:s12+$0x10];
	s12 =	smov.u32 s11  }
0x38f: {  	v27 =	vor.u32 s5, v1;
	vm0 =	vmand vm1, vm0;
	v22 =	vld [tilespmem:s9+$0x10]  }
0x390: {  	v28 =	vsel vm0, $0x1, v0  }
0x391: {  	(xrf0) =	vadd.scan.msk.s32 $0xffff, v28;
	_ =	sdelay $0x1  }
0x392: {  	vm3 =	vlt.s32 v20, v17;
	v20 =	vmovc v27;
	vm4 =	vlt.s32 v26, v18;
	vm5 =	veq.s32 v26, v18  }
0x393: {  	vm5 =	vmand vm3, vm5  }
0x394: {  	v28 =	vsel vm5, $0x1, v0;
	v27 =	vmpcnt.ones.xlane vm5  }
0x395: {  	v24 =	vadd.s32 v21, v24;
	(xrf0) =	vadd.scan.msk.s32 $0xffff, v28  }
0x396: {  	v26, _, _ =	vpop (xrf0);
	v21 =	vadd.s32 v24, v27  }
0x397: {  	v26 =	vadd.s32 v21, v26  }
0x398: {  	vm6 =	vle.s32 v26, v19  }
0x399: {  	vm1 =	vmand vm1, vm2;
	vm2 =	vmand vm0, vm6  }
0x39a: {  	vm1 =	vmor vm1, vm2  }
0x39b: {  	v26 =	vsel vm1, $0x1, v0;
	v27, _, _ =	vpop (xrf0)  }
0x39c: {  	(xrf0) =	vadd.scan.msk.s32 $0xffff, v26;
	v24 =	vadd.s32 v24, v27  }
0x39d: {  	vm2 =	vle.s32 v24, v19  }
0x39e: {  	vm3 =	vmand vm3, vm4;
	vm2 =	vmand vm5, vm2  }
0x39f: {  	vm2 =	vmor vm3, vm2  }
0x3a0: {  	v27 =	vsel vm2, $0x1, v0;
	v26 =	vmpcnt.ones.xlane vm2  }
0x3a1: {  	v25 =	vadd.s32 v23, v25;
	(xrf0) =	vadd.scan.msk.s32 $0xffff, v27  }
0x3a2: {  	v24, _, _ =	vpop (xrf0);
	v23 =	vadd.s32 v25, v26  }
0x3a3: {  	v24 =	vadd.s32 v24, v23  }
0x3a4: {  	v24 =	vadd.s32 $0xFFFFFFFF, v24  }
0x3a5: {  	s9 =	sadd.s32 $0x40, s9;
	vm3 =	vlt.s32 v24, $0x3F  }
0x3a6: {  	v26 =	vld [tilespmem:s9+$0xFFFFFFE0];
	v24 =	vnsel vm3, $0x3F, v24  }
0x3a7: {  	v27, _, _ =	vpop (xrf0)  }
0x3a8: {  	v25 =	vadd.s32 v27, v25  }
0x3a9: {  	v25 =	vadd.s32 $0xFFFFFFFF, v25  }
0x3aa: {  	vm3 =	vlt.s32 v25, $0x3F  }
.Ltmp29:
0x3ab: {  	[tilespmem:v24+s31+$0x0] =	vst.idx.msk vm1, v26;
	v24 =	vnsel vm3, $0x3F, v25;
	(pc) =	sbr.rel @!p1 .LBB2_37-.Ltmp29, $2  }
0x3ac: {  	v25 =	vld [tilespmem:s11+$0xFFFFFFF0];
	_ =	sdelay $0x2  }
0x3ad: {  	s8 =	sadd.s32 $0x10, s10  }
.Ltmp30:
0x3ae: {  	(pc) =	sbr.rel .LBB2_39-.Ltmp30, $2  }
0x3af: {  	_ =	sdelay $0x2  }
0x3b0: {  	s5 =	smov.u32 s11  }
.LBB2_15:
.Ltmp31:
0x3b1: {  	(pc) =	sbr.rel .LBB2_20-.Ltmp31, $2  }
0x3b2: {  	_ =	sdelay $0x2  }
0x3b3: {  	v20 =	vimm.s32 $0x0;
	s13 =	simm.s32 $0xA220  }
.LBB2_17:
.Ltmp32:
0x3b4: {  	(pc) =	sbr.rel .LBB2_20-.Ltmp32, $2  }
0x3b5: {  	_ =	sdelay $0x2  }
0x3b6: {  	s5 =	simm.s32 $0xA260;
	s13 =	simm.s32 $0xA260  }
.LBB2_36:
.Ltmp33:
0x3b7: {  	(pc) =	sbr.rel .LBB2_39-.Ltmp33, $2  }
0x3b8: {  	_ =	sdelay $0x2  }
0x3b9: {  	s5 =	simm.s32 $0xA260;
	s12 =	simm.s32 $0xA260  }
.LBB2_42:
0x3ba: {  	_ =	sfence.sel $0x180000  }
0x3bb: {  	[bflag:$0x0] =	sbarrier.arrive $0xFFFF  }
0x3bc: {  	_ =	strace $0x90000047  }
0x3bd: {  	s0 =	stileid.u32;
	[bflag:$0x2] =	sbarrier.arrive $0xFFFF  }
0x3be: {  	p0 =	sne.s32 s0, $0x0;
	s0 =	rddreg [dreg:$0x3]  }
0x3bf: {  	s0 =	sadd.s32 @!p0 $0x100000, s0  }
0x3c0: {  	[sflag:s0] =	ssyncadd.tile.s32 @!p0 $0x1;
	_ =	shalt  }
.Lfunc_end2:
_tile_overlayer_lowered:
.L_overlay_start_2:
0x3c1: {  	(tag) =	ssettag $0x2  }
0x3c2: {  	s0 =	rddreg [dreg:$0x0];
	s2 =	stileid.u32  }
0x3c3: {  	s1 =	rddreg [dreg:$0x1];
	p0 =	sne.s32 s2, $0x0  }
0x3c4: {  	s3 =	rddreg [dreg:$0x2];
	[bflag:$0x3] =	sbarrier.arrive $0xFFFF;
	s2 =	simm.s32 @!p0 $0x1C03  }
0x3c5: {  	[timem:s3], [sflag:s2] =	dma.local @!p0 [hbm:s0], s1  }
0x3c6: {  	s0 =	simm.s32 @!p0 $0x3  }
0x3c7: {  	_ =	swait.ge @!p0 [sflag:s0], s1  }
0x3c8: {  	s1 =	ssub.s32 @!p0 $0x0, s1;
	[sflag:s0] =	ssyncset.done @!p0 $0x0  }
0x3c9: {  	[sflag:s0] =	ssyncadd.s32 @!p0 s1  }
0x3ca: {  	[bflag:$0x3] =	sbarrier.arrive $0xFFFF  }
0x3cb: {  	_ =	shalt  }

</sc_bundles>
